<compile_context>
chip_gen: v7x
topology: tpu7x:2x2x1
jax: 0.10.2.dev20260603
libtpu: 0.0.44.dev20260713+nightly
codegen_flags: <defaults>
</compile_context>

<pallas_src>
import dataclasses
import functools

import jax
import jax.numpy as jnp
from jax import lax
from jax.experimental import pallas as pl
from jax.experimental.pallas import tpu as pltpu
from jax.experimental.pallas import tpu_sc as plsc

NUM_LEVELS = 8
LEVEL_DIM = 2
_BASE_RES = 8
_DESIRED_RES = 32
_LOG2_HASH = 18


def _level_meta():
    import math
    s = math.log2(_DESIRED_RES / _BASE_RES) / (NUM_LEVELS - 1)
    metas, off = [], 0
    for l in range(NUM_LEVELS):
        scale = _BASE_RES * (2.0 ** (l * s)) - 1.0
        res = int(math.ceil(scale)) + 1
        size = min(2 ** _LOG2_HASH, (res + 1) ** 3)
        size = int(math.ceil(size / 8) * 8)
        metas.append((float(scale), res, off))
        off += size
    return metas, off


_LEVELS, _TOTAL_ROWS = _level_meta()

_NW = 32
_L = 16


def _encode_body(xh_hbm, yh_hbm, zh_hbm, words_hbm, h_hbm,
                 xs_a, ys_a, zs_a, xs_b, ys_b, zs_b, h_a, h_b, table_v,
                 semx_a, semx_b, semh_a, semh_b, semt,
                 chunk_start, chunk_points, block_p):
    wid = lax.axis_index("s") * 2 + lax.axis_index("c")
    per_tile = chunk_points // _NW
    n_blocks = per_tile // block_p
    lane = lax.iota(jnp.int32, _L)

    def start_x(b, xs_v, ys_v, zs_v, sem):
        base = chunk_start + wid * per_tile + b * block_p
        pltpu.async_copy(xh_hbm.at[pl.ds(base, block_p)], xs_v, sem)
        pltpu.async_copy(yh_hbm.at[pl.ds(base, block_p)], ys_v, sem)
        pltpu.async_copy(zh_hbm.at[pl.ds(base, block_p)], zs_v, sem)

    def wait_x(xs_v, ys_v, zs_v, sem):
        pltpu.make_async_copy(xh_hbm.at[pl.ds(0, block_p)], xs_v, sem).wait()
        pltpu.make_async_copy(yh_hbm.at[pl.ds(0, block_p)], ys_v, sem).wait()
        pltpu.make_async_copy(zh_hbm.at[pl.ds(0, block_p)], zs_v, sem).wait()

    def start_h(b, h_v, sem):
        base = wid * per_tile + b * block_p
        row0 = pl.multiple_of(base // 8, 8)
        pltpu.async_copy(h_v, h_hbm.at[pl.ds(row0, block_p // 8)], sem)

    def wait_h(h_v, sem):
        pltpu.make_async_copy(
            h_v, h_hbm.at[pl.ds(0, block_p // 8)], sem).wait()

    def compute(b, xs_v, ys_v, zs_v, h_v):
        @plsc.parallel_loop(0, block_p // _L, unroll=2)
        def _group(g):
            s = g * _L
            xs = xs_v[pl.ds(s, _L)]
            ys = ys_v[pl.ds(s, _L)]
            zs = zs_v[pl.ds(s, _L)]
            p = lane + s
            row = lax.shift_right_logical(p, 3)
            col_base = lax.shift_left(p & 7, 4)
            for l, (scale, res, off) in enumerate(_LEVELS):
                px = xs * scale + 0.5
                py = ys * scale + 0.5
                pz = zs * scale + 0.5
                ix = px.astype(jnp.int32)
                iy = py.astype(jnp.int32)
                iz = pz.astype(jnp.int32)
                fx = px - ix.astype(jnp.float32)
                fy = py - iy.astype(jnp.float32)
                fz = pz - iz.astype(jnp.float32)
                base_idx = ix + iy * res + iz * (res * res)
                wx = (1.0 - fx, fx)
                wy = (1.0 - fy, fy)
                wz = (1.0 - fz, fz)
                p0, p1 = [], []
                for c in range(8):
                    cx, cy, cz = c & 1, (c >> 1) & 1, (c >> 2) & 1
                    coff = off + cx + cy * res + cz * (res * res)
                    word = plsc.load_gather(table_v, [base_idx + coff])
                    f0 = plsc.bitcast(word << 16, jnp.float32)
                    f1 = plsc.bitcast(word & jnp.int32(-65536), jnp.float32)
                    w = wx[cx] * wy[cy] * wz[cz]
                    p0.append(w * f0)
                    p1.append(w * f1)
                a0 = ((p0[0] + p0[1]) + (p0[2] + p0[3])
                      + ((p0[4] + p0[5]) + (p0[6] + p0[7])))
                a1 = ((p1[0] + p1[1]) + (p1[2] + p1[3])
                      + ((p1[4] + p1[5]) + (p1[6] + p1[7])))
                col = col_base + 2 * l
                plsc.store_scatter(h_v, [row, col], a0)
                plsc.store_scatter(h_v, [row, col + 1], a1)

    pltpu.async_copy(words_hbm, table_v, semt)
    start_x(0, xs_a, ys_a, zs_a, semx_a)
    pltpu.make_async_copy(words_hbm, table_v, semt).wait()

    @pl.loop(0, n_blocks, step=2)
    def _block(b):
        wait_x(xs_a, ys_a, zs_a, semx_a)
        start_x(b + 1, xs_b, ys_b, zs_b, semx_b)

        @pl.when(b > 0)
        def _():
            wait_h(h_a, semh_a)
        compute(b, xs_a, ys_a, zs_a, h_a)
        start_h(b, h_a, semh_a)

        wait_x(xs_b, ys_b, zs_b, semx_b)

        @pl.when(b + 2 < n_blocks)
        def _():
            start_x(b + 2, xs_a, ys_a, zs_a, semx_a)

        @pl.when(b > 0)
        def _():
            wait_h(h_b, semh_b)
        compute(b + 1, xs_b, ys_b, zs_b, h_b)
        start_h(b + 1, h_b, semh_b)

    wait_h(h_a, semh_a)
    wait_h(h_b, semh_b)


def _sc_encode(xh, yh, zh, words, chunk_start, chunk_points, block_p=512):
    feat = NUM_LEVELS * LEVEL_DIM
    mesh = plsc.VectorSubcoreMesh(core_axis_name="c", subcore_axis_name="s")
    body = functools.partial(_encode_body, chunk_start=chunk_start,
                             chunk_points=chunk_points, block_p=block_p)
    cp = pltpu.CompilerParams()
    if "needs_layout_passes" in pltpu.CompilerParams.__dataclass_fields__:
        cp = dataclasses.replace(cp, needs_layout_passes=False)
    k = pl.kernel(
        body,
        compiler_params=cp,
        out_type=jax.ShapeDtypeStruct((chunk_points * feat // 128, 128),
                                      jnp.float32),
        mesh=mesh,
        scratch_types=[
            pltpu.VMEM((block_p,), jnp.float32),
            pltpu.VMEM((block_p,), jnp.float32),
            pltpu.VMEM((block_p,), jnp.float32),
            pltpu.VMEM((block_p,), jnp.float32),
            pltpu.VMEM((block_p,), jnp.float32),
            pltpu.VMEM((block_p,), jnp.float32),
            pltpu.VMEM((block_p * feat // 128, 128), jnp.float32),
            pltpu.VMEM((block_p * feat // 128, 128), jnp.float32),
            pltpu.VMEM((_TOTAL_ROWS,), jnp.int32),
            pltpu.SemaphoreType.DMA,
            pltpu.SemaphoreType.DMA,
            pltpu.SemaphoreType.DMA,
            pltpu.SemaphoreType.DMA,
            pltpu.SemaphoreType.DMA,
        ],
    )
    return k(xh, yh, zh, words)


def _mlp_body(h_ref, w0_ref, w1_ref, w2_ref, o_ref):
    h = h_ref[...]
    a = jnp.maximum(jnp.dot(h, w0_ref[...], preferred_element_type=jnp.float32), 0.0)
    a = jnp.maximum(jnp.dot(a, w1_ref[...], preferred_element_type=jnp.float32), 0.0)
    o_ref[...] = jnp.dot(a, w2_ref[...], preferred_element_type=jnp.float32)


def _tc_mlp(h8, W0b, W1b, W2b, block_r=8192):
    rows = h8.shape[0]
    grid = (rows // block_r,)
    return pl.pallas_call(
        _mlp_body,
        grid=grid,
        in_specs=[
            pl.BlockSpec((block_r, 128), lambda i: (i, 0)),
            pl.BlockSpec((128, 128), lambda i: (0, 0)),
            pl.BlockSpec((128, 128), lambda i: (0, 0)),
            pl.BlockSpec((128, 8), lambda i: (0, 0)),
        ],
        out_specs=pl.BlockSpec((block_r, 8), lambda i: (i, 0)),
        out_shape=jax.ShapeDtypeStruct((rows, 8), jnp.float32),
    )(h8, W0b, W1b, W2b)


def kernel(x, table, W0, W1, W2):
    n = x.shape[0]
    t16 = table.astype(jnp.bfloat16)
    bits = lax.bitcast_convert_type(t16, jnp.uint16).astype(jnp.uint32)
    words = lax.bitcast_convert_type(bits[:, 0] | (bits[:, 1] << 16), jnp.int32)
    xh, yh, zh = x[:, 0], x[:, 1], x[:, 2]
    eye8 = jnp.eye(8, dtype=jnp.float32)
    W0b = jnp.kron(eye8, W0)
    W1b = jnp.kron(eye8, W1)
    W2b = jnp.kron(eye8, W2)

    h8 = _sc_encode(xh, yh, zh, words, 0, n)
    o8 = _tc_mlp(h8, W0b, W1b, W2b)
    return o8.reshape(n, 1)

# --- scband reference (transcript-rebuilt; emitter-appended) ---
"""Pipeline reference for scband-sdfnetwork-34926674051658 (READ-ONLY COPY).

The authoritative reference and input builder live on the scoring server;
editing this copy changes nothing except your own understanding.
"""

import jax, jax.numpy as jnp
import numpy as np

NUM_LEVELS = 8
LEVEL_DIM = 2
BASE_RES = 8
LOG2_HASH = 18
DESIRED_RES = 32
INPUT_DIM = 3
S = np.log2(DESIRED_RES / BASE_RES) / (NUM_LEVELS - 1)

def _level_meta():
    scales, resolutions, offsets = [], [], [0]
    for l in range(NUM_LEVELS):
        scale = BASE_RES * (2.0 ** (l * S)) - 1.0
        res = int(np.ceil(scale)) + 1
        size = min(2 ** LOG2_HASH, (res + 1) ** INPUT_DIM)
        size = int(np.ceil(size / 8) * 8)
        scales.append(scale)
        resolutions.append(res)
        offsets.append(offsets[-1] + size)
    return (np.array(scales, np.float32), np.array(resolutions, np.int32), np.array(offsets, np.int64))

SCALES, RESOLUTIONS, OFFSETS = _level_meta()
CORNERS = np.array([[(i >> d) & 1 for d in range(INPUT_DIM)] for i in range(2 ** INPUT_DIM)], np.int32)


def grid_encode(x, table):
    # instant-NGP style multiresolution grid encoding (tables dense at these resolutions,
    # hash never collides since (res+1)^3 < 2**18 at every level -> linear indexing).
    outs = []
    for l in range(NUM_LEVELS):
        scale = float(SCALES[l])
        res = int(RESOLUTIONS[l])
        off = int(OFFSETS[l])
        pos = x * scale + 0.5
        pg = jnp.floor(pos)
        frac = pos - pg
        pg = pg.astype(jnp.int32)
        coords = pg[:, None, :] + CORNERS[None, :, :]          # [N, 8, 3]
        mask = CORNERS[None, :, :].astype(bool)
        w = jnp.prod(jnp.where(mask, frac[:, None, :], 1.0 - frac[:, None, :]), axis=-1)  # [N, 8]
        idx = coords[..., 0] + coords[..., 1] * res + coords[..., 2] * res * res
        feats = jnp.take(table, off + idx, axis=0)             # [N, 8, level_dim]
        outs.append(jnp.sum(w[..., None] * feats, axis=1))
    return jnp.concatenate(outs, axis=-1)                      # [N, 16]


def setup_inputs(seed: int = 0) -> dict:
    key = jax.random.key(seed)
    k1, k2, k3, k4, k5 = jax.random.split(key, 5)
    N = 524288
    x = jax.random.uniform(k1, (N, 3), dtype=jnp.float32)
    total = int(OFFSETS[-1])
    table = jax.random.uniform(k2, (total, LEVEL_DIM), jnp.float32, -1e-4, 1e-4)
    hidden = 16
    in_dim = NUM_LEVELS * LEVEL_DIM
    W0 = jax.random.normal(k3, (in_dim, hidden), jnp.float32) * 0.25
    W1 = jax.random.normal(k4, (hidden, hidden), jnp.float32) * 0.25
    W2 = jax.random.normal(k5, (hidden, 1), jnp.float32) * 0.25
    return {"x": x, "table": table, "W0": W0, "W1": W1, "W2": W2}


def reference(x, table, W0, W1, W2):
    h = grid_encode(x, table)
    h = jax.nn.relu(h @ W0)
    h = jax.nn.relu(h @ W1)
    return h @ W2

if __name__ == "__main__":
    import jax
    _d = setup_inputs()
    print(jax.jit(kernel)(*tuple(_d.values())))

</pallas_src>

<mosaic_0001>
#map = affine_map<(d0, d1) -> (0)>
#map1 = affine_map<(d0, d1) -> (0, 0)>
module attributes {stable_mosaic.version = 14 : i64} {
  func.func @_encode_body(%arg0: i32, %arg1: i32, %arg2: memref<524288xf32, #tpu.memory_space<hbm>>, %arg3: memref<524288xf32, #tpu.memory_space<hbm>>, %arg4: memref<524288xf32, #tpu.memory_space<hbm>>, %arg5: memref<85296xi32, #tpu.memory_space<hbm>>, %arg6: memref<65536x128xf32, #tpu.memory_space<hbm>>, %arg7: memref<512xf32, #tpu.memory_space<vmem>>, %arg8: memref<512xf32, #tpu.memory_space<vmem>>, %arg9: memref<512xf32, #tpu.memory_space<vmem>>, %arg10: memref<512xf32, #tpu.memory_space<vmem>>, %arg11: memref<512xf32, #tpu.memory_space<vmem>>, %arg12: memref<512xf32, #tpu.memory_space<vmem>>, %arg13: memref<64x128xf32, #tpu.memory_space<vmem>>, %arg14: memref<64x128xf32, #tpu.memory_space<vmem>>, %arg15: memref<85296xi32, #tpu.memory_space<vmem>>, %arg16: memref<!tpu.dma_semaphore, #tpu.memory_space<semaphore_mem>>, %arg17: memref<!tpu.dma_semaphore, #tpu.memory_space<semaphore_mem>>, %arg18: memref<!tpu.dma_semaphore, #tpu.memory_space<semaphore_mem>>, %arg19: memref<!tpu.dma_semaphore, #tpu.memory_space<semaphore_mem>>, %arg20: memref<!tpu.dma_semaphore, #tpu.memory_space<semaphore_mem>>) attributes {dimension_semantics = [#tpu.dimension_semantics<core_parallel>, #tpu.dimension_semantics<subcore_parallel>], iteration_bounds = array<i64: 2, 16>, scalar_prefetch = 0 : i64, scratch_operands = 14 : i64, tpu.core_type = #tpu.core_type<sc_vector_subcore>, window_params = [{transform_indices = #map}, {transform_indices = #map}, {transform_indices = #map}, {transform_indices = #map}, {transform_indices = #map1}]} {
    %mul3A = arith.constant 2 : i32
    %mul3A_0 = arith.muli %arg1, %mul3A : i32
    %add3A = arith.addi %mul3A_0, %arg0 : i32
    %iota3A = tpu.iota {dimensions = array<i32: 0>} : vector<16xi32>
    tpu.enqueue_dma source(%arg5 : memref<85296xi32, #tpu.memory_space<hbm>>) target(%arg15 : memref<85296xi32, #tpu.memory_space<vmem>>) target_semaphore(%arg20 : memref<!tpu.dma_semaphore, #tpu.memory_space<semaphore_mem>>)
    %mul3A_1 = arith.constant 16384 : i32
    %mul3A_2 = arith.muli %add3A, %mul3A_1 : i32
    %add3A_3 = arith.constant 0 : i32
    %add3A_4 = arith.addi %add3A_3, %mul3A_2 : i32
    %add3A_5 = arith.constant 0 : i32
    %add3A_6 = arith.addi %add3A_4, %add3A_5 : i32
    %dma_start3A = tpu.memref_slice %arg2[%add3A_6] : memref<524288xf32, #tpu.memory_space<hbm>> -> memref<512xf32, #tpu.memory_space<hbm>>
    %dma_start3A_7 = tpu.memref_slice %arg2[%add3A_6] : memref<524288xf32, #tpu.memory_space<hbm>> -> memref<512xf32, #tpu.memory_space<hbm>>
    tpu.enqueue_dma source(%dma_start3A_7 : memref<512xf32, #tpu.memory_space<hbm>>) target(%arg7 : memref<512xf32, #tpu.memory_space<vmem>>) target_semaphore(%arg16 : memref<!tpu.dma_semaphore, #tpu.memory_space<semaphore_mem>>)
    %dma_start3A_8 = tpu.memref_slice %arg3[%add3A_6] : memref<524288xf32, #tpu.memory_space<hbm>> -> memref<512xf32, #tpu.memory_space<hbm>>
    %dma_start3A_9 = tpu.memref_slice %arg3[%add3A_6] : memref<524288xf32, #tpu.memory_space<hbm>> -> memref<512xf32, #tpu.memory_space<hbm>>
    tpu.enqueue_dma source(%dma_start3A_9 : memref<512xf32, #tpu.memory_space<hbm>>) target(%arg8 : memref<512xf32, #tpu.memory_space<vmem>>) target_semaphore(%arg16 : memref<!tpu.dma_semaphore, #tpu.memory_space<semaphore_mem>>)
    %dma_start3A_10 = tpu.memref_slice %arg4[%add3A_6] : memref<524288xf32, #tpu.memory_space<hbm>> -> memref<512xf32, #tpu.memory_space<hbm>>
    %dma_start3A_11 = tpu.memref_slice %arg4[%add3A_6] : memref<524288xf32, #tpu.memory_space<hbm>> -> memref<512xf32, #tpu.memory_space<hbm>>
    tpu.enqueue_dma source(%dma_start3A_11 : memref<512xf32, #tpu.memory_space<hbm>>) target(%arg9 : memref<512xf32, #tpu.memory_space<vmem>>) target_semaphore(%arg16 : memref<!tpu.dma_semaphore, #tpu.memory_space<semaphore_mem>>)
    tpu.wait_dma2 semaphore(%arg20 : memref<!tpu.dma_semaphore, #tpu.memory_space<semaphore_mem>>) src(%arg5 : memref<85296xi32, #tpu.memory_space<hbm>>) dst(%arg15 : memref<85296xi32, #tpu.memory_space<vmem>>)
    %scan3A = arith.constant 0 : i32
    %scan3A_12 = arith.constant 16 : i32
    %scan3A_13 = arith.addi %scan3A, %scan3A_12 : i32
    %scan3A_14 = arith.constant 1 : i32
    scf.for %scan3A_27 = %scan3A to %scan3A_13 step %scan3A_14  : i32 {
      %mul3A_28 = arith.constant 2 : i32
      %mul3A_29 = arith.muli %scan3A_27, %mul3A_28 : i32
      %add3A_30 = arith.constant 0 : i32
      %add3A_31 = arith.addi %add3A_30, %mul3A_29 : i32
      %dma_wait3A_32 = arith.constant 0 : i32
      %dma_wait3A_33 = tpu.memref_slice %arg2[%dma_wait3A_32] : memref<524288xf32, #tpu.memory_space<hbm>> -> memref<512xf32, #tpu.memory_space<hbm>>
      %dma_wait3A_34 = arith.constant 0 : i32
      %dma_wait3A_35 = tpu.memref_slice %arg2[%dma_wait3A_34] : memref<524288xf32, #tpu.memory_space<hbm>> -> memref<512xf32, #tpu.memory_space<hbm>>
      tpu.wait_dma2 semaphore(%arg16 : memref<!tpu.dma_semaphore, #tpu.memory_space<semaphore_mem>>) src(%dma_wait3A_35 : memref<512xf32, #tpu.memory_space<hbm>>) dst(%arg7 : memref<512xf32, #tpu.memory_space<vmem>>)
      %dma_wait3A_36 = arith.constant 0 : i32
      %dma_wait3A_37 = tpu.memref_slice %arg3[%dma_wait3A_36] : memref<524288xf32, #tpu.memory_space<hbm>> -> memref<512xf32, #tpu.memory_space<hbm>>
      %dma_wait3A_38 = arith.constant 0 : i32
      %dma_wait3A_39 = tpu.memref_slice %arg3[%dma_wait3A_38] : memref<524288xf32, #tpu.memory_space<hbm>> -> memref<512xf32, #tpu.memory_space<hbm>>
      tpu.wait_dma2 semaphore(%arg16 : memref<!tpu.dma_semaphore, #tpu.memory_space<semaphore_mem>>) src(%dma_wait3A_39 : memref<512xf32, #tpu.memory_space<hbm>>) dst(%arg8 : memref<512xf32, #tpu.memory_space<vmem>>)
      %dma_wait3A_40 = arith.constant 0 : i32
      %dma_wait3A_41 = tpu.memref_slice %arg4[%dma_wait3A_40] : memref<524288xf32, #tpu.memory_space<hbm>> -> memref<512xf32, #tpu.memory_space<hbm>>
      %dma_wait3A_42 = arith.constant 0 : i32
      %dma_wait3A_43 = tpu.memref_slice %arg4[%dma_wait3A_42] : memref<524288xf32, #tpu.memory_space<hbm>> -> memref<512xf32, #tpu.memory_space<hbm>>
      tpu.wait_dma2 semaphore(%arg16 : memref<!tpu.dma_semaphore, #tpu.memory_space<semaphore_mem>>) src(%dma_wait3A_43 : memref<512xf32, #tpu.memory_space<hbm>>) dst(%arg9 : memref<512xf32, #tpu.memory_space<vmem>>)
      %add3A_44 = arith.constant 1 : i32
      %add3A_45 = arith.addi %add3A_31, %add3A_44 : i32
      %mul3A_46 = arith.constant 16384 : i32
      %mul3A_47 = arith.muli %add3A, %mul3A_46 : i32
      %add3A_48 = arith.constant 0 : i32
      %add3A_49 = arith.addi %add3A_48, %mul3A_47 : i32
      %mul3A_50 = arith.constant 512 : i32
      %mul3A_51 = arith.muli %add3A_45, %mul3A_50 : i32
      %add3A_52 = arith.addi %add3A_49, %mul3A_51 : i32
      %dma_start3A_53 = tpu.memref_slice %arg2[%add3A_52] : memref<524288xf32, #tpu.memory_space<hbm>> -> memref<512xf32, #tpu.memory_space<hbm>>
      %dma_start3A_54 = tpu.memref_slice %arg2[%add3A_52] : memref<524288xf32, #tpu.memory_space<hbm>> -> memref<512xf32, #tpu.memory_space<hbm>>
      tpu.enqueue_dma source(%dma_start3A_54 : memref<512xf32, #tpu.memory_space<hbm>>) target(%arg10 : memref<512xf32, #tpu.memory_space<vmem>>) target_semaphore(%arg17 : memref<!tpu.dma_semaphore, #tpu.memory_space<semaphore_mem>>)
      %dma_start3A_55 = tpu.memref_slice %arg3[%add3A_52] : memref<524288xf32, #tpu.memory_space<hbm>> -> memref<512xf32, #tpu.memory_space<hbm>>
      %dma_start3A_56 = tpu.memref_slice %arg3[%add3A_52] : memref<524288xf32, #tpu.memory_space<hbm>> -> memref<512xf32, #tpu.memory_space<hbm>>
      tpu.enqueue_dma source(%dma_start3A_56 : memref<512xf32, #tpu.memory_space<hbm>>) target(%arg11 : memref<512xf32, #tpu.memory_space<vmem>>) target_semaphore(%arg17 : memref<!tpu.dma_semaphore, #tpu.memory_space<semaphore_mem>>)
      %dma_start3A_57 = tpu.memref_slice %arg4[%add3A_52] : memref<524288xf32, #tpu.memory_space<hbm>> -> memref<512xf32, #tpu.memory_space<hbm>>
      %dma_start3A_58 = tpu.memref_slice %arg4[%add3A_52] : memref<524288xf32, #tpu.memory_space<hbm>> -> memref<512xf32, #tpu.memory_space<hbm>>
      tpu.enqueue_dma source(%dma_start3A_58 : memref<512xf32, #tpu.memory_space<hbm>>) target(%arg12 : memref<512xf32, #tpu.memory_space<vmem>>) target_semaphore(%arg17 : memref<!tpu.dma_semaphore, #tpu.memory_space<semaphore_mem>>)
      %gt3A = arith.constant 0 : i32
      %gt3A_59 = arith.cmpi sgt, %add3A_31, %gt3A : i32
      %convert_element_type3A = arith.extui %gt3A_59 : i1 to i32
      %cond3A = arith.constant 0 : i32
      %cond3A_60 = arith.cmpi ne, %convert_element_type3A, %cond3A : i32
      scf.if %cond3A_60 {
        %dma_wait3A_152 = arith.constant 0 : i32
        %dma_wait3A_153 = arith.constant 0 : i32
        %dma_wait3A_154 = tpu.memref_slice %arg6[%dma_wait3A_152, %dma_wait3A_153] : memref<65536x128xf32, #tpu.memory_space<hbm>> -> memref<64x128xf32, #tpu.memory_space<hbm>>
        %dma_wait3A_155 = arith.constant 0 : i32
        %dma_wait3A_156 = arith.constant 0 : i32
        %dma_wait3A_157 = tpu.memref_slice %arg6[%dma_wait3A_155, %dma_wait3A_156] : memref<65536x128xf32, #tpu.memory_space<hbm>> -> memref<64x128xf32, #tpu.memory_space<hbm>>
        tpu.wait_dma2 semaphore(%arg18 : memref<!tpu.dma_semaphore, #tpu.memory_space<semaphore_mem>>) src(%arg13 : memref<64x128xf32, #tpu.memory_space<vmem>>) dst(%dma_wait3A_157 : memref<64x128xf32, #tpu.memory_space<hbm>>)
      } else {
      }
      %parallel_loop3A = arith.constant 0 : i32
      %parallel_loop3A_61 = arith.constant 32 : i32
      %parallel_loop3A_62 = arith.constant 1 : i32
      scf.for %parallel_loop3A_152 = %parallel_loop3A to %parallel_loop3A_61 step %parallel_loop3A_62  : i32 {
        %parallel_loop3A_153 = arith.constant 16 : i32
        %parallel_loop3A_154 = arith.muli %parallel_loop3A_152, %parallel_loop3A_153 : i32
        %parallel_loop3A_155 = arith.index_cast %parallel_loop3A_154 : i32 to index
        %parallel_loop3A_156 = tpu.vector_load %arg7[%parallel_loop3A_155] {strides = array<i32>} : memref<512xf32, #tpu.memory_space<vmem>>, vector<16xf32>,
        %parallel_loop3A_157 = arith.index_cast %parallel_loop3A_154 : i32 to index
        %parallel_loop3A_158 = tpu.vector_load %arg8[%parallel_loop3A_157] {strides = array<i32>} : memref<512xf32, #tpu.memory_space<vmem>>, vector<16xf32>,
        %parallel_loop3A_159 = arith.index_cast %parallel_loop3A_154 : i32 to index
        %parallel_loop3A_160 = tpu.vector_load %arg9[%parallel_loop3A_159] {strides = array<i32>} : memref<512xf32, #tpu.memory_space<vmem>>, vector<16xf32>,
        %parallel_loop3A_161 = vector.broadcast %parallel_loop3A_154 : i32 to vector<16xi32>
        %parallel_loop3A_162 = arith.addi %iota3A, %parallel_loop3A_161 : vector<16xi32>
        %parallel_loop3A_163 = arith.constant 3 : i32
        %parallel_loop3A_164 = vector.broadcast %parallel_loop3A_163 : i32 to vector<16xi32>
        %parallel_loop3A_165 = arith.shrui %parallel_loop3A_162, %parallel_loop3A_164 : vector<16xi32>
        %parallel_loop3A_166 = arith.constant 7 : i32
        %parallel_loop3A_167 = vector.broadcast %parallel_loop3A_166 : i32 to vector<16xi32>
        %parallel_loop3A_168 = arith.andi %parallel_loop3A_162, %parallel_loop3A_167 : vector<16xi32>
        %parallel_loop3A_169 = arith.constant 4 : i32
        %parallel_loop3A_170 = vector.broadcast %parallel_loop3A_169 : i32 to vector<16xi32>
        %parallel_loop3A_171 = arith.shli %parallel_loop3A_168, %parallel_loop3A_170 : vector<16xi32>
        %parallel_loop3A_172 = arith.constant 7.000000e+00 : f32
        %parallel_loop3A_173 = vector.broadcast %parallel_loop3A_172 : f32 to vector<16xf32>
        %parallel_loop3A_174 = arith.mulf %parallel_loop3A_156, %parallel_loop3A_173 : vector<16xf32>
        %parallel_loop3A_175 = arith.constant 5.000000e-01 : f32
        %parallel_loop3A_176 = vector.broadcast %parallel_loop3A_175 : f32 to vector<16xf32>
        %parallel_loop3A_177 = arith.addf %parallel_loop3A_174, %parallel_loop3A_176 : vector<16xf32>
        %parallel_loop3A_178 = arith.constant 7.000000e+00 : f32
        %parallel_loop3A_179 = vector.broadcast %parallel_loop3A_178 : f32 to vector<16xf32>
        %parallel_loop3A_180 = arith.mulf %parallel_loop3A_158, %parallel_loop3A_179 : vector<16xf32>
        %parallel_loop3A_181 = arith.constant 5.000000e-01 : f32
        %parallel_loop3A_182 = vector.broadcast %parallel_loop3A_181 : f32 to vector<16xf32>
        %parallel_loop3A_183 = arith.addf %parallel_loop3A_180, %parallel_loop3A_182 : vector<16xf32>
        %parallel_loop3A_184 = arith.constant 7.000000e+00 : f32
        %parallel_loop3A_185 = vector.broadcast %parallel_loop3A_184 : f32 to vector<16xf32>
        %parallel_loop3A_186 = arith.mulf %parallel_loop3A_160, %parallel_loop3A_185 : vector<16xf32>
        %parallel_loop3A_187 = arith.constant 5.000000e-01 : f32
        %parallel_loop3A_188 = vector.broadcast %parallel_loop3A_187 : f32 to vector<16xf32>
        %parallel_loop3A_189 = arith.addf %parallel_loop3A_186, %parallel_loop3A_188 : vector<16xf32>
        %parallel_loop3A_190 = arith.fptosi %parallel_loop3A_177 : vector<16xf32> to vector<16xi32>
        %parallel_loop3A_191 = arith.fptosi %parallel_loop3A_183 : vector<16xf32> to vector<16xi32>
        %parallel_loop3A_192 = arith.fptosi %parallel_loop3A_189 : vector<16xf32> to vector<16xi32>
        %parallel_loop3A_193 = arith.sitofp %parallel_loop3A_190 : vector<16xi32> to vector<16xf32>
        %parallel_loop3A_194 = arith.subf %parallel_loop3A_177, %parallel_loop3A_193 : vector<16xf32>
        %parallel_loop3A_195 = arith.sitofp %parallel_loop3A_191 : vector<16xi32> to vector<16xf32>
        %parallel_loop3A_196 = arith.subf %parallel_loop3A_183, %parallel_loop3A_195 : vector<16xf32>
        %parallel_loop3A_197 = arith.sitofp %parallel_loop3A_192 : vector<16xi32> to vector<16xf32>
        %parallel_loop3A_198 = arith.subf %parallel_loop3A_189, %parallel_loop3A_197 : vector<16xf32>
        %parallel_loop3A_199 = arith.constant 8 : i32
        %parallel_loop3A_200 = vector.broadcast %parallel_loop3A_199 : i32 to vector<16xi32>
        %parallel_loop3A_201 = arith.muli %parallel_loop3A_191, %parallel_loop3A_200 : vector<16xi32>
        %parallel_loop3A_202 = arith.addi %parallel_loop3A_190, %parallel_loop3A_201 : vector<16xi32>
        %parallel_loop3A_203 = arith.constant 64 : i32
        %parallel_loop3A_204 = vector.broadcast %parallel_loop3A_203 : i32 to vector<16xi32>
        %parallel_loop3A_205 = arith.muli %parallel_loop3A_192, %parallel_loop3A_204 : vector<16xi32>
        %parallel_loop3A_206 = arith.addi %parallel_loop3A_202, %parallel_loop3A_205 : vector<16xi32>
        %parallel_loop3A_207 = arith.constant 1.000000e+00 : f32
        %parallel_loop3A_208 = vector.broadcast %parallel_loop3A_207 : f32 to vector<16xf32>
        %parallel_loop3A_209 = arith.subf %parallel_loop3A_208, %parallel_loop3A_194 : vector<16xf32>
        %parallel_loop3A_210 = arith.constant 1.000000e+00 : f32
        %parallel_loop3A_211 = vector.broadcast %parallel_loop3A_210 : f32 to vector<16xf32>
        %parallel_loop3A_212 = arith.subf %parallel_loop3A_211, %parallel_loop3A_196 : vector<16xf32>
        %parallel_loop3A_213 = arith.constant 1.000000e+00 : f32
        %parallel_loop3A_214 = vector.broadcast %parallel_loop3A_213 : f32 to vector<16xf32>
        %parallel_loop3A_215 = arith.subf %parallel_loop3A_214, %parallel_loop3A_198 : vector<16xf32>
        %parallel_loop3A_216 = arith.constant 0 : i32
        %parallel_loop3A_217 = vector.broadcast %parallel_loop3A_216 : i32 to vector<16xi32>
        %parallel_loop3A_218 = arith.addi %parallel_loop3A_206, %parallel_loop3A_217 : vector<16xi32>
        %parallel_loop3A_219 = tpu.vector_load_idx %arg15[%parallel_loop3A_218] : memref<85296xi32, #tpu.memory_space<vmem>>[vector<16xi32>], vector<16xi32>,
        %parallel_loop3A_220 = arith.constant 16 : i32
        %parallel_loop3A_221 = vector.broadcast %parallel_loop3A_220 : i32 to vector<16xi32>
        %parallel_loop3A_222 = arith.shli %parallel_loop3A_219, %parallel_loop3A_221 : vector<16xi32>
        %parallel_loop3A_223 = vector.bitcast %parallel_loop3A_222 : vector<16xi32> to vector<16xf32>
        %parallel_loop3A_224 = arith.constant -65536 : i32
        %parallel_loop3A_225 = vector.broadcast %parallel_loop3A_224 : i32 to vector<16xi32>
        %parallel_loop3A_226 = arith.andi %parallel_loop3A_219, %parallel_loop3A_225 : vector<16xi32>
        %parallel_loop3A_227 = vector.bitcast %parallel_loop3A_226 : vector<16xi32> to vector<16xf32>
        %parallel_loop3A_228 = arith.mulf %parallel_loop3A_209, %parallel_loop3A_212 : vector<16xf32>
        %parallel_loop3A_229 = arith.mulf %parallel_loop3A_228, %parallel_loop3A_215 : vector<16xf32>
        %parallel_loop3A_230 = arith.mulf %parallel_loop3A_229, %parallel_loop3A_223 : vector<16xf32>
        %parallel_loop3A_231 = arith.mulf %parallel_loop3A_229, %parallel_loop3A_227 : vector<16xf32>
        %parallel_loop3A_232 = arith.constant 1 : i32
        %parallel_loop3A_233 = vector.broadcast %parallel_loop3A_232 : i32 to vector<16xi32>
        %parallel_loop3A_234 = arith.addi %parallel_loop3A_206, %parallel_loop3A_233 : vector<16xi32>
        %parallel_loop3A_235 = tpu.vector_load_idx %arg15[%parallel_loop3A_234] : memref<85296xi32, #tpu.memory_space<vmem>>[vector<16xi32>], vector<16xi32>,
        %parallel_loop3A_236 = arith.constant 16 : i32
        %parallel_loop3A_237 = vector.broadcast %parallel_loop3A_236 : i32 to vector<16xi32>
        %parallel_loop3A_238 = arith.shli %parallel_loop3A_235, %parallel_loop3A_237 : vector<16xi32>
        %parallel_loop3A_239 = vector.bitcast %parallel_loop3A_238 : vector<16xi32> to vector<16xf32>
        %parallel_loop3A_240 = arith.constant -65536 : i32
        %parallel_loop3A_241 = vector.broadcast %parallel_loop3A_240 : i32 to vector<16xi32>
        %parallel_loop3A_242 = arith.andi %parallel_loop3A_235, %parallel_loop3A_241 : vector<16xi32>
        %parallel_loop3A_243 = vector.bitcast %parallel_loop3A_242 : vector<16xi32> to vector<16xf32>
        %parallel_loop3A_244 = arith.mulf %parallel_loop3A_194, %parallel_loop3A_212 : vector<16xf32>
        %parallel_loop3A_245 = arith.mulf %parallel_loop3A_244, %parallel_loop3A_215 : vector<16xf32>
        %parallel_loop3A_246 = arith.mulf %parallel_loop3A_245, %parallel_loop3A_239 : vector<16xf32>
        %parallel_loop3A_247 = arith.mulf %parallel_loop3A_245, %parallel_loop3A_243 : vector<16xf32>
        %parallel_loop3A_248 = arith.constant 8 : i32
        %parallel_loop3A_249 = vector.broadcast %parallel_loop3A_248 : i32 to vector<16xi32>
        %parallel_loop3A_250 = arith.addi %parallel_loop3A_206, %parallel_loop3A_249 : vector<16xi32>
        %parallel_loop3A_251 = tpu.vector_load_idx %arg15[%parallel_loop3A_250] : memref<85296xi32, #tpu.memory_space<vmem>>[vector<16xi32>], vector<16xi32>,
        %parallel_loop3A_252 = arith.constant 16 : i32
        %parallel_loop3A_253 = vector.broadcast %parallel_loop3A_252 : i32 to vector<16xi32>
        %parallel_loop3A_254 = arith.shli %parallel_loop3A_251, %parallel_loop3A_253 : vector<16xi32>
        %parallel_loop3A_255 = vector.bitcast %parallel_loop3A_254 : vector<16xi32> to vector<16xf32>
        %parallel_loop3A_256 = arith.constant -65536 : i32
        %parallel_loop3A_257 = vector.broadcast %parallel_loop3A_256 : i32 to vector<16xi32>
        %parallel_loop3A_258 = arith.andi %parallel_loop3A_251, %parallel_loop3A_257 : vector<16xi32>
        %parallel_loop3A_259 = vector.bitcast %parallel_loop3A_258 : vector<16xi32> to vector<16xf32>
        %parallel_loop3A_260 = arith.mulf %parallel_loop3A_209, %parallel_loop3A_196 : vector<16xf32>
        %parallel_loop3A_261 = arith.mulf %parallel_loop3A_260, %parallel_loop3A_215 : vector<16xf32>
        %parallel_loop3A_262 = arith.mulf %parallel_loop3A_261, %parallel_loop3A_255 : vector<16xf32>
        %parallel_loop3A_263 = arith.mulf %parallel_loop3A_261, %parallel_loop3A_259 : vector<16xf32>
        %parallel_loop3A_264 = arith.constant 9 : i32
        %parallel_loop3A_265 = vector.broadcast %parallel_loop3A_264 : i32 to vector<16xi32>
        %parallel_loop3A_266 = arith.addi %parallel_loop3A_206, %parallel_loop3A_265 : vector<16xi32>
        %parallel_loop3A_267 = tpu.vector_load_idx %arg15[%parallel_loop3A_266] : memref<85296xi32, #tpu.memory_space<vmem>>[vector<16xi32>], vector<16xi32>,
        %parallel_loop3A_268 = arith.constant 16 : i32
        %parallel_loop3A_269 = vector.broadcast %parallel_loop3A_268 : i32 to vector<16xi32>
        %parallel_loop3A_270 = arith.shli %parallel_loop3A_267, %parallel_loop3A_269 : vector<16xi32>
        %parallel_loop3A_271 = vector.bitcast %parallel_loop3A_270 : vector<16xi32> to vector<16xf32>
        %parallel_loop3A_272 = arith.constant -65536 : i32
        %parallel_loop3A_273 = vector.broadcast %parallel_loop3A_272 : i32 to vector<16xi32>
        %parallel_loop3A_274 = arith.andi %parallel_loop3A_267, %parallel_loop3A_273 : vector<16xi32>
        %parallel_loop3A_275 = vector.bitcast %parallel_loop3A_274 : vector<16xi32> to vector<16xf32>
        %parallel_loop3A_276 = arith.mulf %parallel_loop3A_194, %parallel_loop3A_196 : vector<16xf32>
        %parallel_loop3A_277 = arith.mulf %parallel_loop3A_276, %parallel_loop3A_215 : vector<16xf32>
        %parallel_loop3A_278 = arith.mulf %parallel_loop3A_277, %parallel_loop3A_271 : vector<16xf32>
        %parallel_loop3A_279 = arith.mulf %parallel_loop3A_277, %parallel_loop3A_275 : vector<16xf32>
        %parallel_loop3A_280 = arith.constant 64 : i32
        %parallel_loop3A_281 = vector.broadcast %parallel_loop3A_280 : i32 to vector<16xi32>
        %parallel_loop3A_282 = arith.addi %parallel_loop3A_206, %parallel_loop3A_281 : vector<16xi32>
        %parallel_loop3A_283 = tpu.vector_load_idx %arg15[%parallel_loop3A_282] : memref<85296xi32, #tpu.memory_space<vmem>>[vector<16xi32>], vector<16xi32>,
        %parallel_loop3A_284 = arith.constant 16 : i32
        %parallel_loop3A_285 = vector.broadcast %parallel_loop3A_284 : i32 to vector<16xi32>
        %parallel_loop3A_286 = arith.shli %parallel_loop3A_283, %parallel_loop3A_285 : vector<16xi32>
        %parallel_loop3A_287 = vector.bitcast %parallel_loop3A_286 : vector<16xi32> to vector<16xf32>
        %parallel_loop3A_288 = arith.constant -65536 : i32
        %parallel_loop3A_289 = vector.broadcast %parallel_loop3A_288 : i32 to vector<16xi32>
        %parallel_loop3A_290 = arith.andi %parallel_loop3A_283, %parallel_loop3A_289 : vector<16xi32>
        %parallel_loop3A_291 = vector.bitcast %parallel_loop3A_290 : vector<16xi32> to vector<16xf32>
        %parallel_loop3A_292 = arith.mulf %parallel_loop3A_209, %parallel_loop3A_212 : vector<16xf32>
        %parallel_loop3A_293 = arith.mulf %parallel_loop3A_292, %parallel_loop3A_198 : vector<16xf32>
        %parallel_loop3A_294 = arith.mulf %parallel_loop3A_293, %parallel_loop3A_287 : vector<16xf32>
        %parallel_loop3A_295 = arith.mulf %parallel_loop3A_293, %parallel_loop3A_291 : vector<16xf32>
        %parallel_loop3A_296 = arith.constant 65 : i32
        %parallel_loop3A_297 = vector.broadcast %parallel_loop3A_296 : i32 to vector<16xi32>
        %parallel_loop3A_298 = arith.addi %parallel_loop3A_206, %parallel_loop3A_297 : vector<16xi32>
        %parallel_loop3A_299 = tpu.vector_load_idx %arg15[%parallel_loop3A_298] : memref<85296xi32, #tpu.memory_space<vmem>>[vector<16xi32>], vector<16xi32>,
        %parallel_loop3A_300 = arith.constant 16 : i32
        %parallel_loop3A_301 = vector.broadcast %parallel_loop3A_300 : i32 to vector<16xi32>
        %parallel_loop3A_302 = arith.shli %parallel_loop3A_299, %parallel_loop3A_301 : vector<16xi32>
        %parallel_loop3A_303 = vector.bitcast %parallel_loop3A_302 : vector<16xi32> to vector<16xf32>
        %parallel_loop3A_304 = arith.constant -65536 : i32
        %parallel_loop3A_305 = vector.broadcast %parallel_loop3A_304 : i32 to vector<16xi32>
        %parallel_loop3A_306 = arith.andi %parallel_loop3A_299, %parallel_loop3A_305 : vector<16xi32>
        %parallel_loop3A_307 = vector.bitcast %parallel_loop3A_306 : vector<16xi32> to vector<16xf32>
        %parallel_loop3A_308 = arith.mulf %parallel_loop3A_194, %parallel_loop3A_212 : vector<16xf32>
        %parallel_loop3A_309 = arith.mulf %parallel_loop3A_308, %parallel_loop3A_198 : vector<16xf32>
        %parallel_loop3A_310 = arith.mulf %parallel_loop3A_309, %parallel_loop3A_303 : vector<16xf32>
        %parallel_loop3A_311 = arith.mulf %parallel_loop3A_309, %parallel_loop3A_307 : vector<16xf32>
        %parallel_loop3A_312 = arith.constant 72 : i32
        %parallel_loop3A_313 = vector.broadcast %parallel_loop3A_312 : i32 to vector<16xi32>
        %parallel_loop3A_314 = arith.addi %parallel_loop3A_206, %parallel_loop3A_313 : vector<16xi32>
        %parallel_loop3A_315 = tpu.vector_load_idx %arg15[%parallel_loop3A_314] : memref<85296xi32, #tpu.memory_space<vmem>>[vector<16xi32>], vector<16xi32>,
        %parallel_loop3A_316 = arith.constant 16 : i32
        %parallel_loop3A_317 = vector.broadcast %parallel_loop3A_316 : i32 to vector<16xi32>
        %parallel_loop3A_318 = arith.shli %parallel_loop3A_315, %parallel_loop3A_317 : vector<16xi32>
        %parallel_loop3A_319 = vector.bitcast %parallel_loop3A_318 : vector<16xi32> to vector<16xf32>
        %parallel_loop3A_320 = arith.constant -65536 : i32
        %parallel_loop3A_321 = vector.broadcast %parallel_loop3A_320 : i32 to vector<16xi32>
        %parallel_loop3A_322 = arith.andi %parallel_loop3A_315, %parallel_loop3A_321 : vector<16xi32>
        %parallel_loop3A_323 = vector.bitcast %parallel_loop3A_322 : vector<16xi32> to vector<16xf32>
        %parallel_loop3A_324 = arith.mulf %parallel_loop3A_209, %parallel_loop3A_196 : vector<16xf32>
        %parallel_loop3A_325 = arith.mulf %parallel_loop3A_324, %parallel_loop3A_198 : vector<16xf32>
        %parallel_loop3A_326 = arith.mulf %parallel_loop3A_325, %parallel_loop3A_319 : vector<16xf32>
        %parallel_loop3A_327 = arith.mulf %parallel_loop3A_325, %parallel_loop3A_323 : vector<16xf32>
        %parallel_loop3A_328 = arith.constant 73 : i32
        %parallel_loop3A_329 = vector.broadcast %parallel_loop3A_328 : i32 to vector<16xi32>
        %parallel_loop3A_330 = arith.addi %parallel_loop3A_206, %parallel_loop3A_329 : vector<16xi32>
        %parallel_loop3A_331 = tpu.vector_load_idx %arg15[%parallel_loop3A_330] : memref<85296xi32, #tpu.memory_space<vmem>>[vector<16xi32>], vector<16xi32>,
        %parallel_loop3A_332 = arith.constant 16 : i32
        %parallel_loop3A_333 = vector.broadcast %parallel_loop3A_332 : i32 to vector<16xi32>
        %parallel_loop3A_334 = arith.shli %parallel_loop3A_331, %parallel_loop3A_333 : vector<16xi32>
        %parallel_loop3A_335 = vector.bitcast %parallel_loop3A_334 : vector<16xi32> to vector<16xf32>
        %parallel_loop3A_336 = arith.constant -65536 : i32
        %parallel_loop3A_337 = vector.broadcast %parallel_loop3A_336 : i32 to vector<16xi32>
        %parallel_loop3A_338 = arith.andi %parallel_loop3A_331, %parallel_loop3A_337 : vector<16xi32>
        %parallel_loop3A_339 = vector.bitcast %parallel_loop3A_338 : vector<16xi32> to vector<16xf32>
        %parallel_loop3A_340 = arith.mulf %parallel_loop3A_194, %parallel_loop3A_196 : vector<16xf32>
        %parallel_loop3A_341 = arith.mulf %parallel_loop3A_340, %parallel_loop3A_198 : vector<16xf32>
        %parallel_loop3A_342 = arith.mulf %parallel_loop3A_341, %parallel_loop3A_335 : vector<16xf32>
        %parallel_loop3A_343 = arith.mulf %parallel_loop3A_341, %parallel_loop3A_339 : vector<16xf32>
        %parallel_loop3A_344 = arith.addf %parallel_loop3A_230, %parallel_loop3A_246 : vector<16xf32>
        %parallel_loop3A_345 = arith.addf %parallel_loop3A_262, %parallel_loop3A_278 : vector<16xf32>
        %parallel_loop3A_346 = arith.addf %parallel_loop3A_344, %parallel_loop3A_345 : vector<16xf32>
        %parallel_loop3A_347 = arith.addf %parallel_loop3A_294, %parallel_loop3A_310 : vector<16xf32>
        %parallel_loop3A_348 = arith.addf %parallel_loop3A_326, %parallel_loop3A_342 : vector<16xf32>
        %parallel_loop3A_349 = arith.addf %parallel_loop3A_347, %parallel_loop3A_348 : vector<16xf32>
        %parallel_loop3A_350 = arith.addf %parallel_loop3A_346, %parallel_loop3A_349 : vector<16xf32>
        %parallel_loop3A_351 = arith.addf %parallel_loop3A_231, %parallel_loop3A_247 : vector<16xf32>
        %parallel_loop3A_352 = arith.addf %parallel_loop3A_263, %parallel_loop3A_279 : vector<16xf32>
        %parallel_loop3A_353 = arith.addf %parallel_loop3A_351, %parallel_loop3A_352 : vector<16xf32>
        %parallel_loop3A_354 = arith.addf %parallel_loop3A_295, %parallel_loop3A_311 : vector<16xf32>
        %parallel_loop3A_355 = arith.addf %parallel_loop3A_327, %parallel_loop3A_343 : vector<16xf32>
        %parallel_loop3A_356 = arith.addf %parallel_loop3A_354, %parallel_loop3A_355 : vector<16xf32>
        %parallel_loop3A_357 = arith.addf %parallel_loop3A_353, %parallel_loop3A_356 : vector<16xf32>
        %parallel_loop3A_358 = arith.constant 0 : i32
        %parallel_loop3A_359 = vector.broadcast %parallel_loop3A_358 : i32 to vector<16xi32>
        %parallel_loop3A_360 = arith.addi %parallel_loop3A_171, %parallel_loop3A_359 : vector<16xi32>
        tpu.vector_store_idx %arg13[%parallel_loop3A_165, %parallel_loop3A_360], %parallel_loop3A_350 : memref<64x128xf32, #tpu.memory_space<vmem>>[vector<16xi32>, vector<16xi32>], vector<16xf32>,
        %parallel_loop3A_361 = arith.constant 1 : i32
        %parallel_loop3A_362 = vector.broadcast %parallel_loop3A_361 : i32 to vector<16xi32>
        %parallel_loop3A_363 = arith.addi %parallel_loop3A_360, %parallel_loop3A_362 : vector<16xi32>
        tpu.vector_store_idx %arg13[%parallel_loop3A_165, %parallel_loop3A_363], %parallel_loop3A_357 : memref<64x128xf32, #tpu.memory_space<vmem>>[vector<16xi32>, vector<16xi32>], vector<16xf32>,
        %parallel_loop3A_364 = arith.constant 8.752110e+00 : f32
        %parallel_loop3A_365 = vector.broadcast %parallel_loop3A_364 : f32 to vector<16xf32>
        %parallel_loop3A_366 = arith.mulf %parallel_loop3A_156, %parallel_loop3A_365 : vector<16xf32>
        %parallel_loop3A_367 = arith.constant 5.000000e-01 : f32
        %parallel_loop3A_368 = vector.broadcast %parallel_loop3A_367 : f32 to vector<16xf32>
        %parallel_loop3A_369 = arith.addf %parallel_loop3A_366, %parallel_loop3A_368 : vector<16xf32>
        %parallel_loop3A_370 = arith.constant 8.752110e+00 : f32
        %parallel_loop3A_371 = vector.broadcast %parallel_loop3A_370 : f32 to vector<16xf32>
        %parallel_loop3A_372 = arith.mulf %parallel_loop3A_158, %parallel_loop3A_371 : vector<16xf32>
        %parallel_loop3A_373 = arith.constant 5.000000e-01 : f32
        %parallel_loop3A_374 = vector.broadcast %parallel_loop3A_373 : f32 to vector<16xf32>
        %parallel_loop3A_375 = arith.addf %parallel_loop3A_372, %parallel_loop3A_374 : vector<16xf32>
        %parallel_loop3A_376 = arith.constant 8.752110e+00 : f32
        %parallel_loop3A_377 = vector.broadcast %parallel_loop3A_376 : f32 to vector<16xf32>
        %parallel_loop3A_378 = arith.mulf %parallel_loop3A_160, %parallel_loop3A_377 : vector<16xf32>
        %parallel_loop3A_379 = arith.constant 5.000000e-01 : f32
        %parallel_loop3A_380 = vector.broadcast %parallel_loop3A_379 : f32 to vector<16xf32>
        %parallel_loop3A_381 = arith.addf %parallel_loop3A_378, %parallel_loop3A_380 : vector<16xf32>
        %parallel_loop3A_382 = arith.fptosi %parallel_loop3A_369 : vector<16xf32> to vector<16xi32>
        %parallel_loop3A_383 = arith.fptosi %parallel_loop3A_375 : vector<16xf32> to vector<16xi32>
        %parallel_loop3A_384 = arith.fptosi %parallel_loop3A_381 : vector<16xf32> to vector<16xi32>
        %parallel_loop3A_385 = arith.sitofp %parallel_loop3A_382 : vector<16xi32> to vector<16xf32>
        %parallel_loop3A_386 = arith.subf %parallel_loop3A_369, %parallel_loop3A_385 : vector<16xf32>
        %parallel_loop3A_387 = arith.sitofp %parallel_loop3A_383 : vector<16xi32> to vector<16xf32>
        %parallel_loop3A_388 = arith.subf %parallel_loop3A_375, %parallel_loop3A_387 : vector<16xf32>
        %parallel_loop3A_389 = arith.sitofp %parallel_loop3A_384 : vector<16xi32> to vector<16xf32>
        %parallel_loop3A_390 = arith.subf %parallel_loop3A_381, %parallel_loop3A_389 : vector<16xf32>
        %parallel_loop3A_391 = arith.constant 10 : i32
        %parallel_loop3A_392 = vector.broadcast %parallel_loop3A_391 : i32 to vector<16xi32>
        %parallel_loop3A_393 = arith.muli %parallel_loop3A_383, %parallel_loop3A_392 : vector<16xi32>
        %parallel_loop3A_394 = arith.addi %parallel_loop3A_382, %parallel_loop3A_393 : vector<16xi32>
        %parallel_loop3A_395 = arith.constant 100 : i32
        %parallel_loop3A_396 = vector.broadcast %parallel_loop3A_395 : i32 to vector<16xi32>
        %parallel_loop3A_397 = arith.muli %parallel_loop3A_384, %parallel_loop3A_396 : vector<16xi32>
        %parallel_loop3A_398 = arith.addi %parallel_loop3A_394, %parallel_loop3A_397 : vector<16xi32>
        %parallel_loop3A_399 = arith.constant 1.000000e+00 : f32
        %parallel_loop3A_400 = vector.broadcast %parallel_loop3A_399 : f32 to vector<16xf32>
        %parallel_loop3A_401 = arith.subf %parallel_loop3A_400, %parallel_loop3A_386 : vector<16xf32>
        %parallel_loop3A_402 = arith.constant 1.000000e+00 : f32
        %parallel_loop3A_403 = vector.broadcast %parallel_loop3A_402 : f32 to vector<16xf32>
        %parallel_loop3A_404 = arith.subf %parallel_loop3A_403, %parallel_loop3A_388 : vector<16xf32>
        %parallel_loop3A_405 = arith.constant 1.000000e+00 : f32
        %parallel_loop3A_406 = vector.broadcast %parallel_loop3A_405 : f32 to vector<16xf32>
        %parallel_loop3A_407 = arith.subf %parallel_loop3A_406, %parallel_loop3A_390 : vector<16xf32>
        %parallel_loop3A_408 = arith.constant 736 : i32
        %parallel_loop3A_409 = vector.broadcast %parallel_loop3A_408 : i32 to vector<16xi32>
        %parallel_loop3A_410 = arith.addi %parallel_loop3A_398, %parallel_loop3A_409 : vector<16xi32>
        %parallel_loop3A_411 = tpu.vector_load_idx %arg15[%parallel_loop3A_410] : memref<85296xi32, #tpu.memory_space<vmem>>[vector<16xi32>], vector<16xi32>,
        %parallel_loop3A_412 = arith.constant 16 : i32
        %parallel_loop3A_413 = vector.broadcast %parallel_loop3A_412 : i32 to vector<16xi32>
        %parallel_loop3A_414 = arith.shli %parallel_loop3A_411, %parallel_loop3A_413 : vector<16xi32>
        %parallel_loop3A_415 = vector.bitcast %parallel_loop3A_414 : vector<16xi32> to vector<16xf32>
        %parallel_loop3A_416 = arith.constant -65536 : i32
        %parallel_loop3A_417 = vector.broadcast %parallel_loop3A_416 : i32 to vector<16xi32>
        %parallel_loop3A_418 = arith.andi %parallel_loop3A_411, %parallel_loop3A_417 : vector<16xi32>
        %parallel_loop3A_419 = vector.bitcast %parallel_loop3A_418 : vector<16xi32> to vector<16xf32>
        %parallel_loop3A_420 = arith.mulf %parallel_loop3A_401, %parallel_loop3A_404 : vector<16xf32>
        %parallel_loop3A_421 = arith.mulf %parallel_loop3A_420, %parallel_loop3A_407 : vector<16xf32>
        %parallel_loop3A_422 = arith.mulf %parallel_loop3A_421, %parallel_loop3A_415 : vector<16xf32>
        %parallel_loop3A_423 = arith.mulf %parallel_loop3A_421, %parallel_loop3A_419 : vector<16xf32>
        %parallel_loop3A_424 = arith.constant 737 : i32
        %parallel_loop3A_425 = vector.broadcast %parallel_loop3A_424 : i32 to vector<16xi32>
        %parallel_loop3A_426 = arith.addi %parallel_loop3A_398, %parallel_loop3A_425 : vector<16xi32>
        %parallel_loop3A_427 = tpu.vector_load_idx %arg15[%parallel_loop3A_426] : memref<85296xi32, #tpu.memory_space<vmem>>[vector<16xi32>], vector<16xi32>,
        %parallel_loop3A_428 = arith.constant 16 : i32
        %parallel_loop3A_429 = vector.broadcast %parallel_loop3A_428 : i32 to vector<16xi32>
        %parallel_loop3A_430 = arith.shli %parallel_loop3A_427, %parallel_loop3A_429 : vector<16xi32>
        %parallel_loop3A_431 = vector.bitcast %parallel_loop3A_430 : vector<16xi32> to vector<16xf32>
        %parallel_loop3A_432 = arith.constant -65536 : i32
        %parallel_loop3A_433 = vector.broadcast %parallel_loop3A_432 : i32 to vector<16xi32>
        %parallel_loop3A_434 = arith.andi %parallel_loop3A_427, %parallel_loop3A_433 : vector<16xi32>
        %parallel_loop3A_435 = vector.bitcast %parallel_loop3A_434 : vector<16xi32> to vector<16xf32>
        %parallel_loop3A_436 = arith.mulf %parallel_loop3A_386, %parallel_loop3A_404 : vector<16xf32>
        %parallel_loop3A_437 = arith.mulf %parallel_loop3A_436, %parallel_loop3A_407 : vector<16xf32>
        %parallel_loop3A_438 = arith.mulf %parallel_loop3A_437, %parallel_loop3A_431 : vector<16xf32>
        %parallel_loop3A_439 = arith.mulf %parallel_loop3A_437, %parallel_loop3A_435 : vector<16xf32>
        %parallel_loop3A_440 = arith.constant 746 : i32
        %parallel_loop3A_441 = vector.broadcast %parallel_loop3A_440 : i32 to vector<16xi32>
        %parallel_loop3A_442 = arith.addi %parallel_loop3A_398, %parallel_loop3A_441 : vector<16xi32>
        %parallel_loop3A_443 = tpu.vector_load_idx %arg15[%parallel_loop3A_442] : memref<85296xi32, #tpu.memory_space<vmem>>[vector<16xi32>], vector<16xi32>,
        %parallel_loop3A_444 = arith.constant 16 : i32
        %parallel_loop3A_445 = vector.broadcast %parallel_loop3A_444 : i32 to vector<16xi32>
        %parallel_loop3A_446 = arith.shli %parallel_loop3A_443, %parallel_loop3A_445 : vector<16xi32>
        %parallel_loop3A_447 = vector.bitcast %parallel_loop3A_446 : vector<16xi32> to vector<16xf32>
        %parallel_loop3A_448 = arith.constant -65536 : i32
        %parallel_loop3A_449 = vector.broadcast %parallel_loop3A_448 : i32 to vector<16xi32>
        %parallel_loop3A_450 = arith.andi %parallel_loop3A_443, %parallel_loop3A_449 : vector<16xi32>
        %parallel_loop3A_451 = vector.bitcast %parallel_loop3A_450 : vector<16xi32> to vector<16xf32>
        %parallel_loop3A_452 = arith.mulf %parallel_loop3A_401, %parallel_loop3A_388 : vector<16xf32>
        %parallel_loop3A_453 = arith.mulf %parallel_loop3A_452, %parallel_loop3A_407 : vector<16xf32>
        %parallel_loop3A_454 = arith.mulf %parallel_loop3A_453, %parallel_loop3A_447 : vector<16xf32>
        %parallel_loop3A_455 = arith.mulf %parallel_loop3A_453, %parallel_loop3A_451 : vector<16xf32>
        %parallel_loop3A_456 = arith.constant 747 : i32
        %parallel_loop3A_457 = vector.broadcast %parallel_loop3A_456 : i32 to vector<16xi32>
        %parallel_loop3A_458 = arith.addi %parallel_loop3A_398, %parallel_loop3A_457 : vector<16xi32>
        %parallel_loop3A_459 = tpu.vector_load_idx %arg15[%parallel_loop3A_458] : memref<85296xi32, #tpu.memory_space<vmem>>[vector<16xi32>], vector<16xi32>,
        %parallel_loop3A_460 = arith.constant 16 : i32
        %parallel_loop3A_461 = vector.broadcast %parallel_loop3A_460 : i32 to vector<16xi32>
        %parallel_loop3A_462 = arith.shli %parallel_loop3A_459, %parallel_loop3A_461 : vector<16xi32>
        %parallel_loop3A_463 = vector.bitcast %parallel_loop3A_462 : vector<16xi32> to vector<16xf32>
        %parallel_loop3A_464 = arith.constant -65536 : i32
        %parallel_loop3A_465 = vector.broadcast %parallel_loop3A_464 : i32 to vector<16xi32>
        %parallel_loop3A_466 = arith.andi %parallel_loop3A_459, %parallel_loop3A_465 : vector<16xi32>
        %parallel_loop3A_467 = vector.bitcast %parallel_loop3A_466 : vector<16xi32> to vector<16xf32>
        %parallel_loop3A_468 = arith.mulf %parallel_loop3A_386, %parallel_loop3A_388 : vector<16xf32>
        %parallel_loop3A_469 = arith.mulf %parallel_loop3A_468, %parallel_loop3A_407 : vector<16xf32>
        %parallel_loop3A_470 = arith.mulf %parallel_loop3A_469, %parallel_loop3A_463 : vector<16xf32>
        %parallel_loop3A_471 = arith.mulf %parallel_loop3A_469, %parallel_loop3A_467 : vector<16xf32>
        %parallel_loop3A_472 = arith.constant 836 : i32
        %parallel_loop3A_473 = vector.broadcast %parallel_loop3A_472 : i32 to vector<16xi32>
        %parallel_loop3A_474 = arith.addi %parallel_loop3A_398, %parallel_loop3A_473 : vector<16xi32>
        %parallel_loop3A_475 = tpu.vector_load_idx %arg15[%parallel_loop3A_474] : memref<85296xi32, #tpu.memory_space<vmem>>[vector<16xi32>], vector<16xi32>,
        %parallel_loop3A_476 = arith.constant 16 : i32
        %parallel_loop3A_477 = vector.broadcast %parallel_loop3A_476 : i32 to vector<16xi32>
        %parallel_loop3A_478 = arith.shli %parallel_loop3A_475, %parallel_loop3A_477 : vector<16xi32>
        %parallel_loop3A_479 = vector.bitcast %parallel_loop3A_478 : vector<16xi32> to vector<16xf32>
        %parallel_loop3A_480 = arith.constant -65536 : i32
        %parallel_loop3A_481 = vector.broadcast %parallel_loop3A_480 : i32 to vector<16xi32>
        %parallel_loop3A_482 = arith.andi %parallel_loop3A_475, %parallel_loop3A_481 : vector<16xi32>
        %parallel_loop3A_483 = vector.bitcast %parallel_loop3A_482 : vector<16xi32> to vector<16xf32>
        %parallel_loop3A_484 = arith.mulf %parallel_loop3A_401, %parallel_loop3A_404 : vector<16xf32>
        %parallel_loop3A_485 = arith.mulf %parallel_loop3A_484, %parallel_loop3A_390 : vector<16xf32>
        %parallel_loop3A_486 = arith.mulf %parallel_loop3A_485, %parallel_loop3A_479 : vector<16xf32>
        %parallel_loop3A_487 = arith.mulf %parallel_loop3A_485, %parallel_loop3A_483 : vector<16xf32>
        %parallel_loop3A_488 = arith.constant 837 : i32
        %parallel_loop3A_489 = vector.broadcast %parallel_loop3A_488 : i32 to vector<16xi32>
        %parallel_loop3A_490 = arith.addi %parallel_loop3A_398, %parallel_loop3A_489 : vector<16xi32>
        %parallel_loop3A_491 = tpu.vector_load_idx %arg15[%parallel_loop3A_490] : memref<85296xi32, #tpu.memory_space<vmem>>[vector<16xi32>], vector<16xi32>,
        %parallel_loop3A_492 = arith.constant 16 : i32
        %parallel_loop3A_493 = vector.broadcast %parallel_loop3A_492 : i32 to vector<16xi32>
        %parallel_loop3A_494 = arith.shli %parallel_loop3A_491, %parallel_loop3A_493 : vector<16xi32>
        %parallel_loop3A_495 = vector.bitcast %parallel_loop3A_494 : vector<16xi32> to vector<16xf32>
        %parallel_loop3A_496 = arith.constant -65536 : i32
        %parallel_loop3A_497 = vector.broadcast %parallel_loop3A_496 : i32 to vector<16xi32>
        %parallel_loop3A_498 = arith.andi %parallel_loop3A_491, %parallel_loop3A_497 : vector<16xi32>
        %parallel_loop3A_499 = vector.bitcast %parallel_loop3A_498 : vector<16xi32> to vector<16xf32>
        %parallel_loop3A_500 = arith.mulf %parallel_loop3A_386, %parallel_loop3A_404 : vector<16xf32>
        %parallel_loop3A_501 = arith.mulf %parallel_loop3A_500, %parallel_loop3A_390 : vector<16xf32>
        %parallel_loop3A_502 = arith.mulf %parallel_loop3A_501, %parallel_loop3A_495 : vector<16xf32>
        %parallel_loop3A_503 = arith.mulf %parallel_loop3A_501, %parallel_loop3A_499 : vector<16xf32>
        %parallel_loop3A_504 = arith.constant 846 : i32
        %parallel_loop3A_505 = vector.broadcast %parallel_loop3A_504 : i32 to vector<16xi32>
        %parallel_loop3A_506 = arith.addi %parallel_loop3A_398, %parallel_loop3A_505 : vector<16xi32>
        %parallel_loop3A_507 = tpu.vector_load_idx %arg15[%parallel_loop3A_506] : memref<85296xi32, #tpu.memory_space<vmem>>[vector<16xi32>], vector<16xi32>,
        %parallel_loop3A_508 = arith.constant 16 : i32
        %parallel_loop3A_509 = vector.broadcast %parallel_loop3A_508 : i32 to vector<16xi32>
        %parallel_loop3A_510 = arith.shli %parallel_loop3A_507, %parallel_loop3A_509 : vector<16xi32>
        %parallel_loop3A_511 = vector.bitcast %parallel_loop3A_510 : vector<16xi32> to vector<16xf32>
        %parallel_loop3A_512 = arith.constant -65536 : i32
        %parallel_loop3A_513 = vector.broadcast %parallel_loop3A_512 : i32 to vector<16xi32>
        %parallel_loop3A_514 = arith.andi %parallel_loop3A_507, %parallel_loop3A_513 : vector<16xi32>
        %parallel_loop3A_515 = vector.bitcast %parallel_loop3A_514 : vector<16xi32> to vector<16xf32>
        %parallel_loop3A_516 = arith.mulf %parallel_loop3A_401, %parallel_loop3A_388 : vector<16xf32>
        %parallel_loop3A_517 = arith.mulf %parallel_loop3A_516, %parallel_loop3A_390 : vector<16xf32>
        %parallel_loop3A_518 = arith.mulf %parallel_loop3A_517, %parallel_loop3A_511 : vector<16xf32>
        %parallel_loop3A_519 = arith.mulf %parallel_loop3A_517, %parallel_loop3A_515 : vector<16xf32>
        %parallel_loop3A_520 = arith.constant 847 : i32
        %parallel_loop3A_521 = vector.broadcast %parallel_loop3A_520 : i32 to vector<16xi32>
        %parallel_loop3A_522 = arith.addi %parallel_loop3A_398, %parallel_loop3A_521 : vector<16xi32>
        %parallel_loop3A_523 = tpu.vector_load_idx %arg15[%parallel_loop3A_522] : memref<85296xi32, #tpu.memory_space<vmem>>[vector<16xi32>], vector<16xi32>,
        %parallel_loop3A_524 = arith.constant 16 : i32
        %parallel_loop3A_525 = vector.broadcast %parallel_loop3A_524 : i32 to vector<16xi32>
        %parallel_loop3A_526 = arith.shli %parallel_loop3A_523, %parallel_loop3A_525 : vector<16xi32>
        %parallel_loop3A_527 = vector.bitcast %parallel_loop3A_526 : vector<16xi32> to vector<16xf32>
        %parallel_loop3A_528 = arith.constant -65536 : i32
        %parallel_loop3A_529 = vector.broadcast %parallel_loop3A_528 : i32 to vector<16xi32>
        %parallel_loop3A_530 = arith.andi %parallel_loop3A_523, %parallel_loop3A_529 : vector<16xi32>
        %parallel_loop3A_531 = vector.bitcast %parallel_loop3A_530 : vector<16xi32> to vector<16xf32>
        %parallel_loop3A_532 = arith.mulf %parallel_loop3A_386, %parallel_loop3A_388 : vector<16xf32>
        %parallel_loop3A_533 = arith.mulf %parallel_loop3A_532, %parallel_loop3A_390 : vector<16xf32>
        %parallel_loop3A_534 = arith.mulf %parallel_loop3A_533, %parallel_loop3A_527 : vector<16xf32>
        %parallel_loop3A_535 = arith.mulf %parallel_loop3A_533, %parallel_loop3A_531 : vector<16xf32>
        %parallel_loop3A_536 = arith.addf %parallel_loop3A_422, %parallel_loop3A_438 : vector<16xf32>
        %parallel_loop3A_537 = arith.addf %parallel_loop3A_454, %parallel_loop3A_470 : vector<16xf32>
        %parallel_loop3A_538 = arith.addf %parallel_loop3A_536, %parallel_loop3A_537 : vector<16xf32>
        %parallel_loop3A_539 = arith.addf %parallel_loop3A_486, %parallel_loop3A_502 : vector<16xf32>
        %parallel_loop3A_540 = arith.addf %parallel_loop3A_518, %parallel_loop3A_534 : vector<16xf32>
        %parallel_loop3A_541 = arith.addf %parallel_loop3A_539, %parallel_loop3A_540 : vector<16xf32>
        %parallel_loop3A_542 = arith.addf %parallel_loop3A_538, %parallel_loop3A_541 : vector<16xf32>
        %parallel_loop3A_543 = arith.addf %parallel_loop3A_423, %parallel_loop3A_439 : vector<16xf32>
        %parallel_loop3A_544 = arith.addf %parallel_loop3A_455, %parallel_loop3A_471 : vector<16xf32>
        %parallel_loop3A_545 = arith.addf %parallel_loop3A_543, %parallel_loop3A_544 : vector<16xf32>
        %parallel_loop3A_546 = arith.addf %parallel_loop3A_487, %parallel_loop3A_503 : vector<16xf32>
        %parallel_loop3A_547 = arith.addf %parallel_loop3A_519, %parallel_loop3A_535 : vector<16xf32>
        %parallel_loop3A_548 = arith.addf %parallel_loop3A_546, %parallel_loop3A_547 : vector<16xf32>
        %parallel_loop3A_549 = arith.addf %parallel_loop3A_545, %parallel_loop3A_548 : vector<16xf32>
        %parallel_loop3A_550 = arith.constant 2 : i32
        %parallel_loop3A_551 = vector.broadcast %parallel_loop3A_550 : i32 to vector<16xi32>
        %parallel_loop3A_552 = arith.addi %parallel_loop3A_171, %parallel_loop3A_551 : vector<16xi32>
        tpu.vector_store_idx %arg13[%parallel_loop3A_165, %parallel_loop3A_552], %parallel_loop3A_542 : memref<64x128xf32, #tpu.memory_space<vmem>>[vector<16xi32>, vector<16xi32>], vector<16xf32>,
        %parallel_loop3A_553 = arith.constant 1 : i32
        %parallel_loop3A_554 = vector.broadcast %parallel_loop3A_553 : i32 to vector<16xi32>
        %parallel_loop3A_555 = arith.addi %parallel_loop3A_552, %parallel_loop3A_554 : vector<16xi32>
        tpu.vector_store_idx %arg13[%parallel_loop3A_165, %parallel_loop3A_555], %parallel_loop3A_549 : memref<64x128xf32, #tpu.memory_space<vmem>>[vector<16xi32>, vector<16xi32>], vector<16xf32>,
        %parallel_loop3A_556 = arith.constant 10.8879547 : f32
        %parallel_loop3A_557 = vector.broadcast %parallel_loop3A_556 : f32 to vector<16xf32>
        %parallel_loop3A_558 = arith.mulf %parallel_loop3A_156, %parallel_loop3A_557 : vector<16xf32>
        %parallel_loop3A_559 = arith.constant 5.000000e-01 : f32
        %parallel_loop3A_560 = vector.broadcast %parallel_loop3A_559 : f32 to vector<16xf32>
        %parallel_loop3A_561 = arith.addf %parallel_loop3A_558, %parallel_loop3A_560 : vector<16xf32>
        %parallel_loop3A_562 = arith.constant 10.8879547 : f32
        %parallel_loop3A_563 = vector.broadcast %parallel_loop3A_562 : f32 to vector<16xf32>
        %parallel_loop3A_564 = arith.mulf %parallel_loop3A_158, %parallel_loop3A_563 : vector<16xf32>
        %parallel_loop3A_565 = arith.constant 5.000000e-01 : f32
        %parallel_loop3A_566 = vector.broadcast %parallel_loop3A_565 : f32 to vector<16xf32>
        %parallel_loop3A_567 = arith.addf %parallel_loop3A_564, %parallel_loop3A_566 : vector<16xf32>
        %parallel_loop3A_568 = arith.constant 10.8879547 : f32
        %parallel_loop3A_569 = vector.broadcast %parallel_loop3A_568 : f32 to vector<16xf32>
        %parallel_loop3A_570 = arith.mulf %parallel_loop3A_160, %parallel_loop3A_569 : vector<16xf32>
        %parallel_loop3A_571 = arith.constant 5.000000e-01 : f32
        %parallel_loop3A_572 = vector.broadcast %parallel_loop3A_571 : f32 to vector<16xf32>
        %parallel_loop3A_573 = arith.addf %parallel_loop3A_570, %parallel_loop3A_572 : vector<16xf32>
        %parallel_loop3A_574 = arith.fptosi %parallel_loop3A_561 : vector<16xf32> to vector<16xi32>
        %parallel_loop3A_575 = arith.fptosi %parallel_loop3A_567 : vector<16xf32> to vector<16xi32>
        %parallel_loop3A_576 = arith.fptosi %parallel_loop3A_573 : vector<16xf32> to vector<16xi32>
        %parallel_loop3A_577 = arith.sitofp %parallel_loop3A_574 : vector<16xi32> to vector<16xf32>
        %parallel_loop3A_578 = arith.subf %parallel_loop3A_561, %parallel_loop3A_577 : vector<16xf32>
        %parallel_loop3A_579 = arith.sitofp %parallel_loop3A_575 : vector<16xi32> to vector<16xf32>
        %parallel_loop3A_580 = arith.subf %parallel_loop3A_567, %parallel_loop3A_579 : vector<16xf32>
        %parallel_loop3A_581 = arith.sitofp %parallel_loop3A_576 : vector<16xi32> to vector<16xf32>
        %parallel_loop3A_582 = arith.subf %parallel_loop3A_573, %parallel_loop3A_581 : vector<16xf32>
        %parallel_loop3A_583 = arith.constant 12 : i32
        %parallel_loop3A_584 = vector.broadcast %parallel_loop3A_583 : i32 to vector<16xi32>
        %parallel_loop3A_585 = arith.muli %parallel_loop3A_575, %parallel_loop3A_584 : vector<16xi32>
        %parallel_loop3A_586 = arith.addi %parallel_loop3A_574, %parallel_loop3A_585 : vector<16xi32>
        %parallel_loop3A_587 = arith.constant 144 : i32
        %parallel_loop3A_588 = vector.broadcast %parallel_loop3A_587 : i32 to vector<16xi32>
        %parallel_loop3A_589 = arith.muli %parallel_loop3A_576, %parallel_loop3A_588 : vector<16xi32>
        %parallel_loop3A_590 = arith.addi %parallel_loop3A_586, %parallel_loop3A_589 : vector<16xi32>
        %parallel_loop3A_591 = arith.constant 1.000000e+00 : f32
        %parallel_loop3A_592 = vector.broadcast %parallel_loop3A_591 : f32 to vector<16xf32>
        %parallel_loop3A_593 = arith.subf %parallel_loop3A_592, %parallel_loop3A_578 : vector<16xf32>
        %parallel_loop3A_594 = arith.constant 1.000000e+00 : f32
        %parallel_loop3A_595 = vector.broadcast %parallel_loop3A_594 : f32 to vector<16xf32>
        %parallel_loop3A_596 = arith.subf %parallel_loop3A_595, %parallel_loop3A_580 : vector<16xf32>
        %parallel_loop3A_597 = arith.constant 1.000000e+00 : f32
        %parallel_loop3A_598 = vector.broadcast %parallel_loop3A_597 : f32 to vector<16xf32>
        %parallel_loop3A_599 = arith.subf %parallel_loop3A_598, %parallel_loop3A_582 : vector<16xf32>
        %parallel_loop3A_600 = arith.constant 2072 : i32
        %parallel_loop3A_601 = vector.broadcast %parallel_loop3A_600 : i32 to vector<16xi32>
        %parallel_loop3A_602 = arith.addi %parallel_loop3A_590, %parallel_loop3A_601 : vector<16xi32>
        %parallel_loop3A_603 = tpu.vector_load_idx %arg15[%parallel_loop3A_602] : memref<85296xi32, #tpu.memory_space<vmem>>[vector<16xi32>], vector<16xi32>,
        %parallel_loop3A_604 = arith.constant 16 : i32
        %parallel_loop3A_605 = vector.broadcast %parallel_loop3A_604 : i32 to vector<16xi32>
        %parallel_loop3A_606 = arith.shli %parallel_loop3A_603, %parallel_loop3A_605 : vector<16xi32>
        %parallel_loop3A_607 = vector.bitcast %parallel_loop3A_606 : vector<16xi32> to vector<16xf32>
        %parallel_loop3A_608 = arith.constant -65536 : i32
        %parallel_loop3A_609 = vector.broadcast %parallel_loop3A_608 : i32 to vector<16xi32>
        %parallel_loop3A_610 = arith.andi %parallel_loop3A_603, %parallel_loop3A_609 : vector<16xi32>
        %parallel_loop3A_611 = vector.bitcast %parallel_loop3A_610 : vector<16xi32> to vector<16xf32>
        %parallel_loop3A_612 = arith.mulf %parallel_loop3A_593, %parallel_loop3A_596 : vector<16xf32>
        %parallel_loop3A_613 = arith.mulf %parallel_loop3A_612, %parallel_loop3A_599 : vector<16xf32>
        %parallel_loop3A_614 = arith.mulf %parallel_loop3A_613, %parallel_loop3A_607 : vector<16xf32>
        %parallel_loop3A_615 = arith.mulf %parallel_loop3A_613, %parallel_loop3A_611 : vector<16xf32>
        %parallel_loop3A_616 = arith.constant 2073 : i32
        %parallel_loop3A_617 = vector.broadcast %parallel_loop3A_616 : i32 to vector<16xi32>
        %parallel_loop3A_618 = arith.addi %parallel_loop3A_590, %parallel_loop3A_617 : vector<16xi32>
        %parallel_loop3A_619 = tpu.vector_load_idx %arg15[%parallel_loop3A_618] : memref<85296xi32, #tpu.memory_space<vmem>>[vector<16xi32>], vector<16xi32>,
        %parallel_loop3A_620 = arith.constant 16 : i32
        %parallel_loop3A_621 = vector.broadcast %parallel_loop3A_620 : i32 to vector<16xi32>
        %parallel_loop3A_622 = arith.shli %parallel_loop3A_619, %parallel_loop3A_621 : vector<16xi32>
        %parallel_loop3A_623 = vector.bitcast %parallel_loop3A_622 : vector<16xi32> to vector<16xf32>
        %parallel_loop3A_624 = arith.constant -65536 : i32
        %parallel_loop3A_625 = vector.broadcast %parallel_loop3A_624 : i32 to vector<16xi32>
        %parallel_loop3A_626 = arith.andi %parallel_loop3A_619, %parallel_loop3A_625 : vector<16xi32>
        %parallel_loop3A_627 = vector.bitcast %parallel_loop3A_626 : vector<16xi32> to vector<16xf32>
        %parallel_loop3A_628 = arith.mulf %parallel_loop3A_578, %parallel_loop3A_596 : vector<16xf32>
        %parallel_loop3A_629 = arith.mulf %parallel_loop3A_628, %parallel_loop3A_599 : vector<16xf32>
        %parallel_loop3A_630 = arith.mulf %parallel_loop3A_629, %parallel_loop3A_623 : vector<16xf32>
        %parallel_loop3A_631 = arith.mulf %parallel_loop3A_629, %parallel_loop3A_627 : vector<16xf32>
        %parallel_loop3A_632 = arith.constant 2084 : i32
        %parallel_loop3A_633 = vector.broadcast %parallel_loop3A_632 : i32 to vector<16xi32>
        %parallel_loop3A_634 = arith.addi %parallel_loop3A_590, %parallel_loop3A_633 : vector<16xi32>
        %parallel_loop3A_635 = tpu.vector_load_idx %arg15[%parallel_loop3A_634] : memref<85296xi32, #tpu.memory_space<vmem>>[vector<16xi32>], vector<16xi32>,
        %parallel_loop3A_636 = arith.constant 16 : i32
        %parallel_loop3A_637 = vector.broadcast %parallel_loop3A_636 : i32 to vector<16xi32>
        %parallel_loop3A_638 = arith.shli %parallel_loop3A_635, %parallel_loop3A_637 : vector<16xi32>
        %parallel_loop3A_639 = vector.bitcast %parallel_loop3A_638 : vector<16xi32> to vector<16xf32>
        %parallel_loop3A_640 = arith.constant -65536 : i32
        %parallel_loop3A_641 = vector.broadcast %parallel_loop3A_640 : i32 to vector<16xi32>
        %parallel_loop3A_642 = arith.andi %parallel_loop3A_635, %parallel_loop3A_641 : vector<16xi32>
        %parallel_loop3A_643 = vector.bitcast %parallel_loop3A_642 : vector<16xi32> to vector<16xf32>
        %parallel_loop3A_644 = arith.mulf %parallel_loop3A_593, %parallel_loop3A_580 : vector<16xf32>
        %parallel_loop3A_645 = arith.mulf %parallel_loop3A_644, %parallel_loop3A_599 : vector<16xf32>
        %parallel_loop3A_646 = arith.mulf %parallel_loop3A_645, %parallel_loop3A_639 : vector<16xf32>
        %parallel_loop3A_647 = arith.mulf %parallel_loop3A_645, %parallel_loop3A_643 : vector<16xf32>
        %parallel_loop3A_648 = arith.constant 2085 : i32
        %parallel_loop3A_649 = vector.broadcast %parallel_loop3A_648 : i32 to vector<16xi32>
        %parallel_loop3A_650 = arith.addi %parallel_loop3A_590, %parallel_loop3A_649 : vector<16xi32>
        %parallel_loop3A_651 = tpu.vector_load_idx %arg15[%parallel_loop3A_650] : memref<85296xi32, #tpu.memory_space<vmem>>[vector<16xi32>], vector<16xi32>,
        %parallel_loop3A_652 = arith.constant 16 : i32
        %parallel_loop3A_653 = vector.broadcast %parallel_loop3A_652 : i32 to vector<16xi32>
        %parallel_loop3A_654 = arith.shli %parallel_loop3A_651, %parallel_loop3A_653 : vector<16xi32>
        %parallel_loop3A_655 = vector.bitcast %parallel_loop3A_654 : vector<16xi32> to vector<16xf32>
        %parallel_loop3A_656 = arith.constant -65536 : i32
        %parallel_loop3A_657 = vector.broadcast %parallel_loop3A_656 : i32 to vector<16xi32>
        %parallel_loop3A_658 = arith.andi %parallel_loop3A_651, %parallel_loop3A_657 : vector<16xi32>
        %parallel_loop3A_659 = vector.bitcast %parallel_loop3A_658 : vector<16xi32> to vector<16xf32>
        %parallel_loop3A_660 = arith.mulf %parallel_loop3A_578, %parallel_loop3A_580 : vector<16xf32>
        %parallel_loop3A_661 = arith.mulf %parallel_loop3A_660, %parallel_loop3A_599 : vector<16xf32>
        %parallel_loop3A_662 = arith.mulf %parallel_loop3A_661, %parallel_loop3A_655 : vector<16xf32>
        %parallel_loop3A_663 = arith.mulf %parallel_loop3A_661, %parallel_loop3A_659 : vector<16xf32>
        %parallel_loop3A_664 = arith.constant 2216 : i32
        %parallel_loop3A_665 = vector.broadcast %parallel_loop3A_664 : i32 to vector<16xi32>
        %parallel_loop3A_666 = arith.addi %parallel_loop3A_590, %parallel_loop3A_665 : vector<16xi32>
        %parallel_loop3A_667 = tpu.vector_load_idx %arg15[%parallel_loop3A_666] : memref<85296xi32, #tpu.memory_space<vmem>>[vector<16xi32>], vector<16xi32>,
        %parallel_loop3A_668 = arith.constant 16 : i32
        %parallel_loop3A_669 = vector.broadcast %parallel_loop3A_668 : i32 to vector<16xi32>
        %parallel_loop3A_670 = arith.shli %parallel_loop3A_667, %parallel_loop3A_669 : vector<16xi32>
        %parallel_loop3A_671 = vector.bitcast %parallel_loop3A_670 : vector<16xi32> to vector<16xf32>
        %parallel_loop3A_672 = arith.constant -65536 : i32
        %parallel_loop3A_673 = vector.broadcast %parallel_loop3A_672 : i32 to vector<16xi32>
        %parallel_loop3A_674 = arith.andi %parallel_loop3A_667, %parallel_loop3A_673 : vector<16xi32>
        %parallel_loop3A_675 = vector.bitcast %parallel_loop3A_674 : vector<16xi32> to vector<16xf32>
        %parallel_loop3A_676 = arith.mulf %parallel_loop3A_593, %parallel_loop3A_596 : vector<16xf32>
        %parallel_loop3A_677 = arith.mulf %parallel_loop3A_676, %parallel_loop3A_582 : vector<16xf32>
        %parallel_loop3A_678 = arith.mulf %parallel_loop3A_677, %parallel_loop3A_671 : vector<16xf32>
        %parallel_loop3A_679 = arith.mulf %parallel_loop3A_677, %parallel_loop3A_675 : vector<16xf32>
        %parallel_loop3A_680 = arith.constant 2217 : i32
        %parallel_loop3A_681 = vector.broadcast %parallel_loop3A_680 : i32 to vector<16xi32>
        %parallel_loop3A_682 = arith.addi %parallel_loop3A_590, %parallel_loop3A_681 : vector<16xi32>
        %parallel_loop3A_683 = tpu.vector_load_idx %arg15[%parallel_loop3A_682] : memref<85296xi32, #tpu.memory_space<vmem>>[vector<16xi32>], vector<16xi32>,
        %parallel_loop3A_684 = arith.constant 16 : i32
        %parallel_loop3A_685 = vector.broadcast %parallel_loop3A_684 : i32 to vector<16xi32>
        %parallel_loop3A_686 = arith.shli %parallel_loop3A_683, %parallel_loop3A_685 : vector<16xi32>
        %parallel_loop3A_687 = vector.bitcast %parallel_loop3A_686 : vector<16xi32> to vector<16xf32>
        %parallel_loop3A_688 = arith.constant -65536 : i32
        %parallel_loop3A_689 = vector.broadcast %parallel_loop3A_688 : i32 to vector<16xi32>
        %parallel_loop3A_690 = arith.andi %parallel_loop3A_683, %parallel_loop3A_689 : vector<16xi32>
        %parallel_loop3A_691 = vector.bitcast %parallel_loop3A_690 : vector<16xi32> to vector<16xf32>
        %parallel_loop3A_692 = arith.mulf %parallel_loop3A_578, %parallel_loop3A_596 : vector<16xf32>
        %parallel_loop3A_693 = arith.mulf %parallel_loop3A_692, %parallel_loop3A_582 : vector<16xf32>
        %parallel_loop3A_694 = arith.mulf %parallel_loop3A_693, %parallel_loop3A_687 : vector<16xf32>
        %parallel_loop3A_695 = arith.mulf %parallel_loop3A_693, %parallel_loop3A_691 : vector<16xf32>
        %parallel_loop3A_696 = arith.constant 2228 : i32
        %parallel_loop3A_697 = vector.broadcast %parallel_loop3A_696 : i32 to vector<16xi32>
        %parallel_loop3A_698 = arith.addi %parallel_loop3A_590, %parallel_loop3A_697 : vector<16xi32>
        %parallel_loop3A_699 = tpu.vector_load_idx %arg15[%parallel_loop3A_698] : memref<85296xi32, #tpu.memory_space<vmem>>[vector<16xi32>], vector<16xi32>,
        %parallel_loop3A_700 = arith.constant 16 : i32
        %parallel_loop3A_701 = vector.broadcast %parallel_loop3A_700 : i32 to vector<16xi32>
        %parallel_loop3A_702 = arith.shli %parallel_loop3A_699, %parallel_loop3A_701 : vector<16xi32>
        %parallel_loop3A_703 = vector.bitcast %parallel_loop3A_702 : vector<16xi32> to vector<16xf32>
        %parallel_loop3A_704 = arith.constant -65536 : i32
        %parallel_loop3A_705 = vector.broadcast %parallel_loop3A_704 : i32 to vector<16xi32>
        %parallel_loop3A_706 = arith.andi %parallel_loop3A_699, %parallel_loop3A_705 : vector<16xi32>
        %parallel_loop3A_707 = vector.bitcast %parallel_loop3A_706 : vector<16xi32> to vector<16xf32>
        %parallel_loop3A_708 = arith.mulf %parallel_loop3A_593, %parallel_loop3A_580 : vector<16xf32>
        %parallel_loop3A_709 = arith.mulf %parallel_loop3A_708, %parallel_loop3A_582 : vector<16xf32>
        %parallel_loop3A_710 = arith.mulf %parallel_loop3A_709, %parallel_loop3A_703 : vector<16xf32>
        %parallel_loop3A_711 = arith.mulf %parallel_loop3A_709, %parallel_loop3A_707 : vector<16xf32>
        %parallel_loop3A_712 = arith.constant 2229 : i32
        %parallel_loop3A_713 = vector.broadcast %parallel_loop3A_712 : i32 to vector<16xi32>
        %parallel_loop3A_714 = arith.addi %parallel_loop3A_590, %parallel_loop3A_713 : vector<16xi32>
        %parallel_loop3A_715 = tpu.vector_load_idx %arg15[%parallel_loop3A_714] : memref<85296xi32, #tpu.memory_space<vmem>>[vector<16xi32>], vector<16xi32>,
        %parallel_loop3A_716 = arith.constant 16 : i32
        %parallel_loop3A_717 = vector.broadcast %parallel_loop3A_716 : i32 to vector<16xi32>
        %parallel_loop3A_718 = arith.shli %parallel_loop3A_715, %parallel_loop3A_717 : vector<16xi32>
        %parallel_loop3A_719 = vector.bitcast %parallel_loop3A_718 : vector<16xi32> to vector<16xf32>
        %parallel_loop3A_720 = arith.constant -65536 : i32
        %parallel_loop3A_721 = vector.broadcast %parallel_loop3A_720 : i32 to vector<16xi32>
        %parallel_loop3A_722 = arith.andi %parallel_loop3A_715, %parallel_loop3A_721 : vector<16xi32>
        %parallel_loop3A_723 = vector.bitcast %parallel_loop3A_722 : vector<16xi32> to vector<16xf32>
        %parallel_loop3A_724 = arith.mulf %parallel_loop3A_578, %parallel_loop3A_580 : vector<16xf32>
        %parallel_loop3A_725 = arith.mulf %parallel_loop3A_724, %parallel_loop3A_582 : vector<16xf32>
        %parallel_loop3A_726 = arith.mulf %parallel_loop3A_725, %parallel_loop3A_719 : vector<16xf32>
        %parallel_loop3A_727 = arith.mulf %parallel_loop3A_725, %parallel_loop3A_723 : vector<16xf32>
        %parallel_loop3A_728 = arith.addf %parallel_loop3A_614, %parallel_loop3A_630 : vector<16xf32>
        %parallel_loop3A_729 = arith.addf %parallel_loop3A_646, %parallel_loop3A_662 : vector<16xf32>
        %parallel_loop3A_730 = arith.addf %parallel_loop3A_728, %parallel_loop3A_729 : vector<16xf32>
        %parallel_loop3A_731 = arith.addf %parallel_loop3A_678, %parallel_loop3A_694 : vector<16xf32>
        %parallel_loop3A_732 = arith.addf %parallel_loop3A_710, %parallel_loop3A_726 : vector<16xf32>
        %parallel_loop3A_733 = arith.addf %parallel_loop3A_731, %parallel_loop3A_732 : vector<16xf32>
        %parallel_loop3A_734 = arith.addf %parallel_loop3A_730, %parallel_loop3A_733 : vector<16xf32>
        %parallel_loop3A_735 = arith.addf %parallel_loop3A_615, %parallel_loop3A_631 : vector<16xf32>
        %parallel_loop3A_736 = arith.addf %parallel_loop3A_647, %parallel_loop3A_663 : vector<16xf32>
        %parallel_loop3A_737 = arith.addf %parallel_loop3A_735, %parallel_loop3A_736 : vector<16xf32>
        %parallel_loop3A_738 = arith.addf %parallel_loop3A_679, %parallel_loop3A_695 : vector<16xf32>
        %parallel_loop3A_739 = arith.addf %parallel_loop3A_711, %parallel_loop3A_727 : vector<16xf32>
        %parallel_loop3A_740 = arith.addf %parallel_loop3A_738, %parallel_loop3A_739 : vector<16xf32>
        %parallel_loop3A_741 = arith.addf %parallel_loop3A_737, %parallel_loop3A_740 : vector<16xf32>
        %parallel_loop3A_742 = arith.constant 4 : i32
        %parallel_loop3A_743 = vector.broadcast %parallel_loop3A_742 : i32 to vector<16xi32>
        %parallel_loop3A_744 = arith.addi %parallel_loop3A_171, %parallel_loop3A_743 : vector<16xi32>
        tpu.vector_store_idx %arg13[%parallel_loop3A_165, %parallel_loop3A_744], %parallel_loop3A_734 : memref<64x128xf32, #tpu.memory_space<vmem>>[vector<16xi32>, vector<16xi32>], vector<16xf32>,
        %parallel_loop3A_745 = arith.constant 1 : i32
        %parallel_loop3A_746 = vector.broadcast %parallel_loop3A_745 : i32 to vector<16xi32>
        %parallel_loop3A_747 = arith.addi %parallel_loop3A_744, %parallel_loop3A_746 : vector<16xi32>
        tpu.vector_store_idx %arg13[%parallel_loop3A_165, %parallel_loop3A_747], %parallel_loop3A_741 : memref<64x128xf32, #tpu.memory_space<vmem>>[vector<16xi32>, vector<16xi32>], vector<16xf32>,
        %parallel_loop3A_748 = arith.constant 13.4915791 : f32
        %parallel_loop3A_749 = vector.broadcast %parallel_loop3A_748 : f32 to vector<16xf32>
        %parallel_loop3A_750 = arith.mulf %parallel_loop3A_156, %parallel_loop3A_749 : vector<16xf32>
        %parallel_loop3A_751 = arith.constant 5.000000e-01 : f32
        %parallel_loop3A_752 = vector.broadcast %parallel_loop3A_751 : f32 to vector<16xf32>
        %parallel_loop3A_753 = arith.addf %parallel_loop3A_750, %parallel_loop3A_752 : vector<16xf32>
        %parallel_loop3A_754 = arith.constant 13.4915791 : f32
        %parallel_loop3A_755 = vector.broadcast %parallel_loop3A_754 : f32 to vector<16xf32>
        %parallel_loop3A_756 = arith.mulf %parallel_loop3A_158, %parallel_loop3A_755 : vector<16xf32>
        %parallel_loop3A_757 = arith.constant 5.000000e-01 : f32
        %parallel_loop3A_758 = vector.broadcast %parallel_loop3A_757 : f32 to vector<16xf32>
        %parallel_loop3A_759 = arith.addf %parallel_loop3A_756, %parallel_loop3A_758 : vector<16xf32>
        %parallel_loop3A_760 = arith.constant 13.4915791 : f32
        %parallel_loop3A_761 = vector.broadcast %parallel_loop3A_760 : f32 to vector<16xf32>
        %parallel_loop3A_762 = arith.mulf %parallel_loop3A_160, %parallel_loop3A_761 : vector<16xf32>
        %parallel_loop3A_763 = arith.constant 5.000000e-01 : f32
        %parallel_loop3A_764 = vector.broadcast %parallel_loop3A_763 : f32 to vector<16xf32>
        %parallel_loop3A_765 = arith.addf %parallel_loop3A_762, %parallel_loop3A_764 : vector<16xf32>
        %parallel_loop3A_766 = arith.fptosi %parallel_loop3A_753 : vector<16xf32> to vector<16xi32>
        %parallel_loop3A_767 = arith.fptosi %parallel_loop3A_759 : vector<16xf32> to vector<16xi32>
        %parallel_loop3A_768 = arith.fptosi %parallel_loop3A_765 : vector<16xf32> to vector<16xi32>
        %parallel_loop3A_769 = arith.sitofp %parallel_loop3A_766 : vector<16xi32> to vector<16xf32>
        %parallel_loop3A_770 = arith.subf %parallel_loop3A_753, %parallel_loop3A_769 : vector<16xf32>
        %parallel_loop3A_771 = arith.sitofp %parallel_loop3A_767 : vector<16xi32> to vector<16xf32>
        %parallel_loop3A_772 = arith.subf %parallel_loop3A_759, %parallel_loop3A_771 : vector<16xf32>
        %parallel_loop3A_773 = arith.sitofp %parallel_loop3A_768 : vector<16xi32> to vector<16xf32>
        %parallel_loop3A_774 = arith.subf %parallel_loop3A_765, %parallel_loop3A_773 : vector<16xf32>
        %parallel_loop3A_775 = arith.constant 15 : i32
        %parallel_loop3A_776 = vector.broadcast %parallel_loop3A_775 : i32 to vector<16xi32>
        %parallel_loop3A_777 = arith.muli %parallel_loop3A_767, %parallel_loop3A_776 : vector<16xi32>
        %parallel_loop3A_778 = arith.addi %parallel_loop3A_766, %parallel_loop3A_777 : vector<16xi32>
        %parallel_loop3A_779 = arith.constant 225 : i32
        %parallel_loop3A_780 = vector.broadcast %parallel_loop3A_779 : i32 to vector<16xi32>
        %parallel_loop3A_781 = arith.muli %parallel_loop3A_768, %parallel_loop3A_780 : vector<16xi32>
        %parallel_loop3A_782 = arith.addi %parallel_loop3A_778, %parallel_loop3A_781 : vector<16xi32>
        %parallel_loop3A_783 = arith.constant 1.000000e+00 : f32
        %parallel_loop3A_784 = vector.broadcast %parallel_loop3A_783 : f32 to vector<16xf32>
        %parallel_loop3A_785 = arith.subf %parallel_loop3A_784, %parallel_loop3A_770 : vector<16xf32>
        %parallel_loop3A_786 = arith.constant 1.000000e+00 : f32
        %parallel_loop3A_787 = vector.broadcast %parallel_loop3A_786 : f32 to vector<16xf32>
        %parallel_loop3A_788 = arith.subf %parallel_loop3A_787, %parallel_loop3A_772 : vector<16xf32>
        %parallel_loop3A_789 = arith.constant 1.000000e+00 : f32
        %parallel_loop3A_790 = vector.broadcast %parallel_loop3A_789 : f32 to vector<16xf32>
        %parallel_loop3A_791 = arith.subf %parallel_loop3A_790, %parallel_loop3A_774 : vector<16xf32>
        %parallel_loop3A_792 = arith.constant 4272 : i32
        %parallel_loop3A_793 = vector.broadcast %parallel_loop3A_792 : i32 to vector<16xi32>
        %parallel_loop3A_794 = arith.addi %parallel_loop3A_782, %parallel_loop3A_793 : vector<16xi32>
        %parallel_loop3A_795 = tpu.vector_load_idx %arg15[%parallel_loop3A_794] : memref<85296xi32, #tpu.memory_space<vmem>>[vector<16xi32>], vector<16xi32>,
        %parallel_loop3A_796 = arith.constant 16 : i32
        %parallel_loop3A_797 = vector.broadcast %parallel_loop3A_796 : i32 to vector<16xi32>
        %parallel_loop3A_798 = arith.shli %parallel_loop3A_795, %parallel_loop3A_797 : vector<16xi32>
        %parallel_loop3A_799 = vector.bitcast %parallel_loop3A_798 : vector<16xi32> to vector<16xf32>
        %parallel_loop3A_800 = arith.constant -65536 : i32
        %parallel_loop3A_801 = vector.broadcast %parallel_loop3A_800 : i32 to vector<16xi32>
        %parallel_loop3A_802 = arith.andi %parallel_loop3A_795, %parallel_loop3A_801 : vector<16xi32>
        %parallel_loop3A_803 = vector.bitcast %parallel_loop3A_802 : vector<16xi32> to vector<16xf32>
        %parallel_loop3A_804 = arith.mulf %parallel_loop3A_785, %parallel_loop3A_788 : vector<16xf32>
        %parallel_loop3A_805 = arith.mulf %parallel_loop3A_804, %parallel_loop3A_791 : vector<16xf32>
        %parallel_loop3A_806 = arith.mulf %parallel_loop3A_805, %parallel_loop3A_799 : vector<16xf32>
        %parallel_loop3A_807 = arith.mulf %parallel_loop3A_805, %parallel_loop3A_803 : vector<16xf32>
        %parallel_loop3A_808 = arith.constant 4273 : i32
        %parallel_loop3A_809 = vector.broadcast %parallel_loop3A_808 : i32 to vector<16xi32>
        %parallel_loop3A_810 = arith.addi %parallel_loop3A_782, %parallel_loop3A_809 : vector<16xi32>
        %parallel_loop3A_811 = tpu.vector_load_idx %arg15[%parallel_loop3A_810] : memref<85296xi32, #tpu.memory_space<vmem>>[vector<16xi32>], vector<16xi32>,
        %parallel_loop3A_812 = arith.constant 16 : i32
        %parallel_loop3A_813 = vector.broadcast %parallel_loop3A_812 : i32 to vector<16xi32>
        %parallel_loop3A_814 = arith.shli %parallel_loop3A_811, %parallel_loop3A_813 : vector<16xi32>
        %parallel_loop3A_815 = vector.bitcast %parallel_loop3A_814 : vector<16xi32> to vector<16xf32>
        %parallel_loop3A_816 = arith.constant -65536 : i32
        %parallel_loop3A_817 = vector.broadcast %parallel_loop3A_816 : i32 to vector<16xi32>
        %parallel_loop3A_818 = arith.andi %parallel_loop3A_811, %parallel_loop3A_817 : vector<16xi32>
        %parallel_loop3A_819 = vector.bitcast %parallel_loop3A_818 : vector<16xi32> to vector<16xf32>
        %parallel_loop3A_820 = arith.mulf %parallel_loop3A_770, %parallel_loop3A_788 : vector<16xf32>
        %parallel_loop3A_821 = arith.mulf %parallel_loop3A_820, %parallel_loop3A_791 : vector<16xf32>
        %parallel_loop3A_822 = arith.mulf %parallel_loop3A_821, %parallel_loop3A_815 : vector<16xf32>
        %parallel_loop3A_823 = arith.mulf %parallel_loop3A_821, %parallel_loop3A_819 : vector<16xf32>
        %parallel_loop3A_824 = arith.constant 4287 : i32
        %parallel_loop3A_825 = vector.broadcast %parallel_loop3A_824 : i32 to vector<16xi32>
        %parallel_loop3A_826 = arith.addi %parallel_loop3A_782, %parallel_loop3A_825 : vector<16xi32>
        %parallel_loop3A_827 = tpu.vector_load_idx %arg15[%parallel_loop3A_826] : memref<85296xi32, #tpu.memory_space<vmem>>[vector<16xi32>], vector<16xi32>,
        %parallel_loop3A_828 = arith.constant 16 : i32
        %parallel_loop3A_829 = vector.broadcast %parallel_loop3A_828 : i32 to vector<16xi32>
        %parallel_loop3A_830 = arith.shli %parallel_loop3A_827, %parallel_loop3A_829 : vector<16xi32>
        %parallel_loop3A_831 = vector.bitcast %parallel_loop3A_830 : vector<16xi32> to vector<16xf32>
        %parallel_loop3A_832 = arith.constant -65536 : i32
        %parallel_loop3A_833 = vector.broadcast %parallel_loop3A_832 : i32 to vector<16xi32>
        %parallel_loop3A_834 = arith.andi %parallel_loop3A_827, %parallel_loop3A_833 : vector<16xi32>
        %parallel_loop3A_835 = vector.bitcast %parallel_loop3A_834 : vector<16xi32> to vector<16xf32>
        %parallel_loop3A_836 = arith.mulf %parallel_loop3A_785, %parallel_loop3A_772 : vector<16xf32>
        %parallel_loop3A_837 = arith.mulf %parallel_loop3A_836, %parallel_loop3A_791 : vector<16xf32>
        %parallel_loop3A_838 = arith.mulf %parallel_loop3A_837, %parallel_loop3A_831 : vector<16xf32>
        %parallel_loop3A_839 = arith.mulf %parallel_loop3A_837, %parallel_loop3A_835 : vector<16xf32>
        %parallel_loop3A_840 = arith.constant 4288 : i32
        %parallel_loop3A_841 = vector.broadcast %parallel_loop3A_840 : i32 to vector<16xi32>
        %parallel_loop3A_842 = arith.addi %parallel_loop3A_782, %parallel_loop3A_841 : vector<16xi32>
        %parallel_loop3A_843 = tpu.vector_load_idx %arg15[%parallel_loop3A_842] : memref<85296xi32, #tpu.memory_space<vmem>>[vector<16xi32>], vector<16xi32>,
        %parallel_loop3A_844 = arith.constant 16 : i32
        %parallel_loop3A_845 = vector.broadcast %parallel_loop3A_844 : i32 to vector<16xi32>
        %parallel_loop3A_846 = arith.shli %parallel_loop3A_843, %parallel_loop3A_845 : vector<16xi32>
        %parallel_loop3A_847 = vector.bitcast %parallel_loop3A_846 : vector<16xi32> to vector<16xf32>
        %parallel_loop3A_848 = arith.constant -65536 : i32
        %parallel_loop3A_849 = vector.broadcast %parallel_loop3A_848 : i32 to vector<16xi32>
        %parallel_loop3A_850 = arith.andi %parallel_loop3A_843, %parallel_loop3A_849 : vector<16xi32>
        %parallel_loop3A_851 = vector.bitcast %parallel_loop3A_850 : vector<16xi32> to vector<16xf32>
        %parallel_loop3A_852 = arith.mulf %parallel_loop3A_770, %parallel_loop3A_772 : vector<16xf32>
        %parallel_loop3A_853 = arith.mulf %parallel_loop3A_852, %parallel_loop3A_791 : vector<16xf32>
        %parallel_loop3A_854 = arith.mulf %parallel_loop3A_853, %parallel_loop3A_847 : vector<16xf32>
        %parallel_loop3A_855 = arith.mulf %parallel_loop3A_853, %parallel_loop3A_851 : vector<16xf32>
        %parallel_loop3A_856 = arith.constant 4497 : i32
        %parallel_loop3A_857 = vector.broadcast %parallel_loop3A_856 : i32 to vector<16xi32>
        %parallel_loop3A_858 = arith.addi %parallel_loop3A_782, %parallel_loop3A_857 : vector<16xi32>
        %parallel_loop3A_859 = tpu.vector_load_idx %arg15[%parallel_loop3A_858] : memref<85296xi32, #tpu.memory_space<vmem>>[vector<16xi32>], vector<16xi32>,
        %parallel_loop3A_860 = arith.constant 16 : i32
        %parallel_loop3A_861 = vector.broadcast %parallel_loop3A_860 : i32 to vector<16xi32>
        %parallel_loop3A_862 = arith.shli %parallel_loop3A_859, %parallel_loop3A_861 : vector<16xi32>
        %parallel_loop3A_863 = vector.bitcast %parallel_loop3A_862 : vector<16xi32> to vector<16xf32>
        %parallel_loop3A_864 = arith.constant -65536 : i32
        %parallel_loop3A_865 = vector.broadcast %parallel_loop3A_864 : i32 to vector<16xi32>
        %parallel_loop3A_866 = arith.andi %parallel_loop3A_859, %parallel_loop3A_865 : vector<16xi32>
        %parallel_loop3A_867 = vector.bitcast %parallel_loop3A_866 : vector<16xi32> to vector<16xf32>
        %parallel_loop3A_868 = arith.mulf %parallel_loop3A_785, %parallel_loop3A_788 : vector<16xf32>
        %parallel_loop3A_869 = arith.mulf %parallel_loop3A_868, %parallel_loop3A_774 : vector<16xf32>
        %parallel_loop3A_870 = arith.mulf %parallel_loop3A_869, %parallel_loop3A_863 : vector<16xf32>
        %parallel_loop3A_871 = arith.mulf %parallel_loop3A_869, %parallel_loop3A_867 : vector<16xf32>
        %parallel_loop3A_872 = arith.constant 4498 : i32
        %parallel_loop3A_873 = vector.broadcast %parallel_loop3A_872 : i32 to vector<16xi32>
        %parallel_loop3A_874 = arith.addi %parallel_loop3A_782, %parallel_loop3A_873 : vector<16xi32>
        %parallel_loop3A_875 = tpu.vector_load_idx %arg15[%parallel_loop3A_874] : memref<85296xi32, #tpu.memory_space<vmem>>[vector<16xi32>], vector<16xi32>,
        %parallel_loop3A_876 = arith.constant 16 : i32
        %parallel_loop3A_877 = vector.broadcast %parallel_loop3A_876 : i32 to vector<16xi32>
        %parallel_loop3A_878 = arith.shli %parallel_loop3A_875, %parallel_loop3A_877 : vector<16xi32>
        %parallel_loop3A_879 = vector.bitcast %parallel_loop3A_878 : vector<16xi32> to vector<16xf32>
        %parallel_loop3A_880 = arith.constant -65536 : i32
        %parallel_loop3A_881 = vector.broadcast %parallel_loop3A_880 : i32 to vector<16xi32>
        %parallel_loop3A_882 = arith.andi %parallel_loop3A_875, %parallel_loop3A_881 : vector<16xi32>
        %parallel_loop3A_883 = vector.bitcast %parallel_loop3A_882 : vector<16xi32> to vector<16xf32>
        %parallel_loop3A_884 = arith.mulf %parallel_loop3A_770, %parallel_loop3A_788 : vector<16xf32>
        %parallel_loop3A_885 = arith.mulf %parallel_loop3A_884, %parallel_loop3A_774 : vector<16xf32>
        %parallel_loop3A_886 = arith.mulf %parallel_loop3A_885, %parallel_loop3A_879 : vector<16xf32>
        %parallel_loop3A_887 = arith.mulf %parallel_loop3A_885, %parallel_loop3A_883 : vector<16xf32>
        %parallel_loop3A_888 = arith.constant 4512 : i32
        %parallel_loop3A_889 = vector.broadcast %parallel_loop3A_888 : i32 to vector<16xi32>
        %parallel_loop3A_890 = arith.addi %parallel_loop3A_782, %parallel_loop3A_889 : vector<16xi32>
        %parallel_loop3A_891 = tpu.vector_load_idx %arg15[%parallel_loop3A_890] : memref<85296xi32, #tpu.memory_space<vmem>>[vector<16xi32>], vector<16xi32>,
        %parallel_loop3A_892 = arith.constant 16 : i32
        %parallel_loop3A_893 = vector.broadcast %parallel_loop3A_892 : i32 to vector<16xi32>
        %parallel_loop3A_894 = arith.shli %parallel_loop3A_891, %parallel_loop3A_893 : vector<16xi32>
        %parallel_loop3A_895 = vector.bitcast %parallel_loop3A_894 : vector<16xi32> to vector<16xf32>
        %parallel_loop3A_896 = arith.constant -65536 : i32
        %parallel_loop3A_897 = vector.broadcast %parallel_loop3A_896 : i32 to vector<16xi32>
        %parallel_loop3A_898 = arith.andi %parallel_loop3A_891, %parallel_loop3A_897 : vector<16xi32>
        %parallel_loop3A_899 = vector.bitcast %parallel_loop3A_898 : vector<16xi32> to vector<16xf32>
        %parallel_loop3A_900 = arith.mulf %parallel_loop3A_785, %parallel_loop3A_772 : vector<16xf32>
        %parallel_loop3A_901 = arith.mulf %parallel_loop3A_900, %parallel_loop3A_774 : vector<16xf32>
        %parallel_loop3A_902 = arith.mulf %parallel_loop3A_901, %parallel_loop3A_895 : vector<16xf32>
        %parallel_loop3A_903 = arith.mulf %parallel_loop3A_901, %parallel_loop3A_899 : vector<16xf32>
        %parallel_loop3A_904 = arith.constant 4513 : i32
        %parallel_loop3A_905 = vector.broadcast %parallel_loop3A_904 : i32 to vector<16xi32>
        %parallel_loop3A_906 = arith.addi %parallel_loop3A_782, %parallel_loop3A_905 : vector<16xi32>
        %parallel_loop3A_907 = tpu.vector_load_idx %arg15[%parallel_loop3A_906] : memref<85296xi32, #tpu.memory_space<vmem>>[vector<16xi32>], vector<16xi32>,
        %parallel_loop3A_908 = arith.constant 16 : i32
        %parallel_loop3A_909 = vector.broadcast %parallel_loop3A_908 : i32 to vector<16xi32>
        %parallel_loop3A_910 = arith.shli %parallel_loop3A_907, %parallel_loop3A_909 : vector<16xi32>
        %parallel_loop3A_911 = vector.bitcast %parallel_loop3A_910 : vector<16xi32> to vector<16xf32>
        %parallel_loop3A_912 = arith.constant -65536 : i32
        %parallel_loop3A_913 = vector.broadcast %parallel_loop3A_912 : i32 to vector<16xi32>
        %parallel_loop3A_914 = arith.andi %parallel_loop3A_907, %parallel_loop3A_913 : vector<16xi32>
        %parallel_loop3A_915 = vector.bitcast %parallel_loop3A_914 : vector<16xi32> to vector<16xf32>
        %parallel_loop3A_916 = arith.mulf %parallel_loop3A_770, %parallel_loop3A_772 : vector<16xf32>
        %parallel_loop3A_917 = arith.mulf %parallel_loop3A_916, %parallel_loop3A_774 : vector<16xf32>
        %parallel_loop3A_918 = arith.mulf %parallel_loop3A_917, %parallel_loop3A_911 : vector<16xf32>
        %parallel_loop3A_919 = arith.mulf %parallel_loop3A_917, %parallel_loop3A_915 : vector<16xf32>
        %parallel_loop3A_920 = arith.addf %parallel_loop3A_806, %parallel_loop3A_822 : vector<16xf32>
        %parallel_loop3A_921 = arith.addf %parallel_loop3A_838, %parallel_loop3A_854 : vector<16xf32>
        %parallel_loop3A_922 = arith.addf %parallel_loop3A_920, %parallel_loop3A_921 : vector<16xf32>
        %parallel_loop3A_923 = arith.addf %parallel_loop3A_870, %parallel_loop3A_886 : vector<16xf32>
        %parallel_loop3A_924 = arith.addf %parallel_loop3A_902, %parallel_loop3A_918 : vector<16xf32>
        %parallel_loop3A_925 = arith.addf %parallel_loop3A_923, %parallel_loop3A_924 : vector<16xf32>
        %parallel_loop3A_926 = arith.addf %parallel_loop3A_922, %parallel_loop3A_925 : vector<16xf32>
        %parallel_loop3A_927 = arith.addf %parallel_loop3A_807, %parallel_loop3A_823 : vector<16xf32>
        %parallel_loop3A_928 = arith.addf %parallel_loop3A_839, %parallel_loop3A_855 : vector<16xf32>
        %parallel_loop3A_929 = arith.addf %parallel_loop3A_927, %parallel_loop3A_928 : vector<16xf32>
        %parallel_loop3A_930 = arith.addf %parallel_loop3A_871, %parallel_loop3A_887 : vector<16xf32>
        %parallel_loop3A_931 = arith.addf %parallel_loop3A_903, %parallel_loop3A_919 : vector<16xf32>
        %parallel_loop3A_932 = arith.addf %parallel_loop3A_930, %parallel_loop3A_931 : vector<16xf32>
        %parallel_loop3A_933 = arith.addf %parallel_loop3A_929, %parallel_loop3A_932 : vector<16xf32>
        %parallel_loop3A_934 = arith.constant 6 : i32
        %parallel_loop3A_935 = vector.broadcast %parallel_loop3A_934 : i32 to vector<16xi32>
        %parallel_loop3A_936 = arith.addi %parallel_loop3A_171, %parallel_loop3A_935 : vector<16xi32>
        tpu.vector_store_idx %arg13[%parallel_loop3A_165, %parallel_loop3A_936], %parallel_loop3A_926 : memref<64x128xf32, #tpu.memory_space<vmem>>[vector<16xi32>, vector<16xi32>], vector<16xf32>,
        %parallel_loop3A_937 = arith.constant 1 : i32
        %parallel_loop3A_938 = vector.broadcast %parallel_loop3A_937 : i32 to vector<16xi32>
        %parallel_loop3A_939 = arith.addi %parallel_loop3A_936, %parallel_loop3A_938 : vector<16xi32>
        tpu.vector_store_idx %arg13[%parallel_loop3A_165, %parallel_loop3A_939], %parallel_loop3A_933 : memref<64x128xf32, #tpu.memory_space<vmem>>[vector<16xi32>, vector<16xi32>], vector<16xf32>,
        %parallel_loop3A_940 = arith.constant 16.665432 : f32
        %parallel_loop3A_941 = vector.broadcast %parallel_loop3A_940 : f32 to vector<16xf32>
        %parallel_loop3A_942 = arith.mulf %parallel_loop3A_156, %parallel_loop3A_941 : vector<16xf32>
        %parallel_loop3A_943 = arith.constant 5.000000e-01 : f32
        %parallel_loop3A_944 = vector.broadcast %parallel_loop3A_943 : f32 to vector<16xf32>
        %parallel_loop3A_945 = arith.addf %parallel_loop3A_942, %parallel_loop3A_944 : vector<16xf32>
        %parallel_loop3A_946 = arith.constant 16.665432 : f32
        %parallel_loop3A_947 = vector.broadcast %parallel_loop3A_946 : f32 to vector<16xf32>
        %parallel_loop3A_948 = arith.mulf %parallel_loop3A_158, %parallel_loop3A_947 : vector<16xf32>
        %parallel_loop3A_949 = arith.constant 5.000000e-01 : f32
        %parallel_loop3A_950 = vector.broadcast %parallel_loop3A_949 : f32 to vector<16xf32>
        %parallel_loop3A_951 = arith.addf %parallel_loop3A_948, %parallel_loop3A_950 : vector<16xf32>
        %parallel_loop3A_952 = arith.constant 16.665432 : f32
        %parallel_loop3A_953 = vector.broadcast %parallel_loop3A_952 : f32 to vector<16xf32>
        %parallel_loop3A_954 = arith.mulf %parallel_loop3A_160, %parallel_loop3A_953 : vector<16xf32>
        %parallel_loop3A_955 = arith.constant 5.000000e-01 : f32
        %parallel_loop3A_956 = vector.broadcast %parallel_loop3A_955 : f32 to vector<16xf32>
        %parallel_loop3A_957 = arith.addf %parallel_loop3A_954, %parallel_loop3A_956 : vector<16xf32>
        %parallel_loop3A_958 = arith.fptosi %parallel_loop3A_945 : vector<16xf32> to vector<16xi32>
        %parallel_loop3A_959 = arith.fptosi %parallel_loop3A_951 : vector<16xf32> to vector<16xi32>
        %parallel_loop3A_960 = arith.fptosi %parallel_loop3A_957 : vector<16xf32> to vector<16xi32>
        %parallel_loop3A_961 = arith.sitofp %parallel_loop3A_958 : vector<16xi32> to vector<16xf32>
        %parallel_loop3A_962 = arith.subf %parallel_loop3A_945, %parallel_loop3A_961 : vector<16xf32>
        %parallel_loop3A_963 = arith.sitofp %parallel_loop3A_959 : vector<16xi32> to vector<16xf32>
        %parallel_loop3A_964 = arith.subf %parallel_loop3A_951, %parallel_loop3A_963 : vector<16xf32>
        %parallel_loop3A_965 = arith.sitofp %parallel_loop3A_960 : vector<16xi32> to vector<16xf32>
        %parallel_loop3A_966 = arith.subf %parallel_loop3A_957, %parallel_loop3A_965 : vector<16xf32>
        %parallel_loop3A_967 = arith.constant 18 : i32
        %parallel_loop3A_968 = vector.broadcast %parallel_loop3A_967 : i32 to vector<16xi32>
        %parallel_loop3A_969 = arith.muli %parallel_loop3A_959, %parallel_loop3A_968 : vector<16xi32>
        %parallel_loop3A_970 = arith.addi %parallel_loop3A_958, %parallel_loop3A_969 : vector<16xi32>
        %parallel_loop3A_971 = arith.constant 324 : i32
        %parallel_loop3A_972 = vector.broadcast %parallel_loop3A_971 : i32 to vector<16xi32>
        %parallel_loop3A_973 = arith.muli %parallel_loop3A_960, %parallel_loop3A_972 : vector<16xi32>
        %parallel_loop3A_974 = arith.addi %parallel_loop3A_970, %parallel_loop3A_973 : vector<16xi32>
        %parallel_loop3A_975 = arith.constant 1.000000e+00 : f32
        %parallel_loop3A_976 = vector.broadcast %parallel_loop3A_975 : f32 to vector<16xf32>
        %parallel_loop3A_977 = arith.subf %parallel_loop3A_976, %parallel_loop3A_962 : vector<16xf32>
        %parallel_loop3A_978 = arith.constant 1.000000e+00 : f32
        %parallel_loop3A_979 = vector.broadcast %parallel_loop3A_978 : f32 to vector<16xf32>
        %parallel_loop3A_980 = arith.subf %parallel_loop3A_979, %parallel_loop3A_964 : vector<16xf32>
        %parallel_loop3A_981 = arith.constant 1.000000e+00 : f32
        %parallel_loop3A_982 = vector.broadcast %parallel_loop3A_981 : f32 to vector<16xf32>
        %parallel_loop3A_983 = arith.subf %parallel_loop3A_982, %parallel_loop3A_966 : vector<16xf32>
        %parallel_loop3A_984 = arith.constant 8368 : i32
        %parallel_loop3A_985 = vector.broadcast %parallel_loop3A_984 : i32 to vector<16xi32>
        %parallel_loop3A_986 = arith.addi %parallel_loop3A_974, %parallel_loop3A_985 : vector<16xi32>
        %parallel_loop3A_987 = tpu.vector_load_idx %arg15[%parallel_loop3A_986] : memref<85296xi32, #tpu.memory_space<vmem>>[vector<16xi32>], vector<16xi32>,
        %parallel_loop3A_988 = arith.constant 16 : i32
        %parallel_loop3A_989 = vector.broadcast %parallel_loop3A_988 : i32 to vector<16xi32>
        %parallel_loop3A_990 = arith.shli %parallel_loop3A_987, %parallel_loop3A_989 : vector<16xi32>
        %parallel_loop3A_991 = vector.bitcast %parallel_loop3A_990 : vector<16xi32> to vector<16xf32>
        %parallel_loop3A_992 = arith.constant -65536 : i32
        %parallel_loop3A_993 = vector.broadcast %parallel_loop3A_992 : i32 to vector<16xi32>
        %parallel_loop3A_994 = arith.andi %parallel_loop3A_987, %parallel_loop3A_993 : vector<16xi32>
        %parallel_loop3A_995 = vector.bitcast %parallel_loop3A_994 : vector<16xi32> to vector<16xf32>
        %parallel_loop3A_996 = arith.mulf %parallel_loop3A_977, %parallel_loop3A_980 : vector<16xf32>
        %parallel_loop3A_997 = arith.mulf %parallel_loop3A_996, %parallel_loop3A_983 : vector<16xf32>
        %parallel_loop3A_998 = arith.mulf %parallel_loop3A_997, %parallel_loop3A_991 : vector<16xf32>
        %parallel_loop3A_999 = arith.mulf %parallel_loop3A_997, %parallel_loop3A_995 : vector<16xf32>
        %parallel_loop3A_1000 = arith.constant 8369 : i32
        %parallel_loop3A_1001 = vector.broadcast %parallel_loop3A_1000 : i32 to vector<16xi32>
        %parallel_loop3A_1002 = arith.addi %parallel_loop3A_974, %parallel_loop3A_1001 : vector<16xi32>
        %parallel_loop3A_1003 = tpu.vector_load_idx %arg15[%parallel_loop3A_1002] : memref<85296xi32, #tpu.memory_space<vmem>>[vector<16xi32>], vector<16xi32>,
        %parallel_loop3A_1004 = arith.constant 16 : i32
        %parallel_loop3A_1005 = vector.broadcast %parallel_loop3A_1004 : i32 to vector<16xi32>
        %parallel_loop3A_1006 = arith.shli %parallel_loop3A_1003, %parallel_loop3A_1005 : vector<16xi32>
        %parallel_loop3A_1007 = vector.bitcast %parallel_loop3A_1006 : vector<16xi32> to vector<16xf32>
        %parallel_loop3A_1008 = arith.constant -65536 : i32
        %parallel_loop3A_1009 = vector.broadcast %parallel_loop3A_1008 : i32 to vector<16xi32>
        %parallel_loop3A_1010 = arith.andi %parallel_loop3A_1003, %parallel_loop3A_1009 : vector<16xi32>
        %parallel_loop3A_1011 = vector.bitcast %parallel_loop3A_1010 : vector<16xi32> to vector<16xf32>
        %parallel_loop3A_1012 = arith.mulf %parallel_loop3A_962, %parallel_loop3A_980 : vector<16xf32>
        %parallel_loop3A_1013 = arith.mulf %parallel_loop3A_1012, %parallel_loop3A_983 : vector<16xf32>
        %parallel_loop3A_1014 = arith.mulf %parallel_loop3A_1013, %parallel_loop3A_1007 : vector<16xf32>
        %parallel_loop3A_1015 = arith.mulf %parallel_loop3A_1013, %parallel_loop3A_1011 : vector<16xf32>
        %parallel_loop3A_1016 = arith.constant 8386 : i32
        %parallel_loop3A_1017 = vector.broadcast %parallel_loop3A_1016 : i32 to vector<16xi32>
        %parallel_loop3A_1018 = arith.addi %parallel_loop3A_974, %parallel_loop3A_1017 : vector<16xi32>
        %parallel_loop3A_1019 = tpu.vector_load_idx %arg15[%parallel_loop3A_1018] : memref<85296xi32, #tpu.memory_space<vmem>>[vector<16xi32>], vector<16xi32>,
        %parallel_loop3A_1020 = arith.constant 16 : i32
        %parallel_loop3A_1021 = vector.broadcast %parallel_loop3A_1020 : i32 to vector<16xi32>
        %parallel_loop3A_1022 = arith.shli %parallel_loop3A_1019, %parallel_loop3A_1021 : vector<16xi32>
        %parallel_loop3A_1023 = vector.bitcast %parallel_loop3A_1022 : vector<16xi32> to vector<16xf32>
        %parallel_loop3A_1024 = arith.constant -65536 : i32
        %parallel_loop3A_1025 = vector.broadcast %parallel_loop3A_1024 : i32 to vector<16xi32>
        %parallel_loop3A_1026 = arith.andi %parallel_loop3A_1019, %parallel_loop3A_1025 : vector<16xi32>
        %parallel_loop3A_1027 = vector.bitcast %parallel_loop3A_1026 : vector<16xi32> to vector<16xf32>
        %parallel_loop3A_1028 = arith.mulf %parallel_loop3A_977, %parallel_loop3A_964 : vector<16xf32>
        %parallel_loop3A_1029 = arith.mulf %parallel_loop3A_1028, %parallel_loop3A_983 : vector<16xf32>
        %parallel_loop3A_1030 = arith.mulf %parallel_loop3A_1029, %parallel_loop3A_1023 : vector<16xf32>
        %parallel_loop3A_1031 = arith.mulf %parallel_loop3A_1029, %parallel_loop3A_1027 : vector<16xf32>
        %parallel_loop3A_1032 = arith.constant 8387 : i32
        %parallel_loop3A_1033 = vector.broadcast %parallel_loop3A_1032 : i32 to vector<16xi32>
        %parallel_loop3A_1034 = arith.addi %parallel_loop3A_974, %parallel_loop3A_1033 : vector<16xi32>
        %parallel_loop3A_1035 = tpu.vector_load_idx %arg15[%parallel_loop3A_1034] : memref<85296xi32, #tpu.memory_space<vmem>>[vector<16xi32>], vector<16xi32>,
        %parallel_loop3A_1036 = arith.constant 16 : i32
        %parallel_loop3A_1037 = vector.broadcast %parallel_loop3A_1036 : i32 to vector<16xi32>
        %parallel_loop3A_1038 = arith.shli %parallel_loop3A_1035, %parallel_loop3A_1037 : vector<16xi32>
        %parallel_loop3A_1039 = vector.bitcast %parallel_loop3A_1038 : vector<16xi32> to vector<16xf32>
        %parallel_loop3A_1040 = arith.constant -65536 : i32
        %parallel_loop3A_1041 = vector.broadcast %parallel_loop3A_1040 : i32 to vector<16xi32>
        %parallel_loop3A_1042 = arith.andi %parallel_loop3A_1035, %parallel_loop3A_1041 : vector<16xi32>
        %parallel_loop3A_1043 = vector.bitcast %parallel_loop3A_1042 : vector<16xi32> to vector<16xf32>
        %parallel_loop3A_1044 = arith.mulf %parallel_loop3A_962, %parallel_loop3A_964 : vector<16xf32>
        %parallel_loop3A_1045 = arith.mulf %parallel_loop3A_1044, %parallel_loop3A_983 : vector<16xf32>
        %parallel_loop3A_1046 = arith.mulf %parallel_loop3A_1045, %parallel_loop3A_1039 : vector<16xf32>
        %parallel_loop3A_1047 = arith.mulf %parallel_loop3A_1045, %parallel_loop3A_1043 : vector<16xf32>
        %parallel_loop3A_1048 = arith.constant 8692 : i32
        %parallel_loop3A_1049 = vector.broadcast %parallel_loop3A_1048 : i32 to vector<16xi32>
        %parallel_loop3A_1050 = arith.addi %parallel_loop3A_974, %parallel_loop3A_1049 : vector<16xi32>
        %parallel_loop3A_1051 = tpu.vector_load_idx %arg15[%parallel_loop3A_1050] : memref<85296xi32, #tpu.memory_space<vmem>>[vector<16xi32>], vector<16xi32>,
        %parallel_loop3A_1052 = arith.constant 16 : i32
        %parallel_loop3A_1053 = vector.broadcast %parallel_loop3A_1052 : i32 to vector<16xi32>
        %parallel_loop3A_1054 = arith.shli %parallel_loop3A_1051, %parallel_loop3A_1053 : vector<16xi32>
        %parallel_loop3A_1055 = vector.bitcast %parallel_loop3A_1054 : vector<16xi32> to vector<16xf32>
        %parallel_loop3A_1056 = arith.constant -65536 : i32
        %parallel_loop3A_1057 = vector.broadcast %parallel_loop3A_1056 : i32 to vector<16xi32>
        %parallel_loop3A_1058 = arith.andi %parallel_loop3A_1051, %parallel_loop3A_1057 : vector<16xi32>
        %parallel_loop3A_1059 = vector.bitcast %parallel_loop3A_1058 : vector<16xi32> to vector<16xf32>
        %parallel_loop3A_1060 = arith.mulf %parallel_loop3A_977, %parallel_loop3A_980 : vector<16xf32>
        %parallel_loop3A_1061 = arith.mulf %parallel_loop3A_1060, %parallel_loop3A_966 : vector<16xf32>
        %parallel_loop3A_1062 = arith.mulf %parallel_loop3A_1061, %parallel_loop3A_1055 : vector<16xf32>
        %parallel_loop3A_1063 = arith.mulf %parallel_loop3A_1061, %parallel_loop3A_1059 : vector<16xf32>
        %parallel_loop3A_1064 = arith.constant 8693 : i32
        %parallel_loop3A_1065 = vector.broadcast %parallel_loop3A_1064 : i32 to vector<16xi32>
        %parallel_loop3A_1066 = arith.addi %parallel_loop3A_974, %parallel_loop3A_1065 : vector<16xi32>
        %parallel_loop3A_1067 = tpu.vector_load_idx %arg15[%parallel_loop3A_1066] : memref<85296xi32, #tpu.memory_space<vmem>>[vector<16xi32>], vector<16xi32>,
        %parallel_loop3A_1068 = arith.constant 16 : i32
        %parallel_loop3A_1069 = vector.broadcast %parallel_loop3A_1068 : i32 to vector<16xi32>
        %parallel_loop3A_1070 = arith.shli %parallel_loop3A_1067, %parallel_loop3A_1069 : vector<16xi32>
        %parallel_loop3A_1071 = vector.bitcast %parallel_loop3A_1070 : vector<16xi32> to vector<16xf32>
        %parallel_loop3A_1072 = arith.constant -65536 : i32
        %parallel_loop3A_1073 = vector.broadcast %parallel_loop3A_1072 : i32 to vector<16xi32>
        %parallel_loop3A_1074 = arith.andi %parallel_loop3A_1067, %parallel_loop3A_1073 : vector<16xi32>
        %parallel_loop3A_1075 = vector.bitcast %parallel_loop3A_1074 : vector<16xi32> to vector<16xf32>
        %parallel_loop3A_1076 = arith.mulf %parallel_loop3A_962, %parallel_loop3A_980 : vector<16xf32>
        %parallel_loop3A_1077 = arith.mulf %parallel_loop3A_1076, %parallel_loop3A_966 : vector<16xf32>
        %parallel_loop3A_1078 = arith.mulf %parallel_loop3A_1077, %parallel_loop3A_1071 : vector<16xf32>
        %parallel_loop3A_1079 = arith.mulf %parallel_loop3A_1077, %parallel_loop3A_1075 : vector<16xf32>
        %parallel_loop3A_1080 = arith.constant 8710 : i32
        %parallel_loop3A_1081 = vector.broadcast %parallel_loop3A_1080 : i32 to vector<16xi32>
        %parallel_loop3A_1082 = arith.addi %parallel_loop3A_974, %parallel_loop3A_1081 : vector<16xi32>
        %parallel_loop3A_1083 = tpu.vector_load_idx %arg15[%parallel_loop3A_1082] : memref<85296xi32, #tpu.memory_space<vmem>>[vector<16xi32>], vector<16xi32>,
        %parallel_loop3A_1084 = arith.constant 16 : i32
        %parallel_loop3A_1085 = vector.broadcast %parallel_loop3A_1084 : i32 to vector<16xi32>
        %parallel_loop3A_1086 = arith.shli %parallel_loop3A_1083, %parallel_loop3A_1085 : vector<16xi32>
        %parallel_loop3A_1087 = vector.bitcast %parallel_loop3A_1086 : vector<16xi32> to vector<16xf32>
        %parallel_loop3A_1088 = arith.constant -65536 : i32
        %parallel_loop3A_1089 = vector.broadcast %parallel_loop3A_1088 : i32 to vector<16xi32>
        %parallel_loop3A_1090 = arith.andi %parallel_loop3A_1083, %parallel_loop3A_1089 : vector<16xi32>
        %parallel_loop3A_1091 = vector.bitcast %parallel_loop3A_1090 : vector<16xi32> to vector<16xf32>
        %parallel_loop3A_1092 = arith.mulf %parallel_loop3A_977, %parallel_loop3A_964 : vector<16xf32>
        %parallel_loop3A_1093 = arith.mulf %parallel_loop3A_1092, %parallel_loop3A_966 : vector<16xf32>
        %parallel_loop3A_1094 = arith.mulf %parallel_loop3A_1093, %parallel_loop3A_1087 : vector<16xf32>
        %parallel_loop3A_1095 = arith.mulf %parallel_loop3A_1093, %parallel_loop3A_1091 : vector<16xf32>
        %parallel_loop3A_1096 = arith.constant 8711 : i32
        %parallel_loop3A_1097 = vector.broadcast %parallel_loop3A_1096 : i32 to vector<16xi32>
        %parallel_loop3A_1098 = arith.addi %parallel_loop3A_974, %parallel_loop3A_1097 : vector<16xi32>
        %parallel_loop3A_1099 = tpu.vector_load_idx %arg15[%parallel_loop3A_1098] : memref<85296xi32, #tpu.memory_space<vmem>>[vector<16xi32>], vector<16xi32>,
        %parallel_loop3A_1100 = arith.constant 16 : i32
        %parallel_loop3A_1101 = vector.broadcast %parallel_loop3A_1100 : i32 to vector<16xi32>
        %parallel_loop3A_1102 = arith.shli %parallel_loop3A_1099, %parallel_loop3A_1101 : vector<16xi32>
        %parallel_loop3A_1103 = vector.bitcast %parallel_loop3A_1102 : vector<16xi32> to vector<16xf32>
        %parallel_loop3A_1104 = arith.constant -65536 : i32
        %parallel_loop3A_1105 = vector.broadcast %parallel_loop3A_1104 : i32 to vector<16xi32>
        %parallel_loop3A_1106 = arith.andi %parallel_loop3A_1099, %parallel_loop3A_1105 : vector<16xi32>
        %parallel_loop3A_1107 = vector.bitcast %parallel_loop3A_1106 : vector<16xi32> to vector<16xf32>
        %parallel_loop3A_1108 = arith.mulf %parallel_loop3A_962, %parallel_loop3A_964 : vector<16xf32>
        %parallel_loop3A_1109 = arith.mulf %parallel_loop3A_1108, %parallel_loop3A_966 : vector<16xf32>
        %parallel_loop3A_1110 = arith.mulf %parallel_loop3A_1109, %parallel_loop3A_1103 : vector<16xf32>
        %parallel_loop3A_1111 = arith.mulf %parallel_loop3A_1109, %parallel_loop3A_1107 : vector<16xf32>
        %parallel_loop3A_1112 = arith.addf %parallel_loop3A_998, %parallel_loop3A_1014 : vector<16xf32>
        %parallel_loop3A_1113 = arith.addf %parallel_loop3A_1030, %parallel_loop3A_1046 : vector<16xf32>
        %parallel_loop3A_1114 = arith.addf %parallel_loop3A_1112, %parallel_loop3A_1113 : vector<16xf32>
        %parallel_loop3A_1115 = arith.addf %parallel_loop3A_1062, %parallel_loop3A_1078 : vector<16xf32>
        %parallel_loop3A_1116 = arith.addf %parallel_loop3A_1094, %parallel_loop3A_1110 : vector<16xf32>
        %parallel_loop3A_1117 = arith.addf %parallel_loop3A_1115, %parallel_loop3A_1116 : vector<16xf32>
        %parallel_loop3A_1118 = arith.addf %parallel_loop3A_1114, %parallel_loop3A_1117 : vector<16xf32>
        %parallel_loop3A_1119 = arith.addf %parallel_loop3A_999, %parallel_loop3A_1015 : vector<16xf32>
        %parallel_loop3A_1120 = arith.addf %parallel_loop3A_1031, %parallel_loop3A_1047 : vector<16xf32>
        %parallel_loop3A_1121 = arith.addf %parallel_loop3A_1119, %parallel_loop3A_1120 : vector<16xf32>
        %parallel_loop3A_1122 = arith.addf %parallel_loop3A_1063, %parallel_loop3A_1079 : vector<16xf32>
        %parallel_loop3A_1123 = arith.addf %parallel_loop3A_1095, %parallel_loop3A_1111 : vector<16xf32>
        %parallel_loop3A_1124 = arith.addf %parallel_loop3A_1122, %parallel_loop3A_1123 : vector<16xf32>
        %parallel_loop3A_1125 = arith.addf %parallel_loop3A_1121, %parallel_loop3A_1124 : vector<16xf32>
        %parallel_loop3A_1126 = arith.constant 8 : i32
        %parallel_loop3A_1127 = vector.broadcast %parallel_loop3A_1126 : i32 to vector<16xi32>
        %parallel_loop3A_1128 = arith.addi %parallel_loop3A_171, %parallel_loop3A_1127 : vector<16xi32>
        tpu.vector_store_idx %arg13[%parallel_loop3A_165, %parallel_loop3A_1128], %parallel_loop3A_1118 : memref<64x128xf32, #tpu.memory_space<vmem>>[vector<16xi32>, vector<16xi32>], vector<16xf32>,
        %parallel_loop3A_1129 = arith.constant 1 : i32
        %parallel_loop3A_1130 = vector.broadcast %parallel_loop3A_1129 : i32 to vector<16xi32>
        %parallel_loop3A_1131 = arith.addi %parallel_loop3A_1128, %parallel_loop3A_1130 : vector<16xi32>
        tpu.vector_store_idx %arg13[%parallel_loop3A_165, %parallel_loop3A_1131], %parallel_loop3A_1125 : memref<64x128xf32, #tpu.memory_space<vmem>>[vector<16xi32>, vector<16xi32>], vector<16xf32>,
        %parallel_loop3A_1132 = arith.constant 20.5344028 : f32
        %parallel_loop3A_1133 = vector.broadcast %parallel_loop3A_1132 : f32 to vector<16xf32>
        %parallel_loop3A_1134 = arith.mulf %parallel_loop3A_156, %parallel_loop3A_1133 : vector<16xf32>
        %parallel_loop3A_1135 = arith.constant 5.000000e-01 : f32
        %parallel_loop3A_1136 = vector.broadcast %parallel_loop3A_1135 : f32 to vector<16xf32>
        %parallel_loop3A_1137 = arith.addf %parallel_loop3A_1134, %parallel_loop3A_1136 : vector<16xf32>
        %parallel_loop3A_1138 = arith.constant 20.5344028 : f32
        %parallel_loop3A_1139 = vector.broadcast %parallel_loop3A_1138 : f32 to vector<16xf32>
        %parallel_loop3A_1140 = arith.mulf %parallel_loop3A_158, %parallel_loop3A_1139 : vector<16xf32>
        %parallel_loop3A_1141 = arith.constant 5.000000e-01 : f32
        %parallel_loop3A_1142 = vector.broadcast %parallel_loop3A_1141 : f32 to vector<16xf32>
        %parallel_loop3A_1143 = arith.addf %parallel_loop3A_1140, %parallel_loop3A_1142 : vector<16xf32>
        %parallel_loop3A_1144 = arith.constant 20.5344028 : f32
        %parallel_loop3A_1145 = vector.broadcast %parallel_loop3A_1144 : f32 to vector<16xf32>
        %parallel_loop3A_1146 = arith.mulf %parallel_loop3A_160, %parallel_loop3A_1145 : vector<16xf32>
        %parallel_loop3A_1147 = arith.constant 5.000000e-01 : f32
        %parallel_loop3A_1148 = vector.broadcast %parallel_loop3A_1147 : f32 to vector<16xf32>
        %parallel_loop3A_1149 = arith.addf %parallel_loop3A_1146, %parallel_loop3A_1148 : vector<16xf32>
        %parallel_loop3A_1150 = arith.fptosi %parallel_loop3A_1137 : vector<16xf32> to vector<16xi32>
        %parallel_loop3A_1151 = arith.fptosi %parallel_loop3A_1143 : vector<16xf32> to vector<16xi32>
        %parallel_loop3A_1152 = arith.fptosi %parallel_loop3A_1149 : vector<16xf32> to vector<16xi32>
        %parallel_loop3A_1153 = arith.sitofp %parallel_loop3A_1150 : vector<16xi32> to vector<16xf32>
        %parallel_loop3A_1154 = arith.subf %parallel_loop3A_1137, %parallel_loop3A_1153 : vector<16xf32>
        %parallel_loop3A_1155 = arith.sitofp %parallel_loop3A_1151 : vector<16xi32> to vector<16xf32>
        %parallel_loop3A_1156 = arith.subf %parallel_loop3A_1143, %parallel_loop3A_1155 : vector<16xf32>
        %parallel_loop3A_1157 = arith.sitofp %parallel_loop3A_1152 : vector<16xi32> to vector<16xf32>
        %parallel_loop3A_1158 = arith.subf %parallel_loop3A_1149, %parallel_loop3A_1157 : vector<16xf32>
        %parallel_loop3A_1159 = arith.constant 22 : i32
        %parallel_loop3A_1160 = vector.broadcast %parallel_loop3A_1159 : i32 to vector<16xi32>
        %parallel_loop3A_1161 = arith.muli %parallel_loop3A_1151, %parallel_loop3A_1160 : vector<16xi32>
        %parallel_loop3A_1162 = arith.addi %parallel_loop3A_1150, %parallel_loop3A_1161 : vector<16xi32>
        %parallel_loop3A_1163 = arith.constant 484 : i32
        %parallel_loop3A_1164 = vector.broadcast %parallel_loop3A_1163 : i32 to vector<16xi32>
        %parallel_loop3A_1165 = arith.muli %parallel_loop3A_1152, %parallel_loop3A_1164 : vector<16xi32>
        %parallel_loop3A_1166 = arith.addi %parallel_loop3A_1162, %parallel_loop3A_1165 : vector<16xi32>
        %parallel_loop3A_1167 = arith.constant 1.000000e+00 : f32
        %parallel_loop3A_1168 = vector.broadcast %parallel_loop3A_1167 : f32 to vector<16xf32>
        %parallel_loop3A_1169 = arith.subf %parallel_loop3A_1168, %parallel_loop3A_1154 : vector<16xf32>
        %parallel_loop3A_1170 = arith.constant 1.000000e+00 : f32
        %parallel_loop3A_1171 = vector.broadcast %parallel_loop3A_1170 : f32 to vector<16xf32>
        %parallel_loop3A_1172 = arith.subf %parallel_loop3A_1171, %parallel_loop3A_1156 : vector<16xf32>
        %parallel_loop3A_1173 = arith.constant 1.000000e+00 : f32
        %parallel_loop3A_1174 = vector.broadcast %parallel_loop3A_1173 : f32 to vector<16xf32>
        %parallel_loop3A_1175 = arith.subf %parallel_loop3A_1174, %parallel_loop3A_1158 : vector<16xf32>
        %parallel_loop3A_1176 = arith.constant 15232 : i32
        %parallel_loop3A_1177 = vector.broadcast %parallel_loop3A_1176 : i32 to vector<16xi32>
        %parallel_loop3A_1178 = arith.addi %parallel_loop3A_1166, %parallel_loop3A_1177 : vector<16xi32>
        %parallel_loop3A_1179 = tpu.vector_load_idx %arg15[%parallel_loop3A_1178] : memref<85296xi32, #tpu.memory_space<vmem>>[vector<16xi32>], vector<16xi32>,
        %parallel_loop3A_1180 = arith.constant 16 : i32
        %parallel_loop3A_1181 = vector.broadcast %parallel_loop3A_1180 : i32 to vector<16xi32>
        %parallel_loop3A_1182 = arith.shli %parallel_loop3A_1179, %parallel_loop3A_1181 : vector<16xi32>
        %parallel_loop3A_1183 = vector.bitcast %parallel_loop3A_1182 : vector<16xi32> to vector<16xf32>
        %parallel_loop3A_1184 = arith.constant -65536 : i32
        %parallel_loop3A_1185 = vector.broadcast %parallel_loop3A_1184 : i32 to vector<16xi32>
        %parallel_loop3A_1186 = arith.andi %parallel_loop3A_1179, %parallel_loop3A_1185 : vector<16xi32>
        %parallel_loop3A_1187 = vector.bitcast %parallel_loop3A_1186 : vector<16xi32> to vector<16xf32>
        %parallel_loop3A_1188 = arith.mulf %parallel_loop3A_1169, %parallel_loop3A_1172 : vector<16xf32>
        %parallel_loop3A_1189 = arith.mulf %parallel_loop3A_1188, %parallel_loop3A_1175 : vector<16xf32>
        %parallel_loop3A_1190 = arith.mulf %parallel_loop3A_1189, %parallel_loop3A_1183 : vector<16xf32>
        %parallel_loop3A_1191 = arith.mulf %parallel_loop3A_1189, %parallel_loop3A_1187 : vector<16xf32>
        %parallel_loop3A_1192 = arith.constant 15233 : i32
        %parallel_loop3A_1193 = vector.broadcast %parallel_loop3A_1192 : i32 to vector<16xi32>
        %parallel_loop3A_1194 = arith.addi %parallel_loop3A_1166, %parallel_loop3A_1193 : vector<16xi32>
        %parallel_loop3A_1195 = tpu.vector_load_idx %arg15[%parallel_loop3A_1194] : memref<85296xi32, #tpu.memory_space<vmem>>[vector<16xi32>], vector<16xi32>,
        %parallel_loop3A_1196 = arith.constant 16 : i32
        %parallel_loop3A_1197 = vector.broadcast %parallel_loop3A_1196 : i32 to vector<16xi32>
        %parallel_loop3A_1198 = arith.shli %parallel_loop3A_1195, %parallel_loop3A_1197 : vector<16xi32>
        %parallel_loop3A_1199 = vector.bitcast %parallel_loop3A_1198 : vector<16xi32> to vector<16xf32>
        %parallel_loop3A_1200 = arith.constant -65536 : i32
        %parallel_loop3A_1201 = vector.broadcast %parallel_loop3A_1200 : i32 to vector<16xi32>
        %parallel_loop3A_1202 = arith.andi %parallel_loop3A_1195, %parallel_loop3A_1201 : vector<16xi32>
        %parallel_loop3A_1203 = vector.bitcast %parallel_loop3A_1202 : vector<16xi32> to vector<16xf32>
        %parallel_loop3A_1204 = arith.mulf %parallel_loop3A_1154, %parallel_loop3A_1172 : vector<16xf32>
        %parallel_loop3A_1205 = arith.mulf %parallel_loop3A_1204, %parallel_loop3A_1175 : vector<16xf32>
        %parallel_loop3A_1206 = arith.mulf %parallel_loop3A_1205, %parallel_loop3A_1199 : vector<16xf32>
        %parallel_loop3A_1207 = arith.mulf %parallel_loop3A_1205, %parallel_loop3A_1203 : vector<16xf32>
        %parallel_loop3A_1208 = arith.constant 15254 : i32
        %parallel_loop3A_1209 = vector.broadcast %parallel_loop3A_1208 : i32 to vector<16xi32>
        %parallel_loop3A_1210 = arith.addi %parallel_loop3A_1166, %parallel_loop3A_1209 : vector<16xi32>
        %parallel_loop3A_1211 = tpu.vector_load_idx %arg15[%parallel_loop3A_1210] : memref<85296xi32, #tpu.memory_space<vmem>>[vector<16xi32>], vector<16xi32>,
        %parallel_loop3A_1212 = arith.constant 16 : i32
        %parallel_loop3A_1213 = vector.broadcast %parallel_loop3A_1212 : i32 to vector<16xi32>
        %parallel_loop3A_1214 = arith.shli %parallel_loop3A_1211, %parallel_loop3A_1213 : vector<16xi32>
        %parallel_loop3A_1215 = vector.bitcast %parallel_loop3A_1214 : vector<16xi32> to vector<16xf32>
        %parallel_loop3A_1216 = arith.constant -65536 : i32
        %parallel_loop3A_1217 = vector.broadcast %parallel_loop3A_1216 : i32 to vector<16xi32>
        %parallel_loop3A_1218 = arith.andi %parallel_loop3A_1211, %parallel_loop3A_1217 : vector<16xi32>
        %parallel_loop3A_1219 = vector.bitcast %parallel_loop3A_1218 : vector<16xi32> to vector<16xf32>
        %parallel_loop3A_1220 = arith.mulf %parallel_loop3A_1169, %parallel_loop3A_1156 : vector<16xf32>
        %parallel_loop3A_1221 = arith.mulf %parallel_loop3A_1220, %parallel_loop3A_1175 : vector<16xf32>
        %parallel_loop3A_1222 = arith.mulf %parallel_loop3A_1221, %parallel_loop3A_1215 : vector<16xf32>
        %parallel_loop3A_1223 = arith.mulf %parallel_loop3A_1221, %parallel_loop3A_1219 : vector<16xf32>
        %parallel_loop3A_1224 = arith.constant 15255 : i32
        %parallel_loop3A_1225 = vector.broadcast %parallel_loop3A_1224 : i32 to vector<16xi32>
        %parallel_loop3A_1226 = arith.addi %parallel_loop3A_1166, %parallel_loop3A_1225 : vector<16xi32>
        %parallel_loop3A_1227 = tpu.vector_load_idx %arg15[%parallel_loop3A_1226] : memref<85296xi32, #tpu.memory_space<vmem>>[vector<16xi32>], vector<16xi32>,
        %parallel_loop3A_1228 = arith.constant 16 : i32
        %parallel_loop3A_1229 = vector.broadcast %parallel_loop3A_1228 : i32 to vector<16xi32>
        %parallel_loop3A_1230 = arith.shli %parallel_loop3A_1227, %parallel_loop3A_1229 : vector<16xi32>
        %parallel_loop3A_1231 = vector.bitcast %parallel_loop3A_1230 : vector<16xi32> to vector<16xf32>
        %parallel_loop3A_1232 = arith.constant -65536 : i32
        %parallel_loop3A_1233 = vector.broadcast %parallel_loop3A_1232 : i32 to vector<16xi32>
        %parallel_loop3A_1234 = arith.andi %parallel_loop3A_1227, %parallel_loop3A_1233 : vector<16xi32>
        %parallel_loop3A_1235 = vector.bitcast %parallel_loop3A_1234 : vector<16xi32> to vector<16xf32>
        %parallel_loop3A_1236 = arith.mulf %parallel_loop3A_1154, %parallel_loop3A_1156 : vector<16xf32>
        %parallel_loop3A_1237 = arith.mulf %parallel_loop3A_1236, %parallel_loop3A_1175 : vector<16xf32>
        %parallel_loop3A_1238 = arith.mulf %parallel_loop3A_1237, %parallel_loop3A_1231 : vector<16xf32>
        %parallel_loop3A_1239 = arith.mulf %parallel_loop3A_1237, %parallel_loop3A_1235 : vector<16xf32>
        %parallel_loop3A_1240 = arith.constant 15716 : i32
        %parallel_loop3A_1241 = vector.broadcast %parallel_loop3A_1240 : i32 to vector<16xi32>
        %parallel_loop3A_1242 = arith.addi %parallel_loop3A_1166, %parallel_loop3A_1241 : vector<16xi32>
        %parallel_loop3A_1243 = tpu.vector_load_idx %arg15[%parallel_loop3A_1242] : memref<85296xi32, #tpu.memory_space<vmem>>[vector<16xi32>], vector<16xi32>,
        %parallel_loop3A_1244 = arith.constant 16 : i32
        %parallel_loop3A_1245 = vector.broadcast %parallel_loop3A_1244 : i32 to vector<16xi32>
        %parallel_loop3A_1246 = arith.shli %parallel_loop3A_1243, %parallel_loop3A_1245 : vector<16xi32>
        %parallel_loop3A_1247 = vector.bitcast %parallel_loop3A_1246 : vector<16xi32> to vector<16xf32>
        %parallel_loop3A_1248 = arith.constant -65536 : i32
        %parallel_loop3A_1249 = vector.broadcast %parallel_loop3A_1248 : i32 to vector<16xi32>
        %parallel_loop3A_1250 = arith.andi %parallel_loop3A_1243, %parallel_loop3A_1249 : vector<16xi32>
        %parallel_loop3A_1251 = vector.bitcast %parallel_loop3A_1250 : vector<16xi32> to vector<16xf32>
        %parallel_loop3A_1252 = arith.mulf %parallel_loop3A_1169, %parallel_loop3A_1172 : vector<16xf32>
        %parallel_loop3A_1253 = arith.mulf %parallel_loop3A_1252, %parallel_loop3A_1158 : vector<16xf32>
        %parallel_loop3A_1254 = arith.mulf %parallel_loop3A_1253, %parallel_loop3A_1247 : vector<16xf32>
        %parallel_loop3A_1255 = arith.mulf %parallel_loop3A_1253, %parallel_loop3A_1251 : vector<16xf32>
        %parallel_loop3A_1256 = arith.constant 15717 : i32
        %parallel_loop3A_1257 = vector.broadcast %parallel_loop3A_1256 : i32 to vector<16xi32>
        %parallel_loop3A_1258 = arith.addi %parallel_loop3A_1166, %parallel_loop3A_1257 : vector<16xi32>
        %parallel_loop3A_1259 = tpu.vector_load_idx %arg15[%parallel_loop3A_1258] : memref<85296xi32, #tpu.memory_space<vmem>>[vector<16xi32>], vector<16xi32>,
        %parallel_loop3A_1260 = arith.constant 16 : i32
        %parallel_loop3A_1261 = vector.broadcast %parallel_loop3A_1260 : i32 to vector<16xi32>
        %parallel_loop3A_1262 = arith.shli %parallel_loop3A_1259, %parallel_loop3A_1261 : vector<16xi32>
        %parallel_loop3A_1263 = vector.bitcast %parallel_loop3A_1262 : vector<16xi32> to vector<16xf32>
        %parallel_loop3A_1264 = arith.constant -65536 : i32
        %parallel_loop3A_1265 = vector.broadcast %parallel_loop3A_1264 : i32 to vector<16xi32>
        %parallel_loop3A_1266 = arith.andi %parallel_loop3A_1259, %parallel_loop3A_1265 : vector<16xi32>
        %parallel_loop3A_1267 = vector.bitcast %parallel_loop3A_1266 : vector<16xi32> to vector<16xf32>
        %parallel_loop3A_1268 = arith.mulf %parallel_loop3A_1154, %parallel_loop3A_1172 : vector<16xf32>
        %parallel_loop3A_1269 = arith.mulf %parallel_loop3A_1268, %parallel_loop3A_1158 : vector<16xf32>
        %parallel_loop3A_1270 = arith.mulf %parallel_loop3A_1269, %parallel_loop3A_1263 : vector<16xf32>
        %parallel_loop3A_1271 = arith.mulf %parallel_loop3A_1269, %parallel_loop3A_1267 : vector<16xf32>
        %parallel_loop3A_1272 = arith.constant 15738 : i32
        %parallel_loop3A_1273 = vector.broadcast %parallel_loop3A_1272 : i32 to vector<16xi32>
        %parallel_loop3A_1274 = arith.addi %parallel_loop3A_1166, %parallel_loop3A_1273 : vector<16xi32>
        %parallel_loop3A_1275 = tpu.vector_load_idx %arg15[%parallel_loop3A_1274] : memref<85296xi32, #tpu.memory_space<vmem>>[vector<16xi32>], vector<16xi32>,
        %parallel_loop3A_1276 = arith.constant 16 : i32
        %parallel_loop3A_1277 = vector.broadcast %parallel_loop3A_1276 : i32 to vector<16xi32>
        %parallel_loop3A_1278 = arith.shli %parallel_loop3A_1275, %parallel_loop3A_1277 : vector<16xi32>
        %parallel_loop3A_1279 = vector.bitcast %parallel_loop3A_1278 : vector<16xi32> to vector<16xf32>
        %parallel_loop3A_1280 = arith.constant -65536 : i32
        %parallel_loop3A_1281 = vector.broadcast %parallel_loop3A_1280 : i32 to vector<16xi32>
        %parallel_loop3A_1282 = arith.andi %parallel_loop3A_1275, %parallel_loop3A_1281 : vector<16xi32>
        %parallel_loop3A_1283 = vector.bitcast %parallel_loop3A_1282 : vector<16xi32> to vector<16xf32>
        %parallel_loop3A_1284 = arith.mulf %parallel_loop3A_1169, %parallel_loop3A_1156 : vector<16xf32>
        %parallel_loop3A_1285 = arith.mulf %parallel_loop3A_1284, %parallel_loop3A_1158 : vector<16xf32>
        %parallel_loop3A_1286 = arith.mulf %parallel_loop3A_1285, %parallel_loop3A_1279 : vector<16xf32>
        %parallel_loop3A_1287 = arith.mulf %parallel_loop3A_1285, %parallel_loop3A_1283 : vector<16xf32>
        %parallel_loop3A_1288 = arith.constant 15739 : i32
        %parallel_loop3A_1289 = vector.broadcast %parallel_loop3A_1288 : i32 to vector<16xi32>
        %parallel_loop3A_1290 = arith.addi %parallel_loop3A_1166, %parallel_loop3A_1289 : vector<16xi32>
        %parallel_loop3A_1291 = tpu.vector_load_idx %arg15[%parallel_loop3A_1290] : memref<85296xi32, #tpu.memory_space<vmem>>[vector<16xi32>], vector<16xi32>,
        %parallel_loop3A_1292 = arith.constant 16 : i32
        %parallel_loop3A_1293 = vector.broadcast %parallel_loop3A_1292 : i32 to vector<16xi32>
        %parallel_loop3A_1294 = arith.shli %parallel_loop3A_1291, %parallel_loop3A_1293 : vector<16xi32>
        %parallel_loop3A_1295 = vector.bitcast %parallel_loop3A_1294 : vector<16xi32> to vector<16xf32>
        %parallel_loop3A_1296 = arith.constant -65536 : i32
        %parallel_loop3A_1297 = vector.broadcast %parallel_loop3A_1296 : i32 to vector<16xi32>
        %parallel_loop3A_1298 = arith.andi %parallel_loop3A_1291, %parallel_loop3A_1297 : vector<16xi32>
        %parallel_loop3A_1299 = vector.bitcast %parallel_loop3A_1298 : vector<16xi32> to vector<16xf32>
        %parallel_loop3A_1300 = arith.mulf %parallel_loop3A_1154, %parallel_loop3A_1156 : vector<16xf32>
        %parallel_loop3A_1301 = arith.mulf %parallel_loop3A_1300, %parallel_loop3A_1158 : vector<16xf32>
        %parallel_loop3A_1302 = arith.mulf %parallel_loop3A_1301, %parallel_loop3A_1295 : vector<16xf32>
        %parallel_loop3A_1303 = arith.mulf %parallel_loop3A_1301, %parallel_loop3A_1299 : vector<16xf32>
        %parallel_loop3A_1304 = arith.addf %parallel_loop3A_1190, %parallel_loop3A_1206 : vector<16xf32>
        %parallel_loop3A_1305 = arith.addf %parallel_loop3A_1222, %parallel_loop3A_1238 : vector<16xf32>
        %parallel_loop3A_1306 = arith.addf %parallel_loop3A_1304, %parallel_loop3A_1305 : vector<16xf32>
        %parallel_loop3A_1307 = arith.addf %parallel_loop3A_1254, %parallel_loop3A_1270 : vector<16xf32>
        %parallel_loop3A_1308 = arith.addf %parallel_loop3A_1286, %parallel_loop3A_1302 : vector<16xf32>
        %parallel_loop3A_1309 = arith.addf %parallel_loop3A_1307, %parallel_loop3A_1308 : vector<16xf32>
        %parallel_loop3A_1310 = arith.addf %parallel_loop3A_1306, %parallel_loop3A_1309 : vector<16xf32>
        %parallel_loop3A_1311 = arith.addf %parallel_loop3A_1191, %parallel_loop3A_1207 : vector<16xf32>
        %parallel_loop3A_1312 = arith.addf %parallel_loop3A_1223, %parallel_loop3A_1239 : vector<16xf32>
        %parallel_loop3A_1313 = arith.addf %parallel_loop3A_1311, %parallel_loop3A_1312 : vector<16xf32>
        %parallel_loop3A_1314 = arith.addf %parallel_loop3A_1255, %parallel_loop3A_1271 : vector<16xf32>
        %parallel_loop3A_1315 = arith.addf %parallel_loop3A_1287, %parallel_loop3A_1303 : vector<16xf32>
        %parallel_loop3A_1316 = arith.addf %parallel_loop3A_1314, %parallel_loop3A_1315 : vector<16xf32>
        %parallel_loop3A_1317 = arith.addf %parallel_loop3A_1313, %parallel_loop3A_1316 : vector<16xf32>
        %parallel_loop3A_1318 = arith.constant 10 : i32
        %parallel_loop3A_1319 = vector.broadcast %parallel_loop3A_1318 : i32 to vector<16xi32>
        %parallel_loop3A_1320 = arith.addi %parallel_loop3A_171, %parallel_loop3A_1319 : vector<16xi32>
        tpu.vector_store_idx %arg13[%parallel_loop3A_165, %parallel_loop3A_1320], %parallel_loop3A_1310 : memref<64x128xf32, #tpu.memory_space<vmem>>[vector<16xi32>, vector<16xi32>], vector<16xf32>,
        %parallel_loop3A_1321 = arith.constant 1 : i32
        %parallel_loop3A_1322 = vector.broadcast %parallel_loop3A_1321 : i32 to vector<16xi32>
        %parallel_loop3A_1323 = arith.addi %parallel_loop3A_1320, %parallel_loop3A_1322 : vector<16xi32>
        tpu.vector_store_idx %arg13[%parallel_loop3A_165, %parallel_loop3A_1323], %parallel_loop3A_1317 : memref<64x128xf32, #tpu.memory_space<vmem>>[vector<16xi32>, vector<16xi32>], vector<16xf32>,
        %parallel_loop3A_1324 = arith.constant 25.2507305 : f32
        %parallel_loop3A_1325 = vector.broadcast %parallel_loop3A_1324 : f32 to vector<16xf32>
        %parallel_loop3A_1326 = arith.mulf %parallel_loop3A_156, %parallel_loop3A_1325 : vector<16xf32>
        %parallel_loop3A_1327 = arith.constant 5.000000e-01 : f32
        %parallel_loop3A_1328 = vector.broadcast %parallel_loop3A_1327 : f32 to vector<16xf32>
        %parallel_loop3A_1329 = arith.addf %parallel_loop3A_1326, %parallel_loop3A_1328 : vector<16xf32>
        %parallel_loop3A_1330 = arith.constant 25.2507305 : f32
        %parallel_loop3A_1331 = vector.broadcast %parallel_loop3A_1330 : f32 to vector<16xf32>
        %parallel_loop3A_1332 = arith.mulf %parallel_loop3A_158, %parallel_loop3A_1331 : vector<16xf32>
        %parallel_loop3A_1333 = arith.constant 5.000000e-01 : f32
        %parallel_loop3A_1334 = vector.broadcast %parallel_loop3A_1333 : f32 to vector<16xf32>
        %parallel_loop3A_1335 = arith.addf %parallel_loop3A_1332, %parallel_loop3A_1334 : vector<16xf32>
        %parallel_loop3A_1336 = arith.constant 25.2507305 : f32
        %parallel_loop3A_1337 = vector.broadcast %parallel_loop3A_1336 : f32 to vector<16xf32>
        %parallel_loop3A_1338 = arith.mulf %parallel_loop3A_160, %parallel_loop3A_1337 : vector<16xf32>
        %parallel_loop3A_1339 = arith.constant 5.000000e-01 : f32
        %parallel_loop3A_1340 = vector.broadcast %parallel_loop3A_1339 : f32 to vector<16xf32>
        %parallel_loop3A_1341 = arith.addf %parallel_loop3A_1338, %parallel_loop3A_1340 : vector<16xf32>
        %parallel_loop3A_1342 = arith.fptosi %parallel_loop3A_1329 : vector<16xf32> to vector<16xi32>
        %parallel_loop3A_1343 = arith.fptosi %parallel_loop3A_1335 : vector<16xf32> to vector<16xi32>
        %parallel_loop3A_1344 = arith.fptosi %parallel_loop3A_1341 : vector<16xf32> to vector<16xi32>
        %parallel_loop3A_1345 = arith.sitofp %parallel_loop3A_1342 : vector<16xi32> to vector<16xf32>
        %parallel_loop3A_1346 = arith.subf %parallel_loop3A_1329, %parallel_loop3A_1345 : vector<16xf32>
        %parallel_loop3A_1347 = arith.sitofp %parallel_loop3A_1343 : vector<16xi32> to vector<16xf32>
        %parallel_loop3A_1348 = arith.subf %parallel_loop3A_1335, %parallel_loop3A_1347 : vector<16xf32>
        %parallel_loop3A_1349 = arith.sitofp %parallel_loop3A_1344 : vector<16xi32> to vector<16xf32>
        %parallel_loop3A_1350 = arith.subf %parallel_loop3A_1341, %parallel_loop3A_1349 : vector<16xf32>
        %parallel_loop3A_1351 = arith.constant 27 : i32
        %parallel_loop3A_1352 = vector.broadcast %parallel_loop3A_1351 : i32 to vector<16xi32>
        %parallel_loop3A_1353 = arith.muli %parallel_loop3A_1343, %parallel_loop3A_1352 : vector<16xi32>
        %parallel_loop3A_1354 = arith.addi %parallel_loop3A_1342, %parallel_loop3A_1353 : vector<16xi32>
        %parallel_loop3A_1355 = arith.constant 729 : i32
        %parallel_loop3A_1356 = vector.broadcast %parallel_loop3A_1355 : i32 to vector<16xi32>
        %parallel_loop3A_1357 = arith.muli %parallel_loop3A_1344, %parallel_loop3A_1356 : vector<16xi32>
        %parallel_loop3A_1358 = arith.addi %parallel_loop3A_1354, %parallel_loop3A_1357 : vector<16xi32>
        %parallel_loop3A_1359 = arith.constant 1.000000e+00 : f32
        %parallel_loop3A_1360 = vector.broadcast %parallel_loop3A_1359 : f32 to vector<16xf32>
        %parallel_loop3A_1361 = arith.subf %parallel_loop3A_1360, %parallel_loop3A_1346 : vector<16xf32>
        %parallel_loop3A_1362 = arith.constant 1.000000e+00 : f32
        %parallel_loop3A_1363 = vector.broadcast %parallel_loop3A_1362 : f32 to vector<16xf32>
        %parallel_loop3A_1364 = arith.subf %parallel_loop3A_1363, %parallel_loop3A_1348 : vector<16xf32>
        %parallel_loop3A_1365 = arith.constant 1.000000e+00 : f32
        %parallel_loop3A_1366 = vector.broadcast %parallel_loop3A_1365 : f32 to vector<16xf32>
        %parallel_loop3A_1367 = arith.subf %parallel_loop3A_1366, %parallel_loop3A_1350 : vector<16xf32>
        %parallel_loop3A_1368 = arith.constant 27400 : i32
        %parallel_loop3A_1369 = vector.broadcast %parallel_loop3A_1368 : i32 to vector<16xi32>
        %parallel_loop3A_1370 = arith.addi %parallel_loop3A_1358, %parallel_loop3A_1369 : vector<16xi32>
        %parallel_loop3A_1371 = tpu.vector_load_idx %arg15[%parallel_loop3A_1370] : memref<85296xi32, #tpu.memory_space<vmem>>[vector<16xi32>], vector<16xi32>,
        %parallel_loop3A_1372 = arith.constant 16 : i32
        %parallel_loop3A_1373 = vector.broadcast %parallel_loop3A_1372 : i32 to vector<16xi32>
        %parallel_loop3A_1374 = arith.shli %parallel_loop3A_1371, %parallel_loop3A_1373 : vector<16xi32>
        %parallel_loop3A_1375 = vector.bitcast %parallel_loop3A_1374 : vector<16xi32> to vector<16xf32>
        %parallel_loop3A_1376 = arith.constant -65536 : i32
        %parallel_loop3A_1377 = vector.broadcast %parallel_loop3A_1376 : i32 to vector<16xi32>
        %parallel_loop3A_1378 = arith.andi %parallel_loop3A_1371, %parallel_loop3A_1377 : vector<16xi32>
        %parallel_loop3A_1379 = vector.bitcast %parallel_loop3A_1378 : vector<16xi32> to vector<16xf32>
        %parallel_loop3A_1380 = arith.mulf %parallel_loop3A_1361, %parallel_loop3A_1364 : vector<16xf32>
        %parallel_loop3A_1381 = arith.mulf %parallel_loop3A_1380, %parallel_loop3A_1367 : vector<16xf32>
        %parallel_loop3A_1382 = arith.mulf %parallel_loop3A_1381, %parallel_loop3A_1375 : vector<16xf32>
        %parallel_loop3A_1383 = arith.mulf %parallel_loop3A_1381, %parallel_loop3A_1379 : vector<16xf32>
        %parallel_loop3A_1384 = arith.constant 27401 : i32
        %parallel_loop3A_1385 = vector.broadcast %parallel_loop3A_1384 : i32 to vector<16xi32>
        %parallel_loop3A_1386 = arith.addi %parallel_loop3A_1358, %parallel_loop3A_1385 : vector<16xi32>
        %parallel_loop3A_1387 = tpu.vector_load_idx %arg15[%parallel_loop3A_1386] : memref<85296xi32, #tpu.memory_space<vmem>>[vector<16xi32>], vector<16xi32>,
        %parallel_loop3A_1388 = arith.constant 16 : i32
        %parallel_loop3A_1389 = vector.broadcast %parallel_loop3A_1388 : i32 to vector<16xi32>
        %parallel_loop3A_1390 = arith.shli %parallel_loop3A_1387, %parallel_loop3A_1389 : vector<16xi32>
        %parallel_loop3A_1391 = vector.bitcast %parallel_loop3A_1390 : vector<16xi32> to vector<16xf32>
        %parallel_loop3A_1392 = arith.constant -65536 : i32
        %parallel_loop3A_1393 = vector.broadcast %parallel_loop3A_1392 : i32 to vector<16xi32>
        %parallel_loop3A_1394 = arith.andi %parallel_loop3A_1387, %parallel_loop3A_1393 : vector<16xi32>
        %parallel_loop3A_1395 = vector.bitcast %parallel_loop3A_1394 : vector<16xi32> to vector<16xf32>
        %parallel_loop3A_1396 = arith.mulf %parallel_loop3A_1346, %parallel_loop3A_1364 : vector<16xf32>
        %parallel_loop3A_1397 = arith.mulf %parallel_loop3A_1396, %parallel_loop3A_1367 : vector<16xf32>
        %parallel_loop3A_1398 = arith.mulf %parallel_loop3A_1397, %parallel_loop3A_1391 : vector<16xf32>
        %parallel_loop3A_1399 = arith.mulf %parallel_loop3A_1397, %parallel_loop3A_1395 : vector<16xf32>
        %parallel_loop3A_1400 = arith.constant 27427 : i32
        %parallel_loop3A_1401 = vector.broadcast %parallel_loop3A_1400 : i32 to vector<16xi32>
        %parallel_loop3A_1402 = arith.addi %parallel_loop3A_1358, %parallel_loop3A_1401 : vector<16xi32>
        %parallel_loop3A_1403 = tpu.vector_load_idx %arg15[%parallel_loop3A_1402] : memref<85296xi32, #tpu.memory_space<vmem>>[vector<16xi32>], vector<16xi32>,
        %parallel_loop3A_1404 = arith.constant 16 : i32
        %parallel_loop3A_1405 = vector.broadcast %parallel_loop3A_1404 : i32 to vector<16xi32>
        %parallel_loop3A_1406 = arith.shli %parallel_loop3A_1403, %parallel_loop3A_1405 : vector<16xi32>
        %parallel_loop3A_1407 = vector.bitcast %parallel_loop3A_1406 : vector<16xi32> to vector<16xf32>
        %parallel_loop3A_1408 = arith.constant -65536 : i32
        %parallel_loop3A_1409 = vector.broadcast %parallel_loop3A_1408 : i32 to vector<16xi32>
        %parallel_loop3A_1410 = arith.andi %parallel_loop3A_1403, %parallel_loop3A_1409 : vector<16xi32>
        %parallel_loop3A_1411 = vector.bitcast %parallel_loop3A_1410 : vector<16xi32> to vector<16xf32>
        %parallel_loop3A_1412 = arith.mulf %parallel_loop3A_1361, %parallel_loop3A_1348 : vector<16xf32>
        %parallel_loop3A_1413 = arith.mulf %parallel_loop3A_1412, %parallel_loop3A_1367 : vector<16xf32>
        %parallel_loop3A_1414 = arith.mulf %parallel_loop3A_1413, %parallel_loop3A_1407 : vector<16xf32>
        %parallel_loop3A_1415 = arith.mulf %parallel_loop3A_1413, %parallel_loop3A_1411 : vector<16xf32>
        %parallel_loop3A_1416 = arith.constant 27428 : i32
        %parallel_loop3A_1417 = vector.broadcast %parallel_loop3A_1416 : i32 to vector<16xi32>
        %parallel_loop3A_1418 = arith.addi %parallel_loop3A_1358, %parallel_loop3A_1417 : vector<16xi32>
        %parallel_loop3A_1419 = tpu.vector_load_idx %arg15[%parallel_loop3A_1418] : memref<85296xi32, #tpu.memory_space<vmem>>[vector<16xi32>], vector<16xi32>,
        %parallel_loop3A_1420 = arith.constant 16 : i32
        %parallel_loop3A_1421 = vector.broadcast %parallel_loop3A_1420 : i32 to vector<16xi32>
        %parallel_loop3A_1422 = arith.shli %parallel_loop3A_1419, %parallel_loop3A_1421 : vector<16xi32>
        %parallel_loop3A_1423 = vector.bitcast %parallel_loop3A_1422 : vector<16xi32> to vector<16xf32>
        %parallel_loop3A_1424 = arith.constant -65536 : i32
        %parallel_loop3A_1425 = vector.broadcast %parallel_loop3A_1424 : i32 to vector<16xi32>
        %parallel_loop3A_1426 = arith.andi %parallel_loop3A_1419, %parallel_loop3A_1425 : vector<16xi32>
        %parallel_loop3A_1427 = vector.bitcast %parallel_loop3A_1426 : vector<16xi32> to vector<16xf32>
        %parallel_loop3A_1428 = arith.mulf %parallel_loop3A_1346, %parallel_loop3A_1348 : vector<16xf32>
        %parallel_loop3A_1429 = arith.mulf %parallel_loop3A_1428, %parallel_loop3A_1367 : vector<16xf32>
        %parallel_loop3A_1430 = arith.mulf %parallel_loop3A_1429, %parallel_loop3A_1423 : vector<16xf32>
        %parallel_loop3A_1431 = arith.mulf %parallel_loop3A_1429, %parallel_loop3A_1427 : vector<16xf32>
        %parallel_loop3A_1432 = arith.constant 28129 : i32
        %parallel_loop3A_1433 = vector.broadcast %parallel_loop3A_1432 : i32 to vector<16xi32>
        %parallel_loop3A_1434 = arith.addi %parallel_loop3A_1358, %parallel_loop3A_1433 : vector<16xi32>
        %parallel_loop3A_1435 = tpu.vector_load_idx %arg15[%parallel_loop3A_1434] : memref<85296xi32, #tpu.memory_space<vmem>>[vector<16xi32>], vector<16xi32>,
        %parallel_loop3A_1436 = arith.constant 16 : i32
        %parallel_loop3A_1437 = vector.broadcast %parallel_loop3A_1436 : i32 to vector<16xi32>
        %parallel_loop3A_1438 = arith.shli %parallel_loop3A_1435, %parallel_loop3A_1437 : vector<16xi32>
        %parallel_loop3A_1439 = vector.bitcast %parallel_loop3A_1438 : vector<16xi32> to vector<16xf32>
        %parallel_loop3A_1440 = arith.constant -65536 : i32
        %parallel_loop3A_1441 = vector.broadcast %parallel_loop3A_1440 : i32 to vector<16xi32>
        %parallel_loop3A_1442 = arith.andi %parallel_loop3A_1435, %parallel_loop3A_1441 : vector<16xi32>
        %parallel_loop3A_1443 = vector.bitcast %parallel_loop3A_1442 : vector<16xi32> to vector<16xf32>
        %parallel_loop3A_1444 = arith.mulf %parallel_loop3A_1361, %parallel_loop3A_1364 : vector<16xf32>
        %parallel_loop3A_1445 = arith.mulf %parallel_loop3A_1444, %parallel_loop3A_1350 : vector<16xf32>
        %parallel_loop3A_1446 = arith.mulf %parallel_loop3A_1445, %parallel_loop3A_1439 : vector<16xf32>
        %parallel_loop3A_1447 = arith.mulf %parallel_loop3A_1445, %parallel_loop3A_1443 : vector<16xf32>
        %parallel_loop3A_1448 = arith.constant 28130 : i32
        %parallel_loop3A_1449 = vector.broadcast %parallel_loop3A_1448 : i32 to vector<16xi32>
        %parallel_loop3A_1450 = arith.addi %parallel_loop3A_1358, %parallel_loop3A_1449 : vector<16xi32>
        %parallel_loop3A_1451 = tpu.vector_load_idx %arg15[%parallel_loop3A_1450] : memref<85296xi32, #tpu.memory_space<vmem>>[vector<16xi32>], vector<16xi32>,
        %parallel_loop3A_1452 = arith.constant 16 : i32
        %parallel_loop3A_1453 = vector.broadcast %parallel_loop3A_1452 : i32 to vector<16xi32>
        %parallel_loop3A_1454 = arith.shli %parallel_loop3A_1451, %parallel_loop3A_1453 : vector<16xi32>
        %parallel_loop3A_1455 = vector.bitcast %parallel_loop3A_1454 : vector<16xi32> to vector<16xf32>
        %parallel_loop3A_1456 = arith.constant -65536 : i32
        %parallel_loop3A_1457 = vector.broadcast %parallel_loop3A_1456 : i32 to vector<16xi32>
        %parallel_loop3A_1458 = arith.andi %parallel_loop3A_1451, %parallel_loop3A_1457 : vector<16xi32>
        %parallel_loop3A_1459 = vector.bitcast %parallel_loop3A_1458 : vector<16xi32> to vector<16xf32>
        %parallel_loop3A_1460 = arith.mulf %parallel_loop3A_1346, %parallel_loop3A_1364 : vector<16xf32>
        %parallel_loop3A_1461 = arith.mulf %parallel_loop3A_1460, %parallel_loop3A_1350 : vector<16xf32>
        %parallel_loop3A_1462 = arith.mulf %parallel_loop3A_1461, %parallel_loop3A_1455 : vector<16xf32>
        %parallel_loop3A_1463 = arith.mulf %parallel_loop3A_1461, %parallel_loop3A_1459 : vector<16xf32>
        %parallel_loop3A_1464 = arith.constant 28156 : i32
        %parallel_loop3A_1465 = vector.broadcast %parallel_loop3A_1464 : i32 to vector<16xi32>
        %parallel_loop3A_1466 = arith.addi %parallel_loop3A_1358, %parallel_loop3A_1465 : vector<16xi32>
        %parallel_loop3A_1467 = tpu.vector_load_idx %arg15[%parallel_loop3A_1466] : memref<85296xi32, #tpu.memory_space<vmem>>[vector<16xi32>], vector<16xi32>,
        %parallel_loop3A_1468 = arith.constant 16 : i32
        %parallel_loop3A_1469 = vector.broadcast %parallel_loop3A_1468 : i32 to vector<16xi32>
        %parallel_loop3A_1470 = arith.shli %parallel_loop3A_1467, %parallel_loop3A_1469 : vector<16xi32>
        %parallel_loop3A_1471 = vector.bitcast %parallel_loop3A_1470 : vector<16xi32> to vector<16xf32>
        %parallel_loop3A_1472 = arith.constant -65536 : i32
        %parallel_loop3A_1473 = vector.broadcast %parallel_loop3A_1472 : i32 to vector<16xi32>
        %parallel_loop3A_1474 = arith.andi %parallel_loop3A_1467, %parallel_loop3A_1473 : vector<16xi32>
        %parallel_loop3A_1475 = vector.bitcast %parallel_loop3A_1474 : vector<16xi32> to vector<16xf32>
        %parallel_loop3A_1476 = arith.mulf %parallel_loop3A_1361, %parallel_loop3A_1348 : vector<16xf32>
        %parallel_loop3A_1477 = arith.mulf %parallel_loop3A_1476, %parallel_loop3A_1350 : vector<16xf32>
        %parallel_loop3A_1478 = arith.mulf %parallel_loop3A_1477, %parallel_loop3A_1471 : vector<16xf32>
        %parallel_loop3A_1479 = arith.mulf %parallel_loop3A_1477, %parallel_loop3A_1475 : vector<16xf32>
        %parallel_loop3A_1480 = arith.constant 28157 : i32
        %parallel_loop3A_1481 = vector.broadcast %parallel_loop3A_1480 : i32 to vector<16xi32>
        %parallel_loop3A_1482 = arith.addi %parallel_loop3A_1358, %parallel_loop3A_1481 : vector<16xi32>
        %parallel_loop3A_1483 = tpu.vector_load_idx %arg15[%parallel_loop3A_1482] : memref<85296xi32, #tpu.memory_space<vmem>>[vector<16xi32>], vector<16xi32>,
        %parallel_loop3A_1484 = arith.constant 16 : i32
        %parallel_loop3A_1485 = vector.broadcast %parallel_loop3A_1484 : i32 to vector<16xi32>
        %parallel_loop3A_1486 = arith.shli %parallel_loop3A_1483, %parallel_loop3A_1485 : vector<16xi32>
        %parallel_loop3A_1487 = vector.bitcast %parallel_loop3A_1486 : vector<16xi32> to vector<16xf32>
        %parallel_loop3A_1488 = arith.constant -65536 : i32
        %parallel_loop3A_1489 = vector.broadcast %parallel_loop3A_1488 : i32 to vector<16xi32>
        %parallel_loop3A_1490 = arith.andi %parallel_loop3A_1483, %parallel_loop3A_1489 : vector<16xi32>
        %parallel_loop3A_1491 = vector.bitcast %parallel_loop3A_1490 : vector<16xi32> to vector<16xf32>
        %parallel_loop3A_1492 = arith.mulf %parallel_loop3A_1346, %parallel_loop3A_1348 : vector<16xf32>
        %parallel_loop3A_1493 = arith.mulf %parallel_loop3A_1492, %parallel_loop3A_1350 : vector<16xf32>
        %parallel_loop3A_1494 = arith.mulf %parallel_loop3A_1493, %parallel_loop3A_1487 : vector<16xf32>
        %parallel_loop3A_1495 = arith.mulf %parallel_loop3A_1493, %parallel_loop3A_1491 : vector<16xf32>
        %parallel_loop3A_1496 = arith.addf %parallel_loop3A_1382, %parallel_loop3A_1398 : vector<16xf32>
        %parallel_loop3A_1497 = arith.addf %parallel_loop3A_1414, %parallel_loop3A_1430 : vector<16xf32>
        %parallel_loop3A_1498 = arith.addf %parallel_loop3A_1496, %parallel_loop3A_1497 : vector<16xf32>
        %parallel_loop3A_1499 = arith.addf %parallel_loop3A_1446, %parallel_loop3A_1462 : vector<16xf32>
        %parallel_loop3A_1500 = arith.addf %parallel_loop3A_1478, %parallel_loop3A_1494 : vector<16xf32>
        %parallel_loop3A_1501 = arith.addf %parallel_loop3A_1499, %parallel_loop3A_1500 : vector<16xf32>
        %parallel_loop3A_1502 = arith.addf %parallel_loop3A_1498, %parallel_loop3A_1501 : vector<16xf32>
        %parallel_loop3A_1503 = arith.addf %parallel_loop3A_1383, %parallel_loop3A_1399 : vector<16xf32>
        %parallel_loop3A_1504 = arith.addf %parallel_loop3A_1415, %parallel_loop3A_1431 : vector<16xf32>
        %parallel_loop3A_1505 = arith.addf %parallel_loop3A_1503, %parallel_loop3A_1504 : vector<16xf32>
        %parallel_loop3A_1506 = arith.addf %parallel_loop3A_1447, %parallel_loop3A_1463 : vector<16xf32>
        %parallel_loop3A_1507 = arith.addf %parallel_loop3A_1479, %parallel_loop3A_1495 : vector<16xf32>
        %parallel_loop3A_1508 = arith.addf %parallel_loop3A_1506, %parallel_loop3A_1507 : vector<16xf32>
        %parallel_loop3A_1509 = arith.addf %parallel_loop3A_1505, %parallel_loop3A_1508 : vector<16xf32>
        %parallel_loop3A_1510 = arith.constant 12 : i32
        %parallel_loop3A_1511 = vector.broadcast %parallel_loop3A_1510 : i32 to vector<16xi32>
        %parallel_loop3A_1512 = arith.addi %parallel_loop3A_171, %parallel_loop3A_1511 : vector<16xi32>
        tpu.vector_store_idx %arg13[%parallel_loop3A_165, %parallel_loop3A_1512], %parallel_loop3A_1502 : memref<64x128xf32, #tpu.memory_space<vmem>>[vector<16xi32>, vector<16xi32>], vector<16xf32>,
        %parallel_loop3A_1513 = arith.constant 1 : i32
        %parallel_loop3A_1514 = vector.broadcast %parallel_loop3A_1513 : i32 to vector<16xi32>
        %parallel_loop3A_1515 = arith.addi %parallel_loop3A_1512, %parallel_loop3A_1514 : vector<16xi32>
        tpu.vector_store_idx %arg13[%parallel_loop3A_165, %parallel_loop3A_1515], %parallel_loop3A_1509 : memref<64x128xf32, #tpu.memory_space<vmem>>[vector<16xi32>, vector<16xi32>], vector<16xf32>,
        %parallel_loop3A_1516 = arith.constant 3.100000e+01 : f32
        %parallel_loop3A_1517 = vector.broadcast %parallel_loop3A_1516 : f32 to vector<16xf32>
        %parallel_loop3A_1518 = arith.mulf %parallel_loop3A_156, %parallel_loop3A_1517 : vector<16xf32>
        %parallel_loop3A_1519 = arith.constant 5.000000e-01 : f32
        %parallel_loop3A_1520 = vector.broadcast %parallel_loop3A_1519 : f32 to vector<16xf32>
        %parallel_loop3A_1521 = arith.addf %parallel_loop3A_1518, %parallel_loop3A_1520 : vector<16xf32>
        %parallel_loop3A_1522 = arith.constant 3.100000e+01 : f32
        %parallel_loop3A_1523 = vector.broadcast %parallel_loop3A_1522 : f32 to vector<16xf32>
        %parallel_loop3A_1524 = arith.mulf %parallel_loop3A_158, %parallel_loop3A_1523 : vector<16xf32>
        %parallel_loop3A_1525 = arith.constant 5.000000e-01 : f32
        %parallel_loop3A_1526 = vector.broadcast %parallel_loop3A_1525 : f32 to vector<16xf32>
        %parallel_loop3A_1527 = arith.addf %parallel_loop3A_1524, %parallel_loop3A_1526 : vector<16xf32>
        %parallel_loop3A_1528 = arith.constant 3.100000e+01 : f32
        %parallel_loop3A_1529 = vector.broadcast %parallel_loop3A_1528 : f32 to vector<16xf32>
        %parallel_loop3A_1530 = arith.mulf %parallel_loop3A_160, %parallel_loop3A_1529 : vector<16xf32>
        %parallel_loop3A_1531 = arith.constant 5.000000e-01 : f32
        %parallel_loop3A_1532 = vector.broadcast %parallel_loop3A_1531 : f32 to vector<16xf32>
        %parallel_loop3A_1533 = arith.addf %parallel_loop3A_1530, %parallel_loop3A_1532 : vector<16xf32>
        %parallel_loop3A_1534 = arith.fptosi %parallel_loop3A_1521 : vector<16xf32> to vector<16xi32>
        %parallel_loop3A_1535 = arith.fptosi %parallel_loop3A_1527 : vector<16xf32> to vector<16xi32>
        %parallel_loop3A_1536 = arith.fptosi %parallel_loop3A_1533 : vector<16xf32> to vector<16xi32>
        %parallel_loop3A_1537 = arith.sitofp %parallel_loop3A_1534 : vector<16xi32> to vector<16xf32>
        %parallel_loop3A_1538 = arith.subf %parallel_loop3A_1521, %parallel_loop3A_1537 : vector<16xf32>
        %parallel_loop3A_1539 = arith.sitofp %parallel_loop3A_1535 : vector<16xi32> to vector<16xf32>
        %parallel_loop3A_1540 = arith.subf %parallel_loop3A_1527, %parallel_loop3A_1539 : vector<16xf32>
        %parallel_loop3A_1541 = arith.sitofp %parallel_loop3A_1536 : vector<16xi32> to vector<16xf32>
        %parallel_loop3A_1542 = arith.subf %parallel_loop3A_1533, %parallel_loop3A_1541 : vector<16xf32>
        %parallel_loop3A_1543 = arith.constant 32 : i32
        %parallel_loop3A_1544 = vector.broadcast %parallel_loop3A_1543 : i32 to vector<16xi32>
        %parallel_loop3A_1545 = arith.muli %parallel_loop3A_1535, %parallel_loop3A_1544 : vector<16xi32>
        %parallel_loop3A_1546 = arith.addi %parallel_loop3A_1534, %parallel_loop3A_1545 : vector<16xi32>
        %parallel_loop3A_1547 = arith.constant 1024 : i32
        %parallel_loop3A_1548 = vector.broadcast %parallel_loop3A_1547 : i32 to vector<16xi32>
        %parallel_loop3A_1549 = arith.muli %parallel_loop3A_1536, %parallel_loop3A_1548 : vector<16xi32>
        %parallel_loop3A_1550 = arith.addi %parallel_loop3A_1546, %parallel_loop3A_1549 : vector<16xi32>
        %parallel_loop3A_1551 = arith.constant 1.000000e+00 : f32
        %parallel_loop3A_1552 = vector.broadcast %parallel_loop3A_1551 : f32 to vector<16xf32>
        %parallel_loop3A_1553 = arith.subf %parallel_loop3A_1552, %parallel_loop3A_1538 : vector<16xf32>
        %parallel_loop3A_1554 = arith.constant 1.000000e+00 : f32
        %parallel_loop3A_1555 = vector.broadcast %parallel_loop3A_1554 : f32 to vector<16xf32>
        %parallel_loop3A_1556 = arith.subf %parallel_loop3A_1555, %parallel_loop3A_1540 : vector<16xf32>
        %parallel_loop3A_1557 = arith.constant 1.000000e+00 : f32
        %parallel_loop3A_1558 = vector.broadcast %parallel_loop3A_1557 : f32 to vector<16xf32>
        %parallel_loop3A_1559 = arith.subf %parallel_loop3A_1558, %parallel_loop3A_1542 : vector<16xf32>
        %parallel_loop3A_1560 = arith.constant 49352 : i32
        %parallel_loop3A_1561 = vector.broadcast %parallel_loop3A_1560 : i32 to vector<16xi32>
        %parallel_loop3A_1562 = arith.addi %parallel_loop3A_1550, %parallel_loop3A_1561 : vector<16xi32>
        %parallel_loop3A_1563 = tpu.vector_load_idx %arg15[%parallel_loop3A_1562] : memref<85296xi32, #tpu.memory_space<vmem>>[vector<16xi32>], vector<16xi32>,
        %parallel_loop3A_1564 = arith.constant 16 : i32
        %parallel_loop3A_1565 = vector.broadcast %parallel_loop3A_1564 : i32 to vector<16xi32>
        %parallel_loop3A_1566 = arith.shli %parallel_loop3A_1563, %parallel_loop3A_1565 : vector<16xi32>
        %parallel_loop3A_1567 = vector.bitcast %parallel_loop3A_1566 : vector<16xi32> to vector<16xf32>
        %parallel_loop3A_1568 = arith.constant -65536 : i32
        %parallel_loop3A_1569 = vector.broadcast %parallel_loop3A_1568 : i32 to vector<16xi32>
        %parallel_loop3A_1570 = arith.andi %parallel_loop3A_1563, %parallel_loop3A_1569 : vector<16xi32>
        %parallel_loop3A_1571 = vector.bitcast %parallel_loop3A_1570 : vector<16xi32> to vector<16xf32>
        %parallel_loop3A_1572 = arith.mulf %parallel_loop3A_1553, %parallel_loop3A_1556 : vector<16xf32>
        %parallel_loop3A_1573 = arith.mulf %parallel_loop3A_1572, %parallel_loop3A_1559 : vector<16xf32>
        %parallel_loop3A_1574 = arith.mulf %parallel_loop3A_1573, %parallel_loop3A_1567 : vector<16xf32>
        %parallel_loop3A_1575 = arith.mulf %parallel_loop3A_1573, %parallel_loop3A_1571 : vector<16xf32>
        %parallel_loop3A_1576 = arith.constant 49353 : i32
        %parallel_loop3A_1577 = vector.broadcast %parallel_loop3A_1576 : i32 to vector<16xi32>
        %parallel_loop3A_1578 = arith.addi %parallel_loop3A_1550, %parallel_loop3A_1577 : vector<16xi32>
        %parallel_loop3A_1579 = tpu.vector_load_idx %arg15[%parallel_loop3A_1578] : memref<85296xi32, #tpu.memory_space<vmem>>[vector<16xi32>], vector<16xi32>,
        %parallel_loop3A_1580 = arith.constant 16 : i32
        %parallel_loop3A_1581 = vector.broadcast %parallel_loop3A_1580 : i32 to vector<16xi32>
        %parallel_loop3A_1582 = arith.shli %parallel_loop3A_1579, %parallel_loop3A_1581 : vector<16xi32>
        %parallel_loop3A_1583 = vector.bitcast %parallel_loop3A_1582 : vector<16xi32> to vector<16xf32>
        %parallel_loop3A_1584 = arith.constant -65536 : i32
        %parallel_loop3A_1585 = vector.broadcast %parallel_loop3A_1584 : i32 to vector<16xi32>
        %parallel_loop3A_1586 = arith.andi %parallel_loop3A_1579, %parallel_loop3A_1585 : vector<16xi32>
        %parallel_loop3A_1587 = vector.bitcast %parallel_loop3A_1586 : vector<16xi32> to vector<16xf32>
        %parallel_loop3A_1588 = arith.mulf %parallel_loop3A_1538, %parallel_loop3A_1556 : vector<16xf32>
        %parallel_loop3A_1589 = arith.mulf %parallel_loop3A_1588, %parallel_loop3A_1559 : vector<16xf32>
        %parallel_loop3A_1590 = arith.mulf %parallel_loop3A_1589, %parallel_loop3A_1583 : vector<16xf32>
        %parallel_loop3A_1591 = arith.mulf %parallel_loop3A_1589, %parallel_loop3A_1587 : vector<16xf32>
        %parallel_loop3A_1592 = arith.constant 49384 : i32
        %parallel_loop3A_1593 = vector.broadcast %parallel_loop3A_1592 : i32 to vector<16xi32>
        %parallel_loop3A_1594 = arith.addi %parallel_loop3A_1550, %parallel_loop3A_1593 : vector<16xi32>
        %parallel_loop3A_1595 = tpu.vector_load_idx %arg15[%parallel_loop3A_1594] : memref<85296xi32, #tpu.memory_space<vmem>>[vector<16xi32>], vector<16xi32>,
        %parallel_loop3A_1596 = arith.constant 16 : i32
        %parallel_loop3A_1597 = vector.broadcast %parallel_loop3A_1596 : i32 to vector<16xi32>
        %parallel_loop3A_1598 = arith.shli %parallel_loop3A_1595, %parallel_loop3A_1597 : vector<16xi32>
        %parallel_loop3A_1599 = vector.bitcast %parallel_loop3A_1598 : vector<16xi32> to vector<16xf32>
        %parallel_loop3A_1600 = arith.constant -65536 : i32
        %parallel_loop3A_1601 = vector.broadcast %parallel_loop3A_1600 : i32 to vector<16xi32>
        %parallel_loop3A_1602 = arith.andi %parallel_loop3A_1595, %parallel_loop3A_1601 : vector<16xi32>
        %parallel_loop3A_1603 = vector.bitcast %parallel_loop3A_1602 : vector<16xi32> to vector<16xf32>
        %parallel_loop3A_1604 = arith.mulf %parallel_loop3A_1553, %parallel_loop3A_1540 : vector<16xf32>
        %parallel_loop3A_1605 = arith.mulf %parallel_loop3A_1604, %parallel_loop3A_1559 : vector<16xf32>
        %parallel_loop3A_1606 = arith.mulf %parallel_loop3A_1605, %parallel_loop3A_1599 : vector<16xf32>
        %parallel_loop3A_1607 = arith.mulf %parallel_loop3A_1605, %parallel_loop3A_1603 : vector<16xf32>
        %parallel_loop3A_1608 = arith.constant 49385 : i32
        %parallel_loop3A_1609 = vector.broadcast %parallel_loop3A_1608 : i32 to vector<16xi32>
        %parallel_loop3A_1610 = arith.addi %parallel_loop3A_1550, %parallel_loop3A_1609 : vector<16xi32>
        %parallel_loop3A_1611 = tpu.vector_load_idx %arg15[%parallel_loop3A_1610] : memref<85296xi32, #tpu.memory_space<vmem>>[vector<16xi32>], vector<16xi32>,
        %parallel_loop3A_1612 = arith.constant 16 : i32
        %parallel_loop3A_1613 = vector.broadcast %parallel_loop3A_1612 : i32 to vector<16xi32>
        %parallel_loop3A_1614 = arith.shli %parallel_loop3A_1611, %parallel_loop3A_1613 : vector<16xi32>
        %parallel_loop3A_1615 = vector.bitcast %parallel_loop3A_1614 : vector<16xi32> to vector<16xf32>
        %parallel_loop3A_1616 = arith.constant -65536 : i32
        %parallel_loop3A_1617 = vector.broadcast %parallel_loop3A_1616 : i32 to vector<16xi32>
        %parallel_loop3A_1618 = arith.andi %parallel_loop3A_1611, %parallel_loop3A_1617 : vector<16xi32>
        %parallel_loop3A_1619 = vector.bitcast %parallel_loop3A_1618 : vector<16xi32> to vector<16xf32>
        %parallel_loop3A_1620 = arith.mulf %parallel_loop3A_1538, %parallel_loop3A_1540 : vector<16xf32>
        %parallel_loop3A_1621 = arith.mulf %parallel_loop3A_1620, %parallel_loop3A_1559 : vector<16xf32>
        %parallel_loop3A_1622 = arith.mulf %parallel_loop3A_1621, %parallel_loop3A_1615 : vector<16xf32>
        %parallel_loop3A_1623 = arith.mulf %parallel_loop3A_1621, %parallel_loop3A_1619 : vector<16xf32>
        %parallel_loop3A_1624 = arith.constant 50376 : i32
        %parallel_loop3A_1625 = vector.broadcast %parallel_loop3A_1624 : i32 to vector<16xi32>
        %parallel_loop3A_1626 = arith.addi %parallel_loop3A_1550, %parallel_loop3A_1625 : vector<16xi32>
        %parallel_loop3A_1627 = tpu.vector_load_idx %arg15[%parallel_loop3A_1626] : memref<85296xi32, #tpu.memory_space<vmem>>[vector<16xi32>], vector<16xi32>,
        %parallel_loop3A_1628 = arith.constant 16 : i32
        %parallel_loop3A_1629 = vector.broadcast %parallel_loop3A_1628 : i32 to vector<16xi32>
        %parallel_loop3A_1630 = arith.shli %parallel_loop3A_1627, %parallel_loop3A_1629 : vector<16xi32>
        %parallel_loop3A_1631 = vector.bitcast %parallel_loop3A_1630 : vector<16xi32> to vector<16xf32>
        %parallel_loop3A_1632 = arith.constant -65536 : i32
        %parallel_loop3A_1633 = vector.broadcast %parallel_loop3A_1632 : i32 to vector<16xi32>
        %parallel_loop3A_1634 = arith.andi %parallel_loop3A_1627, %parallel_loop3A_1633 : vector<16xi32>
        %parallel_loop3A_1635 = vector.bitcast %parallel_loop3A_1634 : vector<16xi32> to vector<16xf32>
        %parallel_loop3A_1636 = arith.mulf %parallel_loop3A_1553, %parallel_loop3A_1556 : vector<16xf32>
        %parallel_loop3A_1637 = arith.mulf %parallel_loop3A_1636, %parallel_loop3A_1542 : vector<16xf32>
        %parallel_loop3A_1638 = arith.mulf %parallel_loop3A_1637, %parallel_loop3A_1631 : vector<16xf32>
        %parallel_loop3A_1639 = arith.mulf %parallel_loop3A_1637, %parallel_loop3A_1635 : vector<16xf32>
        %parallel_loop3A_1640 = arith.constant 50377 : i32
        %parallel_loop3A_1641 = vector.broadcast %parallel_loop3A_1640 : i32 to vector<16xi32>
        %parallel_loop3A_1642 = arith.addi %parallel_loop3A_1550, %parallel_loop3A_1641 : vector<16xi32>
        %parallel_loop3A_1643 = tpu.vector_load_idx %arg15[%parallel_loop3A_1642] : memref<85296xi32, #tpu.memory_space<vmem>>[vector<16xi32>], vector<16xi32>,
        %parallel_loop3A_1644 = arith.constant 16 : i32
        %parallel_loop3A_1645 = vector.broadcast %parallel_loop3A_1644 : i32 to vector<16xi32>
        %parallel_loop3A_1646 = arith.shli %parallel_loop3A_1643, %parallel_loop3A_1645 : vector<16xi32>
        %parallel_loop3A_1647 = vector.bitcast %parallel_loop3A_1646 : vector<16xi32> to vector<16xf32>
        %parallel_loop3A_1648 = arith.constant -65536 : i32
        %parallel_loop3A_1649 = vector.broadcast %parallel_loop3A_1648 : i32 to vector<16xi32>
        %parallel_loop3A_1650 = arith.andi %parallel_loop3A_1643, %parallel_loop3A_1649 : vector<16xi32>
        %parallel_loop3A_1651 = vector.bitcast %parallel_loop3A_1650 : vector<16xi32> to vector<16xf32>
        %parallel_loop3A_1652 = arith.mulf %parallel_loop3A_1538, %parallel_loop3A_1556 : vector<16xf32>
        %parallel_loop3A_1653 = arith.mulf %parallel_loop3A_1652, %parallel_loop3A_1542 : vector<16xf32>
        %parallel_loop3A_1654 = arith.mulf %parallel_loop3A_1653, %parallel_loop3A_1647 : vector<16xf32>
        %parallel_loop3A_1655 = arith.mulf %parallel_loop3A_1653, %parallel_loop3A_1651 : vector<16xf32>
        %parallel_loop3A_1656 = arith.constant 50408 : i32
        %parallel_loop3A_1657 = vector.broadcast %parallel_loop3A_1656 : i32 to vector<16xi32>
        %parallel_loop3A_1658 = arith.addi %parallel_loop3A_1550, %parallel_loop3A_1657 : vector<16xi32>
        %parallel_loop3A_1659 = tpu.vector_load_idx %arg15[%parallel_loop3A_1658] : memref<85296xi32, #tpu.memory_space<vmem>>[vector<16xi32>], vector<16xi32>,
        %parallel_loop3A_1660 = arith.constant 16 : i32
        %parallel_loop3A_1661 = vector.broadcast %parallel_loop3A_1660 : i32 to vector<16xi32>
        %parallel_loop3A_1662 = arith.shli %parallel_loop3A_1659, %parallel_loop3A_1661 : vector<16xi32>
        %parallel_loop3A_1663 = vector.bitcast %parallel_loop3A_1662 : vector<16xi32> to vector<16xf32>
        %parallel_loop3A_1664 = arith.constant -65536 : i32
        %parallel_loop3A_1665 = vector.broadcast %parallel_loop3A_1664 : i32 to vector<16xi32>
        %parallel_loop3A_1666 = arith.andi %parallel_loop3A_1659, %parallel_loop3A_1665 : vector<16xi32>
        %parallel_loop3A_1667 = vector.bitcast %parallel_loop3A_1666 : vector<16xi32> to vector<16xf32>
        %parallel_loop3A_1668 = arith.mulf %parallel_loop3A_1553, %parallel_loop3A_1540 : vector<16xf32>
        %parallel_loop3A_1669 = arith.mulf %parallel_loop3A_1668, %parallel_loop3A_1542 : vector<16xf32>
        %parallel_loop3A_1670 = arith.mulf %parallel_loop3A_1669, %parallel_loop3A_1663 : vector<16xf32>
        %parallel_loop3A_1671 = arith.mulf %parallel_loop3A_1669, %parallel_loop3A_1667 : vector<16xf32>
        %parallel_loop3A_1672 = arith.constant 50409 : i32
        %parallel_loop3A_1673 = vector.broadcast %parallel_loop3A_1672 : i32 to vector<16xi32>
        %parallel_loop3A_1674 = arith.addi %parallel_loop3A_1550, %parallel_loop3A_1673 : vector<16xi32>
        %parallel_loop3A_1675 = tpu.vector_load_idx %arg15[%parallel_loop3A_1674] : memref<85296xi32, #tpu.memory_space<vmem>>[vector<16xi32>], vector<16xi32>,
        %parallel_loop3A_1676 = arith.constant 16 : i32
        %parallel_loop3A_1677 = vector.broadcast %parallel_loop3A_1676 : i32 to vector<16xi32>
        %parallel_loop3A_1678 = arith.shli %parallel_loop3A_1675, %parallel_loop3A_1677 : vector<16xi32>
        %parallel_loop3A_1679 = vector.bitcast %parallel_loop3A_1678 : vector<16xi32> to vector<16xf32>
        %parallel_loop3A_1680 = arith.constant -65536 : i32
        %parallel_loop3A_1681 = vector.broadcast %parallel_loop3A_1680 : i32 to vector<16xi32>
        %parallel_loop3A_1682 = arith.andi %parallel_loop3A_1675, %parallel_loop3A_1681 : vector<16xi32>
        %parallel_loop3A_1683 = vector.bitcast %parallel_loop3A_1682 : vector<16xi32> to vector<16xf32>
        %parallel_loop3A_1684 = arith.mulf %parallel_loop3A_1538, %parallel_loop3A_1540 : vector<16xf32>
        %parallel_loop3A_1685 = arith.mulf %parallel_loop3A_1684, %parallel_loop3A_1542 : vector<16xf32>
        %parallel_loop3A_1686 = arith.mulf %parallel_loop3A_1685, %parallel_loop3A_1679 : vector<16xf32>
        %parallel_loop3A_1687 = arith.mulf %parallel_loop3A_1685, %parallel_loop3A_1683 : vector<16xf32>
        %parallel_loop3A_1688 = arith.addf %parallel_loop3A_1574, %parallel_loop3A_1590 : vector<16xf32>
        %parallel_loop3A_1689 = arith.addf %parallel_loop3A_1606, %parallel_loop3A_1622 : vector<16xf32>
        %parallel_loop3A_1690 = arith.addf %parallel_loop3A_1688, %parallel_loop3A_1689 : vector<16xf32>
        %parallel_loop3A_1691 = arith.addf %parallel_loop3A_1638, %parallel_loop3A_1654 : vector<16xf32>
        %parallel_loop3A_1692 = arith.addf %parallel_loop3A_1670, %parallel_loop3A_1686 : vector<16xf32>
        %parallel_loop3A_1693 = arith.addf %parallel_loop3A_1691, %parallel_loop3A_1692 : vector<16xf32>
        %parallel_loop3A_1694 = arith.addf %parallel_loop3A_1690, %parallel_loop3A_1693 : vector<16xf32>
        %parallel_loop3A_1695 = arith.addf %parallel_loop3A_1575, %parallel_loop3A_1591 : vector<16xf32>
        %parallel_loop3A_1696 = arith.addf %parallel_loop3A_1607, %parallel_loop3A_1623 : vector<16xf32>
        %parallel_loop3A_1697 = arith.addf %parallel_loop3A_1695, %parallel_loop3A_1696 : vector<16xf32>
        %parallel_loop3A_1698 = arith.addf %parallel_loop3A_1639, %parallel_loop3A_1655 : vector<16xf32>
        %parallel_loop3A_1699 = arith.addf %parallel_loop3A_1671, %parallel_loop3A_1687 : vector<16xf32>
        %parallel_loop3A_1700 = arith.addf %parallel_loop3A_1698, %parallel_loop3A_1699 : vector<16xf32>
        %parallel_loop3A_1701 = arith.addf %parallel_loop3A_1697, %parallel_loop3A_1700 : vector<16xf32>
        %parallel_loop3A_1702 = arith.constant 14 : i32
        %parallel_loop3A_1703 = vector.broadcast %parallel_loop3A_1702 : i32 to vector<16xi32>
        %parallel_loop3A_1704 = arith.addi %parallel_loop3A_171, %parallel_loop3A_1703 : vector<16xi32>
        tpu.vector_store_idx %arg13[%parallel_loop3A_165, %parallel_loop3A_1704], %parallel_loop3A_1694 : memref<64x128xf32, #tpu.memory_space<vmem>>[vector<16xi32>, vector<16xi32>], vector<16xf32>,
        %parallel_loop3A_1705 = arith.constant 1 : i32
        %parallel_loop3A_1706 = vector.broadcast %parallel_loop3A_1705 : i32 to vector<16xi32>
        %parallel_loop3A_1707 = arith.addi %parallel_loop3A_1704, %parallel_loop3A_1706 : vector<16xi32>
        tpu.vector_store_idx %arg13[%parallel_loop3A_165, %parallel_loop3A_1707], %parallel_loop3A_1701 : memref<64x128xf32, #tpu.memory_space<vmem>>[vector<16xi32>, vector<16xi32>], vector<16xf32>,
      } {sc.loop_unroll_factor = 2 : i64, sc.parallel_access}
      %mul3A_63 = arith.constant 16384 : i32
      %mul3A_64 = arith.muli %add3A, %mul3A_63 : i32
      %mul3A_65 = arith.constant 512 : i32
      %mul3A_66 = arith.muli %add3A_31, %mul3A_65 : i32
      %add3A_67 = arith.addi %mul3A_64, %mul3A_66 : i32
      %jit3A = arith.constant 8 : i32
      %div3A = arith.divsi %add3A_67, %jit3A : i32
      %sign3A = arith.constant 0 : i32
      %sign3A_68 = arith.cmpi sgt, %add3A_67, %sign3A : i32
      %sign3A_69 = arith.extui %sign3A_68 : i1 to i32
      %sign3A_70 = arith.constant 0 : i32
      %sign3A_71 = arith.cmpi slt, %add3A_67, %sign3A_70 : i32
      %sign3A_72 = arith.extui %sign3A_71 : i1 to i32
      %sign3A_73 = arith.subi %sign3A_69, %sign3A_72 : i32
      %sign3A_74 = arith.constant 0 : i32
      %sign3A_75 = arith.cmpi sgt, %jit3A, %sign3A_74 : i32
      %sign3A_76 = arith.extui %sign3A_75 : i1 to i32
      %sign3A_77 = arith.constant 0 : i32
      %sign3A_78 = arith.cmpi slt, %jit3A, %sign3A_77 : i32
      %sign3A_79 = arith.extui %sign3A_78 : i1 to i32
      %sign3A_80 = arith.subi %sign3A_76, %sign3A_79 : i32
      %ne3A = arith.cmpi ne, %sign3A_73, %sign3A_80 : i32
      %rem3A = arith.remsi %add3A_67, %jit3A : i32
      %ne3A_81 = arith.constant 0 : i32
      %ne3A_82 = arith.cmpi ne, %rem3A, %ne3A_81 : i32
      %and3A = arith.andi %ne3A, %ne3A_82 : i1
      %sub3A = arith.constant 1 : i32
      %sub3A_83 = arith.subi %div3A, %sub3A : i32
      %select_n3A = arith.select %and3A, %sub3A_83, %div3A : i32
      %multiple_of3A = tpu.assume_multiple %select_n3A, 8 : i32
      %dma_start3A_84 = arith.constant 0 : i32
      %dma_start3A_85 = tpu.memref_slice %arg6[%multiple_of3A, %dma_start3A_84] : memref<65536x128xf32, #tpu.memory_space<hbm>> -> memref<64x128xf32, #tpu.memory_space<hbm>>
      %dma_start3A_86 = arith.constant 0 : i32
      %dma_start3A_87 = tpu.memref_slice %arg6[%multiple_of3A, %dma_start3A_86] : memref<65536x128xf32, #tpu.memory_space<hbm>> -> memref<64x128xf32, #tpu.memory_space<hbm>>
      tpu.enqueue_dma source(%arg13 : memref<64x128xf32, #tpu.memory_space<vmem>>) target(%dma_start3A_87 : memref<64x128xf32, #tpu.memory_space<hbm>>) target_semaphore(%arg18 : memref<!tpu.dma_semaphore, #tpu.memory_space<semaphore_mem>>)
      %dma_wait3A_88 = arith.constant 0 : i32
      %dma_wait3A_89 = tpu.memref_slice %arg2[%dma_wait3A_88] : memref<524288xf32, #tpu.memory_space<hbm>> -> memref<512xf32, #tpu.memory_space<hbm>>
      %dma_wait3A_90 = arith.constant 0 : i32
      %dma_wait3A_91 = tpu.memref_slice %arg2[%dma_wait3A_90] : memref<524288xf32, #tpu.memory_space<hbm>> -> memref<512xf32, #tpu.memory_space<hbm>>
      tpu.wait_dma2 semaphore(%arg17 : memref<!tpu.dma_semaphore, #tpu.memory_space<semaphore_mem>>) src(%dma_wait3A_91 : memref<512xf32, #tpu.memory_space<hbm>>) dst(%arg10 : memref<512xf32, #tpu.memory_space<vmem>>)
      %dma_wait3A_92 = arith.constant 0 : i32
      %dma_wait3A_93 = tpu.memref_slice %arg3[%dma_wait3A_92] : memref<524288xf32, #tpu.memory_space<hbm>> -> memref<512xf32, #tpu.memory_space<hbm>>
      %dma_wait3A_94 = arith.constant 0 : i32
      %dma_wait3A_95 = tpu.memref_slice %arg3[%dma_wait3A_94] : memref<524288xf32, #tpu.memory_space<hbm>> -> memref<512xf32, #tpu.memory_space<hbm>>
      tpu.wait_dma2 semaphore(%arg17 : memref<!tpu.dma_semaphore, #tpu.memory_space<semaphore_mem>>) src(%dma_wait3A_95 : memref<512xf32, #tpu.memory_space<hbm>>) dst(%arg11 : memref<512xf32, #tpu.memory_space<vmem>>)
      %dma_wait3A_96 = arith.constant 0 : i32
      %dma_wait3A_97 = tpu.memref_slice %arg4[%dma_wait3A_96] : memref<524288xf32, #tpu.memory_space<hbm>> -> memref<512xf32, #tpu.memory_space<hbm>>
      %dma_wait3A_98 = arith.constant 0 : i32
      %dma_wait3A_99 = tpu.memref_slice %arg4[%dma_wait3A_98] : memref<524288xf32, #tpu.memory_space<hbm>> -> memref<512xf32, #tpu.memory_space<hbm>>
      tpu.wait_dma2 semaphore(%arg17 : memref<!tpu.dma_semaphore, #tpu.memory_space<semaphore_mem>>) src(%dma_wait3A_99 : memref<512xf32, #tpu.memory_space<hbm>>) dst(%arg12 : memref<512xf32, #tpu.memory_space<vmem>>)
      %add3A_100 = arith.constant 2 : i32
      %add3A_101 = arith.addi %add3A_31, %add3A_100 : i32
      %lt3A = arith.constant 32 : i32
      %lt3A_102 = arith.cmpi slt, %add3A_101, %lt3A : i32
      %convert_element_type3A_103 = arith.extui %lt3A_102 : i1 to i32
      %cond3A_104 = arith.constant 0 : i32
      %cond3A_105 = arith.cmpi ne, %convert_element_type3A_103, %cond3A_104 : i32
      scf.if %cond3A_105 {
        %add3A_152 = arith.constant 2 : i32
        %add3A_153 = arith.addi %add3A_31, %add3A_152 : i32
        %mul3A_154 = arith.constant 16384 : i32
        %mul3A_155 = arith.muli %add3A, %mul3A_154 : i32
        %add3A_156 = arith.constant 0 : i32
        %add3A_157 = arith.addi %add3A_156, %mul3A_155 : i32
        %mul3A_158 = arith.constant 512 : i32
        %mul3A_159 = arith.muli %add3A_153, %mul3A_158 : i32
        %add3A_160 = arith.addi %add3A_157, %mul3A_159 : i32
        %dma_start3A_161 = tpu.memref_slice %arg2[%add3A_160] : memref<524288xf32, #tpu.memory_space<hbm>> -> memref<512xf32, #tpu.memory_space<hbm>>
        %dma_start3A_162 = tpu.memref_slice %arg2[%add3A_160] : memref<524288xf32, #tpu.memory_space<hbm>> -> memref<512xf32, #tpu.memory_space<hbm>>
        tpu.enqueue_dma source(%dma_start3A_162 : memref<512xf32, #tpu.memory_space<hbm>>) target(%arg7 : memref<512xf32, #tpu.memory_space<vmem>>) target_semaphore(%arg16 : memref<!tpu.dma_semaphore, #tpu.memory_space<semaphore_mem>>)
        %dma_start3A_163 = tpu.memref_slice %arg3[%add3A_160] : memref<524288xf32, #tpu.memory_space<hbm>> -> memref<512xf32, #tpu.memory_space<hbm>>
        %dma_start3A_164 = tpu.memref_slice %arg3[%add3A_160] : memref<524288xf32, #tpu.memory_space<hbm>> -> memref<512xf32, #tpu.memory_space<hbm>>
        tpu.enqueue_dma source(%dma_start3A_164 : memref<512xf32, #tpu.memory_space<hbm>>) target(%arg8 : memref<512xf32, #tpu.memory_space<vmem>>) target_semaphore(%arg16 : memref<!tpu.dma_semaphore, #tpu.memory_space<semaphore_mem>>)
        %dma_start3A_165 = tpu.memref_slice %arg4[%add3A_160] : memref<524288xf32, #tpu.memory_space<hbm>> -> memref<512xf32, #tpu.memory_space<hbm>>
        %dma_start3A_166 = tpu.memref_slice %arg4[%add3A_160] : memref<524288xf32, #tpu.memory_space<hbm>> -> memref<512xf32, #tpu.memory_space<hbm>>
        tpu.enqueue_dma source(%dma_start3A_166 : memref<512xf32, #tpu.memory_space<hbm>>) target(%arg9 : memref<512xf32, #tpu.memory_space<vmem>>) target_semaphore(%arg16 : memref<!tpu.dma_semaphore, #tpu.memory_space<semaphore_mem>>)
      } else {
      }
      %gt3A_106 = arith.constant 0 : i32
      %gt3A_107 = arith.cmpi sgt, %add3A_31, %gt3A_106 : i32
      %convert_element_type3A_108 = arith.extui %gt3A_107 : i1 to i32
      %cond3A_109 = arith.constant 0 : i32
      %cond3A_110 = arith.cmpi ne, %convert_element_type3A_108, %cond3A_109 : i32
      scf.if %cond3A_110 {
        %dma_wait3A_152 = arith.constant 0 : i32
        %dma_wait3A_153 = arith.constant 0 : i32
        %dma_wait3A_154 = tpu.memref_slice %arg6[%dma_wait3A_152, %dma_wait3A_153] : memref<65536x128xf32, #tpu.memory_space<hbm>> -> memref<64x128xf32, #tpu.memory_space<hbm>>
        %dma_wait3A_155 = arith.constant 0 : i32
        %dma_wait3A_156 = arith.constant 0 : i32
        %dma_wait3A_157 = tpu.memref_slice %arg6[%dma_wait3A_155, %dma_wait3A_156] : memref<65536x128xf32, #tpu.memory_space<hbm>> -> memref<64x128xf32, #tpu.memory_space<hbm>>
        tpu.wait_dma2 semaphore(%arg19 : memref<!tpu.dma_semaphore, #tpu.memory_space<semaphore_mem>>) src(%arg14 : memref<64x128xf32, #tpu.memory_space<vmem>>) dst(%dma_wait3A_157 : memref<64x128xf32, #tpu.memory_space<hbm>>)
      } else {
      }
      %add3A_111 = arith.constant 1 : i32
      %add3A_112 = arith.addi %add3A_31, %add3A_111 : i32
      %parallel_loop3A_113 = arith.constant 0 : i32
      %parallel_loop3A_114 = arith.constant 32 : i32
      %parallel_loop3A_115 = arith.constant 1 : i32
      scf.for %parallel_loop3A_152 = %parallel_loop3A_113 to %parallel_loop3A_114 step %parallel_loop3A_115  : i32 {
        %parallel_loop3A_153 = arith.constant 16 : i32
        %parallel_loop3A_154 = arith.muli %parallel_loop3A_152, %parallel_loop3A_153 : i32
        %parallel_loop3A_155 = arith.index_cast %parallel_loop3A_154 : i32 to index
        %parallel_loop3A_156 = tpu.vector_load %arg10[%parallel_loop3A_155] {strides = array<i32>} : memref<512xf32, #tpu.memory_space<vmem>>, vector<16xf32>,
        %parallel_loop3A_157 = arith.index_cast %parallel_loop3A_154 : i32 to index
        %parallel_loop3A_158 = tpu.vector_load %arg11[%parallel_loop3A_157] {strides = array<i32>} : memref<512xf32, #tpu.memory_space<vmem>>, vector<16xf32>,
        %parallel_loop3A_159 = arith.index_cast %parallel_loop3A_154 : i32 to index
        %parallel_loop3A_160 = tpu.vector_load %arg12[%parallel_loop3A_159] {strides = array<i32>} : memref<512xf32, #tpu.memory_space<vmem>>, vector<16xf32>,
        %parallel_loop3A_161 = vector.broadcast %parallel_loop3A_154 : i32 to vector<16xi32>
        %parallel_loop3A_162 = arith.addi %iota3A, %parallel_loop3A_161 : vector<16xi32>
        %parallel_loop3A_163 = arith.constant 3 : i32
        %parallel_loop3A_164 = vector.broadcast %parallel_loop3A_163 : i32 to vector<16xi32>
        %parallel_loop3A_165 = arith.shrui %parallel_loop3A_162, %parallel_loop3A_164 : vector<16xi32>
        %parallel_loop3A_166 = arith.constant 7 : i32
        %parallel_loop3A_167 = vector.broadcast %parallel_loop3A_166 : i32 to vector<16xi32>
        %parallel_loop3A_168 = arith.andi %parallel_loop3A_162, %parallel_loop3A_167 : vector<16xi32>
        %parallel_loop3A_169 = arith.constant 4 : i32
        %parallel_loop3A_170 = vector.broadcast %parallel_loop3A_169 : i32 to vector<16xi32>
        %parallel_loop3A_171 = arith.shli %parallel_loop3A_168, %parallel_loop3A_170 : vector<16xi32>
        %parallel_loop3A_172 = arith.constant 7.000000e+00 : f32
        %parallel_loop3A_173 = vector.broadcast %parallel_loop3A_172 : f32 to vector<16xf32>
        %parallel_loop3A_174 = arith.mulf %parallel_loop3A_156, %parallel_loop3A_173 : vector<16xf32>
        %parallel_loop3A_175 = arith.constant 5.000000e-01 : f32
        %parallel_loop3A_176 = vector.broadcast %parallel_loop3A_175 : f32 to vector<16xf32>
        %parallel_loop3A_177 = arith.addf %parallel_loop3A_174, %parallel_loop3A_176 : vector<16xf32>
        %parallel_loop3A_178 = arith.constant 7.000000e+00 : f32
        %parallel_loop3A_179 = vector.broadcast %parallel_loop3A_178 : f32 to vector<16xf32>
        %parallel_loop3A_180 = arith.mulf %parallel_loop3A_158, %parallel_loop3A_179 : vector<16xf32>
        %parallel_loop3A_181 = arith.constant 5.000000e-01 : f32
        %parallel_loop3A_182 = vector.broadcast %parallel_loop3A_181 : f32 to vector<16xf32>
        %parallel_loop3A_183 = arith.addf %parallel_loop3A_180, %parallel_loop3A_182 : vector<16xf32>
        %parallel_loop3A_184 = arith.constant 7.000000e+00 : f32
        %parallel_loop3A_185 = vector.broadcast %parallel_loop3A_184 : f32 to vector<16xf32>
        %parallel_loop3A_186 = arith.mulf %parallel_loop3A_160, %parallel_loop3A_185 : vector<16xf32>
        %parallel_loop3A_187 = arith.constant 5.000000e-01 : f32
        %parallel_loop3A_188 = vector.broadcast %parallel_loop3A_187 : f32 to vector<16xf32>
        %parallel_loop3A_189 = arith.addf %parallel_loop3A_186, %parallel_loop3A_188 : vector<16xf32>
        %parallel_loop3A_190 = arith.fptosi %parallel_loop3A_177 : vector<16xf32> to vector<16xi32>
        %parallel_loop3A_191 = arith.fptosi %parallel_loop3A_183 : vector<16xf32> to vector<16xi32>
        %parallel_loop3A_192 = arith.fptosi %parallel_loop3A_189 : vector<16xf32> to vector<16xi32>
        %parallel_loop3A_193 = arith.sitofp %parallel_loop3A_190 : vector<16xi32> to vector<16xf32>
        %parallel_loop3A_194 = arith.subf %parallel_loop3A_177, %parallel_loop3A_193 : vector<16xf32>
        %parallel_loop3A_195 = arith.sitofp %parallel_loop3A_191 : vector<16xi32> to vector<16xf32>
        %parallel_loop3A_196 = arith.subf %parallel_loop3A_183, %parallel_loop3A_195 : vector<16xf32>
        %parallel_loop3A_197 = arith.sitofp %parallel_loop3A_192 : vector<16xi32> to vector<16xf32>
        %parallel_loop3A_198 = arith.subf %parallel_loop3A_189, %parallel_loop3A_197 : vector<16xf32>
        %parallel_loop3A_199 = arith.constant 8 : i32
        %parallel_loop3A_200 = vector.broadcast %parallel_loop3A_199 : i32 to vector<16xi32>
        %parallel_loop3A_201 = arith.muli %parallel_loop3A_191, %parallel_loop3A_200 : vector<16xi32>
        %parallel_loop3A_202 = arith.addi %parallel_loop3A_190, %parallel_loop3A_201 : vector<16xi32>
        %parallel_loop3A_203 = arith.constant 64 : i32
        %parallel_loop3A_204 = vector.broadcast %parallel_loop3A_203 : i32 to vector<16xi32>
        %parallel_loop3A_205 = arith.muli %parallel_loop3A_192, %parallel_loop3A_204 : vector<16xi32>
        %parallel_loop3A_206 = arith.addi %parallel_loop3A_202, %parallel_loop3A_205 : vector<16xi32>
        %parallel_loop3A_207 = arith.constant 1.000000e+00 : f32
        %parallel_loop3A_208 = vector.broadcast %parallel_loop3A_207 : f32 to vector<16xf32>
        %parallel_loop3A_209 = arith.subf %parallel_loop3A_208, %parallel_loop3A_194 : vector<16xf32>
        %parallel_loop3A_210 = arith.constant 1.000000e+00 : f32
        %parallel_loop3A_211 = vector.broadcast %parallel_loop3A_210 : f32 to vector<16xf32>
        %parallel_loop3A_212 = arith.subf %parallel_loop3A_211, %parallel_loop3A_196 : vector<16xf32>
        %parallel_loop3A_213 = arith.constant 1.000000e+00 : f32
        %parallel_loop3A_214 = vector.broadcast %parallel_loop3A_213 : f32 to vector<16xf32>
        %parallel_loop3A_215 = arith.subf %parallel_loop3A_214, %parallel_loop3A_198 : vector<16xf32>
        %parallel_loop3A_216 = arith.constant 0 : i32
        %parallel_loop3A_217 = vector.broadcast %parallel_loop3A_216 : i32 to vector<16xi32>
        %parallel_loop3A_218 = arith.addi %parallel_loop3A_206, %parallel_loop3A_217 : vector<16xi32>
        %parallel_loop3A_219 = tpu.vector_load_idx %arg15[%parallel_loop3A_218] : memref<85296xi32, #tpu.memory_space<vmem>>[vector<16xi32>], vector<16xi32>,
        %parallel_loop3A_220 = arith.constant 16 : i32
        %parallel_loop3A_221 = vector.broadcast %parallel_loop3A_220 : i32 to vector<16xi32>
        %parallel_loop3A_222 = arith.shli %parallel_loop3A_219, %parallel_loop3A_221 : vector<16xi32>
        %parallel_loop3A_223 = vector.bitcast %parallel_loop3A_222 : vector<16xi32> to vector<16xf32>
        %parallel_loop3A_224 = arith.constant -65536 : i32
        %parallel_loop3A_225 = vector.broadcast %parallel_loop3A_224 : i32 to vector<16xi32>
        %parallel_loop3A_226 = arith.andi %parallel_loop3A_219, %parallel_loop3A_225 : vector<16xi32>
        %parallel_loop3A_227 = vector.bitcast %parallel_loop3A_226 : vector<16xi32> to vector<16xf32>
        %parallel_loop3A_228 = arith.mulf %parallel_loop3A_209, %parallel_loop3A_212 : vector<16xf32>
        %parallel_loop3A_229 = arith.mulf %parallel_loop3A_228, %parallel_loop3A_215 : vector<16xf32>
        %parallel_loop3A_230 = arith.mulf %parallel_loop3A_229, %parallel_loop3A_223 : vector<16xf32>
        %parallel_loop3A_231 = arith.mulf %parallel_loop3A_229, %parallel_loop3A_227 : vector<16xf32>
        %parallel_loop3A_232 = arith.constant 1 : i32
        %parallel_loop3A_233 = vector.broadcast %parallel_loop3A_232 : i32 to vector<16xi32>
        %parallel_loop3A_234 = arith.addi %parallel_loop3A_206, %parallel_loop3A_233 : vector<16xi32>
        %parallel_loop3A_235 = tpu.vector_load_idx %arg15[%parallel_loop3A_234] : memref<85296xi32, #tpu.memory_space<vmem>>[vector<16xi32>], vector<16xi32>,
        %parallel_loop3A_236 = arith.constant 16 : i32
        %parallel_loop3A_237 = vector.broadcast %parallel_loop3A_236 : i32 to vector<16xi32>
        %parallel_loop3A_238 = arith.shli %parallel_loop3A_235, %parallel_loop3A_237 : vector<16xi32>
        %parallel_loop3A_239 = vector.bitcast %parallel_loop3A_238 : vector<16xi32> to vector<16xf32>
        %parallel_loop3A_240 = arith.constant -65536 : i32
        %parallel_loop3A_241 = vector.broadcast %parallel_loop3A_240 : i32 to vector<16xi32>
        %parallel_loop3A_242 = arith.andi %parallel_loop3A_235, %parallel_loop3A_241 : vector<16xi32>
        %parallel_loop3A_243 = vector.bitcast %parallel_loop3A_242 : vector<16xi32> to vector<16xf32>
        %parallel_loop3A_244 = arith.mulf %parallel_loop3A_194, %parallel_loop3A_212 : vector<16xf32>
        %parallel_loop3A_245 = arith.mulf %parallel_loop3A_244, %parallel_loop3A_215 : vector<16xf32>
        %parallel_loop3A_246 = arith.mulf %parallel_loop3A_245, %parallel_loop3A_239 : vector<16xf32>
        %parallel_loop3A_247 = arith.mulf %parallel_loop3A_245, %parallel_loop3A_243 : vector<16xf32>
        %parallel_loop3A_248 = arith.constant 8 : i32
        %parallel_loop3A_249 = vector.broadcast %parallel_loop3A_248 : i32 to vector<16xi32>
        %parallel_loop3A_250 = arith.addi %parallel_loop3A_206, %parallel_loop3A_249 : vector<16xi32>
        %parallel_loop3A_251 = tpu.vector_load_idx %arg15[%parallel_loop3A_250] : memref<85296xi32, #tpu.memory_space<vmem>>[vector<16xi32>], vector<16xi32>,
        %parallel_loop3A_252 = arith.constant 16 : i32
        %parallel_loop3A_253 = vector.broadcast %parallel_loop3A_252 : i32 to vector<16xi32>
        %parallel_loop3A_254 = arith.shli %parallel_loop3A_251, %parallel_loop3A_253 : vector<16xi32>
        %parallel_loop3A_255 = vector.bitcast %parallel_loop3A_254 : vector<16xi32> to vector<16xf32>
        %parallel_loop3A_256 = arith.constant -65536 : i32
        %parallel_loop3A_257 = vector.broadcast %parallel_loop3A_256 : i32 to vector<16xi32>
        %parallel_loop3A_258 = arith.andi %parallel_loop3A_251, %parallel_loop3A_257 : vector<16xi32>
        %parallel_loop3A_259 = vector.bitcast %parallel_loop3A_258 : vector<16xi32> to vector<16xf32>
        %parallel_loop3A_260 = arith.mulf %parallel_loop3A_209, %parallel_loop3A_196 : vector<16xf32>
        %parallel_loop3A_261 = arith.mulf %parallel_loop3A_260, %parallel_loop3A_215 : vector<16xf32>
        %parallel_loop3A_262 = arith.mulf %parallel_loop3A_261, %parallel_loop3A_255 : vector<16xf32>
        %parallel_loop3A_263 = arith.mulf %parallel_loop3A_261, %parallel_loop3A_259 : vector<16xf32>
        %parallel_loop3A_264 = arith.constant 9 : i32
        %parallel_loop3A_265 = vector.broadcast %parallel_loop3A_264 : i32 to vector<16xi32>
        %parallel_loop3A_266 = arith.addi %parallel_loop3A_206, %parallel_loop3A_265 : vector<16xi32>
        %parallel_loop3A_267 = tpu.vector_load_idx %arg15[%parallel_loop3A_266] : memref<85296xi32, #tpu.memory_space<vmem>>[vector<16xi32>], vector<16xi32>,
        %parallel_loop3A_268 = arith.constant 16 : i32
        %parallel_loop3A_269 = vector.broadcast %parallel_loop3A_268 : i32 to vector<16xi32>
        %parallel_loop3A_270 = arith.shli %parallel_loop3A_267, %parallel_loop3A_269 : vector<16xi32>
        %parallel_loop3A_271 = vector.bitcast %parallel_loop3A_270 : vector<16xi32> to vector<16xf32>
        %parallel_loop3A_272 = arith.constant -65536 : i32
        %parallel_loop3A_273 = vector.broadcast %parallel_loop3A_272 : i32 to vector<16xi32>
        %parallel_loop3A_274 = arith.andi %parallel_loop3A_267, %parallel_loop3A_273 : vector<16xi32>
        %parallel_loop3A_275 = vector.bitcast %parallel_loop3A_274 : vector<16xi32> to vector<16xf32>
        %parallel_loop3A_276 = arith.mulf %parallel_loop3A_194, %parallel_loop3A_196 : vector<16xf32>
        %parallel_loop3A_277 = arith.mulf %parallel_loop3A_276, %parallel_loop3A_215 : vector<16xf32>
        %parallel_loop3A_278 = arith.mulf %parallel_loop3A_277, %parallel_loop3A_271 : vector<16xf32>
        %parallel_loop3A_279 = arith.mulf %parallel_loop3A_277, %parallel_loop3A_275 : vector<16xf32>
        %parallel_loop3A_280 = arith.constant 64 : i32
        %parallel_loop3A_281 = vector.broadcast %parallel_loop3A_280 : i32 to vector<16xi32>
        %parallel_loop3A_282 = arith.addi %parallel_loop3A_206, %parallel_loop3A_281 : vector<16xi32>
        %parallel_loop3A_283 = tpu.vector_load_idx %arg15[%parallel_loop3A_282] : memref<85296xi32, #tpu.memory_space<vmem>>[vector<16xi32>], vector<16xi32>,
        %parallel_loop3A_284 = arith.constant 16 : i32
        %parallel_loop3A_285 = vector.broadcast %parallel_loop3A_284 : i32 to vector<16xi32>
        %parallel_loop3A_286 = arith.shli %parallel_loop3A_283, %parallel_loop3A_285 : vector<16xi32>
        %parallel_loop3A_287 = vector.bitcast %parallel_loop3A_286 : vector<16xi32> to vector<16xf32>
        %parallel_loop3A_288 = arith.constant -65536 : i32
        %parallel_loop3A_289 = vector.broadcast %parallel_loop3A_288 : i32 to vector<16xi32>
        %parallel_loop3A_290 = arith.andi %parallel_loop3A_283, %parallel_loop3A_289 : vector<16xi32>
        %parallel_loop3A_291 = vector.bitcast %parallel_loop3A_290 : vector<16xi32> to vector<16xf32>
        %parallel_loop3A_292 = arith.mulf %parallel_loop3A_209, %parallel_loop3A_212 : vector<16xf32>
        %parallel_loop3A_293 = arith.mulf %parallel_loop3A_292, %parallel_loop3A_198 : vector<16xf32>
        %parallel_loop3A_294 = arith.mulf %parallel_loop3A_293, %parallel_loop3A_287 : vector<16xf32>
        %parallel_loop3A_295 = arith.mulf %parallel_loop3A_293, %parallel_loop3A_291 : vector<16xf32>
        %parallel_loop3A_296 = arith.constant 65 : i32
        %parallel_loop3A_297 = vector.broadcast %parallel_loop3A_296 : i32 to vector<16xi32>
        %parallel_loop3A_298 = arith.addi %parallel_loop3A_206, %parallel_loop3A_297 : vector<16xi32>
        %parallel_loop3A_299 = tpu.vector_load_idx %arg15[%parallel_loop3A_298] : memref<85296xi32, #tpu.memory_space<vmem>>[vector<16xi32>], vector<16xi32>,
        %parallel_loop3A_300 = arith.constant 16 : i32
        %parallel_loop3A_301 = vector.broadcast %parallel_loop3A_300 : i32 to vector<16xi32>
        %parallel_loop3A_302 = arith.shli %parallel_loop3A_299, %parallel_loop3A_301 : vector<16xi32>
        %parallel_loop3A_303 = vector.bitcast %parallel_loop3A_302 : vector<16xi32> to vector<16xf32>
        %parallel_loop3A_304 = arith.constant -65536 : i32
        %parallel_loop3A_305 = vector.broadcast %parallel_loop3A_304 : i32 to vector<16xi32>
        %parallel_loop3A_306 = arith.andi %parallel_loop3A_299, %parallel_loop3A_305 : vector<16xi32>
        %parallel_loop3A_307 = vector.bitcast %parallel_loop3A_306 : vector<16xi32> to vector<16xf32>
        %parallel_loop3A_308 = arith.mulf %parallel_loop3A_194, %parallel_loop3A_212 : vector<16xf32>
        %parallel_loop3A_309 = arith.mulf %parallel_loop3A_308, %parallel_loop3A_198 : vector<16xf32>
        %parallel_loop3A_310 = arith.mulf %parallel_loop3A_309, %parallel_loop3A_303 : vector<16xf32>
        %parallel_loop3A_311 = arith.mulf %parallel_loop3A_309, %parallel_loop3A_307 : vector<16xf32>
        %parallel_loop3A_312 = arith.constant 72 : i32
        %parallel_loop3A_313 = vector.broadcast %parallel_loop3A_312 : i32 to vector<16xi32>
        %parallel_loop3A_314 = arith.addi %parallel_loop3A_206, %parallel_loop3A_313 : vector<16xi32>
        %parallel_loop3A_315 = tpu.vector_load_idx %arg15[%parallel_loop3A_314] : memref<85296xi32, #tpu.memory_space<vmem>>[vector<16xi32>], vector<16xi32>,
        %parallel_loop3A_316 = arith.constant 16 : i32
        %parallel_loop3A_317 = vector.broadcast %parallel_loop3A_316 : i32 to vector<16xi32>
        %parallel_loop3A_318 = arith.shli %parallel_loop3A_315, %parallel_loop3A_317 : vector<16xi32>
        %parallel_loop3A_319 = vector.bitcast %parallel_loop3A_318 : vector<16xi32> to vector<16xf32>
        %parallel_loop3A_320 = arith.constant -65536 : i32
        %parallel_loop3A_321 = vector.broadcast %parallel_loop3A_320 : i32 to vector<16xi32>
        %parallel_loop3A_322 = arith.andi %parallel_loop3A_315, %parallel_loop3A_321 : vector<16xi32>
        %parallel_loop3A_323 = vector.bitcast %parallel_loop3A_322 : vector<16xi32> to vector<16xf32>
        %parallel_loop3A_324 = arith.mulf %parallel_loop3A_209, %parallel_loop3A_196 : vector<16xf32>
        %parallel_loop3A_325 = arith.mulf %parallel_loop3A_324, %parallel_loop3A_198 : vector<16xf32>
        %parallel_loop3A_326 = arith.mulf %parallel_loop3A_325, %parallel_loop3A_319 : vector<16xf32>
        %parallel_loop3A_327 = arith.mulf %parallel_loop3A_325, %parallel_loop3A_323 : vector<16xf32>
        %parallel_loop3A_328 = arith.constant 73 : i32
        %parallel_loop3A_329 = vector.broadcast %parallel_loop3A_328 : i32 to vector<16xi32>
        %parallel_loop3A_330 = arith.addi %parallel_loop3A_206, %parallel_loop3A_329 : vector<16xi32>
        %parallel_loop3A_331 = tpu.vector_load_idx %arg15[%parallel_loop3A_330] : memref<85296xi32, #tpu.memory_space<vmem>>[vector<16xi32>], vector<16xi32>,
        %parallel_loop3A_332 = arith.constant 16 : i32
        %parallel_loop3A_333 = vector.broadcast %parallel_loop3A_332 : i32 to vector<16xi32>
        %parallel_loop3A_334 = arith.shli %parallel_loop3A_331, %parallel_loop3A_333 : vector<16xi32>
        %parallel_loop3A_335 = vector.bitcast %parallel_loop3A_334 : vector<16xi32> to vector<16xf32>
        %parallel_loop3A_336 = arith.constant -65536 : i32
        %parallel_loop3A_337 = vector.broadcast %parallel_loop3A_336 : i32 to vector<16xi32>
        %parallel_loop3A_338 = arith.andi %parallel_loop3A_331, %parallel_loop3A_337 : vector<16xi32>
        %parallel_loop3A_339 = vector.bitcast %parallel_loop3A_338 : vector<16xi32> to vector<16xf32>
        %parallel_loop3A_340 = arith.mulf %parallel_loop3A_194, %parallel_loop3A_196 : vector<16xf32>
        %parallel_loop3A_341 = arith.mulf %parallel_loop3A_340, %parallel_loop3A_198 : vector<16xf32>
        %parallel_loop3A_342 = arith.mulf %parallel_loop3A_341, %parallel_loop3A_335 : vector<16xf32>
        %parallel_loop3A_343 = arith.mulf %parallel_loop3A_341, %parallel_loop3A_339 : vector<16xf32>
        %parallel_loop3A_344 = arith.addf %parallel_loop3A_230, %parallel_loop3A_246 : vector<16xf32>
        %parallel_loop3A_345 = arith.addf %parallel_loop3A_262, %parallel_loop3A_278 : vector<16xf32>
        %parallel_loop3A_346 = arith.addf %parallel_loop3A_344, %parallel_loop3A_345 : vector<16xf32>
        %parallel_loop3A_347 = arith.addf %parallel_loop3A_294, %parallel_loop3A_310 : vector<16xf32>
        %parallel_loop3A_348 = arith.addf %parallel_loop3A_326, %parallel_loop3A_342 : vector<16xf32>
        %parallel_loop3A_349 = arith.addf %parallel_loop3A_347, %parallel_loop3A_348 : vector<16xf32>
        %parallel_loop3A_350 = arith.addf %parallel_loop3A_346, %parallel_loop3A_349 : vector<16xf32>
        %parallel_loop3A_351 = arith.addf %parallel_loop3A_231, %parallel_loop3A_247 : vector<16xf32>
        %parallel_loop3A_352 = arith.addf %parallel_loop3A_263, %parallel_loop3A_279 : vector<16xf32>
        %parallel_loop3A_353 = arith.addf %parallel_loop3A_351, %parallel_loop3A_352 : vector<16xf32>
        %parallel_loop3A_354 = arith.addf %parallel_loop3A_295, %parallel_loop3A_311 : vector<16xf32>
        %parallel_loop3A_355 = arith.addf %parallel_loop3A_327, %parallel_loop3A_343 : vector<16xf32>
        %parallel_loop3A_356 = arith.addf %parallel_loop3A_354, %parallel_loop3A_355 : vector<16xf32>
        %parallel_loop3A_357 = arith.addf %parallel_loop3A_353, %parallel_loop3A_356 : vector<16xf32>
        %parallel_loop3A_358 = arith.constant 0 : i32
        %parallel_loop3A_359 = vector.broadcast %parallel_loop3A_358 : i32 to vector<16xi32>
        %parallel_loop3A_360 = arith.addi %parallel_loop3A_171, %parallel_loop3A_359 : vector<16xi32>
        tpu.vector_store_idx %arg14[%parallel_loop3A_165, %parallel_loop3A_360], %parallel_loop3A_350 : memref<64x128xf32, #tpu.memory_space<vmem>>[vector<16xi32>, vector<16xi32>], vector<16xf32>,
        %parallel_loop3A_361 = arith.constant 1 : i32
        %parallel_loop3A_362 = vector.broadcast %parallel_loop3A_361 : i32 to vector<16xi32>
        %parallel_loop3A_363 = arith.addi %parallel_loop3A_360, %parallel_loop3A_362 : vector<16xi32>
        tpu.vector_store_idx %arg14[%parallel_loop3A_165, %parallel_loop3A_363], %parallel_loop3A_357 : memref<64x128xf32, #tpu.memory_space<vmem>>[vector<16xi32>, vector<16xi32>], vector<16xf32>,
        %parallel_loop3A_364 = arith.constant 8.752110e+00 : f32
        %parallel_loop3A_365 = vector.broadcast %parallel_loop3A_364 : f32 to vector<16xf32>
        %parallel_loop3A_366 = arith.mulf %parallel_loop3A_156, %parallel_loop3A_365 : vector<16xf32>
        %parallel_loop3A_367 = arith.constant 5.000000e-01 : f32
        %parallel_loop3A_368 = vector.broadcast %parallel_loop3A_367 : f32 to vector<16xf32>
        %parallel_loop3A_369 = arith.addf %parallel_loop3A_366, %parallel_loop3A_368 : vector<16xf32>
        %parallel_loop3A_370 = arith.constant 8.752110e+00 : f32
        %parallel_loop3A_371 = vector.broadcast %parallel_loop3A_370 : f32 to vector<16xf32>
        %parallel_loop3A_372 = arith.mulf %parallel_loop3A_158, %parallel_loop3A_371 : vector<16xf32>
        %parallel_loop3A_373 = arith.constant 5.000000e-01 : f32
        %parallel_loop3A_374 = vector.broadcast %parallel_loop3A_373 : f32 to vector<16xf32>
        %parallel_loop3A_375 = arith.addf %parallel_loop3A_372, %parallel_loop3A_374 : vector<16xf32>
        %parallel_loop3A_376 = arith.constant 8.752110e+00 : f32
        %parallel_loop3A_377 = vector.broadcast %parallel_loop3A_376 : f32 to vector<16xf32>
        %parallel_loop3A_378 = arith.mulf %parallel_loop3A_160, %parallel_loop3A_377 : vector<16xf32>
        %parallel_loop3A_379 = arith.constant 5.000000e-01 : f32
        %parallel_loop3A_380 = vector.broadcast %parallel_loop3A_379 : f32 to vector<16xf32>
        %parallel_loop3A_381 = arith.addf %parallel_loop3A_378, %parallel_loop3A_380 : vector<16xf32>
        %parallel_loop3A_382 = arith.fptosi %parallel_loop3A_369 : vector<16xf32> to vector<16xi32>
        %parallel_loop3A_383 = arith.fptosi %parallel_loop3A_375 : vector<16xf32> to vector<16xi32>
        %parallel_loop3A_384 = arith.fptosi %parallel_loop3A_381 : vector<16xf32> to vector<16xi32>
        %parallel_loop3A_385 = arith.sitofp %parallel_loop3A_382 : vector<16xi32> to vector<16xf32>
        %parallel_loop3A_386 = arith.subf %parallel_loop3A_369, %parallel_loop3A_385 : vector<16xf32>
        %parallel_loop3A_387 = arith.sitofp %parallel_loop3A_383 : vector<16xi32> to vector<16xf32>
        %parallel_loop3A_388 = arith.subf %parallel_loop3A_375, %parallel_loop3A_387 : vector<16xf32>
        %parallel_loop3A_389 = arith.sitofp %parallel_loop3A_384 : vector<16xi32> to vector<16xf32>
        %parallel_loop3A_390 = arith.subf %parallel_loop3A_381, %parallel_loop3A_389 : vector<16xf32>
        %parallel_loop3A_391 = arith.constant 10 : i32
        %parallel_loop3A_392 = vector.broadcast %parallel_loop3A_391 : i32 to vector<16xi32>
        %parallel_loop3A_393 = arith.muli %parallel_loop3A_383, %parallel_loop3A_392 : vector<16xi32>
        %parallel_loop3A_394 = arith.addi %parallel_loop3A_382, %parallel_loop3A_393 : vector<16xi32>
        %parallel_loop3A_395 = arith.constant 100 : i32
        %parallel_loop3A_396 = vector.broadcast %parallel_loop3A_395 : i32 to vector<16xi32>
        %parallel_loop3A_397 = arith.muli %parallel_loop3A_384, %parallel_loop3A_396 : vector<16xi32>
        %parallel_loop3A_398 = arith.addi %parallel_loop3A_394, %parallel_loop3A_397 : vector<16xi32>
        %parallel_loop3A_399 = arith.constant 1.000000e+00 : f32
        %parallel_loop3A_400 = vector.broadcast %parallel_loop3A_399 : f32 to vector<16xf32>
        %parallel_loop3A_401 = arith.subf %parallel_loop3A_400, %parallel_loop3A_386 : vector<16xf32>
        %parallel_loop3A_402 = arith.constant 1.000000e+00 : f32
        %parallel_loop3A_403 = vector.broadcast %parallel_loop3A_402 : f32 to vector<16xf32>
        %parallel_loop3A_404 = arith.subf %parallel_loop3A_403, %parallel_loop3A_388 : vector<16xf32>
        %parallel_loop3A_405 = arith.constant 1.000000e+00 : f32
        %parallel_loop3A_406 = vector.broadcast %parallel_loop3A_405 : f32 to vector<16xf32>
        %parallel_loop3A_407 = arith.subf %parallel_loop3A_406, %parallel_loop3A_390 : vector<16xf32>
        %parallel_loop3A_408 = arith.constant 736 : i32
        %parallel_loop3A_409 = vector.broadcast %parallel_loop3A_408 : i32 to vector<16xi32>
        %parallel_loop3A_410 = arith.addi %parallel_loop3A_398, %parallel_loop3A_409 : vector<16xi32>
        %parallel_loop3A_411 = tpu.vector_load_idx %arg15[%parallel_loop3A_410] : memref<85296xi32, #tpu.memory_space<vmem>>[vector<16xi32>], vector<16xi32>,
        %parallel_loop3A_412 = arith.constant 16 : i32
        %parallel_loop3A_413 = vector.broadcast %parallel_loop3A_412 : i32 to vector<16xi32>
        %parallel_loop3A_414 = arith.shli %parallel_loop3A_411, %parallel_loop3A_413 : vector<16xi32>
        %parallel_loop3A_415 = vector.bitcast %parallel_loop3A_414 : vector<16xi32> to vector<16xf32>
        %parallel_loop3A_416 = arith.constant -65536 : i32
        %parallel_loop3A_417 = vector.broadcast %parallel_loop3A_416 : i32 to vector<16xi32>
        %parallel_loop3A_418 = arith.andi %parallel_loop3A_411, %parallel_loop3A_417 : vector<16xi32>
        %parallel_loop3A_419 = vector.bitcast %parallel_loop3A_418 : vector<16xi32> to vector<16xf32>
        %parallel_loop3A_420 = arith.mulf %parallel_loop3A_401, %parallel_loop3A_404 : vector<16xf32>
        %parallel_loop3A_421 = arith.mulf %parallel_loop3A_420, %parallel_loop3A_407 : vector<16xf32>
        %parallel_loop3A_422 = arith.mulf %parallel_loop3A_421, %parallel_loop3A_415 : vector<16xf32>
        %parallel_loop3A_423 = arith.mulf %parallel_loop3A_421, %parallel_loop3A_419 : vector<16xf32>
        %parallel_loop3A_424 = arith.constant 737 : i32
        %parallel_loop3A_425 = vector.broadcast %parallel_loop3A_424 : i32 to vector<16xi32>
        %parallel_loop3A_426 = arith.addi %parallel_loop3A_398, %parallel_loop3A_425 : vector<16xi32>
        %parallel_loop3A_427 = tpu.vector_load_idx %arg15[%parallel_loop3A_426] : memref<85296xi32, #tpu.memory_space<vmem>>[vector<16xi32>], vector<16xi32>,
        %parallel_loop3A_428 = arith.constant 16 : i32
        %parallel_loop3A_429 = vector.broadcast %parallel_loop3A_428 : i32 to vector<16xi32>
        %parallel_loop3A_430 = arith.shli %parallel_loop3A_427, %parallel_loop3A_429 : vector<16xi32>
        %parallel_loop3A_431 = vector.bitcast %parallel_loop3A_430 : vector<16xi32> to vector<16xf32>
        %parallel_loop3A_432 = arith.constant -65536 : i32
        %parallel_loop3A_433 = vector.broadcast %parallel_loop3A_432 : i32 to vector<16xi32>
        %parallel_loop3A_434 = arith.andi %parallel_loop3A_427, %parallel_loop3A_433 : vector<16xi32>
        %parallel_loop3A_435 = vector.bitcast %parallel_loop3A_434 : vector<16xi32> to vector<16xf32>
        %parallel_loop3A_436 = arith.mulf %parallel_loop3A_386, %parallel_loop3A_404 : vector<16xf32>
        %parallel_loop3A_437 = arith.mulf %parallel_loop3A_436, %parallel_loop3A_407 : vector<16xf32>
        %parallel_loop3A_438 = arith.mulf %parallel_loop3A_437, %parallel_loop3A_431 : vector<16xf32>
        %parallel_loop3A_439 = arith.mulf %parallel_loop3A_437, %parallel_loop3A_435 : vector<16xf32>
        %parallel_loop3A_440 = arith.constant 746 : i32
        %parallel_loop3A_441 = vector.broadcast %parallel_loop3A_440 : i32 to vector<16xi32>
        %parallel_loop3A_442 = arith.addi %parallel_loop3A_398, %parallel_loop3A_441 : vector<16xi32>
        %parallel_loop3A_443 = tpu.vector_load_idx %arg15[%parallel_loop3A_442] : memref<85296xi32, #tpu.memory_space<vmem>>[vector<16xi32>], vector<16xi32>,
        %parallel_loop3A_444 = arith.constant 16 : i32
        %parallel_loop3A_445 = vector.broadcast %parallel_loop3A_444 : i32 to vector<16xi32>
        %parallel_loop3A_446 = arith.shli %parallel_loop3A_443, %parallel_loop3A_445 : vector<16xi32>
        %parallel_loop3A_447 = vector.bitcast %parallel_loop3A_446 : vector<16xi32> to vector<16xf32>
        %parallel_loop3A_448 = arith.constant -65536 : i32
        %parallel_loop3A_449 = vector.broadcast %parallel_loop3A_448 : i32 to vector<16xi32>
        %parallel_loop3A_450 = arith.andi %parallel_loop3A_443, %parallel_loop3A_449 : vector<16xi32>
        %parallel_loop3A_451 = vector.bitcast %parallel_loop3A_450 : vector<16xi32> to vector<16xf32>
        %parallel_loop3A_452 = arith.mulf %parallel_loop3A_401, %parallel_loop3A_388 : vector<16xf32>
        %parallel_loop3A_453 = arith.mulf %parallel_loop3A_452, %parallel_loop3A_407 : vector<16xf32>
        %parallel_loop3A_454 = arith.mulf %parallel_loop3A_453, %parallel_loop3A_447 : vector<16xf32>
        %parallel_loop3A_455 = arith.mulf %parallel_loop3A_453, %parallel_loop3A_451 : vector<16xf32>
        %parallel_loop3A_456 = arith.constant 747 : i32
        %parallel_loop3A_457 = vector.broadcast %parallel_loop3A_456 : i32 to vector<16xi32>
        %parallel_loop3A_458 = arith.addi %parallel_loop3A_398, %parallel_loop3A_457 : vector<16xi32>
        %parallel_loop3A_459 = tpu.vector_load_idx %arg15[%parallel_loop3A_458] : memref<85296xi32, #tpu.memory_space<vmem>>[vector<16xi32>], vector<16xi32>,
        %parallel_loop3A_460 = arith.constant 16 : i32
        %parallel_loop3A_461 = vector.broadcast %parallel_loop3A_460 : i32 to vector<16xi32>
        %parallel_loop3A_462 = arith.shli %parallel_loop3A_459, %parallel_loop3A_461 : vector<16xi32>
        %parallel_loop3A_463 = vector.bitcast %parallel_loop3A_462 : vector<16xi32> to vector<16xf32>
        %parallel_loop3A_464 = arith.constant -65536 : i32
        %parallel_loop3A_465 = vector.broadcast %parallel_loop3A_464 : i32 to vector<16xi32>
        %parallel_loop3A_466 = arith.andi %parallel_loop3A_459, %parallel_loop3A_465 : vector<16xi32>
        %parallel_loop3A_467 = vector.bitcast %parallel_loop3A_466 : vector<16xi32> to vector<16xf32>
        %parallel_loop3A_468 = arith.mulf %parallel_loop3A_386, %parallel_loop3A_388 : vector<16xf32>
        %parallel_loop3A_469 = arith.mulf %parallel_loop3A_468, %parallel_loop3A_407 : vector<16xf32>
        %parallel_loop3A_470 = arith.mulf %parallel_loop3A_469, %parallel_loop3A_463 : vector<16xf32>
        %parallel_loop3A_471 = arith.mulf %parallel_loop3A_469, %parallel_loop3A_467 : vector<16xf32>
        %parallel_loop3A_472 = arith.constant 836 : i32
        %parallel_loop3A_473 = vector.broadcast %parallel_loop3A_472 : i32 to vector<16xi32>
        %parallel_loop3A_474 = arith.addi %parallel_loop3A_398, %parallel_loop3A_473 : vector<16xi32>
        %parallel_loop3A_475 = tpu.vector_load_idx %arg15[%parallel_loop3A_474] : memref<85296xi32, #tpu.memory_space<vmem>>[vector<16xi32>], vector<16xi32>,
        %parallel_loop3A_476 = arith.constant 16 : i32
        %parallel_loop3A_477 = vector.broadcast %parallel_loop3A_476 : i32 to vector<16xi32>
        %parallel_loop3A_478 = arith.shli %parallel_loop3A_475, %parallel_loop3A_477 : vector<16xi32>
        %parallel_loop3A_479 = vector.bitcast %parallel_loop3A_478 : vector<16xi32> to vector<16xf32>
        %parallel_loop3A_480 = arith.constant -65536 : i32
        %parallel_loop3A_481 = vector.broadcast %parallel_loop3A_480 : i32 to vector<16xi32>
        %parallel_loop3A_482 = arith.andi %parallel_loop3A_475, %parallel_loop3A_481 : vector<16xi32>
        %parallel_loop3A_483 = vector.bitcast %parallel_loop3A_482 : vector<16xi32> to vector<16xf32>
        %parallel_loop3A_484 = arith.mulf %parallel_loop3A_401, %parallel_loop3A_404 : vector<16xf32>
        %parallel_loop3A_485 = arith.mulf %parallel_loop3A_484, %parallel_loop3A_390 : vector<16xf32>
        %parallel_loop3A_486 = arith.mulf %parallel_loop3A_485, %parallel_loop3A_479 : vector<16xf32>
        %parallel_loop3A_487 = arith.mulf %parallel_loop3A_485, %parallel_loop3A_483 : vector<16xf32>
        %parallel_loop3A_488 = arith.constant 837 : i32
        %parallel_loop3A_489 = vector.broadcast %parallel_loop3A_488 : i32 to vector<16xi32>
        %parallel_loop3A_490 = arith.addi %parallel_loop3A_398, %parallel_loop3A_489 : vector<16xi32>
        %parallel_loop3A_491 = tpu.vector_load_idx %arg15[%parallel_loop3A_490] : memref<85296xi32, #tpu.memory_space<vmem>>[vector<16xi32>], vector<16xi32>,
        %parallel_loop3A_492 = arith.constant 16 : i32
        %parallel_loop3A_493 = vector.broadcast %parallel_loop3A_492 : i32 to vector<16xi32>
        %parallel_loop3A_494 = arith.shli %parallel_loop3A_491, %parallel_loop3A_493 : vector<16xi32>
        %parallel_loop3A_495 = vector.bitcast %parallel_loop3A_494 : vector<16xi32> to vector<16xf32>
        %parallel_loop3A_496 = arith.constant -65536 : i32
        %parallel_loop3A_497 = vector.broadcast %parallel_loop3A_496 : i32 to vector<16xi32>
        %parallel_loop3A_498 = arith.andi %parallel_loop3A_491, %parallel_loop3A_497 : vector<16xi32>
        %parallel_loop3A_499 = vector.bitcast %parallel_loop3A_498 : vector<16xi32> to vector<16xf32>
        %parallel_loop3A_500 = arith.mulf %parallel_loop3A_386, %parallel_loop3A_404 : vector<16xf32>
        %parallel_loop3A_501 = arith.mulf %parallel_loop3A_500, %parallel_loop3A_390 : vector<16xf32>
        %parallel_loop3A_502 = arith.mulf %parallel_loop3A_501, %parallel_loop3A_495 : vector<16xf32>
        %parallel_loop3A_503 = arith.mulf %parallel_loop3A_501, %parallel_loop3A_499 : vector<16xf32>
        %parallel_loop3A_504 = arith.constant 846 : i32
        %parallel_loop3A_505 = vector.broadcast %parallel_loop3A_504 : i32 to vector<16xi32>
        %parallel_loop3A_506 = arith.addi %parallel_loop3A_398, %parallel_loop3A_505 : vector<16xi32>
        %parallel_loop3A_507 = tpu.vector_load_idx %arg15[%parallel_loop3A_506] : memref<85296xi32, #tpu.memory_space<vmem>>[vector<16xi32>], vector<16xi32>,
        %parallel_loop3A_508 = arith.constant 16 : i32
        %parallel_loop3A_509 = vector.broadcast %parallel_loop3A_508 : i32 to vector<16xi32>
        %parallel_loop3A_510 = arith.shli %parallel_loop3A_507, %parallel_loop3A_509 : vector<16xi32>
        %parallel_loop3A_511 = vector.bitcast %parallel_loop3A_510 : vector<16xi32> to vector<16xf32>
        %parallel_loop3A_512 = arith.constant -65536 : i32
        %parallel_loop3A_513 = vector.broadcast %parallel_loop3A_512 : i32 to vector<16xi32>
        %parallel_loop3A_514 = arith.andi %parallel_loop3A_507, %parallel_loop3A_513 : vector<16xi32>
        %parallel_loop3A_515 = vector.bitcast %parallel_loop3A_514 : vector<16xi32> to vector<16xf32>
        %parallel_loop3A_516 = arith.mulf %parallel_loop3A_401, %parallel_loop3A_388 : vector<16xf32>
        %parallel_loop3A_517 = arith.mulf %parallel_loop3A_516, %parallel_loop3A_390 : vector<16xf32>
        %parallel_loop3A_518 = arith.mulf %parallel_loop3A_517, %parallel_loop3A_511 : vector<16xf32>
        %parallel_loop3A_519 = arith.mulf %parallel_loop3A_517, %parallel_loop3A_515 : vector<16xf32>
        %parallel_loop3A_520 = arith.constant 847 : i32
        %parallel_loop3A_521 = vector.broadcast %parallel_loop3A_520 : i32 to vector<16xi32>
        %parallel_loop3A_522 = arith.addi %parallel_loop3A_398, %parallel_loop3A_521 : vector<16xi32>
        %parallel_loop3A_523 = tpu.vector_load_idx %arg15[%parallel_loop3A_522] : memref<85296xi32, #tpu.memory_space<vmem>>[vector<16xi32>], vector<16xi32>,
        %parallel_loop3A_524 = arith.constant 16 : i32
        %parallel_loop3A_525 = vector.broadcast %parallel_loop3A_524 : i32 to vector<16xi32>
        %parallel_loop3A_526 = arith.shli %parallel_loop3A_523, %parallel_loop3A_525 : vector<16xi32>
        %parallel_loop3A_527 = vector.bitcast %parallel_loop3A_526 : vector<16xi32> to vector<16xf32>
        %parallel_loop3A_528 = arith.constant -65536 : i32
        %parallel_loop3A_529 = vector.broadcast %parallel_loop3A_528 : i32 to vector<16xi32>
        %parallel_loop3A_530 = arith.andi %parallel_loop3A_523, %parallel_loop3A_529 : vector<16xi32>
        %parallel_loop3A_531 = vector.bitcast %parallel_loop3A_530 : vector<16xi32> to vector<16xf32>
        %parallel_loop3A_532 = arith.mulf %parallel_loop3A_386, %parallel_loop3A_388 : vector<16xf32>
        %parallel_loop3A_533 = arith.mulf %parallel_loop3A_532, %parallel_loop3A_390 : vector<16xf32>
        %parallel_loop3A_534 = arith.mulf %parallel_loop3A_533, %parallel_loop3A_527 : vector<16xf32>
        %parallel_loop3A_535 = arith.mulf %parallel_loop3A_533, %parallel_loop3A_531 : vector<16xf32>
        %parallel_loop3A_536 = arith.addf %parallel_loop3A_422, %parallel_loop3A_438 : vector<16xf32>
        %parallel_loop3A_537 = arith.addf %parallel_loop3A_454, %parallel_loop3A_470 : vector<16xf32>
        %parallel_loop3A_538 = arith.addf %parallel_loop3A_536, %parallel_loop3A_537 : vector<16xf32>
        %parallel_loop3A_539 = arith.addf %parallel_loop3A_486, %parallel_loop3A_502 : vector<16xf32>
        %parallel_loop3A_540 = arith.addf %parallel_loop3A_518, %parallel_loop3A_534 : vector<16xf32>
        %parallel_loop3A_541 = arith.addf %parallel_loop3A_539, %parallel_loop3A_540 : vector<16xf32>
        %parallel_loop3A_542 = arith.addf %parallel_loop3A_538, %parallel_loop3A_541 : vector<16xf32>
        %parallel_loop3A_543 = arith.addf %parallel_loop3A_423, %parallel_loop3A_439 : vector<16xf32>
        %parallel_loop3A_544 = arith.addf %parallel_loop3A_455, %parallel_loop3A_471 : vector<16xf32>
        %parallel_loop3A_545 = arith.addf %parallel_loop3A_543, %parallel_loop3A_544 : vector<16xf32>
        %parallel_loop3A_546 = arith.addf %parallel_loop3A_487, %parallel_loop3A_503 : vector<16xf32>
        %parallel_loop3A_547 = arith.addf %parallel_loop3A_519, %parallel_loop3A_535 : vector<16xf32>
        %parallel_loop3A_548 = arith.addf %parallel_loop3A_546, %parallel_loop3A_547 : vector<16xf32>
        %parallel_loop3A_549 = arith.addf %parallel_loop3A_545, %parallel_loop3A_548 : vector<16xf32>
        %parallel_loop3A_550 = arith.constant 2 : i32
        %parallel_loop3A_551 = vector.broadcast %parallel_loop3A_550 : i32 to vector<16xi32>
        %parallel_loop3A_552 = arith.addi %parallel_loop3A_171, %parallel_loop3A_551 : vector<16xi32>
        tpu.vector_store_idx %arg14[%parallel_loop3A_165, %parallel_loop3A_552], %parallel_loop3A_542 : memref<64x128xf32, #tpu.memory_space<vmem>>[vector<16xi32>, vector<16xi32>], vector<16xf32>,
        %parallel_loop3A_553 = arith.constant 1 : i32
        %parallel_loop3A_554 = vector.broadcast %parallel_loop3A_553 : i32 to vector<16xi32>
        %parallel_loop3A_555 = arith.addi %parallel_loop3A_552, %parallel_loop3A_554 : vector<16xi32>
        tpu.vector_store_idx %arg14[%parallel_loop3A_165, %parallel_loop3A_555], %parallel_loop3A_549 : memref<64x128xf32, #tpu.memory_space<vmem>>[vector<16xi32>, vector<16xi32>], vector<16xf32>,
        %parallel_loop3A_556 = arith.constant 10.8879547 : f32
        %parallel_loop3A_557 = vector.broadcast %parallel_loop3A_556 : f32 to vector<16xf32>
        %parallel_loop3A_558 = arith.mulf %parallel_loop3A_156, %parallel_loop3A_557 : vector<16xf32>
        %parallel_loop3A_559 = arith.constant 5.000000e-01 : f32
        %parallel_loop3A_560 = vector.broadcast %parallel_loop3A_559 : f32 to vector<16xf32>
        %parallel_loop3A_561 = arith.addf %parallel_loop3A_558, %parallel_loop3A_560 : vector<16xf32>
        %parallel_loop3A_562 = arith.constant 10.8879547 : f32
        %parallel_loop3A_563 = vector.broadcast %parallel_loop3A_562 : f32 to vector<16xf32>
        %parallel_loop3A_564 = arith.mulf %parallel_loop3A_158, %parallel_loop3A_563 : vector<16xf32>
        %parallel_loop3A_565 = arith.constant 5.000000e-01 : f32
        %parallel_loop3A_566 = vector.broadcast %parallel_loop3A_565 : f32 to vector<16xf32>
        %parallel_loop3A_567 = arith.addf %parallel_loop3A_564, %parallel_loop3A_566 : vector<16xf32>
        %parallel_loop3A_568 = arith.constant 10.8879547 : f32
        %parallel_loop3A_569 = vector.broadcast %parallel_loop3A_568 : f32 to vector<16xf32>
        %parallel_loop3A_570 = arith.mulf %parallel_loop3A_160, %parallel_loop3A_569 : vector<16xf32>
        %parallel_loop3A_571 = arith.constant 5.000000e-01 : f32
        %parallel_loop3A_572 = vector.broadcast %parallel_loop3A_571 : f32 to vector<16xf32>
        %parallel_loop3A_573 = arith.addf %parallel_loop3A_570, %parallel_loop3A_572 : vector<16xf32>
        %parallel_loop3A_574 = arith.fptosi %parallel_loop3A_561 : vector<16xf32> to vector<16xi32>
        %parallel_loop3A_575 = arith.fptosi %parallel_loop3A_567 : vector<16xf32> to vector<16xi32>
        %parallel_loop3A_576 = arith.fptosi %parallel_loop3A_573 : vector<16xf32> to vector<16xi32>
        %parallel_loop3A_577 = arith.sitofp %parallel_loop3A_574 : vector<16xi32> to vector<16xf32>
        %parallel_loop3A_578 = arith.subf %parallel_loop3A_561, %parallel_loop3A_577 : vector<16xf32>
        %parallel_loop3A_579 = arith.sitofp %parallel_loop3A_575 : vector<16xi32> to vector<16xf32>
        %parallel_loop3A_580 = arith.subf %parallel_loop3A_567, %parallel_loop3A_579 : vector<16xf32>
        %parallel_loop3A_581 = arith.sitofp %parallel_loop3A_576 : vector<16xi32> to vector<16xf32>
        %parallel_loop3A_582 = arith.subf %parallel_loop3A_573, %parallel_loop3A_581 : vector<16xf32>
        %parallel_loop3A_583 = arith.constant 12 : i32
        %parallel_loop3A_584 = vector.broadcast %parallel_loop3A_583 : i32 to vector<16xi32>
        %parallel_loop3A_585 = arith.muli %parallel_loop3A_575, %parallel_loop3A_584 : vector<16xi32>
        %parallel_loop3A_586 = arith.addi %parallel_loop3A_574, %parallel_loop3A_585 : vector<16xi32>
        %parallel_loop3A_587 = arith.constant 144 : i32
        %parallel_loop3A_588 = vector.broadcast %parallel_loop3A_587 : i32 to vector<16xi32>
        %parallel_loop3A_589 = arith.muli %parallel_loop3A_576, %parallel_loop3A_588 : vector<16xi32>
        %parallel_loop3A_590 = arith.addi %parallel_loop3A_586, %parallel_loop3A_589 : vector<16xi32>
        %parallel_loop3A_591 = arith.constant 1.000000e+00 : f32
        %parallel_loop3A_592 = vector.broadcast %parallel_loop3A_591 : f32 to vector<16xf32>
        %parallel_loop3A_593 = arith.subf %parallel_loop3A_592, %parallel_loop3A_578 : vector<16xf32>
        %parallel_loop3A_594 = arith.constant 1.000000e+00 : f32
        %parallel_loop3A_595 = vector.broadcast %parallel_loop3A_594 : f32 to vector<16xf32>
        %parallel_loop3A_596 = arith.subf %parallel_loop3A_595, %parallel_loop3A_580 : vector<16xf32>
        %parallel_loop3A_597 = arith.constant 1.000000e+00 : f32
        %parallel_loop3A_598 = vector.broadcast %parallel_loop3A_597 : f32 to vector<16xf32>
        %parallel_loop3A_599 = arith.subf %parallel_loop3A_598, %parallel_loop3A_582 : vector<16xf32>
        %parallel_loop3A_600 = arith.constant 2072 : i32
        %parallel_loop3A_601 = vector.broadcast %parallel_loop3A_600 : i32 to vector<16xi32>
        %parallel_loop3A_602 = arith.addi %parallel_loop3A_590, %parallel_loop3A_601 : vector<16xi32>
        %parallel_loop3A_603 = tpu.vector_load_idx %arg15[%parallel_loop3A_602] : memref<85296xi32, #tpu.memory_space<vmem>>[vector<16xi32>], vector<16xi32>,
        %parallel_loop3A_604 = arith.constant 16 : i32
        %parallel_loop3A_605 = vector.broadcast %parallel_loop3A_604 : i32 to vector<16xi32>
        %parallel_loop3A_606 = arith.shli %parallel_loop3A_603, %parallel_loop3A_605 : vector<16xi32>
        %parallel_loop3A_607 = vector.bitcast %parallel_loop3A_606 : vector<16xi32> to vector<16xf32>
        %parallel_loop3A_608 = arith.constant -65536 : i32
        %parallel_loop3A_609 = vector.broadcast %parallel_loop3A_608 : i32 to vector<16xi32>
        %parallel_loop3A_610 = arith.andi %parallel_loop3A_603, %parallel_loop3A_609 : vector<16xi32>
        %parallel_loop3A_611 = vector.bitcast %parallel_loop3A_610 : vector<16xi32> to vector<16xf32>
        %parallel_loop3A_612 = arith.mulf %parallel_loop3A_593, %parallel_loop3A_596 : vector<16xf32>
        %parallel_loop3A_613 = arith.mulf %parallel_loop3A_612, %parallel_loop3A_599 : vector<16xf32>
        %parallel_loop3A_614 = arith.mulf %parallel_loop3A_613, %parallel_loop3A_607 : vector<16xf32>
        %parallel_loop3A_615 = arith.mulf %parallel_loop3A_613, %parallel_loop3A_611 : vector<16xf32>
        %parallel_loop3A_616 = arith.constant 2073 : i32
        %parallel_loop3A_617 = vector.broadcast %parallel_loop3A_616 : i32 to vector<16xi32>
        %parallel_loop3A_618 = arith.addi %parallel_loop3A_590, %parallel_loop3A_617 : vector<16xi32>
        %parallel_loop3A_619 = tpu.vector_load_idx %arg15[%parallel_loop3A_618] : memref<85296xi32, #tpu.memory_space<vmem>>[vector<16xi32>], vector<16xi32>,
        %parallel_loop3A_620 = arith.constant 16 : i32
        %parallel_loop3A_621 = vector.broadcast %parallel_loop3A_620 : i32 to vector<16xi32>
        %parallel_loop3A_622 = arith.shli %parallel_loop3A_619, %parallel_loop3A_621 : vector<16xi32>
        %parallel_loop3A_623 = vector.bitcast %parallel_loop3A_622 : vector<16xi32> to vector<16xf32>
        %parallel_loop3A_624 = arith.constant -65536 : i32
        %parallel_loop3A_625 = vector.broadcast %parallel_loop3A_624 : i32 to vector<16xi32>
        %parallel_loop3A_626 = arith.andi %parallel_loop3A_619, %parallel_loop3A_625 : vector<16xi32>
        %parallel_loop3A_627 = vector.bitcast %parallel_loop3A_626 : vector<16xi32> to vector<16xf32>
        %parallel_loop3A_628 = arith.mulf %parallel_loop3A_578, %parallel_loop3A_596 : vector<16xf32>
        %parallel_loop3A_629 = arith.mulf %parallel_loop3A_628, %parallel_loop3A_599 : vector<16xf32>
        %parallel_loop3A_630 = arith.mulf %parallel_loop3A_629, %parallel_loop3A_623 : vector<16xf32>
        %parallel_loop3A_631 = arith.mulf %parallel_loop3A_629, %parallel_loop3A_627 : vector<16xf32>
        %parallel_loop3A_632 = arith.constant 2084 : i32
        %parallel_loop3A_633 = vector.broadcast %parallel_loop3A_632 : i32 to vector<16xi32>
        %parallel_loop3A_634 = arith.addi %parallel_loop3A_590, %parallel_loop3A_633 : vector<16xi32>
        %parallel_loop3A_635 = tpu.vector_load_idx %arg15[%parallel_loop3A_634] : memref<85296xi32, #tpu.memory_space<vmem>>[vector<16xi32>], vector<16xi32>,
        %parallel_loop3A_636 = arith.constant 16 : i32
        %parallel_loop3A_637 = vector.broadcast %parallel_loop3A_636 : i32 to vector<16xi32>
        %parallel_loop3A_638 = arith.shli %parallel_loop3A_635, %parallel_loop3A_637 : vector<16xi32>
        %parallel_loop3A_639 = vector.bitcast %parallel_loop3A_638 : vector<16xi32> to vector<16xf32>
        %parallel_loop3A_640 = arith.constant -65536 : i32
        %parallel_loop3A_641 = vector.broadcast %parallel_loop3A_640 : i32 to vector<16xi32>
        %parallel_loop3A_642 = arith.andi %parallel_loop3A_635, %parallel_loop3A_641 : vector<16xi32>
        %parallel_loop3A_643 = vector.bitcast %parallel_loop3A_642 : vector<16xi32> to vector<16xf32>
        %parallel_loop3A_644 = arith.mulf %parallel_loop3A_593, %parallel_loop3A_580 : vector<16xf32>
        %parallel_loop3A_645 = arith.mulf %parallel_loop3A_644, %parallel_loop3A_599 : vector<16xf32>
        %parallel_loop3A_646 = arith.mulf %parallel_loop3A_645, %parallel_loop3A_639 : vector<16xf32>
        %parallel_loop3A_647 = arith.mulf %parallel_loop3A_645, %parallel_loop3A_643 : vector<16xf32>
        %parallel_loop3A_648 = arith.constant 2085 : i32
        %parallel_loop3A_649 = vector.broadcast %parallel_loop3A_648 : i32 to vector<16xi32>
        %parallel_loop3A_650 = arith.addi %parallel_loop3A_590, %parallel_loop3A_649 : vector<16xi32>
        %parallel_loop3A_651 = tpu.vector_load_idx %arg15[%parallel_loop3A_650] : memref<85296xi32, #tpu.memory_space<vmem>>[vector<16xi32>], vector<16xi32>,
        %parallel_loop3A_652 = arith.constant 16 : i32
        %parallel_loop3A_653 = vector.broadcast %parallel_loop3A_652 : i32 to vector<16xi32>
        %parallel_loop3A_654 = arith.shli %parallel_loop3A_651, %parallel_loop3A_653 : vector<16xi32>
        %parallel_loop3A_655 = vector.bitcast %parallel_loop3A_654 : vector<16xi32> to vector<16xf32>
        %parallel_loop3A_656 = arith.constant -65536 : i32
        %parallel_loop3A_657 = vector.broadcast %parallel_loop3A_656 : i32 to vector<16xi32>
        %parallel_loop3A_658 = arith.andi %parallel_loop3A_651, %parallel_loop3A_657 : vector<16xi32>
        %parallel_loop3A_659 = vector.bitcast %parallel_loop3A_658 : vector<16xi32> to vector<16xf32>
        %parallel_loop3A_660 = arith.mulf %parallel_loop3A_578, %parallel_loop3A_580 : vector<16xf32>
        %parallel_loop3A_661 = arith.mulf %parallel_loop3A_660, %parallel_loop3A_599 : vector<16xf32>
        %parallel_loop3A_662 = arith.mulf %parallel_loop3A_661, %parallel_loop3A_655 : vector<16xf32>
        %parallel_loop3A_663 = arith.mulf %parallel_loop3A_661, %parallel_loop3A_659 : vector<16xf32>
        %parallel_loop3A_664 = arith.constant 2216 : i32
        %parallel_loop3A_665 = vector.broadcast %parallel_loop3A_664 : i32 to vector<16xi32>
        %parallel_loop3A_666 = arith.addi %parallel_loop3A_590, %parallel_loop3A_665 : vector<16xi32>
        %parallel_loop3A_667 = tpu.vector_load_idx %arg15[%parallel_loop3A_666] : memref<85296xi32, #tpu.memory_space<vmem>>[vector<16xi32>], vector<16xi32>,
        %parallel_loop3A_668 = arith.constant 16 : i32
        %parallel_loop3A_669 = vector.broadcast %parallel_loop3A_668 : i32 to vector<16xi32>
        %parallel_loop3A_670 = arith.shli %parallel_loop3A_667, %parallel_loop3A_669 : vector<16xi32>
        %parallel_loop3A_671 = vector.bitcast %parallel_loop3A_670 : vector<16xi32> to vector<16xf32>
        %parallel_loop3A_672 = arith.constant -65536 : i32
        %parallel_loop3A_673 = vector.broadcast %parallel_loop3A_672 : i32 to vector<16xi32>
        %parallel_loop3A_674 = arith.andi %parallel_loop3A_667, %parallel_loop3A_673 : vector<16xi32>
        %parallel_loop3A_675 = vector.bitcast %parallel_loop3A_674 : vector<16xi32> to vector<16xf32>
        %parallel_loop3A_676 = arith.mulf %parallel_loop3A_593, %parallel_loop3A_596 : vector<16xf32>
        %parallel_loop3A_677 = arith.mulf %parallel_loop3A_676, %parallel_loop3A_582 : vector<16xf32>
        %parallel_loop3A_678 = arith.mulf %parallel_loop3A_677, %parallel_loop3A_671 : vector<16xf32>
        %parallel_loop3A_679 = arith.mulf %parallel_loop3A_677, %parallel_loop3A_675 : vector<16xf32>
        %parallel_loop3A_680 = arith.constant 2217 : i32
        %parallel_loop3A_681 = vector.broadcast %parallel_loop3A_680 : i32 to vector<16xi32>
        %parallel_loop3A_682 = arith.addi %parallel_loop3A_590, %parallel_loop3A_681 : vector<16xi32>
        %parallel_loop3A_683 = tpu.vector_load_idx %arg15[%parallel_loop3A_682] : memref<85296xi32, #tpu.memory_space<vmem>>[vector<16xi32>], vector<16xi32>,
        %parallel_loop3A_684 = arith.constant 16 : i32
        %parallel_loop3A_685 = vector.broadcast %parallel_loop3A_684 : i32 to vector<16xi32>
        %parallel_loop3A_686 = arith.shli %parallel_loop3A_683, %parallel_loop3A_685 : vector<16xi32>
        %parallel_loop3A_687 = vector.bitcast %parallel_loop3A_686 : vector<16xi32> to vector<16xf32>
        %parallel_loop3A_688 = arith.constant -65536 : i32
        %parallel_loop3A_689 = vector.broadcast %parallel_loop3A_688 : i32 to vector<16xi32>
        %parallel_loop3A_690 = arith.andi %parallel_loop3A_683, %parallel_loop3A_689 : vector<16xi32>
        %parallel_loop3A_691 = vector.bitcast %parallel_loop3A_690 : vector<16xi32> to vector<16xf32>
        %parallel_loop3A_692 = arith.mulf %parallel_loop3A_578, %parallel_loop3A_596 : vector<16xf32>
        %parallel_loop3A_693 = arith.mulf %parallel_loop3A_692, %parallel_loop3A_582 : vector<16xf32>
        %parallel_loop3A_694 = arith.mulf %parallel_loop3A_693, %parallel_loop3A_687 : vector<16xf32>
        %parallel_loop3A_695 = arith.mulf %parallel_loop3A_693, %parallel_loop3A_691 : vector<16xf32>
        %parallel_loop3A_696 = arith.constant 2228 : i32
        %parallel_loop3A_697 = vector.broadcast %parallel_loop3A_696 : i32 to vector<16xi32>
        %parallel_loop3A_698 = arith.addi %parallel_loop3A_590, %parallel_loop3A_697 : vector<16xi32>
        %parallel_loop3A_699 = tpu.vector_load_idx %arg15[%parallel_loop3A_698] : memref<85296xi32, #tpu.memory_space<vmem>>[vector<16xi32>], vector<16xi32>,
        %parallel_loop3A_700 = arith.constant 16 : i32
        %parallel_loop3A_701 = vector.broadcast %parallel_loop3A_700 : i32 to vector<16xi32>
        %parallel_loop3A_702 = arith.shli %parallel_loop3A_699, %parallel_loop3A_701 : vector<16xi32>
        %parallel_loop3A_703 = vector.bitcast %parallel_loop3A_702 : vector<16xi32> to vector<16xf32>
        %parallel_loop3A_704 = arith.constant -65536 : i32
        %parallel_loop3A_705 = vector.broadcast %parallel_loop3A_704 : i32 to vector<16xi32>
        %parallel_loop3A_706 = arith.andi %parallel_loop3A_699, %parallel_loop3A_705 : vector<16xi32>
        %parallel_loop3A_707 = vector.bitcast %parallel_loop3A_706 : vector<16xi32> to vector<16xf32>
        %parallel_loop3A_708 = arith.mulf %parallel_loop3A_593, %parallel_loop3A_580 : vector<16xf32>
        %parallel_loop3A_709 = arith.mulf %parallel_loop3A_708, %parallel_loop3A_582 : vector<16xf32>
        %parallel_loop3A_710 = arith.mulf %parallel_loop3A_709, %parallel_loop3A_703 : vector<16xf32>
        %parallel_loop3A_711 = arith.mulf %parallel_loop3A_709, %parallel_loop3A_707 : vector<16xf32>
        %parallel_loop3A_712 = arith.constant 2229 : i32
        %parallel_loop3A_713 = vector.broadcast %parallel_loop3A_712 : i32 to vector<16xi32>
        %parallel_loop3A_714 = arith.addi %parallel_loop3A_590, %parallel_loop3A_713 : vector<16xi32>
        %parallel_loop3A_715 = tpu.vector_load_idx %arg15[%parallel_loop3A_714] : memref<85296xi32, #tpu.memory_space<vmem>>[vector<16xi32>], vector<16xi32>,
        %parallel_loop3A_716 = arith.constant 16 : i32
        %parallel_loop3A_717 = vector.broadcast %parallel_loop3A_716 : i32 to vector<16xi32>
        %parallel_loop3A_718 = arith.shli %parallel_loop3A_715, %parallel_loop3A_717 : vector<16xi32>
        %parallel_loop3A_719 = vector.bitcast %parallel_loop3A_718 : vector<16xi32> to vector<16xf32>
        %parallel_loop3A_720 = arith.constant -65536 : i32
        %parallel_loop3A_721 = vector.broadcast %parallel_loop3A_720 : i32 to vector<16xi32>
        %parallel_loop3A_722 = arith.andi %parallel_loop3A_715, %parallel_loop3A_721 : vector<16xi32>
        %parallel_loop3A_723 = vector.bitcast %parallel_loop3A_722 : vector<16xi32> to vector<16xf32>
        %parallel_loop3A_724 = arith.mulf %parallel_loop3A_578, %parallel_loop3A_580 : vector<16xf32>
        %parallel_loop3A_725 = arith.mulf %parallel_loop3A_724, %parallel_loop3A_582 : vector<16xf32>
        %parallel_loop3A_726 = arith.mulf %parallel_loop3A_725, %parallel_loop3A_719 : vector<16xf32>
        %parallel_loop3A_727 = arith.mulf %parallel_loop3A_725, %parallel_loop3A_723 : vector<16xf32>
        %parallel_loop3A_728 = arith.addf %parallel_loop3A_614, %parallel_loop3A_630 : vector<16xf32>
        %parallel_loop3A_729 = arith.addf %parallel_loop3A_646, %parallel_loop3A_662 : vector<16xf32>
        %parallel_loop3A_730 = arith.addf %parallel_loop3A_728, %parallel_loop3A_729 : vector<16xf32>
        %parallel_loop3A_731 = arith.addf %parallel_loop3A_678, %parallel_loop3A_694 : vector<16xf32>
        %parallel_loop3A_732 = arith.addf %parallel_loop3A_710, %parallel_loop3A_726 : vector<16xf32>
        %parallel_loop3A_733 = arith.addf %parallel_loop3A_731, %parallel_loop3A_732 : vector<16xf32>
        %parallel_loop3A_734 = arith.addf %parallel_loop3A_730, %parallel_loop3A_733 : vector<16xf32>
        %parallel_loop3A_735 = arith.addf %parallel_loop3A_615, %parallel_loop3A_631 : vector<16xf32>
        %parallel_loop3A_736 = arith.addf %parallel_loop3A_647, %parallel_loop3A_663 : vector<16xf32>
        %parallel_loop3A_737 = arith.addf %parallel_loop3A_735, %parallel_loop3A_736 : vector<16xf32>
        %parallel_loop3A_738 = arith.addf %parallel_loop3A_679, %parallel_loop3A_695 : vector<16xf32>
        %parallel_loop3A_739 = arith.addf %parallel_loop3A_711, %parallel_loop3A_727 : vector<16xf32>
        %parallel_loop3A_740 = arith.addf %parallel_loop3A_738, %parallel_loop3A_739 : vector<16xf32>
        %parallel_loop3A_741 = arith.addf %parallel_loop3A_737, %parallel_loop3A_740 : vector<16xf32>
        %parallel_loop3A_742 = arith.constant 4 : i32
        %parallel_loop3A_743 = vector.broadcast %parallel_loop3A_742 : i32 to vector<16xi32>
        %parallel_loop3A_744 = arith.addi %parallel_loop3A_171, %parallel_loop3A_743 : vector<16xi32>
        tpu.vector_store_idx %arg14[%parallel_loop3A_165, %parallel_loop3A_744], %parallel_loop3A_734 : memref<64x128xf32, #tpu.memory_space<vmem>>[vector<16xi32>, vector<16xi32>], vector<16xf32>,
        %parallel_loop3A_745 = arith.constant 1 : i32
        %parallel_loop3A_746 = vector.broadcast %parallel_loop3A_745 : i32 to vector<16xi32>
        %parallel_loop3A_747 = arith.addi %parallel_loop3A_744, %parallel_loop3A_746 : vector<16xi32>
        tpu.vector_store_idx %arg14[%parallel_loop3A_165, %parallel_loop3A_747], %parallel_loop3A_741 : memref<64x128xf32, #tpu.memory_space<vmem>>[vector<16xi32>, vector<16xi32>], vector<16xf32>,
        %parallel_loop3A_748 = arith.constant 13.4915791 : f32
        %parallel_loop3A_749 = vector.broadcast %parallel_loop3A_748 : f32 to vector<16xf32>
        %parallel_loop3A_750 = arith.mulf %parallel_loop3A_156, %parallel_loop3A_749 : vector<16xf32>
        %parallel_loop3A_751 = arith.constant 5.000000e-01 : f32
        %parallel_loop3A_752 = vector.broadcast %parallel_loop3A_751 : f32 to vector<16xf32>
        %parallel_loop3A_753 = arith.addf %parallel_loop3A_750, %parallel_loop3A_752 : vector<16xf32>
        %parallel_loop3A_754 = arith.constant 13.4915791 : f32
        %parallel_loop3A_755 = vector.broadcast %parallel_loop3A_754 : f32 to vector<16xf32>
        %parallel_loop3A_756 = arith.mulf %parallel_loop3A_158, %parallel_loop3A_755 : vector<16xf32>
        %parallel_loop3A_757 = arith.constant 5.000000e-01 : f32
        %parallel_loop3A_758 = vector.broadcast %parallel_loop3A_757 : f32 to vector<16xf32>
        %parallel_loop3A_759 = arith.addf %parallel_loop3A_756, %parallel_loop3A_758 : vector<16xf32>
        %parallel_loop3A_760 = arith.constant 13.4915791 : f32
        %parallel_loop3A_761 = vector.broadcast %parallel_loop3A_760 : f32 to vector<16xf32>
        %parallel_loop3A_762 = arith.mulf %parallel_loop3A_160, %parallel_loop3A_761 : vector<16xf32>
        %parallel_loop3A_763 = arith.constant 5.000000e-01 : f32
        %parallel_loop3A_764 = vector.broadcast %parallel_loop3A_763 : f32 to vector<16xf32>
        %parallel_loop3A_765 = arith.addf %parallel_loop3A_762, %parallel_loop3A_764 : vector<16xf32>
        %parallel_loop3A_766 = arith.fptosi %parallel_loop3A_753 : vector<16xf32> to vector<16xi32>
        %parallel_loop3A_767 = arith.fptosi %parallel_loop3A_759 : vector<16xf32> to vector<16xi32>
        %parallel_loop3A_768 = arith.fptosi %parallel_loop3A_765 : vector<16xf32> to vector<16xi32>
        %parallel_loop3A_769 = arith.sitofp %parallel_loop3A_766 : vector<16xi32> to vector<16xf32>
        %parallel_loop3A_770 = arith.subf %parallel_loop3A_753, %parallel_loop3A_769 : vector<16xf32>
        %parallel_loop3A_771 = arith.sitofp %parallel_loop3A_767 : vector<16xi32> to vector<16xf32>
        %parallel_loop3A_772 = arith.subf %parallel_loop3A_759, %parallel_loop3A_771 : vector<16xf32>
        %parallel_loop3A_773 = arith.sitofp %parallel_loop3A_768 : vector<16xi32> to vector<16xf32>
        %parallel_loop3A_774 = arith.subf %parallel_loop3A_765, %parallel_loop3A_773 : vector<16xf32>
        %parallel_loop3A_775 = arith.constant 15 : i32
        %parallel_loop3A_776 = vector.broadcast %parallel_loop3A_775 : i32 to vector<16xi32>
        %parallel_loop3A_777 = arith.muli %parallel_loop3A_767, %parallel_loop3A_776 : vector<16xi32>
        %parallel_loop3A_778 = arith.addi %parallel_loop3A_766, %parallel_loop3A_777 : vector<16xi32>
        %parallel_loop3A_779 = arith.constant 225 : i32
        %parallel_loop3A_780 = vector.broadcast %parallel_loop3A_779 : i32 to vector<16xi32>
        %parallel_loop3A_781 = arith.muli %parallel_loop3A_768, %parallel_loop3A_780 : vector<16xi32>
        %parallel_loop3A_782 = arith.addi %parallel_loop3A_778, %parallel_loop3A_781 : vector<16xi32>
        %parallel_loop3A_783 = arith.constant 1.000000e+00 : f32
        %parallel_loop3A_784 = vector.broadcast %parallel_loop3A_783 : f32 to vector<16xf32>
        %parallel_loop3A_785 = arith.subf %parallel_loop3A_784, %parallel_loop3A_770 : vector<16xf32>
        %parallel_loop3A_786 = arith.constant 1.000000e+00 : f32
        %parallel_loop3A_787 = vector.broadcast %parallel_loop3A_786 : f32 to vector<16xf32>
        %parallel_loop3A_788 = arith.subf %parallel_loop3A_787, %parallel_loop3A_772 : vector<16xf32>
        %parallel_loop3A_789 = arith.constant 1.000000e+00 : f32
        %parallel_loop3A_790 = vector.broadcast %parallel_loop3A_789 : f32 to vector<16xf32>
        %parallel_loop3A_791 = arith.subf %parallel_loop3A_790, %parallel_loop3A_774 : vector<16xf32>
        %parallel_loop3A_792 = arith.constant 4272 : i32
        %parallel_loop3A_793 = vector.broadcast %parallel_loop3A_792 : i32 to vector<16xi32>
        %parallel_loop3A_794 = arith.addi %parallel_loop3A_782, %parallel_loop3A_793 : vector<16xi32>
        %parallel_loop3A_795 = tpu.vector_load_idx %arg15[%parallel_loop3A_794] : memref<85296xi32, #tpu.memory_space<vmem>>[vector<16xi32>], vector<16xi32>,
        %parallel_loop3A_796 = arith.constant 16 : i32
        %parallel_loop3A_797 = vector.broadcast %parallel_loop3A_796 : i32 to vector<16xi32>
        %parallel_loop3A_798 = arith.shli %parallel_loop3A_795, %parallel_loop3A_797 : vector<16xi32>
        %parallel_loop3A_799 = vector.bitcast %parallel_loop3A_798 : vector<16xi32> to vector<16xf32>
        %parallel_loop3A_800 = arith.constant -65536 : i32
        %parallel_loop3A_801 = vector.broadcast %parallel_loop3A_800 : i32 to vector<16xi32>
        %parallel_loop3A_802 = arith.andi %parallel_loop3A_795, %parallel_loop3A_801 : vector<16xi32>
        %parallel_loop3A_803 = vector.bitcast %parallel_loop3A_802 : vector<16xi32> to vector<16xf32>
        %parallel_loop3A_804 = arith.mulf %parallel_loop3A_785, %parallel_loop3A_788 : vector<16xf32>
        %parallel_loop3A_805 = arith.mulf %parallel_loop3A_804, %parallel_loop3A_791 : vector<16xf32>
        %parallel_loop3A_806 = arith.mulf %parallel_loop3A_805, %parallel_loop3A_799 : vector<16xf32>
        %parallel_loop3A_807 = arith.mulf %parallel_loop3A_805, %parallel_loop3A_803 : vector<16xf32>
        %parallel_loop3A_808 = arith.constant 4273 : i32
        %parallel_loop3A_809 = vector.broadcast %parallel_loop3A_808 : i32 to vector<16xi32>
        %parallel_loop3A_810 = arith.addi %parallel_loop3A_782, %parallel_loop3A_809 : vector<16xi32>
        %parallel_loop3A_811 = tpu.vector_load_idx %arg15[%parallel_loop3A_810] : memref<85296xi32, #tpu.memory_space<vmem>>[vector<16xi32>], vector<16xi32>,
        %parallel_loop3A_812 = arith.constant 16 : i32
        %parallel_loop3A_813 = vector.broadcast %parallel_loop3A_812 : i32 to vector<16xi32>
        %parallel_loop3A_814 = arith.shli %parallel_loop3A_811, %parallel_loop3A_813 : vector<16xi32>
        %parallel_loop3A_815 = vector.bitcast %parallel_loop3A_814 : vector<16xi32> to vector<16xf32>
        %parallel_loop3A_816 = arith.constant -65536 : i32
        %parallel_loop3A_817 = vector.broadcast %parallel_loop3A_816 : i32 to vector<16xi32>
        %parallel_loop3A_818 = arith.andi %parallel_loop3A_811, %parallel_loop3A_817 : vector<16xi32>
        %parallel_loop3A_819 = vector.bitcast %parallel_loop3A_818 : vector<16xi32> to vector<16xf32>
        %parallel_loop3A_820 = arith.mulf %parallel_loop3A_770, %parallel_loop3A_788 : vector<16xf32>
        %parallel_loop3A_821 = arith.mulf %parallel_loop3A_820, %parallel_loop3A_791 : vector<16xf32>
        %parallel_loop3A_822 = arith.mulf %parallel_loop3A_821, %parallel_loop3A_815 : vector<16xf32>
        %parallel_loop3A_823 = arith.mulf %parallel_loop3A_821, %parallel_loop3A_819 : vector<16xf32>
        %parallel_loop3A_824 = arith.constant 4287 : i32
        %parallel_loop3A_825 = vector.broadcast %parallel_loop3A_824 : i32 to vector<16xi32>
        %parallel_loop3A_826 = arith.addi %parallel_loop3A_782, %parallel_loop3A_825 : vector<16xi32>
        %parallel_loop3A_827 = tpu.vector_load_idx %arg15[%parallel_loop3A_826] : memref<85296xi32, #tpu.memory_space<vmem>>[vector<16xi32>], vector<16xi32>,
        %parallel_loop3A_828 = arith.constant 16 : i32
        %parallel_loop3A_829 = vector.broadcast %parallel_loop3A_828 : i32 to vector<16xi32>
        %parallel_loop3A_830 = arith.shli %parallel_loop3A_827, %parallel_loop3A_829 : vector<16xi32>
        %parallel_loop3A_831 = vector.bitcast %parallel_loop3A_830 : vector<16xi32> to vector<16xf32>
        %parallel_loop3A_832 = arith.constant -65536 : i32
        %parallel_loop3A_833 = vector.broadcast %parallel_loop3A_832 : i32 to vector<16xi32>
        %parallel_loop3A_834 = arith.andi %parallel_loop3A_827, %parallel_loop3A_833 : vector<16xi32>
        %parallel_loop3A_835 = vector.bitcast %parallel_loop3A_834 : vector<16xi32> to vector<16xf32>
        %parallel_loop3A_836 = arith.mulf %parallel_loop3A_785, %parallel_loop3A_772 : vector<16xf32>
        %parallel_loop3A_837 = arith.mulf %parallel_loop3A_836, %parallel_loop3A_791 : vector<16xf32>
        %parallel_loop3A_838 = arith.mulf %parallel_loop3A_837, %parallel_loop3A_831 : vector<16xf32>
        %parallel_loop3A_839 = arith.mulf %parallel_loop3A_837, %parallel_loop3A_835 : vector<16xf32>
        %parallel_loop3A_840 = arith.constant 4288 : i32
        %parallel_loop3A_841 = vector.broadcast %parallel_loop3A_840 : i32 to vector<16xi32>
        %parallel_loop3A_842 = arith.addi %parallel_loop3A_782, %parallel_loop3A_841 : vector<16xi32>
        %parallel_loop3A_843 = tpu.vector_load_idx %arg15[%parallel_loop3A_842] : memref<85296xi32, #tpu.memory_space<vmem>>[vector<16xi32>], vector<16xi32>,
        %parallel_loop3A_844 = arith.constant 16 : i32
        %parallel_loop3A_845 = vector.broadcast %parallel_loop3A_844 : i32 to vector<16xi32>
        %parallel_loop3A_846 = arith.shli %parallel_loop3A_843, %parallel_loop3A_845 : vector<16xi32>
        %parallel_loop3A_847 = vector.bitcast %parallel_loop3A_846 : vector<16xi32> to vector<16xf32>
        %parallel_loop3A_848 = arith.constant -65536 : i32
        %parallel_loop3A_849 = vector.broadcast %parallel_loop3A_848 : i32 to vector<16xi32>
        %parallel_loop3A_850 = arith.andi %parallel_loop3A_843, %parallel_loop3A_849 : vector<16xi32>
        %parallel_loop3A_851 = vector.bitcast %parallel_loop3A_850 : vector<16xi32> to vector<16xf32>
        %parallel_loop3A_852 = arith.mulf %parallel_loop3A_770, %parallel_loop3A_772 : vector<16xf32>
        %parallel_loop3A_853 = arith.mulf %parallel_loop3A_852, %parallel_loop3A_791 : vector<16xf32>
        %parallel_loop3A_854 = arith.mulf %parallel_loop3A_853, %parallel_loop3A_847 : vector<16xf32>
        %parallel_loop3A_855 = arith.mulf %parallel_loop3A_853, %parallel_loop3A_851 : vector<16xf32>
        %parallel_loop3A_856 = arith.constant 4497 : i32
        %parallel_loop3A_857 = vector.broadcast %parallel_loop3A_856 : i32 to vector<16xi32>
        %parallel_loop3A_858 = arith.addi %parallel_loop3A_782, %parallel_loop3A_857 : vector<16xi32>
        %parallel_loop3A_859 = tpu.vector_load_idx %arg15[%parallel_loop3A_858] : memref<85296xi32, #tpu.memory_space<vmem>>[vector<16xi32>], vector<16xi32>,
        %parallel_loop3A_860 = arith.constant 16 : i32
        %parallel_loop3A_861 = vector.broadcast %parallel_loop3A_860 : i32 to vector<16xi32>
        %parallel_loop3A_862 = arith.shli %parallel_loop3A_859, %parallel_loop3A_861 : vector<16xi32>
        %parallel_loop3A_863 = vector.bitcast %parallel_loop3A_862 : vector<16xi32> to vector<16xf32>
        %parallel_loop3A_864 = arith.constant -65536 : i32
        %parallel_loop3A_865 = vector.broadcast %parallel_loop3A_864 : i32 to vector<16xi32>
        %parallel_loop3A_866 = arith.andi %parallel_loop3A_859, %parallel_loop3A_865 : vector<16xi32>
        %parallel_loop3A_867 = vector.bitcast %parallel_loop3A_866 : vector<16xi32> to vector<16xf32>
        %parallel_loop3A_868 = arith.mulf %parallel_loop3A_785, %parallel_loop3A_788 : vector<16xf32>
        %parallel_loop3A_869 = arith.mulf %parallel_loop3A_868, %parallel_loop3A_774 : vector<16xf32>
        %parallel_loop3A_870 = arith.mulf %parallel_loop3A_869, %parallel_loop3A_863 : vector<16xf32>
        %parallel_loop3A_871 = arith.mulf %parallel_loop3A_869, %parallel_loop3A_867 : vector<16xf32>
        %parallel_loop3A_872 = arith.constant 4498 : i32
        %parallel_loop3A_873 = vector.broadcast %parallel_loop3A_872 : i32 to vector<16xi32>
        %parallel_loop3A_874 = arith.addi %parallel_loop3A_782, %parallel_loop3A_873 : vector<16xi32>
        %parallel_loop3A_875 = tpu.vector_load_idx %arg15[%parallel_loop3A_874] : memref<85296xi32, #tpu.memory_space<vmem>>[vector<16xi32>], vector<16xi32>,
        %parallel_loop3A_876 = arith.constant 16 : i32
        %parallel_loop3A_877 = vector.broadcast %parallel_loop3A_876 : i32 to vector<16xi32>
        %parallel_loop3A_878 = arith.shli %parallel_loop3A_875, %parallel_loop3A_877 : vector<16xi32>
        %parallel_loop3A_879 = vector.bitcast %parallel_loop3A_878 : vector<16xi32> to vector<16xf32>
        %parallel_loop3A_880 = arith.constant -65536 : i32
        %parallel_loop3A_881 = vector.broadcast %parallel_loop3A_880 : i32 to vector<16xi32>
        %parallel_loop3A_882 = arith.andi %parallel_loop3A_875, %parallel_loop3A_881 : vector<16xi32>
        %parallel_loop3A_883 = vector.bitcast %parallel_loop3A_882 : vector<16xi32> to vector<16xf32>
        %parallel_loop3A_884 = arith.mulf %parallel_loop3A_770, %parallel_loop3A_788 : vector<16xf32>
        %parallel_loop3A_885 = arith.mulf %parallel_loop3A_884, %parallel_loop3A_774 : vector<16xf32>
        %parallel_loop3A_886 = arith.mulf %parallel_loop3A_885, %parallel_loop3A_879 : vector<16xf32>
        %parallel_loop3A_887 = arith.mulf %parallel_loop3A_885, %parallel_loop3A_883 : vector<16xf32>
        %parallel_loop3A_888 = arith.constant 4512 : i32
        %parallel_loop3A_889 = vector.broadcast %parallel_loop3A_888 : i32 to vector<16xi32>
        %parallel_loop3A_890 = arith.addi %parallel_loop3A_782, %parallel_loop3A_889 : vector<16xi32>
        %parallel_loop3A_891 = tpu.vector_load_idx %arg15[%parallel_loop3A_890] : memref<85296xi32, #tpu.memory_space<vmem>>[vector<16xi32>], vector<16xi32>,
        %parallel_loop3A_892 = arith.constant 16 : i32
        %parallel_loop3A_893 = vector.broadcast %parallel_loop3A_892 : i32 to vector<16xi32>
        %parallel_loop3A_894 = arith.shli %parallel_loop3A_891, %parallel_loop3A_893 : vector<16xi32>
        %parallel_loop3A_895 = vector.bitcast %parallel_loop3A_894 : vector<16xi32> to vector<16xf32>
        %parallel_loop3A_896 = arith.constant -65536 : i32
        %parallel_loop3A_897 = vector.broadcast %parallel_loop3A_896 : i32 to vector<16xi32>
        %parallel_loop3A_898 = arith.andi %parallel_loop3A_891, %parallel_loop3A_897 : vector<16xi32>
        %parallel_loop3A_899 = vector.bitcast %parallel_loop3A_898 : vector<16xi32> to vector<16xf32>
        %parallel_loop3A_900 = arith.mulf %parallel_loop3A_785, %parallel_loop3A_772 : vector<16xf32>
        %parallel_loop3A_901 = arith.mulf %parallel_loop3A_900, %parallel_loop3A_774 : vector<16xf32>
        %parallel_loop3A_902 = arith.mulf %parallel_loop3A_901, %parallel_loop3A_895 : vector<16xf32>
        %parallel_loop3A_903 = arith.mulf %parallel_loop3A_901, %parallel_loop3A_899 : vector<16xf32>
        %parallel_loop3A_904 = arith.constant 4513 : i32
        %parallel_loop3A_905 = vector.broadcast %parallel_loop3A_904 : i32 to vector<16xi32>
        %parallel_loop3A_906 = arith.addi %parallel_loop3A_782, %parallel_loop3A_905 : vector<16xi32>
        %parallel_loop3A_907 = tpu.vector_load_idx %arg15[%parallel_loop3A_906] : memref<85296xi32, #tpu.memory_space<vmem>>[vector<16xi32>], vector<16xi32>,
        %parallel_loop3A_908 = arith.constant 16 : i32
        %parallel_loop3A_909 = vector.broadcast %parallel_loop3A_908 : i32 to vector<16xi32>
        %parallel_loop3A_910 = arith.shli %parallel_loop3A_907, %parallel_loop3A_909 : vector<16xi32>
        %parallel_loop3A_911 = vector.bitcast %parallel_loop3A_910 : vector<16xi32> to vector<16xf32>
        %parallel_loop3A_912 = arith.constant -65536 : i32
        %parallel_loop3A_913 = vector.broadcast %parallel_loop3A_912 : i32 to vector<16xi32>
        %parallel_loop3A_914 = arith.andi %parallel_loop3A_907, %parallel_loop3A_913 : vector<16xi32>
        %parallel_loop3A_915 = vector.bitcast %parallel_loop3A_914 : vector<16xi32> to vector<16xf32>
        %parallel_loop3A_916 = arith.mulf %parallel_loop3A_770, %parallel_loop3A_772 : vector<16xf32>
        %parallel_loop3A_917 = arith.mulf %parallel_loop3A_916, %parallel_loop3A_774 : vector<16xf32>
        %parallel_loop3A_918 = arith.mulf %parallel_loop3A_917, %parallel_loop3A_911 : vector<16xf32>
        %parallel_loop3A_919 = arith.mulf %parallel_loop3A_917, %parallel_loop3A_915 : vector<16xf32>
        %parallel_loop3A_920 = arith.addf %parallel_loop3A_806, %parallel_loop3A_822 : vector<16xf32>
        %parallel_loop3A_921 = arith.addf %parallel_loop3A_838, %parallel_loop3A_854 : vector<16xf32>
        %parallel_loop3A_922 = arith.addf %parallel_loop3A_920, %parallel_loop3A_921 : vector<16xf32>
        %parallel_loop3A_923 = arith.addf %parallel_loop3A_870, %parallel_loop3A_886 : vector<16xf32>
        %parallel_loop3A_924 = arith.addf %parallel_loop3A_902, %parallel_loop3A_918 : vector<16xf32>
        %parallel_loop3A_925 = arith.addf %parallel_loop3A_923, %parallel_loop3A_924 : vector<16xf32>
        %parallel_loop3A_926 = arith.addf %parallel_loop3A_922, %parallel_loop3A_925 : vector<16xf32>
        %parallel_loop3A_927 = arith.addf %parallel_loop3A_807, %parallel_loop3A_823 : vector<16xf32>
        %parallel_loop3A_928 = arith.addf %parallel_loop3A_839, %parallel_loop3A_855 : vector<16xf32>
        %parallel_loop3A_929 = arith.addf %parallel_loop3A_927, %parallel_loop3A_928 : vector<16xf32>
        %parallel_loop3A_930 = arith.addf %parallel_loop3A_871, %parallel_loop3A_887 : vector<16xf32>
        %parallel_loop3A_931 = arith.addf %parallel_loop3A_903, %parallel_loop3A_919 : vector<16xf32>
        %parallel_loop3A_932 = arith.addf %parallel_loop3A_930, %parallel_loop3A_931 : vector<16xf32>
        %parallel_loop3A_933 = arith.addf %parallel_loop3A_929, %parallel_loop3A_932 : vector<16xf32>
        %parallel_loop3A_934 = arith.constant 6 : i32
        %parallel_loop3A_935 = vector.broadcast %parallel_loop3A_934 : i32 to vector<16xi32>
        %parallel_loop3A_936 = arith.addi %parallel_loop3A_171, %parallel_loop3A_935 : vector<16xi32>
        tpu.vector_store_idx %arg14[%parallel_loop3A_165, %parallel_loop3A_936], %parallel_loop3A_926 : memref<64x128xf32, #tpu.memory_space<vmem>>[vector<16xi32>, vector<16xi32>], vector<16xf32>,
        %parallel_loop3A_937 = arith.constant 1 : i32
        %parallel_loop3A_938 = vector.broadcast %parallel_loop3A_937 : i32 to vector<16xi32>
        %parallel_loop3A_939 = arith.addi %parallel_loop3A_936, %parallel_loop3A_938 : vector<16xi32>
        tpu.vector_store_idx %arg14[%parallel_loop3A_165, %parallel_loop3A_939], %parallel_loop3A_933 : memref<64x128xf32, #tpu.memory_space<vmem>>[vector<16xi32>, vector<16xi32>], vector<16xf32>,
        %parallel_loop3A_940 = arith.constant 16.665432 : f32
        %parallel_loop3A_941 = vector.broadcast %parallel_loop3A_940 : f32 to vector<16xf32>
        %parallel_loop3A_942 = arith.mulf %parallel_loop3A_156, %parallel_loop3A_941 : vector<16xf32>
        %parallel_loop3A_943 = arith.constant 5.000000e-01 : f32
        %parallel_loop3A_944 = vector.broadcast %parallel_loop3A_943 : f32 to vector<16xf32>
        %parallel_loop3A_945 = arith.addf %parallel_loop3A_942, %parallel_loop3A_944 : vector<16xf32>
        %parallel_loop3A_946 = arith.constant 16.665432 : f32
        %parallel_loop3A_947 = vector.broadcast %parallel_loop3A_946 : f32 to vector<16xf32>
        %parallel_loop3A_948 = arith.mulf %parallel_loop3A_158, %parallel_loop3A_947 : vector<16xf32>
        %parallel_loop3A_949 = arith.constant 5.000000e-01 : f32
        %parallel_loop3A_950 = vector.broadcast %parallel_loop3A_949 : f32 to vector<16xf32>
        %parallel_loop3A_951 = arith.addf %parallel_loop3A_948, %parallel_loop3A_950 : vector<16xf32>
        %parallel_loop3A_952 = arith.constant 16.665432 : f32
        %parallel_loop3A_953 = vector.broadcast %parallel_loop3A_952 : f32 to vector<16xf32>
        %parallel_loop3A_954 = arith.mulf %parallel_loop3A_160, %parallel_loop3A_953 : vector<16xf32>
        %parallel_loop3A_955 = arith.constant 5.000000e-01 : f32
        %parallel_loop3A_956 = vector.broadcast %parallel_loop3A_955 : f32 to vector<16xf32>
        %parallel_loop3A_957 = arith.addf %parallel_loop3A_954, %parallel_loop3A_956 : vector<16xf32>
        %parallel_loop3A_958 = arith.fptosi %parallel_loop3A_945 : vector<16xf32> to vector<16xi32>
        %parallel_loop3A_959 = arith.fptosi %parallel_loop3A_951 : vector<16xf32> to vector<16xi32>
        %parallel_loop3A_960 = arith.fptosi %parallel_loop3A_957 : vector<16xf32> to vector<16xi32>
        %parallel_loop3A_961 = arith.sitofp %parallel_loop3A_958 : vector<16xi32> to vector<16xf32>
        %parallel_loop3A_962 = arith.subf %parallel_loop3A_945, %parallel_loop3A_961 : vector<16xf32>
        %parallel_loop3A_963 = arith.sitofp %parallel_loop3A_959 : vector<16xi32> to vector<16xf32>
        %parallel_loop3A_964 = arith.subf %parallel_loop3A_951, %parallel_loop3A_963 : vector<16xf32>
        %parallel_loop3A_965 = arith.sitofp %parallel_loop3A_960 : vector<16xi32> to vector<16xf32>
        %parallel_loop3A_966 = arith.subf %parallel_loop3A_957, %parallel_loop3A_965 : vector<16xf32>
        %parallel_loop3A_967 = arith.constant 18 : i32
        %parallel_loop3A_968 = vector.broadcast %parallel_loop3A_967 : i32 to vector<16xi32>
        %parallel_loop3A_969 = arith.muli %parallel_loop3A_959, %parallel_loop3A_968 : vector<16xi32>
        %parallel_loop3A_970 = arith.addi %parallel_loop3A_958, %parallel_loop3A_969 : vector<16xi32>
        %parallel_loop3A_971 = arith.constant 324 : i32
        %parallel_loop3A_972 = vector.broadcast %parallel_loop3A_971 : i32 to vector<16xi32>
        %parallel_loop3A_973 = arith.muli %parallel_loop3A_960, %parallel_loop3A_972 : vector<16xi32>
        %parallel_loop3A_974 = arith.addi %parallel_loop3A_970, %parallel_loop3A_973 : vector<16xi32>
        %parallel_loop3A_975 = arith.constant 1.000000e+00 : f32
        %parallel_loop3A_976 = vector.broadcast %parallel_loop3A_975 : f32 to vector<16xf32>
        %parallel_loop3A_977 = arith.subf %parallel_loop3A_976, %parallel_loop3A_962 : vector<16xf32>
        %parallel_loop3A_978 = arith.constant 1.000000e+00 : f32
        %parallel_loop3A_979 = vector.broadcast %parallel_loop3A_978 : f32 to vector<16xf32>
        %parallel_loop3A_980 = arith.subf %parallel_loop3A_979, %parallel_loop3A_964 : vector<16xf32>
        %parallel_loop3A_981 = arith.constant 1.000000e+00 : f32
        %parallel_loop3A_982 = vector.broadcast %parallel_loop3A_981 : f32 to vector<16xf32>
        %parallel_loop3A_983 = arith.subf %parallel_loop3A_982, %parallel_loop3A_966 : vector<16xf32>
        %parallel_loop3A_984 = arith.constant 8368 : i32
        %parallel_loop3A_985 = vector.broadcast %parallel_loop3A_984 : i32 to vector<16xi32>
        %parallel_loop3A_986 = arith.addi %parallel_loop3A_974, %parallel_loop3A_985 : vector<16xi32>
        %parallel_loop3A_987 = tpu.vector_load_idx %arg15[%parallel_loop3A_986] : memref<85296xi32, #tpu.memory_space<vmem>>[vector<16xi32>], vector<16xi32>,
        %parallel_loop3A_988 = arith.constant 16 : i32
        %parallel_loop3A_989 = vector.broadcast %parallel_loop3A_988 : i32 to vector<16xi32>
        %parallel_loop3A_990 = arith.shli %parallel_loop3A_987, %parallel_loop3A_989 : vector<16xi32>
        %parallel_loop3A_991 = vector.bitcast %parallel_loop3A_990 : vector<16xi32> to vector<16xf32>
        %parallel_loop3A_992 = arith.constant -65536 : i32
        %parallel_loop3A_993 = vector.broadcast %parallel_loop3A_992 : i32 to vector<16xi32>
        %parallel_loop3A_994 = arith.andi %parallel_loop3A_987, %parallel_loop3A_993 : vector<16xi32>
        %parallel_loop3A_995 = vector.bitcast %parallel_loop3A_994 : vector<16xi32> to vector<16xf32>
        %parallel_loop3A_996 = arith.mulf %parallel_loop3A_977, %parallel_loop3A_980 : vector<16xf32>
        %parallel_loop3A_997 = arith.mulf %parallel_loop3A_996, %parallel_loop3A_983 : vector<16xf32>
        %parallel_loop3A_998 = arith.mulf %parallel_loop3A_997, %parallel_loop3A_991 : vector<16xf32>
        %parallel_loop3A_999 = arith.mulf %parallel_loop3A_997, %parallel_loop3A_995 : vector<16xf32>
        %parallel_loop3A_1000 = arith.constant 8369 : i32
        %parallel_loop3A_1001 = vector.broadcast %parallel_loop3A_1000 : i32 to vector<16xi32>
        %parallel_loop3A_1002 = arith.addi %parallel_loop3A_974, %parallel_loop3A_1001 : vector<16xi32>
        %parallel_loop3A_1003 = tpu.vector_load_idx %arg15[%parallel_loop3A_1002] : memref<85296xi32, #tpu.memory_space<vmem>>[vector<16xi32>], vector<16xi32>,
        %parallel_loop3A_1004 = arith.constant 16 : i32
        %parallel_loop3A_1005 = vector.broadcast %parallel_loop3A_1004 : i32 to vector<16xi32>
        %parallel_loop3A_1006 = arith.shli %parallel_loop3A_1003, %parallel_loop3A_1005 : vector<16xi32>
        %parallel_loop3A_1007 = vector.bitcast %parallel_loop3A_1006 : vector<16xi32> to vector<16xf32>
        %parallel_loop3A_1008 = arith.constant -65536 : i32
        %parallel_loop3A_1009 = vector.broadcast %parallel_loop3A_1008 : i32 to vector<16xi32>
        %parallel_loop3A_1010 = arith.andi %parallel_loop3A_1003, %parallel_loop3A_1009 : vector<16xi32>
        %parallel_loop3A_1011 = vector.bitcast %parallel_loop3A_1010 : vector<16xi32> to vector<16xf32>
        %parallel_loop3A_1012 = arith.mulf %parallel_loop3A_962, %parallel_loop3A_980 : vector<16xf32>
        %parallel_loop3A_1013 = arith.mulf %parallel_loop3A_1012, %parallel_loop3A_983 : vector<16xf32>
        %parallel_loop3A_1014 = arith.mulf %parallel_loop3A_1013, %parallel_loop3A_1007 : vector<16xf32>
        %parallel_loop3A_1015 = arith.mulf %parallel_loop3A_1013, %parallel_loop3A_1011 : vector<16xf32>
        %parallel_loop3A_1016 = arith.constant 8386 : i32
        %parallel_loop3A_1017 = vector.broadcast %parallel_loop3A_1016 : i32 to vector<16xi32>
        %parallel_loop3A_1018 = arith.addi %parallel_loop3A_974, %parallel_loop3A_1017 : vector<16xi32>
        %parallel_loop3A_1019 = tpu.vector_load_idx %arg15[%parallel_loop3A_1018] : memref<85296xi32, #tpu.memory_space<vmem>>[vector<16xi32>], vector<16xi32>,
        %parallel_loop3A_1020 = arith.constant 16 : i32
        %parallel_loop3A_1021 = vector.broadcast %parallel_loop3A_1020 : i32 to vector<16xi32>
        %parallel_loop3A_1022 = arith.shli %parallel_loop3A_1019, %parallel_loop3A_1021 : vector<16xi32>
        %parallel_loop3A_1023 = vector.bitcast %parallel_loop3A_1022 : vector<16xi32> to vector<16xf32>
        %parallel_loop3A_1024 = arith.constant -65536 : i32
        %parallel_loop3A_1025 = vector.broadcast %parallel_loop3A_1024 : i32 to vector<16xi32>
        %parallel_loop3A_1026 = arith.andi %parallel_loop3A_1019, %parallel_loop3A_1025 : vector<16xi32>
        %parallel_loop3A_1027 = vector.bitcast %parallel_loop3A_1026 : vector<16xi32> to vector<16xf32>
        %parallel_loop3A_1028 = arith.mulf %parallel_loop3A_977, %parallel_loop3A_964 : vector<16xf32>
        %parallel_loop3A_1029 = arith.mulf %parallel_loop3A_1028, %parallel_loop3A_983 : vector<16xf32>
        %parallel_loop3A_1030 = arith.mulf %parallel_loop3A_1029, %parallel_loop3A_1023 : vector<16xf32>
        %parallel_loop3A_1031 = arith.mulf %parallel_loop3A_1029, %parallel_loop3A_1027 : vector<16xf32>
        %parallel_loop3A_1032 = arith.constant 8387 : i32
        %parallel_loop3A_1033 = vector.broadcast %parallel_loop3A_1032 : i32 to vector<16xi32>
        %parallel_loop3A_1034 = arith.addi %parallel_loop3A_974, %parallel_loop3A_1033 : vector<16xi32>
        %parallel_loop3A_1035 = tpu.vector_load_idx %arg15[%parallel_loop3A_1034] : memref<85296xi32, #tpu.memory_space<vmem>>[vector<16xi32>], vector<16xi32>,
        %parallel_loop3A_1036 = arith.constant 16 : i32
        %parallel_loop3A_1037 = vector.broadcast %parallel_loop3A_1036 : i32 to vector<16xi32>
        %parallel_loop3A_1038 = arith.shli %parallel_loop3A_1035, %parallel_loop3A_1037 : vector<16xi32>
        %parallel_loop3A_1039 = vector.bitcast %parallel_loop3A_1038 : vector<16xi32> to vector<16xf32>
        %parallel_loop3A_1040 = arith.constant -65536 : i32
        %parallel_loop3A_1041 = vector.broadcast %parallel_loop3A_1040 : i32 to vector<16xi32>
        %parallel_loop3A_1042 = arith.andi %parallel_loop3A_1035, %parallel_loop3A_1041 : vector<16xi32>
        %parallel_loop3A_1043 = vector.bitcast %parallel_loop3A_1042 : vector<16xi32> to vector<16xf32>
        %parallel_loop3A_1044 = arith.mulf %parallel_loop3A_962, %parallel_loop3A_964 : vector<16xf32>
        %parallel_loop3A_1045 = arith.mulf %parallel_loop3A_1044, %parallel_loop3A_983 : vector<16xf32>
        %parallel_loop3A_1046 = arith.mulf %parallel_loop3A_1045, %parallel_loop3A_1039 : vector<16xf32>
        %parallel_loop3A_1047 = arith.mulf %parallel_loop3A_1045, %parallel_loop3A_1043 : vector<16xf32>
        %parallel_loop3A_1048 = arith.constant 8692 : i32
        %parallel_loop3A_1049 = vector.broadcast %parallel_loop3A_1048 : i32 to vector<16xi32>
        %parallel_loop3A_1050 = arith.addi %parallel_loop3A_974, %parallel_loop3A_1049 : vector<16xi32>
        %parallel_loop3A_1051 = tpu.vector_load_idx %arg15[%parallel_loop3A_1050] : memref<85296xi32, #tpu.memory_space<vmem>>[vector<16xi32>], vector<16xi32>,
        %parallel_loop3A_1052 = arith.constant 16 : i32
        %parallel_loop3A_1053 = vector.broadcast %parallel_loop3A_1052 : i32 to vector<16xi32>
        %parallel_loop3A_1054 = arith.shli %parallel_loop3A_1051, %parallel_loop3A_1053 : vector<16xi32>
        %parallel_loop3A_1055 = vector.bitcast %parallel_loop3A_1054 : vector<16xi32> to vector<16xf32>
        %parallel_loop3A_1056 = arith.constant -65536 : i32
        %parallel_loop3A_1057 = vector.broadcast %parallel_loop3A_1056 : i32 to vector<16xi32>
        %parallel_loop3A_1058 = arith.andi %parallel_loop3A_1051, %parallel_loop3A_1057 : vector<16xi32>
        %parallel_loop3A_1059 = vector.bitcast %parallel_loop3A_1058 : vector<16xi32> to vector<16xf32>
        %parallel_loop3A_1060 = arith.mulf %parallel_loop3A_977, %parallel_loop3A_980 : vector<16xf32>
        %parallel_loop3A_1061 = arith.mulf %parallel_loop3A_1060, %parallel_loop3A_966 : vector<16xf32>
        %parallel_loop3A_1062 = arith.mulf %parallel_loop3A_1061, %parallel_loop3A_1055 : vector<16xf32>
        %parallel_loop3A_1063 = arith.mulf %parallel_loop3A_1061, %parallel_loop3A_1059 : vector<16xf32>
        %parallel_loop3A_1064 = arith.constant 8693 : i32
        %parallel_loop3A_1065 = vector.broadcast %parallel_loop3A_1064 : i32 to vector<16xi32>
        %parallel_loop3A_1066 = arith.addi %parallel_loop3A_974, %parallel_loop3A_1065 : vector<16xi32>
        %parallel_loop3A_1067 = tpu.vector_load_idx %arg15[%parallel_loop3A_1066] : memref<85296xi32, #tpu.memory_space<vmem>>[vector<16xi32>], vector<16xi32>,
        %parallel_loop3A_1068 = arith.constant 16 : i32
        %parallel_loop3A_1069 = vector.broadcast %parallel_loop3A_1068 : i32 to vector<16xi32>
        %parallel_loop3A_1070 = arith.shli %parallel_loop3A_1067, %parallel_loop3A_1069 : vector<16xi32>
        %parallel_loop3A_1071 = vector.bitcast %parallel_loop3A_1070 : vector<16xi32> to vector<16xf32>
        %parallel_loop3A_1072 = arith.constant -65536 : i32
        %parallel_loop3A_1073 = vector.broadcast %parallel_loop3A_1072 : i32 to vector<16xi32>
        %parallel_loop3A_1074 = arith.andi %parallel_loop3A_1067, %parallel_loop3A_1073 : vector<16xi32>
        %parallel_loop3A_1075 = vector.bitcast %parallel_loop3A_1074 : vector<16xi32> to vector<16xf32>
        %parallel_loop3A_1076 = arith.mulf %parallel_loop3A_962, %parallel_loop3A_980 : vector<16xf32>
        %parallel_loop3A_1077 = arith.mulf %parallel_loop3A_1076, %parallel_loop3A_966 : vector<16xf32>
        %parallel_loop3A_1078 = arith.mulf %parallel_loop3A_1077, %parallel_loop3A_1071 : vector<16xf32>
        %parallel_loop3A_1079 = arith.mulf %parallel_loop3A_1077, %parallel_loop3A_1075 : vector<16xf32>
        %parallel_loop3A_1080 = arith.constant 8710 : i32
        %parallel_loop3A_1081 = vector.broadcast %parallel_loop3A_1080 : i32 to vector<16xi32>
        %parallel_loop3A_1082 = arith.addi %parallel_loop3A_974, %parallel_loop3A_1081 : vector<16xi32>
        %parallel_loop3A_1083 = tpu.vector_load_idx %arg15[%parallel_loop3A_1082] : memref<85296xi32, #tpu.memory_space<vmem>>[vector<16xi32>], vector<16xi32>,
        %parallel_loop3A_1084 = arith.constant 16 : i32
        %parallel_loop3A_1085 = vector.broadcast %parallel_loop3A_1084 : i32 to vector<16xi32>
        %parallel_loop3A_1086 = arith.shli %parallel_loop3A_1083, %parallel_loop3A_1085 : vector<16xi32>
        %parallel_loop3A_1087 = vector.bitcast %parallel_loop3A_1086 : vector<16xi32> to vector<16xf32>
        %parallel_loop3A_1088 = arith.constant -65536 : i32
        %parallel_loop3A_1089 = vector.broadcast %parallel_loop3A_1088 : i32 to vector<16xi32>
        %parallel_loop3A_1090 = arith.andi %parallel_loop3A_1083, %parallel_loop3A_1089 : vector<16xi32>
        %parallel_loop3A_1091 = vector.bitcast %parallel_loop3A_1090 : vector<16xi32> to vector<16xf32>
        %parallel_loop3A_1092 = arith.mulf %parallel_loop3A_977, %parallel_loop3A_964 : vector<16xf32>
        %parallel_loop3A_1093 = arith.mulf %parallel_loop3A_1092, %parallel_loop3A_966 : vector<16xf32>
        %parallel_loop3A_1094 = arith.mulf %parallel_loop3A_1093, %parallel_loop3A_1087 : vector<16xf32>
        %parallel_loop3A_1095 = arith.mulf %parallel_loop3A_1093, %parallel_loop3A_1091 : vector<16xf32>
        %parallel_loop3A_1096 = arith.constant 8711 : i32
        %parallel_loop3A_1097 = vector.broadcast %parallel_loop3A_1096 : i32 to vector<16xi32>
        %parallel_loop3A_1098 = arith.addi %parallel_loop3A_974, %parallel_loop3A_1097 : vector<16xi32>
        %parallel_loop3A_1099 = tpu.vector_load_idx %arg15[%parallel_loop3A_1098] : memref<85296xi32, #tpu.memory_space<vmem>>[vector<16xi32>], vector<16xi32>,
        %parallel_loop3A_1100 = arith.constant 16 : i32
        %parallel_loop3A_1101 = vector.broadcast %parallel_loop3A_1100 : i32 to vector<16xi32>
        %parallel_loop3A_1102 = arith.shli %parallel_loop3A_1099, %parallel_loop3A_1101 : vector<16xi32>
        %parallel_loop3A_1103 = vector.bitcast %parallel_loop3A_1102 : vector<16xi32> to vector<16xf32>
        %parallel_loop3A_1104 = arith.constant -65536 : i32
        %parallel_loop3A_1105 = vector.broadcast %parallel_loop3A_1104 : i32 to vector<16xi32>
        %parallel_loop3A_1106 = arith.andi %parallel_loop3A_1099, %parallel_loop3A_1105 : vector<16xi32>
        %parallel_loop3A_1107 = vector.bitcast %parallel_loop3A_1106 : vector<16xi32> to vector<16xf32>
        %parallel_loop3A_1108 = arith.mulf %parallel_loop3A_962, %parallel_loop3A_964 : vector<16xf32>
        %parallel_loop3A_1109 = arith.mulf %parallel_loop3A_1108, %parallel_loop3A_966 : vector<16xf32>
        %parallel_loop3A_1110 = arith.mulf %parallel_loop3A_1109, %parallel_loop3A_1103 : vector<16xf32>
        %parallel_loop3A_1111 = arith.mulf %parallel_loop3A_1109, %parallel_loop3A_1107 : vector<16xf32>
        %parallel_loop3A_1112 = arith.addf %parallel_loop3A_998, %parallel_loop3A_1014 : vector<16xf32>
        %parallel_loop3A_1113 = arith.addf %parallel_loop3A_1030, %parallel_loop3A_1046 : vector<16xf32>
        %parallel_loop3A_1114 = arith.addf %parallel_loop3A_1112, %parallel_loop3A_1113 : vector<16xf32>
        %parallel_loop3A_1115 = arith.addf %parallel_loop3A_1062, %parallel_loop3A_1078 : vector<16xf32>
        %parallel_loop3A_1116 = arith.addf %parallel_loop3A_1094, %parallel_loop3A_1110 : vector<16xf32>
        %parallel_loop3A_1117 = arith.addf %parallel_loop3A_1115, %parallel_loop3A_1116 : vector<16xf32>
        %parallel_loop3A_1118 = arith.addf %parallel_loop3A_1114, %parallel_loop3A_1117 : vector<16xf32>
        %parallel_loop3A_1119 = arith.addf %parallel_loop3A_999, %parallel_loop3A_1015 : vector<16xf32>
        %parallel_loop3A_1120 = arith.addf %parallel_loop3A_1031, %parallel_loop3A_1047 : vector<16xf32>
        %parallel_loop3A_1121 = arith.addf %parallel_loop3A_1119, %parallel_loop3A_1120 : vector<16xf32>
        %parallel_loop3A_1122 = arith.addf %parallel_loop3A_1063, %parallel_loop3A_1079 : vector<16xf32>
        %parallel_loop3A_1123 = arith.addf %parallel_loop3A_1095, %parallel_loop3A_1111 : vector<16xf32>
        %parallel_loop3A_1124 = arith.addf %parallel_loop3A_1122, %parallel_loop3A_1123 : vector<16xf32>
        %parallel_loop3A_1125 = arith.addf %parallel_loop3A_1121, %parallel_loop3A_1124 : vector<16xf32>
        %parallel_loop3A_1126 = arith.constant 8 : i32
        %parallel_loop3A_1127 = vector.broadcast %parallel_loop3A_1126 : i32 to vector<16xi32>
        %parallel_loop3A_1128 = arith.addi %parallel_loop3A_171, %parallel_loop3A_1127 : vector<16xi32>
        tpu.vector_store_idx %arg14[%parallel_loop3A_165, %parallel_loop3A_1128], %parallel_loop3A_1118 : memref<64x128xf32, #tpu.memory_space<vmem>>[vector<16xi32>, vector<16xi32>], vector<16xf32>,
        %parallel_loop3A_1129 = arith.constant 1 : i32
        %parallel_loop3A_1130 = vector.broadcast %parallel_loop3A_1129 : i32 to vector<16xi32>
        %parallel_loop3A_1131 = arith.addi %parallel_loop3A_1128, %parallel_loop3A_1130 : vector<16xi32>
        tpu.vector_store_idx %arg14[%parallel_loop3A_165, %parallel_loop3A_1131], %parallel_loop3A_1125 : memref<64x128xf32, #tpu.memory_space<vmem>>[vector<16xi32>, vector<16xi32>], vector<16xf32>,
        %parallel_loop3A_1132 = arith.constant 20.5344028 : f32
        %parallel_loop3A_1133 = vector.broadcast %parallel_loop3A_1132 : f32 to vector<16xf32>
        %parallel_loop3A_1134 = arith.mulf %parallel_loop3A_156, %parallel_loop3A_1133 : vector<16xf32>
        %parallel_loop3A_1135 = arith.constant 5.000000e-01 : f32
        %parallel_loop3A_1136 = vector.broadcast %parallel_loop3A_1135 : f32 to vector<16xf32>
        %parallel_loop3A_1137 = arith.addf %parallel_loop3A_1134, %parallel_loop3A_1136 : vector<16xf32>
        %parallel_loop3A_1138 = arith.constant 20.5344028 : f32
        %parallel_loop3A_1139 = vector.broadcast %parallel_loop3A_1138 : f32 to vector<16xf32>
        %parallel_loop3A_1140 = arith.mulf %parallel_loop3A_158, %parallel_loop3A_1139 : vector<16xf32>
        %parallel_loop3A_1141 = arith.constant 5.000000e-01 : f32
        %parallel_loop3A_1142 = vector.broadcast %parallel_loop3A_1141 : f32 to vector<16xf32>
        %parallel_loop3A_1143 = arith.addf %parallel_loop3A_1140, %parallel_loop3A_1142 : vector<16xf32>
        %parallel_loop3A_1144 = arith.constant 20.5344028 : f32
        %parallel_loop3A_1145 = vector.broadcast %parallel_loop3A_1144 : f32 to vector<16xf32>
        %parallel_loop3A_1146 = arith.mulf %parallel_loop3A_160, %parallel_loop3A_1145 : vector<16xf32>
        %parallel_loop3A_1147 = arith.constant 5.000000e-01 : f32
        %parallel_loop3A_1148 = vector.broadcast %parallel_loop3A_1147 : f32 to vector<16xf32>
        %parallel_loop3A_1149 = arith.addf %parallel_loop3A_1146, %parallel_loop3A_1148 : vector<16xf32>
        %parallel_loop3A_1150 = arith.fptosi %parallel_loop3A_1137 : vector<16xf32> to vector<16xi32>
        %parallel_loop3A_1151 = arith.fptosi %parallel_loop3A_1143 : vector<16xf32> to vector<16xi32>
        %parallel_loop3A_1152 = arith.fptosi %parallel_loop3A_1149 : vector<16xf32> to vector<16xi32>
        %parallel_loop3A_1153 = arith.sitofp %parallel_loop3A_1150 : vector<16xi32> to vector<16xf32>
        %parallel_loop3A_1154 = arith.subf %parallel_loop3A_1137, %parallel_loop3A_1153 : vector<16xf32>
        %parallel_loop3A_1155 = arith.sitofp %parallel_loop3A_1151 : vector<16xi32> to vector<16xf32>
        %parallel_loop3A_1156 = arith.subf %parallel_loop3A_1143, %parallel_loop3A_1155 : vector<16xf32>
        %parallel_loop3A_1157 = arith.sitofp %parallel_loop3A_1152 : vector<16xi32> to vector<16xf32>
        %parallel_loop3A_1158 = arith.subf %parallel_loop3A_1149, %parallel_loop3A_1157 : vector<16xf32>
        %parallel_loop3A_1159 = arith.constant 22 : i32
        %parallel_loop3A_1160 = vector.broadcast %parallel_loop3A_1159 : i32 to vector<16xi32>
        %parallel_loop3A_1161 = arith.muli %parallel_loop3A_1151, %parallel_loop3A_1160 : vector<16xi32>
        %parallel_loop3A_1162 = arith.addi %parallel_loop3A_1150, %parallel_loop3A_1161 : vector<16xi32>
        %parallel_loop3A_1163 = arith.constant 484 : i32
        %parallel_loop3A_1164 = vector.broadcast %parallel_loop3A_1163 : i32 to vector<16xi32>
        %parallel_loop3A_1165 = arith.muli %parallel_loop3A_1152, %parallel_loop3A_1164 : vector<16xi32>
        %parallel_loop3A_1166 = arith.addi %parallel_loop3A_1162, %parallel_loop3A_1165 : vector<16xi32>
        %parallel_loop3A_1167 = arith.constant 1.000000e+00 : f32
        %parallel_loop3A_1168 = vector.broadcast %parallel_loop3A_1167 : f32 to vector<16xf32>
        %parallel_loop3A_1169 = arith.subf %parallel_loop3A_1168, %parallel_loop3A_1154 : vector<16xf32>
        %parallel_loop3A_1170 = arith.constant 1.000000e+00 : f32
        %parallel_loop3A_1171 = vector.broadcast %parallel_loop3A_1170 : f32 to vector<16xf32>
        %parallel_loop3A_1172 = arith.subf %parallel_loop3A_1171, %parallel_loop3A_1156 : vector<16xf32>
        %parallel_loop3A_1173 = arith.constant 1.000000e+00 : f32
        %parallel_loop3A_1174 = vector.broadcast %parallel_loop3A_1173 : f32 to vector<16xf32>
        %parallel_loop3A_1175 = arith.subf %parallel_loop3A_1174, %parallel_loop3A_1158 : vector<16xf32>
        %parallel_loop3A_1176 = arith.constant 15232 : i32
        %parallel_loop3A_1177 = vector.broadcast %parallel_loop3A_1176 : i32 to vector<16xi32>
        %parallel_loop3A_1178 = arith.addi %parallel_loop3A_1166, %parallel_loop3A_1177 : vector<16xi32>
        %parallel_loop3A_1179 = tpu.vector_load_idx %arg15[%parallel_loop3A_1178] : memref<85296xi32, #tpu.memory_space<vmem>>[vector<16xi32>], vector<16xi32>,
        %parallel_loop3A_1180 = arith.constant 16 : i32
        %parallel_loop3A_1181 = vector.broadcast %parallel_loop3A_1180 : i32 to vector<16xi32>
        %parallel_loop3A_1182 = arith.shli %parallel_loop3A_1179, %parallel_loop3A_1181 : vector<16xi32>
        %parallel_loop3A_1183 = vector.bitcast %parallel_loop3A_1182 : vector<16xi32> to vector<16xf32>
        %parallel_loop3A_1184 = arith.constant -65536 : i32
        %parallel_loop3A_1185 = vector.broadcast %parallel_loop3A_1184 : i32 to vector<16xi32>
        %parallel_loop3A_1186 = arith.andi %parallel_loop3A_1179, %parallel_loop3A_1185 : vector<16xi32>
        %parallel_loop3A_1187 = vector.bitcast %parallel_loop3A_1186 : vector<16xi32> to vector<16xf32>
        %parallel_loop3A_1188 = arith.mulf %parallel_loop3A_1169, %parallel_loop3A_1172 : vector<16xf32>
        %parallel_loop3A_1189 = arith.mulf %parallel_loop3A_1188, %parallel_loop3A_1175 : vector<16xf32>
        %parallel_loop3A_1190 = arith.mulf %parallel_loop3A_1189, %parallel_loop3A_1183 : vector<16xf32>
        %parallel_loop3A_1191 = arith.mulf %parallel_loop3A_1189, %parallel_loop3A_1187 : vector<16xf32>
        %parallel_loop3A_1192 = arith.constant 15233 : i32
        %parallel_loop3A_1193 = vector.broadcast %parallel_loop3A_1192 : i32 to vector<16xi32>
        %parallel_loop3A_1194 = arith.addi %parallel_loop3A_1166, %parallel_loop3A_1193 : vector<16xi32>
        %parallel_loop3A_1195 = tpu.vector_load_idx %arg15[%parallel_loop3A_1194] : memref<85296xi32, #tpu.memory_space<vmem>>[vector<16xi32>], vector<16xi32>,
        %parallel_loop3A_1196 = arith.constant 16 : i32
        %parallel_loop3A_1197 = vector.broadcast %parallel_loop3A_1196 : i32 to vector<16xi32>
        %parallel_loop3A_1198 = arith.shli %parallel_loop3A_1195, %parallel_loop3A_1197 : vector<16xi32>
        %parallel_loop3A_1199 = vector.bitcast %parallel_loop3A_1198 : vector<16xi32> to vector<16xf32>
        %parallel_loop3A_1200 = arith.constant -65536 : i32
        %parallel_loop3A_1201 = vector.broadcast %parallel_loop3A_1200 : i32 to vector<16xi32>
        %parallel_loop3A_1202 = arith.andi %parallel_loop3A_1195, %parallel_loop3A_1201 : vector<16xi32>
        %parallel_loop3A_1203 = vector.bitcast %parallel_loop3A_1202 : vector<16xi32> to vector<16xf32>
        %parallel_loop3A_1204 = arith.mulf %parallel_loop3A_1154, %parallel_loop3A_1172 : vector<16xf32>
        %parallel_loop3A_1205 = arith.mulf %parallel_loop3A_1204, %parallel_loop3A_1175 : vector<16xf32>
        %parallel_loop3A_1206 = arith.mulf %parallel_loop3A_1205, %parallel_loop3A_1199 : vector<16xf32>
        %parallel_loop3A_1207 = arith.mulf %parallel_loop3A_1205, %parallel_loop3A_1203 : vector<16xf32>
        %parallel_loop3A_1208 = arith.constant 15254 : i32
        %parallel_loop3A_1209 = vector.broadcast %parallel_loop3A_1208 : i32 to vector<16xi32>
        %parallel_loop3A_1210 = arith.addi %parallel_loop3A_1166, %parallel_loop3A_1209 : vector<16xi32>
        %parallel_loop3A_1211 = tpu.vector_load_idx %arg15[%parallel_loop3A_1210] : memref<85296xi32, #tpu.memory_space<vmem>>[vector<16xi32>], vector<16xi32>,
        %parallel_loop3A_1212 = arith.constant 16 : i32
        %parallel_loop3A_1213 = vector.broadcast %parallel_loop3A_1212 : i32 to vector<16xi32>
        %parallel_loop3A_1214 = arith.shli %parallel_loop3A_1211, %parallel_loop3A_1213 : vector<16xi32>
        %parallel_loop3A_1215 = vector.bitcast %parallel_loop3A_1214 : vector<16xi32> to vector<16xf32>
        %parallel_loop3A_1216 = arith.constant -65536 : i32
        %parallel_loop3A_1217 = vector.broadcast %parallel_loop3A_1216 : i32 to vector<16xi32>
        %parallel_loop3A_1218 = arith.andi %parallel_loop3A_1211, %parallel_loop3A_1217 : vector<16xi32>
        %parallel_loop3A_1219 = vector.bitcast %parallel_loop3A_1218 : vector<16xi32> to vector<16xf32>
        %parallel_loop3A_1220 = arith.mulf %parallel_loop3A_1169, %parallel_loop3A_1156 : vector<16xf32>
        %parallel_loop3A_1221 = arith.mulf %parallel_loop3A_1220, %parallel_loop3A_1175 : vector<16xf32>
        %parallel_loop3A_1222 = arith.mulf %parallel_loop3A_1221, %parallel_loop3A_1215 : vector<16xf32>
        %parallel_loop3A_1223 = arith.mulf %parallel_loop3A_1221, %parallel_loop3A_1219 : vector<16xf32>
        %parallel_loop3A_1224 = arith.constant 15255 : i32
        %parallel_loop3A_1225 = vector.broadcast %parallel_loop3A_1224 : i32 to vector<16xi32>
        %parallel_loop3A_1226 = arith.addi %parallel_loop3A_1166, %parallel_loop3A_1225 : vector<16xi32>
        %parallel_loop3A_1227 = tpu.vector_load_idx %arg15[%parallel_loop3A_1226] : memref<85296xi32, #tpu.memory_space<vmem>>[vector<16xi32>], vector<16xi32>,
        %parallel_loop3A_1228 = arith.constant 16 : i32
        %parallel_loop3A_1229 = vector.broadcast %parallel_loop3A_1228 : i32 to vector<16xi32>
        %parallel_loop3A_1230 = arith.shli %parallel_loop3A_1227, %parallel_loop3A_1229 : vector<16xi32>
        %parallel_loop3A_1231 = vector.bitcast %parallel_loop3A_1230 : vector<16xi32> to vector<16xf32>
        %parallel_loop3A_1232 = arith.constant -65536 : i32
        %parallel_loop3A_1233 = vector.broadcast %parallel_loop3A_1232 : i32 to vector<16xi32>
        %parallel_loop3A_1234 = arith.andi %parallel_loop3A_1227, %parallel_loop3A_1233 : vector<16xi32>
        %parallel_loop3A_1235 = vector.bitcast %parallel_loop3A_1234 : vector<16xi32> to vector<16xf32>
        %parallel_loop3A_1236 = arith.mulf %parallel_loop3A_1154, %parallel_loop3A_1156 : vector<16xf32>
        %parallel_loop3A_1237 = arith.mulf %parallel_loop3A_1236, %parallel_loop3A_1175 : vector<16xf32>
        %parallel_loop3A_1238 = arith.mulf %parallel_loop3A_1237, %parallel_loop3A_1231 : vector<16xf32>
        %parallel_loop3A_1239 = arith.mulf %parallel_loop3A_1237, %parallel_loop3A_1235 : vector<16xf32>
        %parallel_loop3A_1240 = arith.constant 15716 : i32
        %parallel_loop3A_1241 = vector.broadcast %parallel_loop3A_1240 : i32 to vector<16xi32>
        %parallel_loop3A_1242 = arith.addi %parallel_loop3A_1166, %parallel_loop3A_1241 : vector<16xi32>
        %parallel_loop3A_1243 = tpu.vector_load_idx %arg15[%parallel_loop3A_1242] : memref<85296xi32, #tpu.memory_space<vmem>>[vector<16xi32>], vector<16xi32>,
        %parallel_loop3A_1244 = arith.constant 16 : i32
        %parallel_loop3A_1245 = vector.broadcast %parallel_loop3A_1244 : i32 to vector<16xi32>
        %parallel_loop3A_1246 = arith.shli %parallel_loop3A_1243, %parallel_loop3A_1245 : vector<16xi32>
        %parallel_loop3A_1247 = vector.bitcast %parallel_loop3A_1246 : vector<16xi32> to vector<16xf32>
        %parallel_loop3A_1248 = arith.constant -65536 : i32
        %parallel_loop3A_1249 = vector.broadcast %parallel_loop3A_1248 : i32 to vector<16xi32>
        %parallel_loop3A_1250 = arith.andi %parallel_loop3A_1243, %parallel_loop3A_1249 : vector<16xi32>
        %parallel_loop3A_1251 = vector.bitcast %parallel_loop3A_1250 : vector<16xi32> to vector<16xf32>
        %parallel_loop3A_1252 = arith.mulf %parallel_loop3A_1169, %parallel_loop3A_1172 : vector<16xf32>
        %parallel_loop3A_1253 = arith.mulf %parallel_loop3A_1252, %parallel_loop3A_1158 : vector<16xf32>
        %parallel_loop3A_1254 = arith.mulf %parallel_loop3A_1253, %parallel_loop3A_1247 : vector<16xf32>
        %parallel_loop3A_1255 = arith.mulf %parallel_loop3A_1253, %parallel_loop3A_1251 : vector<16xf32>
        %parallel_loop3A_1256 = arith.constant 15717 : i32
        %parallel_loop3A_1257 = vector.broadcast %parallel_loop3A_1256 : i32 to vector<16xi32>
        %parallel_loop3A_1258 = arith.addi %parallel_loop3A_1166, %parallel_loop3A_1257 : vector<16xi32>
        %parallel_loop3A_1259 = tpu.vector_load_idx %arg15[%parallel_loop3A_1258] : memref<85296xi32, #tpu.memory_space<vmem>>[vector<16xi32>], vector<16xi32>,
        %parallel_loop3A_1260 = arith.constant 16 : i32
        %parallel_loop3A_1261 = vector.broadcast %parallel_loop3A_1260 : i32 to vector<16xi32>
        %parallel_loop3A_1262 = arith.shli %parallel_loop3A_1259, %parallel_loop3A_1261 : vector<16xi32>
        %parallel_loop3A_1263 = vector.bitcast %parallel_loop3A_1262 : vector<16xi32> to vector<16xf32>
        %parallel_loop3A_1264 = arith.constant -65536 : i32
        %parallel_loop3A_1265 = vector.broadcast %parallel_loop3A_1264 : i32 to vector<16xi32>
        %parallel_loop3A_1266 = arith.andi %parallel_loop3A_1259, %parallel_loop3A_1265 : vector<16xi32>
        %parallel_loop3A_1267 = vector.bitcast %parallel_loop3A_1266 : vector<16xi32> to vector<16xf32>
        %parallel_loop3A_1268 = arith.mulf %parallel_loop3A_1154, %parallel_loop3A_1172 : vector<16xf32>
        %parallel_loop3A_1269 = arith.mulf %parallel_loop3A_1268, %parallel_loop3A_1158 : vector<16xf32>
        %parallel_loop3A_1270 = arith.mulf %parallel_loop3A_1269, %parallel_loop3A_1263 : vector<16xf32>
        %parallel_loop3A_1271 = arith.mulf %parallel_loop3A_1269, %parallel_loop3A_1267 : vector<16xf32>
        %parallel_loop3A_1272 = arith.constant 15738 : i32
        %parallel_loop3A_1273 = vector.broadcast %parallel_loop3A_1272 : i32 to vector<16xi32>
        %parallel_loop3A_1274 = arith.addi %parallel_loop3A_1166, %parallel_loop3A_1273 : vector<16xi32>
        %parallel_loop3A_1275 = tpu.vector_load_idx %arg15[%parallel_loop3A_1274] : memref<85296xi32, #tpu.memory_space<vmem>>[vector<16xi32>], vector<16xi32>,
        %parallel_loop3A_1276 = arith.constant 16 : i32
        %parallel_loop3A_1277 = vector.broadcast %parallel_loop3A_1276 : i32 to vector<16xi32>
        %parallel_loop3A_1278 = arith.shli %parallel_loop3A_1275, %parallel_loop3A_1277 : vector<16xi32>
        %parallel_loop3A_1279 = vector.bitcast %parallel_loop3A_1278 : vector<16xi32> to vector<16xf32>
        %parallel_loop3A_1280 = arith.constant -65536 : i32
        %parallel_loop3A_1281 = vector.broadcast %parallel_loop3A_1280 : i32 to vector<16xi32>
        %parallel_loop3A_1282 = arith.andi %parallel_loop3A_1275, %parallel_loop3A_1281 : vector<16xi32>
        %parallel_loop3A_1283 = vector.bitcast %parallel_loop3A_1282 : vector<16xi32> to vector<16xf32>
        %parallel_loop3A_1284 = arith.mulf %parallel_loop3A_1169, %parallel_loop3A_1156 : vector<16xf32>
        %parallel_loop3A_1285 = arith.mulf %parallel_loop3A_1284, %parallel_loop3A_1158 : vector<16xf32>
        %parallel_loop3A_1286 = arith.mulf %parallel_loop3A_1285, %parallel_loop3A_1279 : vector<16xf32>
        %parallel_loop3A_1287 = arith.mulf %parallel_loop3A_1285, %parallel_loop3A_1283 : vector<16xf32>
        %parallel_loop3A_1288 = arith.constant 15739 : i32
        %parallel_loop3A_1289 = vector.broadcast %parallel_loop3A_1288 : i32 to vector<16xi32>
        %parallel_loop3A_1290 = arith.addi %parallel_loop3A_1166, %parallel_loop3A_1289 : vector<16xi32>
        %parallel_loop3A_1291 = tpu.vector_load_idx %arg15[%parallel_loop3A_1290] : memref<85296xi32, #tpu.memory_space<vmem>>[vector<16xi32>], vector<16xi32>,
        %parallel_loop3A_1292 = arith.constant 16 : i32
        %parallel_loop3A_1293 = vector.broadcast %parallel_loop3A_1292 : i32 to vector<16xi32>
        %parallel_loop3A_1294 = arith.shli %parallel_loop3A_1291, %parallel_loop3A_1293 : vector<16xi32>
        %parallel_loop3A_1295 = vector.bitcast %parallel_loop3A_1294 : vector<16xi32> to vector<16xf32>
        %parallel_loop3A_1296 = arith.constant -65536 : i32
        %parallel_loop3A_1297 = vector.broadcast %parallel_loop3A_1296 : i32 to vector<16xi32>
        %parallel_loop3A_1298 = arith.andi %parallel_loop3A_1291, %parallel_loop3A_1297 : vector<16xi32>
        %parallel_loop3A_1299 = vector.bitcast %parallel_loop3A_1298 : vector<16xi32> to vector<16xf32>
        %parallel_loop3A_1300 = arith.mulf %parallel_loop3A_1154, %parallel_loop3A_1156 : vector<16xf32>
        %parallel_loop3A_1301 = arith.mulf %parallel_loop3A_1300, %parallel_loop3A_1158 : vector<16xf32>
        %parallel_loop3A_1302 = arith.mulf %parallel_loop3A_1301, %parallel_loop3A_1295 : vector<16xf32>
        %parallel_loop3A_1303 = arith.mulf %parallel_loop3A_1301, %parallel_loop3A_1299 : vector<16xf32>
        %parallel_loop3A_1304 = arith.addf %parallel_loop3A_1190, %parallel_loop3A_1206 : vector<16xf32>
        %parallel_loop3A_1305 = arith.addf %parallel_loop3A_1222, %parallel_loop3A_1238 : vector<16xf32>
        %parallel_loop3A_1306 = arith.addf %parallel_loop3A_1304, %parallel_loop3A_1305 : vector<16xf32>
        %parallel_loop3A_1307 = arith.addf %parallel_loop3A_1254, %parallel_loop3A_1270 : vector<16xf32>
        %parallel_loop3A_1308 = arith.addf %parallel_loop3A_1286, %parallel_loop3A_1302 : vector<16xf32>
        %parallel_loop3A_1309 = arith.addf %parallel_loop3A_1307, %parallel_loop3A_1308 : vector<16xf32>
        %parallel_loop3A_1310 = arith.addf %parallel_loop3A_1306, %parallel_loop3A_1309 : vector<16xf32>
        %parallel_loop3A_1311 = arith.addf %parallel_loop3A_1191, %parallel_loop3A_1207 : vector<16xf32>
        %parallel_loop3A_1312 = arith.addf %parallel_loop3A_1223, %parallel_loop3A_1239 : vector<16xf32>
        %parallel_loop3A_1313 = arith.addf %parallel_loop3A_1311, %parallel_loop3A_1312 : vector<16xf32>
        %parallel_loop3A_1314 = arith.addf %parallel_loop3A_1255, %parallel_loop3A_1271 : vector<16xf32>
        %parallel_loop3A_1315 = arith.addf %parallel_loop3A_1287, %parallel_loop3A_1303 : vector<16xf32>
        %parallel_loop3A_1316 = arith.addf %parallel_loop3A_1314, %parallel_loop3A_1315 : vector<16xf32>
        %parallel_loop3A_1317 = arith.addf %parallel_loop3A_1313, %parallel_loop3A_1316 : vector<16xf32>
        %parallel_loop3A_1318 = arith.constant 10 : i32
        %parallel_loop3A_1319 = vector.broadcast %parallel_loop3A_1318 : i32 to vector<16xi32>
        %parallel_loop3A_1320 = arith.addi %parallel_loop3A_171, %parallel_loop3A_1319 : vector<16xi32>
        tpu.vector_store_idx %arg14[%parallel_loop3A_165, %parallel_loop3A_1320], %parallel_loop3A_1310 : memref<64x128xf32, #tpu.memory_space<vmem>>[vector<16xi32>, vector<16xi32>], vector<16xf32>,
        %parallel_loop3A_1321 = arith.constant 1 : i32
        %parallel_loop3A_1322 = vector.broadcast %parallel_loop3A_1321 : i32 to vector<16xi32>
        %parallel_loop3A_1323 = arith.addi %parallel_loop3A_1320, %parallel_loop3A_1322 : vector<16xi32>
        tpu.vector_store_idx %arg14[%parallel_loop3A_165, %parallel_loop3A_1323], %parallel_loop3A_1317 : memref<64x128xf32, #tpu.memory_space<vmem>>[vector<16xi32>, vector<16xi32>], vector<16xf32>,
        %parallel_loop3A_1324 = arith.constant 25.2507305 : f32
        %parallel_loop3A_1325 = vector.broadcast %parallel_loop3A_1324 : f32 to vector<16xf32>
        %parallel_loop3A_1326 = arith.mulf %parallel_loop3A_156, %parallel_loop3A_1325 : vector<16xf32>
        %parallel_loop3A_1327 = arith.constant 5.000000e-01 : f32
        %parallel_loop3A_1328 = vector.broadcast %parallel_loop3A_1327 : f32 to vector<16xf32>
        %parallel_loop3A_1329 = arith.addf %parallel_loop3A_1326, %parallel_loop3A_1328 : vector<16xf32>
        %parallel_loop3A_1330 = arith.constant 25.2507305 : f32
        %parallel_loop3A_1331 = vector.broadcast %parallel_loop3A_1330 : f32 to vector<16xf32>
        %parallel_loop3A_1332 = arith.mulf %parallel_loop3A_158, %parallel_loop3A_1331 : vector<16xf32>
        %parallel_loop3A_1333 = arith.constant 5.000000e-01 : f32
        %parallel_loop3A_1334 = vector.broadcast %parallel_loop3A_1333 : f32 to vector<16xf32>
        %parallel_loop3A_1335 = arith.addf %parallel_loop3A_1332, %parallel_loop3A_1334 : vector<16xf32>
        %parallel_loop3A_1336 = arith.constant 25.2507305 : f32
        %parallel_loop3A_1337 = vector.broadcast %parallel_loop3A_1336 : f32 to vector<16xf32>
        %parallel_loop3A_1338 = arith.mulf %parallel_loop3A_160, %parallel_loop3A_1337 : vector<16xf32>
        %parallel_loop3A_1339 = arith.constant 5.000000e-01 : f32
        %parallel_loop3A_1340 = vector.broadcast %parallel_loop3A_1339 : f32 to vector<16xf32>
        %parallel_loop3A_1341 = arith.addf %parallel_loop3A_1338, %parallel_loop3A_1340 : vector<16xf32>
        %parallel_loop3A_1342 = arith.fptosi %parallel_loop3A_1329 : vector<16xf32> to vector<16xi32>
        %parallel_loop3A_1343 = arith.fptosi %parallel_loop3A_1335 : vector<16xf32> to vector<16xi32>
        %parallel_loop3A_1344 = arith.fptosi %parallel_loop3A_1341 : vector<16xf32> to vector<16xi32>
        %parallel_loop3A_1345 = arith.sitofp %parallel_loop3A_1342 : vector<16xi32> to vector<16xf32>
        %parallel_loop3A_1346 = arith.subf %parallel_loop3A_1329, %parallel_loop3A_1345 : vector<16xf32>
        %parallel_loop3A_1347 = arith.sitofp %parallel_loop3A_1343 : vector<16xi32> to vector<16xf32>
        %parallel_loop3A_1348 = arith.subf %parallel_loop3A_1335, %parallel_loop3A_1347 : vector<16xf32>
        %parallel_loop3A_1349 = arith.sitofp %parallel_loop3A_1344 : vector<16xi32> to vector<16xf32>
        %parallel_loop3A_1350 = arith.subf %parallel_loop3A_1341, %parallel_loop3A_1349 : vector<16xf32>
        %parallel_loop3A_1351 = arith.constant 27 : i32
        %parallel_loop3A_1352 = vector.broadcast %parallel_loop3A_1351 : i32 to vector<16xi32>
        %parallel_loop3A_1353 = arith.muli %parallel_loop3A_1343, %parallel_loop3A_1352 : vector<16xi32>
        %parallel_loop3A_1354 = arith.addi %parallel_loop3A_1342, %parallel_loop3A_1353 : vector<16xi32>
        %parallel_loop3A_1355 = arith.constant 729 : i32
        %parallel_loop3A_1356 = vector.broadcast %parallel_loop3A_1355 : i32 to vector<16xi32>
        %parallel_loop3A_1357 = arith.muli %parallel_loop3A_1344, %parallel_loop3A_1356 : vector<16xi32>
        %parallel_loop3A_1358 = arith.addi %parallel_loop3A_1354, %parallel_loop3A_1357 : vector<16xi32>
        %parallel_loop3A_1359 = arith.constant 1.000000e+00 : f32
        %parallel_loop3A_1360 = vector.broadcast %parallel_loop3A_1359 : f32 to vector<16xf32>
        %parallel_loop3A_1361 = arith.subf %parallel_loop3A_1360, %parallel_loop3A_1346 : vector<16xf32>
        %parallel_loop3A_1362 = arith.constant 1.000000e+00 : f32
        %parallel_loop3A_1363 = vector.broadcast %parallel_loop3A_1362 : f32 to vector<16xf32>
        %parallel_loop3A_1364 = arith.subf %parallel_loop3A_1363, %parallel_loop3A_1348 : vector<16xf32>
        %parallel_loop3A_1365 = arith.constant 1.000000e+00 : f32
        %parallel_loop3A_1366 = vector.broadcast %parallel_loop3A_1365 : f32 to vector<16xf32>
        %parallel_loop3A_1367 = arith.subf %parallel_loop3A_1366, %parallel_loop3A_1350 : vector<16xf32>
        %parallel_loop3A_1368 = arith.constant 27400 : i32
        %parallel_loop3A_1369 = vector.broadcast %parallel_loop3A_1368 : i32 to vector<16xi32>
        %parallel_loop3A_1370 = arith.addi %parallel_loop3A_1358, %parallel_loop3A_1369 : vector<16xi32>
        %parallel_loop3A_1371 = tpu.vector_load_idx %arg15[%parallel_loop3A_1370] : memref<85296xi32, #tpu.memory_space<vmem>>[vector<16xi32>], vector<16xi32>,
        %parallel_loop3A_1372 = arith.constant 16 : i32
        %parallel_loop3A_1373 = vector.broadcast %parallel_loop3A_1372 : i32 to vector<16xi32>
        %parallel_loop3A_1374 = arith.shli %parallel_loop3A_1371, %parallel_loop3A_1373 : vector<16xi32>
        %parallel_loop3A_1375 = vector.bitcast %parallel_loop3A_1374 : vector<16xi32> to vector<16xf32>
        %parallel_loop3A_1376 = arith.constant -65536 : i32
        %parallel_loop3A_1377 = vector.broadcast %parallel_loop3A_1376 : i32 to vector<16xi32>
        %parallel_loop3A_1378 = arith.andi %parallel_loop3A_1371, %parallel_loop3A_1377 : vector<16xi32>
        %parallel_loop3A_1379 = vector.bitcast %parallel_loop3A_1378 : vector<16xi32> to vector<16xf32>
        %parallel_loop3A_1380 = arith.mulf %parallel_loop3A_1361, %parallel_loop3A_1364 : vector<16xf32>
        %parallel_loop3A_1381 = arith.mulf %parallel_loop3A_1380, %parallel_loop3A_1367 : vector<16xf32>
        %parallel_loop3A_1382 = arith.mulf %parallel_loop3A_1381, %parallel_loop3A_1375 : vector<16xf32>
        %parallel_loop3A_1383 = arith.mulf %parallel_loop3A_1381, %parallel_loop3A_1379 : vector<16xf32>
        %parallel_loop3A_1384 = arith.constant 27401 : i32
        %parallel_loop3A_1385 = vector.broadcast %parallel_loop3A_1384 : i32 to vector<16xi32>
        %parallel_loop3A_1386 = arith.addi %parallel_loop3A_1358, %parallel_loop3A_1385 : vector<16xi32>
        %parallel_loop3A_1387 = tpu.vector_load_idx %arg15[%parallel_loop3A_1386] : memref<85296xi32, #tpu.memory_space<vmem>>[vector<16xi32>], vector<16xi32>,
        %parallel_loop3A_1388 = arith.constant 16 : i32
        %parallel_loop3A_1389 = vector.broadcast %parallel_loop3A_1388 : i32 to vector<16xi32>
        %parallel_loop3A_1390 = arith.shli %parallel_loop3A_1387, %parallel_loop3A_1389 : vector<16xi32>
        %parallel_loop3A_1391 = vector.bitcast %parallel_loop3A_1390 : vector<16xi32> to vector<16xf32>
        %parallel_loop3A_1392 = arith.constant -65536 : i32
        %parallel_loop3A_1393 = vector.broadcast %parallel_loop3A_1392 : i32 to vector<16xi32>
        %parallel_loop3A_1394 = arith.andi %parallel_loop3A_1387, %parallel_loop3A_1393 : vector<16xi32>
        %parallel_loop3A_1395 = vector.bitcast %parallel_loop3A_1394 : vector<16xi32> to vector<16xf32>
        %parallel_loop3A_1396 = arith.mulf %parallel_loop3A_1346, %parallel_loop3A_1364 : vector<16xf32>
        %parallel_loop3A_1397 = arith.mulf %parallel_loop3A_1396, %parallel_loop3A_1367 : vector<16xf32>
        %parallel_loop3A_1398 = arith.mulf %parallel_loop3A_1397, %parallel_loop3A_1391 : vector<16xf32>
        %parallel_loop3A_1399 = arith.mulf %parallel_loop3A_1397, %parallel_loop3A_1395 : vector<16xf32>
        %parallel_loop3A_1400 = arith.constant 27427 : i32
        %parallel_loop3A_1401 = vector.broadcast %parallel_loop3A_1400 : i32 to vector<16xi32>
        %parallel_loop3A_1402 = arith.addi %parallel_loop3A_1358, %parallel_loop3A_1401 : vector<16xi32>
        %parallel_loop3A_1403 = tpu.vector_load_idx %arg15[%parallel_loop3A_1402] : memref<85296xi32, #tpu.memory_space<vmem>>[vector<16xi32>], vector<16xi32>,
        %parallel_loop3A_1404 = arith.constant 16 : i32
        %parallel_loop3A_1405 = vector.broadcast %parallel_loop3A_1404 : i32 to vector<16xi32>
        %parallel_loop3A_1406 = arith.shli %parallel_loop3A_1403, %parallel_loop3A_1405 : vector<16xi32>
        %parallel_loop3A_1407 = vector.bitcast %parallel_loop3A_1406 : vector<16xi32> to vector<16xf32>
        %parallel_loop3A_1408 = arith.constant -65536 : i32
        %parallel_loop3A_1409 = vector.broadcast %parallel_loop3A_1408 : i32 to vector<16xi32>
        %parallel_loop3A_1410 = arith.andi %parallel_loop3A_1403, %parallel_loop3A_1409 : vector<16xi32>
        %parallel_loop3A_1411 = vector.bitcast %parallel_loop3A_1410 : vector<16xi32> to vector<16xf32>
        %parallel_loop3A_1412 = arith.mulf %parallel_loop3A_1361, %parallel_loop3A_1348 : vector<16xf32>
        %parallel_loop3A_1413 = arith.mulf %parallel_loop3A_1412, %parallel_loop3A_1367 : vector<16xf32>
        %parallel_loop3A_1414 = arith.mulf %parallel_loop3A_1413, %parallel_loop3A_1407 : vector<16xf32>
        %parallel_loop3A_1415 = arith.mulf %parallel_loop3A_1413, %parallel_loop3A_1411 : vector<16xf32>
        %parallel_loop3A_1416 = arith.constant 27428 : i32
        %parallel_loop3A_1417 = vector.broadcast %parallel_loop3A_1416 : i32 to vector<16xi32>
        %parallel_loop3A_1418 = arith.addi %parallel_loop3A_1358, %parallel_loop3A_1417 : vector<16xi32>
        %parallel_loop3A_1419 = tpu.vector_load_idx %arg15[%parallel_loop3A_1418] : memref<85296xi32, #tpu.memory_space<vmem>>[vector<16xi32>], vector<16xi32>,
        %parallel_loop3A_1420 = arith.constant 16 : i32
        %parallel_loop3A_1421 = vector.broadcast %parallel_loop3A_1420 : i32 to vector<16xi32>
        %parallel_loop3A_1422 = arith.shli %parallel_loop3A_1419, %parallel_loop3A_1421 : vector<16xi32>
        %parallel_loop3A_1423 = vector.bitcast %parallel_loop3A_1422 : vector<16xi32> to vector<16xf32>
        %parallel_loop3A_1424 = arith.constant -65536 : i32
        %parallel_loop3A_1425 = vector.broadcast %parallel_loop3A_1424 : i32 to vector<16xi32>
        %parallel_loop3A_1426 = arith.andi %parallel_loop3A_1419, %parallel_loop3A_1425 : vector<16xi32>
        %parallel_loop3A_1427 = vector.bitcast %parallel_loop3A_1426 : vector<16xi32> to vector<16xf32>
        %parallel_loop3A_1428 = arith.mulf %parallel_loop3A_1346, %parallel_loop3A_1348 : vector<16xf32>
        %parallel_loop3A_1429 = arith.mulf %parallel_loop3A_1428, %parallel_loop3A_1367 : vector<16xf32>
        %parallel_loop3A_1430 = arith.mulf %parallel_loop3A_1429, %parallel_loop3A_1423 : vector<16xf32>
        %parallel_loop3A_1431 = arith.mulf %parallel_loop3A_1429, %parallel_loop3A_1427 : vector<16xf32>
        %parallel_loop3A_1432 = arith.constant 28129 : i32
        %parallel_loop3A_1433 = vector.broadcast %parallel_loop3A_1432 : i32 to vector<16xi32>
        %parallel_loop3A_1434 = arith.addi %parallel_loop3A_1358, %parallel_loop3A_1433 : vector<16xi32>
        %parallel_loop3A_1435 = tpu.vector_load_idx %arg15[%parallel_loop3A_1434] : memref<85296xi32, #tpu.memory_space<vmem>>[vector<16xi32>], vector<16xi32>,
        %parallel_loop3A_1436 = arith.constant 16 : i32
        %parallel_loop3A_1437 = vector.broadcast %parallel_loop3A_1436 : i32 to vector<16xi32>
        %parallel_loop3A_1438 = arith.shli %parallel_loop3A_1435, %parallel_loop3A_1437 : vector<16xi32>
        %parallel_loop3A_1439 = vector.bitcast %parallel_loop3A_1438 : vector<16xi32> to vector<16xf32>
        %parallel_loop3A_1440 = arith.constant -65536 : i32
        %parallel_loop3A_1441 = vector.broadcast %parallel_loop3A_1440 : i32 to vector<16xi32>
        %parallel_loop3A_1442 = arith.andi %parallel_loop3A_1435, %parallel_loop3A_1441 : vector<16xi32>
        %parallel_loop3A_1443 = vector.bitcast %parallel_loop3A_1442 : vector<16xi32> to vector<16xf32>
        %parallel_loop3A_1444 = arith.mulf %parallel_loop3A_1361, %parallel_loop3A_1364 : vector<16xf32>
        %parallel_loop3A_1445 = arith.mulf %parallel_loop3A_1444, %parallel_loop3A_1350 : vector<16xf32>
        %parallel_loop3A_1446 = arith.mulf %parallel_loop3A_1445, %parallel_loop3A_1439 : vector<16xf32>
        %parallel_loop3A_1447 = arith.mulf %parallel_loop3A_1445, %parallel_loop3A_1443 : vector<16xf32>
        %parallel_loop3A_1448 = arith.constant 28130 : i32
        %parallel_loop3A_1449 = vector.broadcast %parallel_loop3A_1448 : i32 to vector<16xi32>
        %parallel_loop3A_1450 = arith.addi %parallel_loop3A_1358, %parallel_loop3A_1449 : vector<16xi32>
        %parallel_loop3A_1451 = tpu.vector_load_idx %arg15[%parallel_loop3A_1450] : memref<85296xi32, #tpu.memory_space<vmem>>[vector<16xi32>], vector<16xi32>,
        %parallel_loop3A_1452 = arith.constant 16 : i32
        %parallel_loop3A_1453 = vector.broadcast %parallel_loop3A_1452 : i32 to vector<16xi32>
        %parallel_loop3A_1454 = arith.shli %parallel_loop3A_1451, %parallel_loop3A_1453 : vector<16xi32>
        %parallel_loop3A_1455 = vector.bitcast %parallel_loop3A_1454 : vector<16xi32> to vector<16xf32>
        %parallel_loop3A_1456 = arith.constant -65536 : i32
        %parallel_loop3A_1457 = vector.broadcast %parallel_loop3A_1456 : i32 to vector<16xi32>
        %parallel_loop3A_1458 = arith.andi %parallel_loop3A_1451, %parallel_loop3A_1457 : vector<16xi32>
        %parallel_loop3A_1459 = vector.bitcast %parallel_loop3A_1458 : vector<16xi32> to vector<16xf32>
        %parallel_loop3A_1460 = arith.mulf %parallel_loop3A_1346, %parallel_loop3A_1364 : vector<16xf32>
        %parallel_loop3A_1461 = arith.mulf %parallel_loop3A_1460, %parallel_loop3A_1350 : vector<16xf32>
        %parallel_loop3A_1462 = arith.mulf %parallel_loop3A_1461, %parallel_loop3A_1455 : vector<16xf32>
        %parallel_loop3A_1463 = arith.mulf %parallel_loop3A_1461, %parallel_loop3A_1459 : vector<16xf32>
        %parallel_loop3A_1464 = arith.constant 28156 : i32
        %parallel_loop3A_1465 = vector.broadcast %parallel_loop3A_1464 : i32 to vector<16xi32>
        %parallel_loop3A_1466 = arith.addi %parallel_loop3A_1358, %parallel_loop3A_1465 : vector<16xi32>
        %parallel_loop3A_1467 = tpu.vector_load_idx %arg15[%parallel_loop3A_1466] : memref<85296xi32, #tpu.memory_space<vmem>>[vector<16xi32>], vector<16xi32>,
        %parallel_loop3A_1468 = arith.constant 16 : i32
        %parallel_loop3A_1469 = vector.broadcast %parallel_loop3A_1468 : i32 to vector<16xi32>
        %parallel_loop3A_1470 = arith.shli %parallel_loop3A_1467, %parallel_loop3A_1469 : vector<16xi32>
        %parallel_loop3A_1471 = vector.bitcast %parallel_loop3A_1470 : vector<16xi32> to vector<16xf32>
        %parallel_loop3A_1472 = arith.constant -65536 : i32
        %parallel_loop3A_1473 = vector.broadcast %parallel_loop3A_1472 : i32 to vector<16xi32>
        %parallel_loop3A_1474 = arith.andi %parallel_loop3A_1467, %parallel_loop3A_1473 : vector<16xi32>
        %parallel_loop3A_1475 = vector.bitcast %parallel_loop3A_1474 : vector<16xi32> to vector<16xf32>
        %parallel_loop3A_1476 = arith.mulf %parallel_loop3A_1361, %parallel_loop3A_1348 : vector<16xf32>
        %parallel_loop3A_1477 = arith.mulf %parallel_loop3A_1476, %parallel_loop3A_1350 : vector<16xf32>
        %parallel_loop3A_1478 = arith.mulf %parallel_loop3A_1477, %parallel_loop3A_1471 : vector<16xf32>
        %parallel_loop3A_1479 = arith.mulf %parallel_loop3A_1477, %parallel_loop3A_1475 : vector<16xf32>
        %parallel_loop3A_1480 = arith.constant 28157 : i32
        %parallel_loop3A_1481 = vector.broadcast %parallel_loop3A_1480 : i32 to vector<16xi32>
        %parallel_loop3A_1482 = arith.addi %parallel_loop3A_1358, %parallel_loop3A_1481 : vector<16xi32>
        %parallel_loop3A_1483 = tpu.vector_load_idx %arg15[%parallel_loop3A_1482] : memref<85296xi32, #tpu.memory_space<vmem>>[vector<16xi32>], vector<16xi32>,
        %parallel_loop3A_1484 = arith.constant 16 : i32
        %parallel_loop3A_1485 = vector.broadcast %parallel_loop3A_1484 : i32 to vector<16xi32>
        %parallel_loop3A_1486 = arith.shli %parallel_loop3A_1483, %parallel_loop3A_1485 : vector<16xi32>
        %parallel_loop3A_1487 = vector.bitcast %parallel_loop3A_1486 : vector<16xi32> to vector<16xf32>
        %parallel_loop3A_1488 = arith.constant -65536 : i32
        %parallel_loop3A_1489 = vector.broadcast %parallel_loop3A_1488 : i32 to vector<16xi32>
        %parallel_loop3A_1490 = arith.andi %parallel_loop3A_1483, %parallel_loop3A_1489 : vector<16xi32>
        %parallel_loop3A_1491 = vector.bitcast %parallel_loop3A_1490 : vector<16xi32> to vector<16xf32>
        %parallel_loop3A_1492 = arith.mulf %parallel_loop3A_1346, %parallel_loop3A_1348 : vector<16xf32>
        %parallel_loop3A_1493 = arith.mulf %parallel_loop3A_1492, %parallel_loop3A_1350 : vector<16xf32>
        %parallel_loop3A_1494 = arith.mulf %parallel_loop3A_1493, %parallel_loop3A_1487 : vector<16xf32>
        %parallel_loop3A_1495 = arith.mulf %parallel_loop3A_1493, %parallel_loop3A_1491 : vector<16xf32>
        %parallel_loop3A_1496 = arith.addf %parallel_loop3A_1382, %parallel_loop3A_1398 : vector<16xf32>
        %parallel_loop3A_1497 = arith.addf %parallel_loop3A_1414, %parallel_loop3A_1430 : vector<16xf32>
        %parallel_loop3A_1498 = arith.addf %parallel_loop3A_1496, %parallel_loop3A_1497 : vector<16xf32>
        %parallel_loop3A_1499 = arith.addf %parallel_loop3A_1446, %parallel_loop3A_1462 : vector<16xf32>
        %parallel_loop3A_1500 = arith.addf %parallel_loop3A_1478, %parallel_loop3A_1494 : vector<16xf32>
        %parallel_loop3A_1501 = arith.addf %parallel_loop3A_1499, %parallel_loop3A_1500 : vector<16xf32>
        %parallel_loop3A_1502 = arith.addf %parallel_loop3A_1498, %parallel_loop3A_1501 : vector<16xf32>
        %parallel_loop3A_1503 = arith.addf %parallel_loop3A_1383, %parallel_loop3A_1399 : vector<16xf32>
        %parallel_loop3A_1504 = arith.addf %parallel_loop3A_1415, %parallel_loop3A_1431 : vector<16xf32>
        %parallel_loop3A_1505 = arith.addf %parallel_loop3A_1503, %parallel_loop3A_1504 : vector<16xf32>
        %parallel_loop3A_1506 = arith.addf %parallel_loop3A_1447, %parallel_loop3A_1463 : vector<16xf32>
        %parallel_loop3A_1507 = arith.addf %parallel_loop3A_1479, %parallel_loop3A_1495 : vector<16xf32>
        %parallel_loop3A_1508 = arith.addf %parallel_loop3A_1506, %parallel_loop3A_1507 : vector<16xf32>
        %parallel_loop3A_1509 = arith.addf %parallel_loop3A_1505, %parallel_loop3A_1508 : vector<16xf32>
        %parallel_loop3A_1510 = arith.constant 12 : i32
        %parallel_loop3A_1511 = vector.broadcast %parallel_loop3A_1510 : i32 to vector<16xi32>
        %parallel_loop3A_1512 = arith.addi %parallel_loop3A_171, %parallel_loop3A_1511 : vector<16xi32>
        tpu.vector_store_idx %arg14[%parallel_loop3A_165, %parallel_loop3A_1512], %parallel_loop3A_1502 : memref<64x128xf32, #tpu.memory_space<vmem>>[vector<16xi32>, vector<16xi32>], vector<16xf32>,
        %parallel_loop3A_1513 = arith.constant 1 : i32
        %parallel_loop3A_1514 = vector.broadcast %parallel_loop3A_1513 : i32 to vector<16xi32>
        %parallel_loop3A_1515 = arith.addi %parallel_loop3A_1512, %parallel_loop3A_1514 : vector<16xi32>
        tpu.vector_store_idx %arg14[%parallel_loop3A_165, %parallel_loop3A_1515], %parallel_loop3A_1509 : memref<64x128xf32, #tpu.memory_space<vmem>>[vector<16xi32>, vector<16xi32>], vector<16xf32>,
        %parallel_loop3A_1516 = arith.constant 3.100000e+01 : f32
        %parallel_loop3A_1517 = vector.broadcast %parallel_loop3A_1516 : f32 to vector<16xf32>
        %parallel_loop3A_1518 = arith.mulf %parallel_loop3A_156, %parallel_loop3A_1517 : vector<16xf32>
        %parallel_loop3A_1519 = arith.constant 5.000000e-01 : f32
        %parallel_loop3A_1520 = vector.broadcast %parallel_loop3A_1519 : f32 to vector<16xf32>
        %parallel_loop3A_1521 = arith.addf %parallel_loop3A_1518, %parallel_loop3A_1520 : vector<16xf32>
        %parallel_loop3A_1522 = arith.constant 3.100000e+01 : f32
        %parallel_loop3A_1523 = vector.broadcast %parallel_loop3A_1522 : f32 to vector<16xf32>
        %parallel_loop3A_1524 = arith.mulf %parallel_loop3A_158, %parallel_loop3A_1523 : vector<16xf32>
        %parallel_loop3A_1525 = arith.constant 5.000000e-01 : f32
        %parallel_loop3A_1526 = vector.broadcast %parallel_loop3A_1525 : f32 to vector<16xf32>
        %parallel_loop3A_1527 = arith.addf %parallel_loop3A_1524, %parallel_loop3A_1526 : vector<16xf32>
        %parallel_loop3A_1528 = arith.constant 3.100000e+01 : f32
        %parallel_loop3A_1529 = vector.broadcast %parallel_loop3A_1528 : f32 to vector<16xf32>
        %parallel_loop3A_1530 = arith.mulf %parallel_loop3A_160, %parallel_loop3A_1529 : vector<16xf32>
        %parallel_loop3A_1531 = arith.constant 5.000000e-01 : f32
        %parallel_loop3A_1532 = vector.broadcast %parallel_loop3A_1531 : f32 to vector<16xf32>
        %parallel_loop3A_1533 = arith.addf %parallel_loop3A_1530, %parallel_loop3A_1532 : vector<16xf32>
        %parallel_loop3A_1534 = arith.fptosi %parallel_loop3A_1521 : vector<16xf32> to vector<16xi32>
        %parallel_loop3A_1535 = arith.fptosi %parallel_loop3A_1527 : vector<16xf32> to vector<16xi32>
        %parallel_loop3A_1536 = arith.fptosi %parallel_loop3A_1533 : vector<16xf32> to vector<16xi32>
        %parallel_loop3A_1537 = arith.sitofp %parallel_loop3A_1534 : vector<16xi32> to vector<16xf32>
        %parallel_loop3A_1538 = arith.subf %parallel_loop3A_1521, %parallel_loop3A_1537 : vector<16xf32>
        %parallel_loop3A_1539 = arith.sitofp %parallel_loop3A_1535 : vector<16xi32> to vector<16xf32>
        %parallel_loop3A_1540 = arith.subf %parallel_loop3A_1527, %parallel_loop3A_1539 : vector<16xf32>
        %parallel_loop3A_1541 = arith.sitofp %parallel_loop3A_1536 : vector<16xi32> to vector<16xf32>
        %parallel_loop3A_1542 = arith.subf %parallel_loop3A_1533, %parallel_loop3A_1541 : vector<16xf32>
        %parallel_loop3A_1543 = arith.constant 32 : i32
        %parallel_loop3A_1544 = vector.broadcast %parallel_loop3A_1543 : i32 to vector<16xi32>
        %parallel_loop3A_1545 = arith.muli %parallel_loop3A_1535, %parallel_loop3A_1544 : vector<16xi32>
        %parallel_loop3A_1546 = arith.addi %parallel_loop3A_1534, %parallel_loop3A_1545 : vector<16xi32>
        %parallel_loop3A_1547 = arith.constant 1024 : i32
        %parallel_loop3A_1548 = vector.broadcast %parallel_loop3A_1547 : i32 to vector<16xi32>
        %parallel_loop3A_1549 = arith.muli %parallel_loop3A_1536, %parallel_loop3A_1548 : vector<16xi32>
        %parallel_loop3A_1550 = arith.addi %parallel_loop3A_1546, %parallel_loop3A_1549 : vector<16xi32>
        %parallel_loop3A_1551 = arith.constant 1.000000e+00 : f32
        %parallel_loop3A_1552 = vector.broadcast %parallel_loop3A_1551 : f32 to vector<16xf32>
        %parallel_loop3A_1553 = arith.subf %parallel_loop3A_1552, %parallel_loop3A_1538 : vector<16xf32>
        %parallel_loop3A_1554 = arith.constant 1.000000e+00 : f32
        %parallel_loop3A_1555 = vector.broadcast %parallel_loop3A_1554 : f32 to vector<16xf32>
        %parallel_loop3A_1556 = arith.subf %parallel_loop3A_1555, %parallel_loop3A_1540 : vector<16xf32>
        %parallel_loop3A_1557 = arith.constant 1.000000e+00 : f32
        %parallel_loop3A_1558 = vector.broadcast %parallel_loop3A_1557 : f32 to vector<16xf32>
        %parallel_loop3A_1559 = arith.subf %parallel_loop3A_1558, %parallel_loop3A_1542 : vector<16xf32>
        %parallel_loop3A_1560 = arith.constant 49352 : i32
        %parallel_loop3A_1561 = vector.broadcast %parallel_loop3A_1560 : i32 to vector<16xi32>
        %parallel_loop3A_1562 = arith.addi %parallel_loop3A_1550, %parallel_loop3A_1561 : vector<16xi32>
        %parallel_loop3A_1563 = tpu.vector_load_idx %arg15[%parallel_loop3A_1562] : memref<85296xi32, #tpu.memory_space<vmem>>[vector<16xi32>], vector<16xi32>,
        %parallel_loop3A_1564 = arith.constant 16 : i32
        %parallel_loop3A_1565 = vector.broadcast %parallel_loop3A_1564 : i32 to vector<16xi32>
        %parallel_loop3A_1566 = arith.shli %parallel_loop3A_1563, %parallel_loop3A_1565 : vector<16xi32>
        %parallel_loop3A_1567 = vector.bitcast %parallel_loop3A_1566 : vector<16xi32> to vector<16xf32>
        %parallel_loop3A_1568 = arith.constant -65536 : i32
        %parallel_loop3A_1569 = vector.broadcast %parallel_loop3A_1568 : i32 to vector<16xi32>
        %parallel_loop3A_1570 = arith.andi %parallel_loop3A_1563, %parallel_loop3A_1569 : vector<16xi32>
        %parallel_loop3A_1571 = vector.bitcast %parallel_loop3A_1570 : vector<16xi32> to vector<16xf32>
        %parallel_loop3A_1572 = arith.mulf %parallel_loop3A_1553, %parallel_loop3A_1556 : vector<16xf32>
        %parallel_loop3A_1573 = arith.mulf %parallel_loop3A_1572, %parallel_loop3A_1559 : vector<16xf32>
        %parallel_loop3A_1574 = arith.mulf %parallel_loop3A_1573, %parallel_loop3A_1567 : vector<16xf32>
        %parallel_loop3A_1575 = arith.mulf %parallel_loop3A_1573, %parallel_loop3A_1571 : vector<16xf32>
        %parallel_loop3A_1576 = arith.constant 49353 : i32
        %parallel_loop3A_1577 = vector.broadcast %parallel_loop3A_1576 : i32 to vector<16xi32>
        %parallel_loop3A_1578 = arith.addi %parallel_loop3A_1550, %parallel_loop3A_1577 : vector<16xi32>
        %parallel_loop3A_1579 = tpu.vector_load_idx %arg15[%parallel_loop3A_1578] : memref<85296xi32, #tpu.memory_space<vmem>>[vector<16xi32>], vector<16xi32>,
        %parallel_loop3A_1580 = arith.constant 16 : i32
        %parallel_loop3A_1581 = vector.broadcast %parallel_loop3A_1580 : i32 to vector<16xi32>
        %parallel_loop3A_1582 = arith.shli %parallel_loop3A_1579, %parallel_loop3A_1581 : vector<16xi32>
        %parallel_loop3A_1583 = vector.bitcast %parallel_loop3A_1582 : vector<16xi32> to vector<16xf32>
        %parallel_loop3A_1584 = arith.constant -65536 : i32
        %parallel_loop3A_1585 = vector.broadcast %parallel_loop3A_1584 : i32 to vector<16xi32>
        %parallel_loop3A_1586 = arith.andi %parallel_loop3A_1579, %parallel_loop3A_1585 : vector<16xi32>
        %parallel_loop3A_1587 = vector.bitcast %parallel_loop3A_1586 : vector<16xi32> to vector<16xf32>
        %parallel_loop3A_1588 = arith.mulf %parallel_loop3A_1538, %parallel_loop3A_1556 : vector<16xf32>
        %parallel_loop3A_1589 = arith.mulf %parallel_loop3A_1588, %parallel_loop3A_1559 : vector<16xf32>
        %parallel_loop3A_1590 = arith.mulf %parallel_loop3A_1589, %parallel_loop3A_1583 : vector<16xf32>
        %parallel_loop3A_1591 = arith.mulf %parallel_loop3A_1589, %parallel_loop3A_1587 : vector<16xf32>
        %parallel_loop3A_1592 = arith.constant 49384 : i32
        %parallel_loop3A_1593 = vector.broadcast %parallel_loop3A_1592 : i32 to vector<16xi32>
        %parallel_loop3A_1594 = arith.addi %parallel_loop3A_1550, %parallel_loop3A_1593 : vector<16xi32>
        %parallel_loop3A_1595 = tpu.vector_load_idx %arg15[%parallel_loop3A_1594] : memref<85296xi32, #tpu.memory_space<vmem>>[vector<16xi32>], vector<16xi32>,
        %parallel_loop3A_1596 = arith.constant 16 : i32
        %parallel_loop3A_1597 = vector.broadcast %parallel_loop3A_1596 : i32 to vector<16xi32>
        %parallel_loop3A_1598 = arith.shli %parallel_loop3A_1595, %parallel_loop3A_1597 : vector<16xi32>
        %parallel_loop3A_1599 = vector.bitcast %parallel_loop3A_1598 : vector<16xi32> to vector<16xf32>
        %parallel_loop3A_1600 = arith.constant -65536 : i32
        %parallel_loop3A_1601 = vector.broadcast %parallel_loop3A_1600 : i32 to vector<16xi32>
        %parallel_loop3A_1602 = arith.andi %parallel_loop3A_1595, %parallel_loop3A_1601 : vector<16xi32>
        %parallel_loop3A_1603 = vector.bitcast %parallel_loop3A_1602 : vector<16xi32> to vector<16xf32>
        %parallel_loop3A_1604 = arith.mulf %parallel_loop3A_1553, %parallel_loop3A_1540 : vector<16xf32>
        %parallel_loop3A_1605 = arith.mulf %parallel_loop3A_1604, %parallel_loop3A_1559 : vector<16xf32>
        %parallel_loop3A_1606 = arith.mulf %parallel_loop3A_1605, %parallel_loop3A_1599 : vector<16xf32>
        %parallel_loop3A_1607 = arith.mulf %parallel_loop3A_1605, %parallel_loop3A_1603 : vector<16xf32>
        %parallel_loop3A_1608 = arith.constant 49385 : i32
        %parallel_loop3A_1609 = vector.broadcast %parallel_loop3A_1608 : i32 to vector<16xi32>
        %parallel_loop3A_1610 = arith.addi %parallel_loop3A_1550, %parallel_loop3A_1609 : vector<16xi32>
        %parallel_loop3A_1611 = tpu.vector_load_idx %arg15[%parallel_loop3A_1610] : memref<85296xi32, #tpu.memory_space<vmem>>[vector<16xi32>], vector<16xi32>,
        %parallel_loop3A_1612 = arith.constant 16 : i32
        %parallel_loop3A_1613 = vector.broadcast %parallel_loop3A_1612 : i32 to vector<16xi32>
        %parallel_loop3A_1614 = arith.shli %parallel_loop3A_1611, %parallel_loop3A_1613 : vector<16xi32>
        %parallel_loop3A_1615 = vector.bitcast %parallel_loop3A_1614 : vector<16xi32> to vector<16xf32>
        %parallel_loop3A_1616 = arith.constant -65536 : i32
        %parallel_loop3A_1617 = vector.broadcast %parallel_loop3A_1616 : i32 to vector<16xi32>
        %parallel_loop3A_1618 = arith.andi %parallel_loop3A_1611, %parallel_loop3A_1617 : vector<16xi32>
        %parallel_loop3A_1619 = vector.bitcast %parallel_loop3A_1618 : vector<16xi32> to vector<16xf32>
        %parallel_loop3A_1620 = arith.mulf %parallel_loop3A_1538, %parallel_loop3A_1540 : vector<16xf32>
        %parallel_loop3A_1621 = arith.mulf %parallel_loop3A_1620, %parallel_loop3A_1559 : vector<16xf32>
        %parallel_loop3A_1622 = arith.mulf %parallel_loop3A_1621, %parallel_loop3A_1615 : vector<16xf32>
        %parallel_loop3A_1623 = arith.mulf %parallel_loop3A_1621, %parallel_loop3A_1619 : vector<16xf32>
        %parallel_loop3A_1624 = arith.constant 50376 : i32
        %parallel_loop3A_1625 = vector.broadcast %parallel_loop3A_1624 : i32 to vector<16xi32>
        %parallel_loop3A_1626 = arith.addi %parallel_loop3A_1550, %parallel_loop3A_1625 : vector<16xi32>
        %parallel_loop3A_1627 = tpu.vector_load_idx %arg15[%parallel_loop3A_1626] : memref<85296xi32, #tpu.memory_space<vmem>>[vector<16xi32>], vector<16xi32>,
        %parallel_loop3A_1628 = arith.constant 16 : i32
        %parallel_loop3A_1629 = vector.broadcast %parallel_loop3A_1628 : i32 to vector<16xi32>
        %parallel_loop3A_1630 = arith.shli %parallel_loop3A_1627, %parallel_loop3A_1629 : vector<16xi32>
        %parallel_loop3A_1631 = vector.bitcast %parallel_loop3A_1630 : vector<16xi32> to vector<16xf32>
        %parallel_loop3A_1632 = arith.constant -65536 : i32
        %parallel_loop3A_1633 = vector.broadcast %parallel_loop3A_1632 : i32 to vector<16xi32>
        %parallel_loop3A_1634 = arith.andi %parallel_loop3A_1627, %parallel_loop3A_1633 : vector<16xi32>
        %parallel_loop3A_1635 = vector.bitcast %parallel_loop3A_1634 : vector<16xi32> to vector<16xf32>
        %parallel_loop3A_1636 = arith.mulf %parallel_loop3A_1553, %parallel_loop3A_1556 : vector<16xf32>
        %parallel_loop3A_1637 = arith.mulf %parallel_loop3A_1636, %parallel_loop3A_1542 : vector<16xf32>
        %parallel_loop3A_1638 = arith.mulf %parallel_loop3A_1637, %parallel_loop3A_1631 : vector<16xf32>
        %parallel_loop3A_1639 = arith.mulf %parallel_loop3A_1637, %parallel_loop3A_1635 : vector<16xf32>
        %parallel_loop3A_1640 = arith.constant 50377 : i32
        %parallel_loop3A_1641 = vector.broadcast %parallel_loop3A_1640 : i32 to vector<16xi32>
        %parallel_loop3A_1642 = arith.addi %parallel_loop3A_1550, %parallel_loop3A_1641 : vector<16xi32>
        %parallel_loop3A_1643 = tpu.vector_load_idx %arg15[%parallel_loop3A_1642] : memref<85296xi32, #tpu.memory_space<vmem>>[vector<16xi32>], vector<16xi32>,
        %parallel_loop3A_1644 = arith.constant 16 : i32
        %parallel_loop3A_1645 = vector.broadcast %parallel_loop3A_1644 : i32 to vector<16xi32>
        %parallel_loop3A_1646 = arith.shli %parallel_loop3A_1643, %parallel_loop3A_1645 : vector<16xi32>
        %parallel_loop3A_1647 = vector.bitcast %parallel_loop3A_1646 : vector<16xi32> to vector<16xf32>
        %parallel_loop3A_1648 = arith.constant -65536 : i32
        %parallel_loop3A_1649 = vector.broadcast %parallel_loop3A_1648 : i32 to vector<16xi32>
        %parallel_loop3A_1650 = arith.andi %parallel_loop3A_1643, %parallel_loop3A_1649 : vector<16xi32>
        %parallel_loop3A_1651 = vector.bitcast %parallel_loop3A_1650 : vector<16xi32> to vector<16xf32>
        %parallel_loop3A_1652 = arith.mulf %parallel_loop3A_1538, %parallel_loop3A_1556 : vector<16xf32>
        %parallel_loop3A_1653 = arith.mulf %parallel_loop3A_1652, %parallel_loop3A_1542 : vector<16xf32>
        %parallel_loop3A_1654 = arith.mulf %parallel_loop3A_1653, %parallel_loop3A_1647 : vector<16xf32>
        %parallel_loop3A_1655 = arith.mulf %parallel_loop3A_1653, %parallel_loop3A_1651 : vector<16xf32>
        %parallel_loop3A_1656 = arith.constant 50408 : i32
        %parallel_loop3A_1657 = vector.broadcast %parallel_loop3A_1656 : i32 to vector<16xi32>
        %parallel_loop3A_1658 = arith.addi %parallel_loop3A_1550, %parallel_loop3A_1657 : vector<16xi32>
        %parallel_loop3A_1659 = tpu.vector_load_idx %arg15[%parallel_loop3A_1658] : memref<85296xi32, #tpu.memory_space<vmem>>[vector<16xi32>], vector<16xi32>,
        %parallel_loop3A_1660 = arith.constant 16 : i32
        %parallel_loop3A_1661 = vector.broadcast %parallel_loop3A_1660 : i32 to vector<16xi32>
        %parallel_loop3A_1662 = arith.shli %parallel_loop3A_1659, %parallel_loop3A_1661 : vector<16xi32>
        %parallel_loop3A_1663 = vector.bitcast %parallel_loop3A_1662 : vector<16xi32> to vector<16xf32>
        %parallel_loop3A_1664 = arith.constant -65536 : i32
        %parallel_loop3A_1665 = vector.broadcast %parallel_loop3A_1664 : i32 to vector<16xi32>
        %parallel_loop3A_1666 = arith.andi %parallel_loop3A_1659, %parallel_loop3A_1665 : vector<16xi32>
        %parallel_loop3A_1667 = vector.bitcast %parallel_loop3A_1666 : vector<16xi32> to vector<16xf32>
        %parallel_loop3A_1668 = arith.mulf %parallel_loop3A_1553, %parallel_loop3A_1540 : vector<16xf32>
        %parallel_loop3A_1669 = arith.mulf %parallel_loop3A_1668, %parallel_loop3A_1542 : vector<16xf32>
        %parallel_loop3A_1670 = arith.mulf %parallel_loop3A_1669, %parallel_loop3A_1663 : vector<16xf32>
        %parallel_loop3A_1671 = arith.mulf %parallel_loop3A_1669, %parallel_loop3A_1667 : vector<16xf32>
        %parallel_loop3A_1672 = arith.constant 50409 : i32
        %parallel_loop3A_1673 = vector.broadcast %parallel_loop3A_1672 : i32 to vector<16xi32>
        %parallel_loop3A_1674 = arith.addi %parallel_loop3A_1550, %parallel_loop3A_1673 : vector<16xi32>
        %parallel_loop3A_1675 = tpu.vector_load_idx %arg15[%parallel_loop3A_1674] : memref<85296xi32, #tpu.memory_space<vmem>>[vector<16xi32>], vector<16xi32>,
        %parallel_loop3A_1676 = arith.constant 16 : i32
        %parallel_loop3A_1677 = vector.broadcast %parallel_loop3A_1676 : i32 to vector<16xi32>
        %parallel_loop3A_1678 = arith.shli %parallel_loop3A_1675, %parallel_loop3A_1677 : vector<16xi32>
        %parallel_loop3A_1679 = vector.bitcast %parallel_loop3A_1678 : vector<16xi32> to vector<16xf32>
        %parallel_loop3A_1680 = arith.constant -65536 : i32
        %parallel_loop3A_1681 = vector.broadcast %parallel_loop3A_1680 : i32 to vector<16xi32>
        %parallel_loop3A_1682 = arith.andi %parallel_loop3A_1675, %parallel_loop3A_1681 : vector<16xi32>
        %parallel_loop3A_1683 = vector.bitcast %parallel_loop3A_1682 : vector<16xi32> to vector<16xf32>
        %parallel_loop3A_1684 = arith.mulf %parallel_loop3A_1538, %parallel_loop3A_1540 : vector<16xf32>
        %parallel_loop3A_1685 = arith.mulf %parallel_loop3A_1684, %parallel_loop3A_1542 : vector<16xf32>
        %parallel_loop3A_1686 = arith.mulf %parallel_loop3A_1685, %parallel_loop3A_1679 : vector<16xf32>
        %parallel_loop3A_1687 = arith.mulf %parallel_loop3A_1685, %parallel_loop3A_1683 : vector<16xf32>
        %parallel_loop3A_1688 = arith.addf %parallel_loop3A_1574, %parallel_loop3A_1590 : vector<16xf32>
        %parallel_loop3A_1689 = arith.addf %parallel_loop3A_1606, %parallel_loop3A_1622 : vector<16xf32>
        %parallel_loop3A_1690 = arith.addf %parallel_loop3A_1688, %parallel_loop3A_1689 : vector<16xf32>
        %parallel_loop3A_1691 = arith.addf %parallel_loop3A_1638, %parallel_loop3A_1654 : vector<16xf32>
        %parallel_loop3A_1692 = arith.addf %parallel_loop3A_1670, %parallel_loop3A_1686 : vector<16xf32>
        %parallel_loop3A_1693 = arith.addf %parallel_loop3A_1691, %parallel_loop3A_1692 : vector<16xf32>
        %parallel_loop3A_1694 = arith.addf %parallel_loop3A_1690, %parallel_loop3A_1693 : vector<16xf32>
        %parallel_loop3A_1695 = arith.addf %parallel_loop3A_1575, %parallel_loop3A_1591 : vector<16xf32>
        %parallel_loop3A_1696 = arith.addf %parallel_loop3A_1607, %parallel_loop3A_1623 : vector<16xf32>
        %parallel_loop3A_1697 = arith.addf %parallel_loop3A_1695, %parallel_loop3A_1696 : vector<16xf32>
        %parallel_loop3A_1698 = arith.addf %parallel_loop3A_1639, %parallel_loop3A_1655 : vector<16xf32>
        %parallel_loop3A_1699 = arith.addf %parallel_loop3A_1671, %parallel_loop3A_1687 : vector<16xf32>
        %parallel_loop3A_1700 = arith.addf %parallel_loop3A_1698, %parallel_loop3A_1699 : vector<16xf32>
        %parallel_loop3A_1701 = arith.addf %parallel_loop3A_1697, %parallel_loop3A_1700 : vector<16xf32>
        %parallel_loop3A_1702 = arith.constant 14 : i32
        %parallel_loop3A_1703 = vector.broadcast %parallel_loop3A_1702 : i32 to vector<16xi32>
        %parallel_loop3A_1704 = arith.addi %parallel_loop3A_171, %parallel_loop3A_1703 : vector<16xi32>
        tpu.vector_store_idx %arg14[%parallel_loop3A_165, %parallel_loop3A_1704], %parallel_loop3A_1694 : memref<64x128xf32, #tpu.memory_space<vmem>>[vector<16xi32>, vector<16xi32>], vector<16xf32>,
        %parallel_loop3A_1705 = arith.constant 1 : i32
        %parallel_loop3A_1706 = vector.broadcast %parallel_loop3A_1705 : i32 to vector<16xi32>
        %parallel_loop3A_1707 = arith.addi %parallel_loop3A_1704, %parallel_loop3A_1706 : vector<16xi32>
        tpu.vector_store_idx %arg14[%parallel_loop3A_165, %parallel_loop3A_1707], %parallel_loop3A_1701 : memref<64x128xf32, #tpu.memory_space<vmem>>[vector<16xi32>, vector<16xi32>], vector<16xf32>,
      } {sc.loop_unroll_factor = 2 : i64, sc.parallel_access}
      %add3A_116 = arith.constant 1 : i32
      %add3A_117 = arith.addi %add3A_31, %add3A_116 : i32
      %mul3A_118 = arith.constant 16384 : i32
      %mul3A_119 = arith.muli %add3A, %mul3A_118 : i32
      %mul3A_120 = arith.constant 512 : i32
      %mul3A_121 = arith.muli %add3A_117, %mul3A_120 : i32
      %add3A_122 = arith.addi %mul3A_119, %mul3A_121 : i32
      %jit3A_123 = arith.constant 8 : i32
      %div3A_124 = arith.divsi %add3A_122, %jit3A_123 : i32
      %sign3A_125 = arith.constant 0 : i32
      %sign3A_126 = arith.cmpi sgt, %add3A_122, %sign3A_125 : i32
      %sign3A_127 = arith.extui %sign3A_126 : i1 to i32
      %sign3A_128 = arith.constant 0 : i32
      %sign3A_129 = arith.cmpi slt, %add3A_122, %sign3A_128 : i32
      %sign3A_130 = arith.extui %sign3A_129 : i1 to i32
      %sign3A_131 = arith.subi %sign3A_127, %sign3A_130 : i32
      %sign3A_132 = arith.constant 0 : i32
      %sign3A_133 = arith.cmpi sgt, %jit3A_123, %sign3A_132 : i32
      %sign3A_134 = arith.extui %sign3A_133 : i1 to i32
      %sign3A_135 = arith.constant 0 : i32
      %sign3A_136 = arith.cmpi slt, %jit3A_123, %sign3A_135 : i32
      %sign3A_137 = arith.extui %sign3A_136 : i1 to i32
      %sign3A_138 = arith.subi %sign3A_134, %sign3A_137 : i32
      %ne3A_139 = arith.cmpi ne, %sign3A_131, %sign3A_138 : i32
      %rem3A_140 = arith.remsi %add3A_122, %jit3A_123 : i32
      %ne3A_141 = arith.constant 0 : i32
      %ne3A_142 = arith.cmpi ne, %rem3A_140, %ne3A_141 : i32
      %and3A_143 = arith.andi %ne3A_139, %ne3A_142 : i1
      %sub3A_144 = arith.constant 1 : i32
      %sub3A_145 = arith.subi %div3A_124, %sub3A_144 : i32
      %select_n3A_146 = arith.select %and3A_143, %sub3A_145, %div3A_124 : i32
      %multiple_of3A_147 = tpu.assume_multiple %select_n3A_146, 8 : i32
      %dma_start3A_148 = arith.constant 0 : i32
      %dma_start3A_149 = tpu.memref_slice %arg6[%multiple_of3A_147, %dma_start3A_148] : memref<65536x128xf32, #tpu.memory_space<hbm>> -> memref<64x128xf32, #tpu.memory_space<hbm>>
      %dma_start3A_150 = arith.constant 0 : i32
      %dma_start3A_151 = tpu.memref_slice %arg6[%multiple_of3A_147, %dma_start3A_150] : memref<65536x128xf32, #tpu.memory_space<hbm>> -> memref<64x128xf32, #tpu.memory_space<hbm>>
      tpu.enqueue_dma source(%arg14 : memref<64x128xf32, #tpu.memory_space<vmem>>) target(%dma_start3A_151 : memref<64x128xf32, #tpu.memory_space<hbm>>) target_semaphore(%arg19 : memref<!tpu.dma_semaphore, #tpu.memory_space<semaphore_mem>>)
    }
    %scan3A_15 = arith.constant 16 : i32
    %dma_wait3A = arith.constant 0 : i32
    %dma_wait3A_16 = arith.constant 0 : i32
    %dma_wait3A_17 = tpu.memref_slice %arg6[%dma_wait3A, %dma_wait3A_16] : memref<65536x128xf32, #tpu.memory_space<hbm>> -> memref<64x128xf32, #tpu.memory_space<hbm>>
    %dma_wait3A_18 = arith.constant 0 : i32
    %dma_wait3A_19 = arith.constant 0 : i32
    %dma_wait3A_20 = tpu.memref_slice %arg6[%dma_wait3A_18, %dma_wait3A_19] : memref<65536x128xf32, #tpu.memory_space<hbm>> -> memref<64x128xf32, #tpu.memory_space<hbm>>
    tpu.wait_dma2 semaphore(%arg18 : memref<!tpu.dma_semaphore, #tpu.memory_space<semaphore_mem>>) src(%arg13 : memref<64x128xf32, #tpu.memory_space<vmem>>) dst(%dma_wait3A_20 : memref<64x128xf32, #tpu.memory_space<hbm>>)
    %dma_wait3A_21 = arith.constant 0 : i32
    %dma_wait3A_22 = arith.constant 0 : i32
    %dma_wait3A_23 = tpu.memref_slice %arg6[%dma_wait3A_21, %dma_wait3A_22] : memref<65536x128xf32, #tpu.memory_space<hbm>> -> memref<64x128xf32, #tpu.memory_space<hbm>>
    %dma_wait3A_24 = arith.constant 0 : i32
    %dma_wait3A_25 = arith.constant 0 : i32
    %dma_wait3A_26 = tpu.memref_slice %arg6[%dma_wait3A_24, %dma_wait3A_25] : memref<65536x128xf32, #tpu.memory_space<hbm>> -> memref<64x128xf32, #tpu.memory_space<hbm>>
    tpu.wait_dma2 semaphore(%arg19 : memref<!tpu.dma_semaphore, #tpu.memory_space<semaphore_mem>>) src(%arg14 : memref<64x128xf32, #tpu.memory_space<vmem>>) dst(%dma_wait3A_26 : memref<64x128xf32, #tpu.memory_space<hbm>>)
    return
  }
}

module attributes {stable_mosaic.version = 14 : i64} {
  func.func @_mlp_body(%arg0: i32, %arg1: memref<8192x128xf32, #tpu.memory_space<vmem>>, %arg2: memref<128x128xf32, #tpu.memory_space<vmem>>, %arg3: memref<128x128xf32, #tpu.memory_space<vmem>>, %arg4: memref<128x8xf32, #tpu.memory_space<vmem>>, %arg5: memref<8192x8xf32, #tpu.memory_space<vmem>>) attributes {dimension_semantics = [#tpu.dimension_semantics<arbitrary>], iteration_bounds = array<i64: 8>, scalar_prefetch = 0 : i64, scratch_operands = 0 : i64, tpu.core_type = #tpu.core_type<tc>, window_params = [{transform_indices = @transform_0, window_bounds = array<i64: 8192, 128>}, {pipeline_mode = #tpu.pipeline_mode<synchronous>, transform_indices = @transform_1, window_bounds = array<i64: 128, 128>}, {pipeline_mode = #tpu.pipeline_mode<synchronous>, transform_indices = @transform_2, window_bounds = array<i64: 128, 128>}, {pipeline_mode = #tpu.pipeline_mode<synchronous>, transform_indices = @transform_3, window_bounds = array<i64: 128, 8>}, {transform_indices = @transform_4, window_bounds = array<i64: 8192, 8>}]} {
    %get3A = arith.constant 0 : index
    %get3A_0 = arith.constant 0 : index
    %get3A_1 = vector.load %arg1[%get3A, %get3A_0] : memref<8192x128xf32, #tpu.memory_space<vmem>>, vector<8192x128xf32>
    %get3A_2 = arith.constant 0 : index
    %get3A_3 = arith.constant 0 : index
    %get3A_4 = vector.load %arg2[%get3A_2, %get3A_3] : memref<128x128xf32, #tpu.memory_space<vmem>>, vector<128x128xf32>
    %dot_general3A = arith.constant dense<0.000000e+00> : vector<8192x128xf32>
    %dot_general3A_5 = tpu.matmul %get3A_1, %get3A_4, %dot_general3A {dimension_numbers = #tpu.dot_dimension_numbers<[1], [0], [0], [1], [0, 0, 1, 1], [], []>, transpose_lhs_hint = false} : vector<8192x128xf32>, vector<128x128xf32>, vector<8192x128xf32> -> vector<8192x128xf32>
    %max3A = arith.constant 0.000000e+00 : f32
    %max3A_6 = vector.broadcast %max3A : f32 to vector<8192x128xf32>
    %max3A_7 = arith.maximumf %dot_general3A_5, %max3A_6 : vector<8192x128xf32>
    %get3A_8 = arith.constant 0 : index
    %get3A_9 = arith.constant 0 : index
    %get3A_10 = vector.load %arg3[%get3A_8, %get3A_9] : memref<128x128xf32, #tpu.memory_space<vmem>>, vector<128x128xf32>
    %dot_general3A_11 = arith.constant dense<0.000000e+00> : vector<8192x128xf32>
    %dot_general3A_12 = tpu.matmul %max3A_7, %get3A_10, %dot_general3A_11 {dimension_numbers = #tpu.dot_dimension_numbers<[1], [0], [0], [1], [0, 0, 1, 1], [], []>, transpose_lhs_hint = false} : vector<8192x128xf32>, vector<128x128xf32>, vector<8192x128xf32> -> vector<8192x128xf32>
    %max3A_13 = arith.constant 0.000000e+00 : f32
    %max3A_14 = vector.broadcast %max3A_13 : f32 to vector<8192x128xf32>
    %max3A_15 = arith.maximumf %dot_general3A_12, %max3A_14 : vector<8192x128xf32>
    %get3A_16 = arith.constant 0 : index
    %get3A_17 = arith.constant 0 : index
    %get3A_18 = vector.load %arg4[%get3A_16, %get3A_17] : memref<128x8xf32, #tpu.memory_space<vmem>>, vector<128x8xf32>
    %dot_general3A_19 = arith.constant dense<0.000000e+00> : vector<8192x8xf32>
    %dot_general3A_20 = tpu.matmul %max3A_15, %get3A_18, %dot_general3A_19 {dimension_numbers = #tpu.dot_dimension_numbers<[1], [0], [0], [1], [0, 0, 1, 1], [], []>, transpose_lhs_hint = false} : vector<8192x128xf32>, vector<128x8xf32>, vector<8192x8xf32> -> vector<8192x8xf32>
    %swap3A = arith.constant 0 : index
    %swap3A_21 = arith.constant 0 : index
    %swap3A_22 = vector.load %arg5[%swap3A, %swap3A_21] : memref<8192x8xf32, #tpu.memory_space<vmem>>, vector<8192x8xf32>
    tpu.vector_store %arg5[%swap3A, %swap3A_21], %dot_general3A_20 {strides = array<i32>} : memref<8192x8xf32, #tpu.memory_space<vmem>>, vector<8192x8xf32>,
    return
  }
  func.func @transform_0(%arg0: i32) -> (i32, i32) {
    %c0_i32 = arith.constant 0 : i32
    %c0_i32_0 = arith.constant 0 : i32
    return %arg0, %c0_i32 : i32, i32
  }
  func.func @transform_1(%arg0: i32) -> (i32, i32) {
    %c0_i32 = arith.constant 0 : i32
    %c0_i32_0 = arith.constant 0 : i32
    %c0_i32_1 = arith.constant 0 : i32
    return %c0_i32, %c0_i32_0 : i32, i32
  }
  func.func @transform_2(%arg0: i32) -> (i32, i32) {
    %c0_i32 = arith.constant 0 : i32
    %c0_i32_0 = arith.constant 0 : i32
    %c0_i32_1 = arith.constant 0 : i32
    return %c0_i32, %c0_i32_0 : i32, i32
  }
  func.func @transform_3(%arg0: i32) -> (i32, i32) {
    %c0_i32 = arith.constant 0 : i32
    %c0_i32_0 = arith.constant 0 : i32
    %c0_i32_1 = arith.constant 0 : i32
    return %c0_i32, %c0_i32_0 : i32, i32
  }
  func.func @transform_4(%arg0: i32) -> (i32, i32) {
    %c0_i32 = arith.constant 0 : i32
    %c0_i32_0 = arith.constant 0 : i32
    return %arg0, %c0_i32 : i32, i32
  }
}

</mosaic_0001>

<sc_bundles>
// kernel: kernel.4.cloned.1.call-start
scs
__scs_entry_jumppad:
0x0: {  	(pc) =	sbr.rel $0x88, $3  }
0x1: {  	(tag) =	ssettag $0x0;
	lr =	simm.s32 $0x1  }
0x2: {  	[smem:$0x3F9C] =	sst lr;
	_ =	strace $0xD0000000  }
0x3: {  	_ = 	snop  }
0x4: {  	_ = 	snop  }
0x5: {  	_ = 	snop  }
0x6: {  	_ = 	snop  }
0x7: {  	_ = 	snop  }
__scs_overlays_trampoline_lowered:
0x8: {  	[smem:$0x3FAB] =	sst s0  }
0x9: {  	[smem:$0x3FAC] =	sst s1  }
0xa: {  	[smem:$0x3FAD] =	sst s2  }
0xb: {  	[smem:$0x3FAE] =	sst s3  }
0xc: {  	[smem:$0x3FAF] =	sst s4  }
0xd: {  	[smem:$0x3FB0] =	sst s5  }
0xe: {  	[smem:$0x3FB1] =	sst s6  }
0xf: {  	[smem:$0x3FB2] =	sst s7  }
0x10: {  	[smem:$0x3FB3] =	sst s8  }
0x11: {  	[smem:$0x3FB4] =	sst s9;
	s0 =	simm.s32 @!p0 $0x0  }
0x12: {  	s1 =	sld [smem:$0x3F9A];
	s0 =	simm.s32 @p0 $0x1  }
0x13: {  	[smem:$0x3FB5] =	sst s0;
	s0 =	simm.s32 @!p1 $0x0  }
0x14: {  	s2 =	sld [smem:$0x3F99];
	s0 =	simm.s32 @p1 $0x1  }
0x15: {  	[smem:$0x3FB6] =	sst s0;
	s0 =	simm.s32 @!p2 $0x0  }
0x16: {  	s3 =	sld [smem:$0x3FDB];
	s0 =	simm.s32 @p2 $0x1  }
0x17: {  	s4 =	simm.s32 $0x1BF5;
	[smem:$0x3FB8] =	sst s0  }
0x18: {  	s0 =	sld [smem:$0x3F9B];
	_ =	swait.ge [sflag:s4], $0x0  }
0x19: {  	s7 =	sld [smem:$0x3F9C]  }
0x1a: {  	s8 =	sadd.s32 $0xFFFFE003, lr  }
0x1b: {  	s9 =	sadd.s32 $0xFFFFFEF7, lr;
	s5 =	simm.s32 $0xFFFFFFFF;
	p2 =	slt.u32 s8, $0xFFFFF086  }
0x1c: {  	p1 =	slt.u32 s9, $0xF7A;
	s5 =	simm.s32 @!p2 $0x0  }
0x1d: {  	s5 =	simm.s32 @p1 $0x1;
	p0 =	seq.s32 s7, s2  }
0x1e: {  	s7 =	smul.u32 @!p0 $0xF7A, s2;
	p2 =	seq.s32 @!p0 s5, $0x0  }
0x1f: {  	s9 =	smul.u32 $0xF7A, s1;
	s8 =	simm.s32 @!p0 $0x1BF5;
	p2 =	por !p2, p0  }
0x20: {  	[sflag:s8] =	ssyncset.s32 @!p0 $0xFFFFF086;
	s6 =	sadd.s32 @!p0 s3, s7;
	s7 =	simm.s32 @!p0 $0x108  }
0x21: {  	s3 =	sadd.s32 s3, s9;
	s6 =	sadd.s32 @!p0 $0x88, s6;
	s7 =	simm.s32 @p2 $0x1082  }
0x22: {  	[simem:s7], [sflag:s8] =	dma.local @!p0 [hbm:s6], $0xF7A  }
0x23: {  	s9 =	sor.u32 $0xD0000000, s2;
	s6 =	simm.s32 $0x108;
	_ =	swait.ge @!p0 [sflag:s8], $0x0  }
0x24: {  	s3 =	sadd.s32 $0x88, s3;
	s6 =	simm.s32 @!p1 $0x1082;
	[sflag:s4] =	ssyncset.s32 $0xFFFFF086  }
0x25: {  	[simem:s6], [sflag:s4] =	dma.local [hbm:s3], $0xF7A  }
0x26: {  	[smem:$0x3F9C] =	sst s1;
	(tag) =	ssettag s2;
	_ =	strace s9  }
0x27: {  	s1 =	sld [smem:$0x3FAC]  }
0x28: {  	s2 =	sld [smem:$0x3FAD]  }
0x29: {  	s4 =	sld [smem:$0x3FAF]  }
0x2a: {  	p0 =	seq.s32 s5, $0x0;
	s5 =	sld [smem:$0x3FB0]  }
0x2b: {  	s6 =	sld [smem:$0x3FB1]  }
0x2c: {  	s7 =	sld [smem:$0x3FB2]  }
0x2d: {  	s3 =	simm.s32 $0x108;
	s8 =	sld [smem:$0x3FB3]  }
0x2e: {  	s3 =	simm.s32 @!p0 $0x1082;
	s9 =	sld [smem:$0x3FB4]  }
0x2f: {  	lr =	sadd.s32 s0, s3;
	s0 =	sld [smem:$0x3FAB]  }
0x30: {  	s3 =	sld [smem:$0x3FAE]  }
0x31: {  	[smem:$0x3FB7] =	sst s10  }
0x32: {  	s10 =	sld [smem:$0x3FB5];
	_ =	sdelay $0x3  }
0x33: {  	p0 =	seq.s32 s10, $0x1;
	s10 =	sld [smem:$0x3FB7];
	_ =	sdelay $0x3  }
0x34: {  	[smem:$0x3FB7] =	sst s10  }
0x35: {  	s10 =	sld [smem:$0x3FB6];
	_ =	sdelay $0x3  }
0x36: {  	p1 =	seq.s32 s10, $0x1;
	s10 =	sld [smem:$0x3FB7];
	_ =	sdelay $0x3  }
0x37: {  	[smem:$0x3FB7] =	sst s10  }
0x38: {  	s10 =	sld [smem:$0x3FB8]  }
0x39: {  	_ = 	snop;
	(pc) =	sbr.ind lr, $3  }
0x3a: {  	_ = 	snop  }
0x3b: {  	_ = 	snop  }
0x3c: {  	p2 =	seq.s32 s10, $0x1;
	s10 =	sld [smem:$0x3FB7]  }
0x3d: {  	_ =	shalt  }
0x3e: {  	_ =	shalt  }
0x3f: {  	_ =	shalt  }
0x40: {  	_ =	shalt  }
0x41: {  	_ =	shalt  }
0x42: {  	_ =	shalt  }
0x43: {  	_ =	shalt  }
0x44: {  	_ =	shalt  }
0x45: {  	_ =	shalt  }
0x46: {  	_ =	shalt  }
0x47: {  	_ =	shalt  }
0x48: {  	_ =	shalt  }
0x49: {  	_ =	shalt  }
0x4a: {  	_ =	shalt  }
0x4b: {  	_ =	shalt  }
0x4c: {  	_ =	shalt  }
0x4d: {  	_ =	shalt  }
0x4e: {  	_ =	shalt  }
0x4f: {  	_ =	shalt  }
0x50: {  	_ =	shalt  }
0x51: {  	_ =	shalt  }
0x52: {  	_ =	shalt  }
0x53: {  	_ =	shalt  }
0x54: {  	_ =	shalt  }
0x55: {  	_ =	shalt  }
0x56: {  	_ =	shalt  }
0x57: {  	_ =	shalt  }
0x58: {  	_ =	shalt  }
0x59: {  	_ =	shalt  }
0x5a: {  	_ =	shalt  }
0x5b: {  	_ =	shalt  }
0x5c: {  	_ =	shalt  }
0x5d: {  	_ =	shalt  }
0x5e: {  	_ =	shalt  }
0x5f: {  	_ =	shalt  }
0x60: {  	_ =	shalt  }
0x61: {  	_ =	shalt  }
0x62: {  	_ =	shalt  }
0x63: {  	_ =	shalt  }
0x64: {  	_ =	shalt  }
0x65: {  	_ =	shalt  }
0x66: {  	_ =	shalt  }
0x67: {  	_ =	shalt  }
0x68: {  	_ =	shalt  }
0x69: {  	_ =	shalt  }
0x6a: {  	_ =	shalt  }
0x6b: {  	_ =	shalt  }
0x6c: {  	_ =	shalt  }
0x6d: {  	_ =	shalt  }
0x6e: {  	_ =	shalt  }
0x6f: {  	_ =	shalt  }
0x70: {  	_ =	shalt  }
0x71: {  	_ =	shalt  }
0x72: {  	_ =	shalt  }
0x73: {  	_ =	shalt  }
0x74: {  	_ =	shalt  }
0x75: {  	_ =	shalt  }
0x76: {  	_ =	shalt  }
0x77: {  	_ =	shalt  }
0x78: {  	_ =	shalt  }
0x79: {  	_ =	shalt  }
0x7a: {  	_ =	shalt  }
0x7b: {  	_ =	shalt  }
0x7c: {  	_ =	shalt  }
0x7d: {  	_ =	shalt  }
0x7e: {  	_ =	shalt  }
0x7f: {  	_ =	shalt  }
0x80: {  	_ =	shalt  }
0x81: {  	_ =	shalt  }
0x82: {  	_ =	shalt  }
0x83: {  	_ =	shalt  }
0x84: {  	_ =	shalt  }
0x85: {  	_ =	shalt  }
0x86: {  	_ =	shalt  }
0x87: {  	_ =	shalt  }
.Lfunc_end0:
.L_simem_size_0:
called_computation_lowered:
.L_overlay_start_0:
0x88: {  	s2 =	sld [smem:$0x3FD9]  }
0x89: {  	s3 =	sld [smem:$0x3FFE];
	_ =	sdelay $0x1  }
0x8a: {  	s1 =	srdreg.scid  }
0x8b: {  	s0 =	sand.u32 $0x1, s1  }
0x8c: {  	s17 =	sshll.u32 s0, $0xA;
	s2 =	sadd.s32 s3, s2  }
0x8d: {  	s2 =	sadd.s32 s2, s17  }
0x8e: {  	[smem:$0x3FC3] =	sst s2  }
0x8f: {  	_ = 	snop  }
0x90: {  	s2 =	sld [smem:$0x3FD0];
	(tm) =	ssettm $0x1  }
0x91: {  	s18 =	sld [smem:$0x3FFB];
	_ =	sdelay $0x3  }
0x92: {  	_ =	strace s18  }
0x93: {  	s3 =	sld [smem:$0x3FFC];
	_ =	sdelay $0x3  }
0x94: {  	_ =	strace s3  }
0x95: {  	s3 =	sld [smem:$0x3FFD];
	_ =	sdelay $0x3  }
0x96: {  	_ =	strace s3  }
0x97: {  	_ =	strace $0x8FFFFFFF  }
0x98: {  	s19 =	sld [smem:$0x3FDB];
	_ =	sdelay $0x1  }
0x99: {  	s4 =	simm.s32 $_scs_section_size  }
0x9a: {  	s5 =	simm.s32 $_size__tile_overlayer_lowered;
	s6 =	simm.s32 $_tile_overlayer_lowered  }
0x9b: {  	s22 =	simm.s32 $0x1BFF;
	s21 =	sshll.u32 s6, $0x1;
	s3 =	sadd.s32 s4, s19  }
0x9c: {  	s7 =	simm.s32 $0x0;
	s20 =	sshll.u32 s5, $0x1;
	s5 =	sadd.s32 s21, s3  }
0x9d: {  	[timem:s7], [sflag:s22] =	dma.local [hbm:s5], s20  }
0x9e: {  	_ =	swait.ge [sflag:s22], s20  }
0x9f: {  	s4 =	ssub.s32 $0x0, s20;
	[sflag:s22] =	ssyncset.done $0x0  }
0xa0: {  	[sflag:s22] =	ssyncadd.s32 s4;
	_ =	sdelay $0x1  }
0xa1: {  	s23 =	simm.s32 $0x1B8B  }
0xa2: {  	_ =	swait.ge [sflag:s23], $0x1  }
0xa3: {  	[sflag:s23] =	ssyncset.done $0x0  }
0xa4: {  	s25 =	simm.s32 $0x1B8E;
	s24 =	sld [smem:$0x3FFE];
	[sflag:s23] =	ssyncadd.s32 $0xFFFFFFFF  }
0xa5: {  	s26 =	simm.s32 $execute0_lowered;
	[smem:$0x3FD2] =	sst s25  }
0xa6: {  	s5 =	sshll.u32 s26, $0x1;
	_ =	strace $0x80000046;
	[dreg:$0x1] =	wrdreg $0xFFFFFFFF  }
0xa7: {  	s28 =	simm.s32 $_size_execute0_lowered;
	s3 =	sadd.s32 s3, s5;
	[dreg:$0x0] =	wrdreg $0x0  }
0xa8: {  	s5 =	sshll.u32 s28, $0x1;
	[dreg:$0x2] =	wrdreg s3  }
0xa9: {  	[dreg:$0x3] =	wrdreg s5  }
0xaa: {  	[dreg:$0x4] =	wrdreg $0xC0  }
0xab: {  	_ =	task [dreg:s7], $0x5FFFF  }
0xac: {  	[dreg:$0x1] =	wrdreg $0xFFFFFFFF  }
0xad: {  	[dreg:$0x0] =	wrdreg $0x60  }
0xae: {  	[dreg:$0x2] =	wrdreg s24  }
0xaf: {  	[dreg:$0x3] =	wrdreg s2  }
0xb0: {  	[dreg:$0x4] =	wrdreg $0x9  }
0xb1: {  	_ =	task.clear_ibuf [dreg:s7], $0x5FFFF;
	_ =	strace $0x90000046  }
0xb2: {  	s29 =	simm.s32 $0x9;
	_ =	strace $0x80000048  }
0xb3: {  	_ =	swait.ge [sflag:s29], $0x1  }
0xb4: {  	[sflag:s29] =	ssyncadd.s32 $0xFFFFFFFF  }
0xb5: {  	_ =	strace $0x90000048  }
0xb6: {  	_ =	sfence  }
0xb7: {  	s30 =	sld [smem:$0x0];
	_ =	sdelay $0x2  }
0xb8: {  	s31 =	sshll.u32 s1, $0xD;
	s1 =	sshrl.u32 s1, $0x2  }
0xb9: {  	s3 =	sand.u32 $0x4000, s31;
	s1 =	sadd.s32 s1, s30  }
0xba: {  	s0 =	sor.u32 s3, s0;
	s1 =	sshll.u32 s1, $0x11  }
0xbb: {  	s0 =	sor.u32 s1, s0  }
0xbc: {  	s0 =	sadd.s32 $0x8F2B, s0  }
0xbd: {  	[sflag:s0] =	ssyncadd.remote.s32 $0x1  }
0xbe: {  	_ =	sfence.sel $0xFFFF  }
0xbf: {  	[dreg:$0x0] =	wrdreg $0xFFFFFFFF;
	(pc) =	sbr.abs _section_cstart, $3  }
0xc0: {  	[dreg:$0x1] =	wrdreg $0xFFFFFFFF  }
0xc1: {  	_ =	task.clear_ibuf [dreg:s7], $0x2FFFF;
	_ =	strace $0x9FFFFFFF  }
0xc2: {  	(tm) =	ssettm $0x7FFFFFFF  }
0xc3: {  	_ =	shalt  }
tec
execute0_lowered:
.L_overlay_start_1:
0x0: {  	(tag) =	ssettag $0x1  }
0x1: {  	s0 =	rddreg [dreg:$0x0]  }
0x2: {  	s1 =	rddreg [dreg:$0x1];
	s3 =	simm.s32 $0x0  }
0x3: {  	s2 =	srdreg.scid;
	s5 =	stileid.u32;
	s15 =	simm.s32 $0x4C00  }
0x4: {  	s18 =	simm.s32 $0x5;
	s19 =	simm.s32 $0x1;
	s20 =	simm.s32 $0x600  }
0x5: {  	s21 =	simm.s32 $0x800;
	s22 =	simm.s32 $0xA00;
	s23 =	simm.s32 $0xC00  }
0x6: {  	s28 =	simm.s32 $0x4;
	s29 =	simm.s32 $0x0;
	[smem:$0x7FF] =	sst s3  }
0x7: {  	v1 =	vlaneseq.u32;
	s2 =	sand.u32 $0x1, s2;
	s4 =	sadd.s32 $0x13400, s0;
	s6 =	sshll.u32 s5, $0xF  }
0x8: {  	s5 =	sadd.s32 $0x3400, s0;
	s24 =	sadd.s32 $0xA00, s0;
	v0 =	vand.u32 $0x7, v1;
	_ =	strace $0x80000047  }
0x9: {  	s7 =	sshll.u32 s2, $0xE;
	s2 =	ssub.s32 $0x2, s2;
	[dreg:$0x3] =	wrdreg s24;
	v0 =	vmul.u32 $0x10, v0  }
0xa: {  	v1 =	vmul.u32 $0x10, v1;
	s24 =	simm.s32 $0x2;
	s6 =	sor.u32 s7, s6;
	s8 =	sshrl.u32 s2, $0x1  }
0xb: {  	s7 =	sadd.s32 $0x23400, s0;
	s10 =	sshrl.u32 s6, $0x3;
	s25 =	ssub.s32 s2, s8;
	v2 =	vor.u32 $0x1, v0;
	v3 =	vor.u32 $0x2, v0;
	v4 =	vor.u32 $0x3, v0  }
0xc: {  	s31 =	sshll.u32 s6, $0x1;
	s12 =	sor.u32 $0x400, s6;
	s14 =	sor.u32 $0x200, s6;
	v5 =	vor.u32 $0x4, v0;
	v6 =	vor.u32 $0x5, v0;
	v7 =	vor.u32 $0x6, v0  }
0xd: {  	v8 =	vor.u32 $0x7, v0;
	v9 =	vor.u32 $0x8, v0;
	v10 =	vor.u32 $0x9, v0;
	s26 =	sadd.s32 s4, s10;
	s30 =	sadd.s32 s5, s10;
	s10 =	sadd.s32 s1, s10  }
0xe: {  	v11 =	vor.u32 $0xA, v0;
	v12 =	vor.u32 $0xB, v0;
	v13 =	vor.u32 $0xC, v0;
	s11 =	sadd.s32 s7, s31;
	s13 =	smax.u32 s25, $0x1;
	[dreg:$0x4] =	wrdreg s26  }
0xf: {  	v14 =	vor.u32 $0xD, v0;
	v15 =	vor.u32 $0xE, v0;
	v16 =	vor.u32 $0xF, v0;
	s25 =	simm.s32 $0x2C00;
	[dreg:$0x5] =	wrdreg s30;
	s26 =	simm.s32 $0x3  }
.LBB2_1:
0x10: {  	s0 =	rddreg [dreg:$0x3]  }
0x11: {  	[tilespmem:s15], [sflag:$0x5] =	stream.linear.gather [hbm4b:s0+s3], $0x14D80, $0x38;
	[tilespmem:$0x19980] =	vst v63  }
0x12: {  	s16 =	rddreg [dreg:$0x4]  }
0x13: {  	[tilespmem:s3], [sflag:$0x1] =	stream.linear.gather [hbm4b:s16+s3], $0x200, $0x38;
	[tilespmem:$0x19980] =	vst v63  }
0x14: {  	s17 =	rddreg [dreg:$0x5];
	s2 =	simm.s32 $0x200  }
0x15: {  	[tilespmem:s2], [sflag:$0x1] =	stream.linear.gather [hbm4b:s17+s3], $0x200, $0x38;
	[tilespmem:$0x19980] =	vst v63  }
0x16: {  	s31 =	simm.s32 $0x400  }
0x17: {  	[tilespmem:s31], [sflag:$0x1] =	stream.linear.gather [hbm4b:s10+s3], $0x200, $0x38;
	[tilespmem:$0x19980] =	vst v63  }
0x18: {  	_ =	swait.ge [sflag:s18], $0x14D80  }
0x19: {  	[sflag:s18] =	ssyncset.done $0x0  }
0x1a: {  	s30 =	simm.s32 $0x0;
	[sflag:s18] =	ssyncadd.s32 $0xFFFEB280  }
.LBB2_2:
0x1b: {  	_ =	swait.ge [sflag:s19], $0x200  }
0x1c: {  	[sflag:s19] =	ssyncset.done $0x0  }
0x1d: {  	[sflag:s19] =	ssyncadd.s32 $0xFFFFFE00  }
0x1e: {  	_ =	swait.ge [sflag:s19], $0x200  }
0x1f: {  	[sflag:s19] =	ssyncset.done $0x0  }
0x20: {  	s0 =	sshll.u32 s30, $0xA;
	[sflag:s19] =	ssyncadd.s32 $0xFFFFFE00  }
0x21: {  	s31 =	sor.u32 s14, s0;
	_ =	swait.ge [sflag:s19], $0x200  }
0x22: {  	s2 =	sshrl.u32 s31, $0x3;
	[sflag:s19] =	ssyncset.done $0x0  }
0x23: {  	s6 =	sadd.s32 s4, s2;
	[sflag:s19] =	ssyncadd.s32 $0xFFFFFE00  }
0x24: {  	[tilespmem:s20], [sflag:$0x2] =	stream.linear.gather [hbm4b:s6+s3], $0x200, $0x38;
	[tilespmem:$0x19980] =	vst v63  }
0x25: {  	s17 =	sadd.s32 s5, s2  }
0x26: {  	[tilespmem:s21], [sflag:$0x2] =	stream.linear.gather [hbm4b:s17+s3], $0x200, $0x38;
	[tilespmem:$0x19980] =	vst v63  }
0x27: {  	p0 =	seq.s32 s30, $0x0;
	s2 =	sadd.s32 s1, s2  }
0x28: {  	[tilespmem:s22], [sflag:$0x2] =	stream.linear.gather [hbm4b:s2+s3], $0x200, $0x38;
	[tilespmem:$0x19980] =	vst v63  }
0x29: {  	s2 =	simm.s32 @!p0 $0x3  }
0x2a: {  	s16 =	simm.s32 $0x10;
	_ =	swait.ge @!p0 [sflag:s2], $0x2000  }
0x2b: {  	s8 =	simm.s32 $0x10;
	s6 =	simm.s32 $0x410;
	[sflag:s2] =	ssyncset.done @!p0 $0x0  }
0x2c: {  	s17 =	simm.s32 $0x210;
	[sflag:s2] =	ssyncadd.s32 @!p0 $0xFFFFE000;
	s2 =	simm.s32 $0xFFFFFFFE  }
.LBB2_3:
0x2d: {  	v20 =	vld [tilespmem:s8+$0xFFFFFFF0]  }
0x2e: {  	v19 =	vld [tilespmem:s17+$0xFFFFFFF0]  }
0x2f: {  	v18 =	vld [tilespmem:s6+$0xFFFFFFF0];
	_ =	sdelay $0x3  }
0x30: {  	v17 =	vmul.f32 $7.000000000e+00, v20  }
0x31: {  	v21 =	vmul.f32 $7.000000000e+00, v19;
	v22 =	vmul.f32 $7.000000000e+00, v18  }
0x32: {  	v17 =	vadd.f32 $5.000000000e-01, v17  }
0x33: {  	v21 =	vadd.f32 $5.000000000e-01, v21;
	v22 =	vadd.f32 $5.000000000e-01, v22  }
0x34: {  	v23 =	vtrunc.f32 v17  }
0x35: {  	v24 =	vtrunc.f32 v21;
	v25 =	vtrunc.f32 v22  }
0x36: {  	v24 =	vcvt.f32.s32 v24;
	v25 =	vcvt.f32.s32 v25  }
0x37: {  	v23 =	vcvt.f32.s32 v23  }
0x38: {  	v26 =	vshll.u32 v24, $0x3;
	v27 =	vshll.u32 v25, $0x6  }
0x39: {  	v24 =	vcvt.s32.f32 v24;
	v26 =	vadd.s32 v23, v26;
	v23 =	vcvt.s32.f32 v23  }
0x3a: {  	v25 =	vcvt.s32.f32 v25;
	v26 =	vadd.s32 v27, v26  }
0x3b: {  	s9 =	sadd.s32 $0xFFFFFFF0, s16;
	v21 =	vsub.f32 v21, v24;
	v27 =	vadd.s32 $0x1, v26;
	v17 =	vsub.f32 v17, v23  }
0x3c: {  	v33 =	vmov s9;
	v22 =	vsub.f32 v22, v25;
	v43 =	vadd.s32 $0x8, v26  }
0x3d: {  	v31 =	vadd.s32 $0x9, v26;
	v28 =	vsub.f32 $1.000000000e+00, v21;
	v44 =	vsub.f32 $1.000000000e+00, v17  }
0x3e: {  	v56 =	vmul.f32 $8.752109530e+00, v19;
	v58 =	vmul.f32 $8.752109530e+00, v18;
	v32 =	vadd.s32 $0x40, v26  }
0x3f: {  	v59 =	vmul.f32 $8.752109530e+00, v20;
	v29 =	vsub.f32 $1.000000000e+00, v22;
	v42 =	vld.idx.msk [tilespmem:v26+s15+$0x0], $0xffff;
	v30 =	vmul.f32 v28, v44  }
0x40: {  	v36 =	vadd.s32 $0x41, v26;
	v28 =	vmul.f32 v28, v17;
	v25 =	vmul.f32 v21, v44;
	v27 =	vld.idx.msk [tilespmem:v27+s15+$0x0], $0xffff  }
0x41: {  	v33 =	vshll.u32 v33, $0x4;
	v17 =	vmul.f32 v21, v17;
	v24 =	vld.idx.msk [tilespmem:v43+s15+$0x0], $0xffff;
	v35 =	vmul.f32 v29, v30  }
0x42: {  	v37 =	vadd.s32 $0x48, v26;
	v31 =	vld.idx.msk [tilespmem:v31+s15+$0x0], $0xffff;
	v38 =	vmul.f32 v29, v28;
	v39 =	vmul.f32 v29, v25  }
0x43: {  	v60 =	vadd.f32 $5.000000000e-01, v58;
	v32 =	vld.idx.msk [tilespmem:v32+s15+$0x0], $0xffff;
	v29 =	vmul.f32 v29, v17;
	v30 =	vmul.f32 v30, v22  }
0x44: {  	v26 =	vadd.s32 $0x49, v26;
	v28 =	vmul.f32 v28, v22;
	v25 =	vmul.f32 v22, v25  }
0x45: {  	v36 =	vld.idx.msk [tilespmem:v36+s15+$0x0], $0xffff;
	v17 =	vmul.f32 v22, v17;
	v34 =	vshll.u32 v42, $0x10;
	v23 =	vand.u32 $0xFFFF0000, v42  }
0x46: {  	v34 =	vmul.f32 v34, v35;
	v23 =	vmul.f32 v23, v35;
	v45 =	vshll.u32 v27, $0x10  }
0x47: {  	v37 =	vld.idx.msk [tilespmem:v37+s15+$0x0], $0xffff;
	v27 =	vand.u32 $0xFFFF0000, v27;
	v40 =	vshll.u32 v24, $0x10;
	v24 =	vand.u32 $0xFFFF0000, v24  }
0x48: {  	v48 =	vshll.u32 v31, $0x10;
	v31 =	vand.u32 $0xFFFF0000, v31;
	v49 =	vshll.u32 v32, $0x10  }
0x49: {  	v32 =	vand.u32 $0xFFFF0000, v32;
	v35 =	vmul.f32 v45, v38;
	v46 =	vmul.f32 v27, v38  }
0x4a: {  	v50 =	vshll.u32 v36, $0x10;
	v47 =	vmul.f32 v40, v39;
	v24 =	vmul.f32 v24, v39  }
0x4b: {  	v26 =	vld.idx.msk [tilespmem:v26+s15+$0x0], $0xffff;
	v36 =	vand.u32 $0xFFFF0000, v36;
	v38 =	vmul.f32 v48, v29;
	v29 =	vmul.f32 v31, v29  }
0x4c: {  	v51 =	vshll.u32 v37, $0x10;
	v31 =	vmul.f32 v49, v30;
	v30 =	vmul.f32 v32, v30  }
0x4d: {  	v52 =	vand.u32 $0xFFFF0000, v37;
	v32 =	vmul.f32 v50, v28;
	v28 =	vmul.f32 v36, v28  }
0x4e: {  	v53 =	vmul.f32 v51, v25;
	v55 =	vadd.f32 v35, v34;
	v27 =	vadd.f32 v38, v47  }
0x4f: {  	v25 =	vmul.f32 v52, v25;
	v34 =	vadd.f32 $5.000000000e-01, v56;
	v31 =	vadd.f32 v32, v31  }
0x50: {  	v21 =	vadd.f32 v46, v23;
	v24 =	vadd.f32 v29, v24;
	v54 =	vshll.u32 v26, $0x10  }
0x51: {  	v26 =	vand.u32 $0xFFFF0000, v26;
	v57 =	vmul.f32 v54, v17;
	v22 =	vadd.f32 v27, v55  }
0x52: {  	v26 =	vmul.f32 v26, v17;
	v27 =	vadd.f32 $5.000000000e-01, v59;
	v17 =	vtrunc.f32 v34  }
0x53: {  	v28 =	vadd.f32 v28, v30;
	v21 =	vadd.f32 v24, v21;
	v61 =	vcvt.f32.s32 v17  }
0x54: {  	v17 =	vtrunc.f32 v60;
	v35 =	vadd.f32 v57, v53;
	v62 =	vtrunc.f32 v27  }
0x55: {  	v63 =	vcvt.f32.s32 v17;
	v17 =	vor.u32 v1, v33;
	v25 =	vadd.f32 v26, v25  }
0x56: {  	v29 =	vcvt.f32.s32 v62;
	v40 =	vmul.u32 $0xA, v61;
	v17 =	vand.u32 $0x1E80, v17  }
0x57: {  	v23 =	vcvt.s32.f32 v61;
	v41 =	vmul.u32 $0x64, v63;
	v42 =	vor.u32 v0, v17  }
0x58: {  	v31 =	vadd.f32 v35, v31;
	v43 =	vor.u32 v2, v17;
	v33 =	vadd.s32 v29, v40  }
0x59: {  	v44 =	vadd.f32 v25, v28;
	v46 =	vcvt.s32.f32 v29;
	v30 =	vadd.s32 v41, v33  }
0x5a: {  	v47 =	vcvt.s32.f32 v63;
	v23 =	vsub.f32 v34, v23;
	v45 =	vadd.s32 $0x2E0, v30  }
0x5b: {  	v22 =	vadd.f32 v31, v22;
	v48 =	vsub.f32 v27, v46;
	v49 =	vadd.s32 $0x2E1, v30  }
0x5c: {  	v21 =	vadd.f32 v44, v21;
	v51 =	vsub.f32 $1.000000000e+00, v23;
	v53 =	vadd.s32 $0x2EB, v30  }
0x5d: {  	v52 =	vadd.s32 $0x2EA, v30;
	[tilespmem:v42+s23+$0x0] =	vst.idx.msk $0xffff, v22;
	v22 =	vsub.f32 v60, v47;
	v50 =	vsub.f32 $1.000000000e+00, v48  }
0x5e: {  	v58 =	vadd.s32 $0x344, v30;
	v27 =	vmul.f32 v51, v48;
	[tilespmem:v43+s23+$0x0] =	vst.idx.msk $0xffff, v21  }
0x5f: {  	v21 =	vmul.f32 v23, v48;
	v54 =	vsub.f32 $1.000000000e+00, v22;
	v55 =	vmul.f32 v51, v50;
	v25 =	vld.idx.msk [tilespmem:v45+s15+$0x0], $0xffff  }
0x60: {  	v59 =	vadd.s32 $0x345, v30;
	v26 =	vmul.f32 v23, v50;
	v51 =	vmul.f32 $1.088795470e+01, v19;
	v24 =	vld.idx.msk [tilespmem:v49+s15+$0x0], $0xffff  }
0x61: {  	v39 =	vor.u32 v3, v17;
	v29 =	vld.idx.msk [tilespmem:v53+s15+$0x0], $0xffff;
	v53 =	vmul.f32 $1.088795470e+01, v18;
	v57 =	vmul.f32 v54, v55  }
0x62: {  	v61 =	vadd.s32 $0x34E, v30;
	v28 =	vld.idx.msk [tilespmem:v52+s15+$0x0], $0xffff;
	v60 =	vmul.f32 v54, v27;
	v42 =	vmul.f32 v54, v26  }
0x63: {  	v30 =	vadd.s32 $0x34F, v30;
	v31 =	vmul.f32 v54, v21;
	v46 =	vmul.f32 v55, v22  }
0x64: {  	v35 =	vld.idx.msk [tilespmem:v58+s15+$0x0], $0xffff;
	v27 =	vmul.f32 v27, v22;
	v26 =	vmul.f32 v22, v26;
	v23 =	vadd.f32 $5.000000000e-01, v53  }
0x65: {  	v41 =	vor.u32 v4, v17;
	v36 =	vld.idx.msk [tilespmem:v59+s15+$0x0], $0xffff;
	v21 =	vmul.f32 v22, v21;
	v55 =	vmul.f32 $1.088795470e+01, v20  }
0x66: {  	v59 =	vtrunc.f32 v23;
	v56 =	vshll.u32 v25, $0x10;
	v25 =	vand.u32 $0xFFFF0000, v25  }
0x67: {  	v37 =	vld.idx.msk [tilespmem:v61+s15+$0x0], $0xffff;
	v62 =	vshll.u32 v24, $0x10;
	v24 =	vand.u32 $0xFFFF0000, v24;
	v43 =	vshll.u32 v28, $0x10  }
0x68: {  	v28 =	vand.u32 $0xFFFF0000, v28;
	v44 =	vshll.u32 v29, $0x10;
	v29 =	vand.u32 $0xFFFF0000, v29  }
0x69: {  	v30 =	vld.idx.msk [tilespmem:v30+s15+$0x0], $0xffff;
	v47 =	vshll.u32 v35, $0x10;
	v35 =	vand.u32 $0xFFFF0000, v35;
	v33 =	vmul.f32 v56, v57  }
0x6a: {  	v48 =	vshll.u32 v36, $0x10;
	v25 =	vmul.f32 v25, v57;
	v63 =	vmul.f32 v62, v60  }
0x6b: {  	v36 =	vand.u32 $0xFFFF0000, v36;
	v24 =	vmul.f32 v24, v60;
	v34 =	vmul.f32 v43, v42  }
0x6c: {  	v49 =	vshll.u32 v37, $0x10;
	v28 =	vmul.f32 v28, v42;
	v45 =	vmul.f32 v44, v31  }
0x6d: {  	v37 =	vand.u32 $0xFFFF0000, v37;
	v29 =	vmul.f32 v29, v31;
	v32 =	vmul.f32 v47, v46  }
0x6e: {  	v50 =	vshll.u32 v30, $0x10;
	v31 =	vmul.f32 v35, v46;
	v35 =	vmul.f32 v48, v27  }
0x6f: {  	v30 =	vand.u32 $0xFFFF0000, v30;
	v27 =	vmul.f32 v36, v27;
	v36 =	vmul.f32 v49, v26  }
0x70: {  	v26 =	vmul.f32 v37, v26;
	v56 =	vadd.f32 $5.000000000e-01, v51;
	v37 =	vmul.f32 v50, v21  }
0x71: {  	v21 =	vmul.f32 v30, v21;
	v57 =	vadd.f32 $5.000000000e-01, v55;
	v52 =	vadd.f32 v63, v33  }
0x72: {  	v54 =	vadd.f32 v45, v34;
	v58 =	vtrunc.f32 v56;
	v32 =	vadd.f32 v35, v32  }
0x73: {  	v60 =	vadd.f32 v37, v36;
	v61 =	vtrunc.f32 v57;
	v34 =	vcvt.f32.s32 v59  }
0x74: {  	v24 =	vadd.f32 v24, v25;
	v28 =	vadd.f32 v29, v28;
	v33 =	vcvt.f32.s32 v58  }
0x75: {  	v27 =	vadd.f32 v27, v31;
	v21 =	vadd.f32 v21, v26;
	v62 =	vcvt.f32.s32 v61  }
0x76: {  	v22 =	vadd.f32 v54, v52;
	v32 =	vadd.f32 v60, v32;
	v63 =	vmul.u32 $0xC, v33  }
0x77: {  	v37 =	vmul.u32 $0x90, v34;
	v24 =	vadd.f32 v28, v24;
	v21 =	vadd.f32 v21, v27  }
0x78: {  	v43 =	vcvt.s32.f32 v62;
	v44 =	vcvt.s32.f32 v33;
	v40 =	vadd.s32 v62, v63  }
0x79: {  	v45 =	vcvt.s32.f32 v34;
	v22 =	vadd.f32 v32, v22;
	v29 =	vadd.s32 v37, v40  }
0x7a: {  	v46 =	vsub.f32 v57, v43;
	v47 =	vsub.f32 v56, v44;
	v42 =	vadd.s32 $0x818, v29  }
0x7b: {  	v21 =	vadd.f32 v21, v24;
	[tilespmem:v39+s23+$0x0] =	vst.idx.msk $0xffff, v22;
	v22 =	vsub.f32 v23, v45;
	v48 =	vadd.s32 $0x819, v29  }
0x7c: {  	v50 =	vsub.f32 $1.000000000e+00, v46;
	v51 =	vsub.f32 $1.000000000e+00, v47;
	v53 =	vadd.s32 $0x825, v29  }
0x7d: {  	v52 =	vadd.s32 $0x824, v29;
	v58 =	vadd.s32 $0x8A8, v29  }
0x7e: {  	[tilespmem:v41+s23+$0x0] =	vst.idx.msk $0xffff, v21;
	v21 =	vmul.f32 v47, v46;
	v54 =	vsub.f32 $1.000000000e+00, v22;
	v55 =	vmul.f32 v51, v50  }
0x7f: {  	v27 =	vmul.f32 v51, v46;
	v26 =	vmul.f32 v47, v50;
	v49 =	vld.idx.msk [tilespmem:v42+s15+$0x0], $0xffff  }
0x80: {  	v59 =	vadd.s32 $0x8A9, v29;
	v51 =	vmul.f32 $1.349157910e+01, v19;
	v31 =	vmul.f32 v54, v21;
	v25 =	vld.idx.msk [tilespmem:v48+s15+$0x0], $0xffff  }
0x81: {  	v39 =	vor.u32 v5, v17;
	v21 =	vmul.f32 v22, v21;
	v30 =	vld.idx.msk [tilespmem:v53+s15+$0x0], $0xffff;
	v53 =	vmul.f32 $1.349157910e+01, v18  }
0x82: {  	v61 =	vadd.s32 $0x8B4, v29;
	v57 =	vmul.f32 v54, v55;
	v60 =	vmul.f32 v54, v27;
	v28 =	vld.idx.msk [tilespmem:v52+s15+$0x0], $0xffff  }
0x83: {  	v46 =	vmul.f32 v55, v22;
	v27 =	vmul.f32 v27, v22;
	v35 =	vld.idx.msk [tilespmem:v58+s15+$0x0], $0xffff;
	v24 =	vadd.f32 $5.000000000e-01, v53  }
0x84: {  	v29 =	vadd.s32 $0x8B5, v29;
	v55 =	vmul.f32 $1.349157910e+01, v20;
	v42 =	vmul.f32 v54, v26  }
0x85: {  	v41 =	vor.u32 v6, v17;
	v36 =	vld.idx.msk [tilespmem:v59+s15+$0x0], $0xffff;
	v26 =	vmul.f32 v22, v26;
	v59 =	vtrunc.f32 v24  }
0x86: {  	v56 =	vshll.u32 v49, $0x10;
	v23 =	vand.u32 $0xFFFF0000, v49;
	v62 =	vshll.u32 v25, $0x10  }
0x87: {  	v37 =	vld.idx.msk [tilespmem:v61+s15+$0x0], $0xffff;
	v25 =	vand.u32 $0xFFFF0000, v25;
	v43 =	vshll.u32 v28, $0x10;
	v28 =	vand.u32 $0xFFFF0000, v28  }
0x88: {  	v44 =	vshll.u32 v30, $0x10;
	v30 =	vand.u32 $0xFFFF0000, v30;
	v47 =	vshll.u32 v35, $0x10  }
0x89: {  	v29 =	vld.idx.msk [tilespmem:v29+s15+$0x0], $0xffff;
	v35 =	vand.u32 $0xFFFF0000, v35;
	v33 =	vmul.f32 v56, v57;
	v23 =	vmul.f32 v23, v57  }
0x8a: {  	v48 =	vshll.u32 v36, $0x10;
	v63 =	vmul.f32 v62, v60;
	v25 =	vmul.f32 v25, v60  }
0x8b: {  	v36 =	vand.u32 $0xFFFF0000, v36;
	v34 =	vmul.f32 v43, v42;
	v28 =	vmul.f32 v28, v42  }
0x8c: {  	v49 =	vshll.u32 v37, $0x10;
	v45 =	vmul.f32 v44, v31;
	v30 =	vmul.f32 v30, v31  }
0x8d: {  	v37 =	vand.u32 $0xFFFF0000, v37;
	v32 =	vmul.f32 v47, v46;
	v31 =	vmul.f32 v35, v46  }
0x8e: {  	v50 =	vshll.u32 v29, $0x10;
	v35 =	vmul.f32 v48, v27;
	v27 =	vmul.f32 v36, v27  }
0x8f: {  	v29 =	vand.u32 $0xFFFF0000, v29;
	v36 =	vmul.f32 v49, v26;
	v26 =	vmul.f32 v37, v26  }
0x90: {  	v56 =	vadd.f32 $5.000000000e-01, v51;
	v37 =	vmul.f32 v50, v21;
	v57 =	vadd.f32 $5.000000000e-01, v55  }
0x91: {  	v21 =	vmul.f32 v29, v21;
	v52 =	vadd.f32 v63, v33;
	v54 =	vadd.f32 v45, v34  }
0x92: {  	v58 =	vtrunc.f32 v56;
	v32 =	vadd.f32 v35, v32;
	v60 =	vadd.f32 v37, v36  }
0x93: {  	v61 =	vtrunc.f32 v57;
	v23 =	vadd.f32 v25, v23;
	v33 =	vcvt.f32.s32 v58  }
0x94: {  	v34 =	vcvt.f32.s32 v59;
	v28 =	vadd.f32 v30, v28;
	v27 =	vadd.f32 v27, v31  }
0x95: {  	v21 =	vadd.f32 v21, v26;
	v62 =	vcvt.f32.s32 v61;
	v63 =	vmul.u32 $0xF, v33  }
0x96: {  	v22 =	vadd.f32 v54, v52;
	v37 =	vmul.u32 $0xE1, v34;
	v32 =	vadd.f32 v60, v32  }
0x97: {  	v23 =	vadd.f32 v28, v23;
	v21 =	vadd.f32 v21, v27;
	v40 =	vadd.s32 v62, v63  }
0x98: {  	v43 =	vcvt.s32.f32 v62;
	v44 =	vcvt.s32.f32 v33;
	v30 =	vadd.s32 v37, v40  }
0x99: {  	v45 =	vcvt.s32.f32 v34;
	v22 =	vadd.f32 v32, v22;
	v42 =	vadd.s32 $0x10B0, v30  }
0x9a: {  	v46 =	vsub.f32 v57, v43;
	v47 =	vsub.f32 v56, v44;
	v48 =	vadd.s32 $0x10B1, v30  }
0x9b: {  	v21 =	vadd.f32 v21, v23;
	[tilespmem:v39+s23+$0x0] =	vst.idx.msk $0xffff, v22;
	v22 =	vsub.f32 v24, v45;
	v52 =	vadd.s32 $0x10BF, v30  }
0x9c: {  	v50 =	vsub.f32 $1.000000000e+00, v46;
	v51 =	vsub.f32 $1.000000000e+00, v47;
	v53 =	vadd.s32 $0x10C0, v30  }
0x9d: {  	[tilespmem:v41+s23+$0x0] =	vst.idx.msk $0xffff, v21;
	v58 =	vadd.s32 $0x1191, v30;
	v21 =	vmul.f32 v47, v46  }
0x9e: {  	v54 =	vsub.f32 $1.000000000e+00, v22;
	v55 =	vmul.f32 v51, v50;
	v27 =	vmul.f32 v51, v46;
	v49 =	vld.idx.msk [tilespmem:v42+s15+$0x0], $0xffff  }
0x9f: {  	v59 =	vadd.s32 $0x1192, v30;
	v26 =	vmul.f32 v47, v50;
	v51 =	vmul.f32 $1.666543200e+01, v19;
	v25 =	vld.idx.msk [tilespmem:v48+s15+$0x0], $0xffff  }
0xa0: {  	v39 =	vor.u32 v7, v17;
	v31 =	vmul.f32 v54, v21;
	v21 =	vmul.f32 v22, v21;
	v28 =	vld.idx.msk [tilespmem:v52+s15+$0x0], $0xffff  }
0xa1: {  	v61 =	vadd.s32 $0x11A0, v30;
	v57 =	vmul.f32 v54, v55;
	v29 =	vld.idx.msk [tilespmem:v53+s15+$0x0], $0xffff;
	v53 =	vmul.f32 $1.666543200e+01, v18  }
0xa2: {  	v30 =	vadd.s32 $0x11A1, v30;
	v60 =	vmul.f32 v54, v27;
	v46 =	vmul.f32 v55, v22  }
0xa3: {  	v27 =	vmul.f32 v27, v22;
	v55 =	vmul.f32 $1.666543200e+01, v20;
	v35 =	vld.idx.msk [tilespmem:v58+s15+$0x0], $0xffff;
	v23 =	vadd.f32 $5.000000000e-01, v53  }
0xa4: {  	v41 =	vor.u32 v8, v17;
	v42 =	vmul.f32 v54, v26;
	v36 =	vld.idx.msk [tilespmem:v59+s15+$0x0], $0xffff;
	v26 =	vmul.f32 v22, v26  }
0xa5: {  	v59 =	vtrunc.f32 v23;
	v56 =	vshll.u32 v49, $0x10;
	v24 =	vand.u32 $0xFFFF0000, v49  }
0xa6: {  	v37 =	vld.idx.msk [tilespmem:v61+s15+$0x0], $0xffff;
	v62 =	vshll.u32 v25, $0x10;
	v25 =	vand.u32 $0xFFFF0000, v25;
	v43 =	vshll.u32 v28, $0x10  }
0xa7: {  	v28 =	vand.u32 $0xFFFF0000, v28;
	v44 =	vshll.u32 v29, $0x10;
	v29 =	vand.u32 $0xFFFF0000, v29  }
0xa8: {  	v30 =	vld.idx.msk [tilespmem:v30+s15+$0x0], $0xffff;
	v47 =	vshll.u32 v35, $0x10;
	v35 =	vand.u32 $0xFFFF0000, v35;
	v33 =	vmul.f32 v56, v57  }
0xa9: {  	v48 =	vshll.u32 v36, $0x10;
	v24 =	vmul.f32 v24, v57;
	v63 =	vmul.f32 v62, v60  }
0xaa: {  	v36 =	vand.u32 $0xFFFF0000, v36;
	v25 =	vmul.f32 v25, v60;
	v34 =	vmul.f32 v43, v42  }
0xab: {  	v49 =	vshll.u32 v37, $0x10;
	v28 =	vmul.f32 v28, v42;
	v45 =	vmul.f32 v44, v31  }
0xac: {  	v37 =	vand.u32 $0xFFFF0000, v37;
	v29 =	vmul.f32 v29, v31;
	v32 =	vmul.f32 v47, v46  }
0xad: {  	v50 =	vshll.u32 v30, $0x10;
	v31 =	vmul.f32 v35, v46;
	v35 =	vmul.f32 v48, v27  }
0xae: {  	v30 =	vand.u32 $0xFFFF0000, v30;
	v27 =	vmul.f32 v36, v27;
	v36 =	vmul.f32 v49, v26  }
0xaf: {  	v26 =	vmul.f32 v37, v26;
	v56 =	vadd.f32 $5.000000000e-01, v51;
	v37 =	vmul.f32 v50, v21  }
0xb0: {  	v21 =	vmul.f32 v30, v21;
	v57 =	vadd.f32 $5.000000000e-01, v55;
	v52 =	vadd.f32 v63, v33  }
0xb1: {  	v54 =	vadd.f32 v45, v34;
	v58 =	vtrunc.f32 v56;
	v32 =	vadd.f32 v35, v32  }
0xb2: {  	v60 =	vadd.f32 v37, v36;
	v61 =	vtrunc.f32 v57;
	v34 =	vcvt.f32.s32 v59  }
0xb3: {  	v24 =	vadd.f32 v25, v24;
	v28 =	vadd.f32 v29, v28;
	v33 =	vcvt.f32.s32 v58  }
0xb4: {  	v27 =	vadd.f32 v27, v31;
	v21 =	vadd.f32 v21, v26;
	v62 =	vcvt.f32.s32 v61  }
0xb5: {  	v22 =	vadd.f32 v54, v52;
	v32 =	vadd.f32 v60, v32;
	v63 =	vmul.u32 $0x12, v33  }
0xb6: {  	v37 =	vmul.u32 $0x144, v34;
	v24 =	vadd.f32 v28, v24;
	v21 =	vadd.f32 v21, v27  }
0xb7: {  	v43 =	vcvt.s32.f32 v62;
	v44 =	vcvt.s32.f32 v33;
	v40 =	vadd.s32 v62, v63  }
0xb8: {  	v45 =	vcvt.s32.f32 v34;
	v22 =	vadd.f32 v32, v22;
	v29 =	vadd.s32 v37, v40  }
0xb9: {  	v46 =	vsub.f32 v57, v43;
	v47 =	vsub.f32 v56, v44;
	v42 =	vadd.s32 $0x20B0, v29  }
0xba: {  	v21 =	vadd.f32 v21, v24;
	[tilespmem:v39+s23+$0x0] =	vst.idx.msk $0xffff, v22;
	v22 =	vsub.f32 v23, v45;
	v48 =	vadd.s32 $0x20B1, v29  }
0xbb: {  	v50 =	vsub.f32 $1.000000000e+00, v46;
	v51 =	vsub.f32 $1.000000000e+00, v47;
	v53 =	vadd.s32 $0x20C3, v29  }
0xbc: {  	v52 =	vadd.s32 $0x20C2, v29;
	v58 =	vadd.s32 $0x21F4, v29  }
0xbd: {  	[tilespmem:v41+s23+$0x0] =	vst.idx.msk $0xffff, v21;
	v21 =	vmul.f32 v47, v46;
	v54 =	vsub.f32 $1.000000000e+00, v22;
	v55 =	vmul.f32 v51, v50  }
0xbe: {  	v27 =	vmul.f32 v51, v46;
	v26 =	vmul.f32 v47, v50;
	v49 =	vld.idx.msk [tilespmem:v42+s15+$0x0], $0xffff  }
0xbf: {  	v59 =	vadd.s32 $0x21F5, v29;
	v51 =	vmul.f32 $2.053440280e+01, v19;
	v31 =	vmul.f32 v54, v21;
	v25 =	vld.idx.msk [tilespmem:v48+s15+$0x0], $0xffff  }
0xc0: {  	v21 =	vmul.f32 v22, v21;
	v30 =	vld.idx.msk [tilespmem:v53+s15+$0x0], $0xffff;
	v53 =	vmul.f32 $2.053440280e+01, v18  }
0xc1: {  	v61 =	vadd.s32 $0x2206, v29;
	v57 =	vmul.f32 v54, v55;
	v60 =	vmul.f32 v54, v27;
	v28 =	vld.idx.msk [tilespmem:v52+s15+$0x0], $0xffff  }
0xc2: {  	v46 =	vmul.f32 v55, v22;
	v27 =	vmul.f32 v27, v22;
	v35 =	vld.idx.msk [tilespmem:v58+s15+$0x0], $0xffff;
	v24 =	vadd.f32 $5.000000000e-01, v53  }
0xc3: {  	v29 =	vadd.s32 $0x2207, v29;
	v55 =	vmul.f32 $2.053440280e+01, v20;
	v42 =	vmul.f32 v54, v26  }
0xc4: {  	v41 =	vor.u32 v9, v17;
	v36 =	vld.idx.msk [tilespmem:v59+s15+$0x0], $0xffff;
	v26 =	vmul.f32 v22, v26;
	v59 =	vtrunc.f32 v24  }
0xc5: {  	v56 =	vshll.u32 v49, $0x10;
	v23 =	vand.u32 $0xFFFF0000, v49;
	v62 =	vshll.u32 v25, $0x10  }
0xc6: {  	v37 =	vld.idx.msk [tilespmem:v61+s15+$0x0], $0xffff;
	v25 =	vand.u32 $0xFFFF0000, v25;
	v43 =	vshll.u32 v28, $0x10;
	v28 =	vand.u32 $0xFFFF0000, v28  }
0xc7: {  	v44 =	vshll.u32 v30, $0x10;
	v30 =	vand.u32 $0xFFFF0000, v30;
	v47 =	vshll.u32 v35, $0x10  }
0xc8: {  	v29 =	vld.idx.msk [tilespmem:v29+s15+$0x0], $0xffff;
	v35 =	vand.u32 $0xFFFF0000, v35;
	v33 =	vmul.f32 v56, v57;
	v23 =	vmul.f32 v23, v57  }
0xc9: {  	v48 =	vshll.u32 v36, $0x10;
	v63 =	vmul.f32 v62, v60;
	v25 =	vmul.f32 v25, v60  }
0xca: {  	v36 =	vand.u32 $0xFFFF0000, v36;
	v34 =	vmul.f32 v43, v42;
	v28 =	vmul.f32 v28, v42  }
0xcb: {  	v49 =	vshll.u32 v37, $0x10;
	v45 =	vmul.f32 v44, v31;
	v30 =	vmul.f32 v30, v31  }
0xcc: {  	v37 =	vand.u32 $0xFFFF0000, v37;
	v32 =	vmul.f32 v47, v46;
	v31 =	vmul.f32 v35, v46  }
0xcd: {  	v50 =	vshll.u32 v29, $0x10;
	v35 =	vmul.f32 v48, v27;
	v27 =	vmul.f32 v36, v27  }
0xce: {  	v29 =	vand.u32 $0xFFFF0000, v29;
	v36 =	vmul.f32 v49, v26;
	v26 =	vmul.f32 v37, v26  }
0xcf: {  	v56 =	vadd.f32 $5.000000000e-01, v51;
	v37 =	vmul.f32 v50, v21;
	v21 =	vmul.f32 v29, v21  }
0xd0: {  	v57 =	vadd.f32 $5.000000000e-01, v55;
	v43 =	vor.u32 v10, v17;
	v52 =	vadd.f32 v63, v33  }
0xd1: {  	v54 =	vadd.f32 v45, v34;
	v58 =	vtrunc.f32 v56;
	v32 =	vadd.f32 v35, v32  }
0xd2: {  	v60 =	vadd.f32 v37, v36;
	v61 =	vtrunc.f32 v57;
	v34 =	vcvt.f32.s32 v59  }
0xd3: {  	v23 =	vadd.f32 v25, v23;
	v28 =	vadd.f32 v30, v28;
	v33 =	vcvt.f32.s32 v58  }
0xd4: {  	v27 =	vadd.f32 v27, v31;
	v21 =	vadd.f32 v21, v26;
	v62 =	vcvt.f32.s32 v61  }
0xd5: {  	v22 =	vadd.f32 v54, v52;
	v32 =	vadd.f32 v60, v32;
	v63 =	vmul.u32 $0x16, v33  }
0xd6: {  	v40 =	vmul.u32 $0x1E4, v34;
	v23 =	vadd.f32 v28, v23;
	v21 =	vadd.f32 v21, v27  }
0xd7: {  	v45 =	vcvt.s32.f32 v62;
	v46 =	vcvt.s32.f32 v33;
	v42 =	vadd.s32 v62, v63  }
0xd8: {  	v47 =	vcvt.s32.f32 v34;
	v22 =	vadd.f32 v32, v22;
	v30 =	vadd.s32 v40, v42  }
0xd9: {  	v48 =	vsub.f32 v57, v45;
	v49 =	vsub.f32 v56, v46;
	v44 =	vadd.s32 $0x3B80, v30  }
0xda: {  	v21 =	vadd.f32 v21, v23;
	[tilespmem:v41+s23+$0x0] =	vst.idx.msk $0xffff, v22;
	v22 =	vsub.f32 v24, v47;
	v50 =	vadd.s32 $0x3B81, v30  }
0xdb: {  	v52 =	vsub.f32 $1.000000000e+00, v48;
	v53 =	vsub.f32 $1.000000000e+00, v49;
	v55 =	vadd.s32 $0x3B97, v30  }
0xdc: {  	v54 =	vadd.s32 $0x3B96, v30;
	v60 =	vadd.s32 $0x3D64, v30  }
0xdd: {  	[tilespmem:v43+s23+$0x0] =	vst.idx.msk $0xffff, v21;
	v21 =	vmul.f32 v49, v48;
	v56 =	vsub.f32 $1.000000000e+00, v22;
	v57 =	vmul.f32 v53, v52  }
0xde: {  	v27 =	vmul.f32 v53, v48;
	v26 =	vmul.f32 v49, v52;
	v51 =	vld.idx.msk [tilespmem:v44+s15+$0x0], $0xffff  }
0xdf: {  	v61 =	vadd.s32 $0x3D65, v30;
	v53 =	vmul.f32 $2.525073050e+01, v19;
	v31 =	vmul.f32 v56, v21;
	v25 =	vld.idx.msk [tilespmem:v50+s15+$0x0], $0xffff  }
0xe0: {  	v21 =	vmul.f32 v22, v21;
	v29 =	vld.idx.msk [tilespmem:v55+s15+$0x0], $0xffff;
	v55 =	vmul.f32 $2.525073050e+01, v18  }
0xe1: {  	v63 =	vadd.s32 $0x3D7A, v30;
	v59 =	vmul.f32 v56, v57;
	v62 =	vmul.f32 v56, v27;
	v28 =	vld.idx.msk [tilespmem:v54+s15+$0x0], $0xffff  }
0xe2: {  	v48 =	vmul.f32 v57, v22;
	v27 =	vmul.f32 v27, v22;
	v35 =	vld.idx.msk [tilespmem:v60+s15+$0x0], $0xffff;
	v23 =	vadd.f32 $5.000000000e-01, v55  }
0xe3: {  	v30 =	vadd.s32 $0x3D7B, v30;
	v57 =	vmul.f32 $2.525073050e+01, v20;
	v44 =	vmul.f32 v56, v26  }
0xe4: {  	v36 =	vld.idx.msk [tilespmem:v61+s15+$0x0], $0xffff;
	v26 =	vmul.f32 v22, v26;
	v61 =	vtrunc.f32 v23  }
0xe5: {  	v58 =	vshll.u32 v51, $0x10;
	v24 =	vand.u32 $0xFFFF0000, v51;
	v42 =	vshll.u32 v25, $0x10  }
0xe6: {  	v37 =	vld.idx.msk [tilespmem:v63+s15+$0x0], $0xffff;
	v25 =	vand.u32 $0xFFFF0000, v25;
	v45 =	vshll.u32 v28, $0x10;
	v28 =	vand.u32 $0xFFFF0000, v28  }
0xe7: {  	v46 =	vshll.u32 v29, $0x10;
	v29 =	vand.u32 $0xFFFF0000, v29;
	v49 =	vshll.u32 v35, $0x10  }
0xe8: {  	v30 =	vld.idx.msk [tilespmem:v30+s15+$0x0], $0xffff;
	v35 =	vand.u32 $0xFFFF0000, v35;
	v33 =	vmul.f32 v58, v59;
	v24 =	vmul.f32 v24, v59  }
0xe9: {  	v50 =	vshll.u32 v36, $0x10;
	v43 =	vmul.f32 v42, v62;
	v25 =	vmul.f32 v25, v62  }
0xea: {  	v36 =	vand.u32 $0xFFFF0000, v36;
	v34 =	vmul.f32 v45, v44;
	v28 =	vmul.f32 v28, v44  }
0xeb: {  	v51 =	vshll.u32 v37, $0x10;
	v47 =	vmul.f32 v46, v31;
	v29 =	vmul.f32 v29, v31  }
0xec: {  	v37 =	vand.u32 $0xFFFF0000, v37;
	v32 =	vmul.f32 v49, v48;
	v31 =	vmul.f32 v35, v48  }
0xed: {  	v52 =	vshll.u32 v30, $0x10;
	v35 =	vmul.f32 v50, v27;
	v27 =	vmul.f32 v36, v27  }
0xee: {  	v30 =	vand.u32 $0xFFFF0000, v30;
	v36 =	vmul.f32 v51, v26;
	v26 =	vmul.f32 v37, v26  }
0xef: {  	v58 =	vadd.f32 $5.000000000e-01, v53;
	v37 =	vmul.f32 v52, v21;
	v21 =	vmul.f32 v30, v21  }
0xf0: {  	v59 =	vadd.f32 $5.000000000e-01, v57;
	v45 =	vor.u32 v12, v17;
	v54 =	vadd.f32 v43, v33  }
0xf1: {  	v56 =	vadd.f32 v47, v34;
	v60 =	vtrunc.f32 v58;
	v32 =	vadd.f32 v35, v32  }
0xf2: {  	v62 =	vadd.f32 v37, v36;
	v63 =	vtrunc.f32 v59;
	v24 =	vadd.f32 v25, v24  }
0xf3: {  	v34 =	vcvt.f32.s32 v61;
	v28 =	vadd.f32 v29, v28;
	v27 =	vadd.f32 v27, v31  }
0xf4: {  	v21 =	vadd.f32 v21, v26;
	v43 =	vor.u32 v11, v17;
	v33 =	vcvt.f32.s32 v60  }
0xf5: {  	v40 =	vcvt.f32.s32 v63;
	v22 =	vadd.f32 v56, v54;
	v42 =	vmul.u32 $0x2D9, v34  }
0xf6: {  	v32 =	vadd.f32 v62, v32;
	v24 =	vadd.f32 v28, v24;
	v41 =	vmul.u32 $0x1B, v33  }
0xf7: {  	v21 =	vadd.f32 v21, v27;
	v25 =	vcvt.s32.f32 v40;
	v47 =	vcvt.s32.f32 v33  }
0xf8: {  	v48 =	vcvt.s32.f32 v34;
	v22 =	vadd.f32 v32, v22;
	v44 =	vadd.s32 v40, v41  }
0xf9: {  	v49 =	vsub.f32 v59, v25;
	v50 =	vsub.f32 v58, v47;
	v29 =	vadd.s32 v42, v44  }
0xfa: {  	v21 =	vadd.f32 v21, v24;
	v24 =	vsub.f32 v23, v48;
	v46 =	vadd.s32 $0x6B08, v29  }
0xfb: {  	[tilespmem:v43+s23+$0x0] =	vst.idx.msk $0xffff, v22;
	v51 =	vadd.s32 $0x6B09, v29;
	v52 =	vsub.f32 $1.000000000e+00, v49;
	v53 =	vsub.f32 $1.000000000e+00, v50  }
0xfc: {  	v20 =	vmul.f32 $3.100000000e+01, v20;
	v18 =	vmul.f32 $3.100000000e+01, v18;
	[tilespmem:v45+s23+$0x0] =	vst.idx.msk $0xffff, v21;
	v54 =	vadd.s32 $0x6B23, v29;
	v21 =	vld [tilespmem:s8+$0x0]  }
0xfd: {  	v56 =	vsub.f32 $1.000000000e+00, v24;
	v22 =	vld [tilespmem:s17+$0x0];
	v38 =	vmul.f32 v50, v49;
	v57 =	vmul.f32 v53, v52  }
0xfe: {  	v55 =	vadd.s32 $0x6B24, v29;
	v61 =	vmul.f32 v53, v49;
	v63 =	vmul.f32 v50, v52  }
0xff: {  	v58 =	vadd.s32 $0x6DE1, v29;
	v31 =	vmul.f32 v56, v38;
	v38 =	vmul.f32 v24, v38;
	v27 =	vld.idx.msk [tilespmem:v46+s15+$0x0], $0xffff  }
0x100: {  	v59 =	vmul.f32 v56, v57;
	v23 =	vmul.f32 v56, v61;
	v26 =	vld.idx.msk [tilespmem:v51+s15+$0x0], $0xffff  }
0x101: {  	v45 =	vmul.f32 v56, v63;
	v28 =	vld.idx.msk [tilespmem:v54+s15+$0x0], $0xffff;
	v52 =	vmul.f32 $7.000000000e+00, v21  }
0x102: {  	v50 =	vadd.s32 $0x6DFC, v29;
	v49 =	vmul.f32 v57, v24;
	v53 =	vmul.f32 $7.000000000e+00, v22  }
0x103: {  	v30 =	vmul.f32 v24, v63;
	v62 =	vld.idx.msk [tilespmem:v55+s15+$0x0], $0xffff;
	v46 =	vadd.s32 $0x6DE2, v29;
	v32 =	vadd.f32 $5.000000000e-01, v52  }
0x104: {  	v33 =	vld.idx.msk [tilespmem:v58+s15+$0x0], $0xffff;
	v29 =	vadd.s32 $0x6DFD, v29;
	v54 =	vmul.f32 v61, v24;
	v39 =	vadd.f32 $5.000000000e-01, v53  }
0x105: {  	v57 =	vtrunc.f32 v32;
	v60 =	vshll.u32 v27, $0x10;
	v27 =	vand.u32 $0xFFFF0000, v27  }
0x106: {  	v44 =	vshll.u32 v26, $0x10;
	v26 =	vand.u32 $0xFFFF0000, v26;
	v47 =	vshll.u32 v28, $0x10  }
0x107: {  	v56 =	vld.idx.msk [tilespmem:v50+s15+$0x0], $0xffff;
	v28 =	vand.u32 $0xFFFF0000, v28;
	v35 =	vmul.f32 v60, v59;
	v34 =	vmul.f32 v27, v59  }
0x108: {  	v48 =	vshll.u32 v62, $0x10;
	v37 =	vmul.f32 v44, v23;
	v40 =	vmul.f32 v26, v23  }
0x109: {  	v51 =	vld.idx.msk [tilespmem:v46+s15+$0x0], $0xffff;
	v43 =	vshll.u32 v33, $0x10;
	v41 =	vmul.f32 v47, v45;
	v25 =	vmul.f32 v28, v45  }
0x10a: {  	v23 =	vld [tilespmem:s6+$0x0];
	v27 =	vand.u32 $0xFFFF0000, v62;
	v42 =	vmul.f32 v48, v31;
	v43 =	vmul.f32 v43, v49  }
0x10b: {  	v33 =	vand.u32 $0xFFFF0000, v33;
	v29 =	vld.idx.msk [tilespmem:v29+s15+$0x0], $0xffff;
	v45 =	vtrunc.f32 v39;
	v26 =	vmul.f32 v27, v31  }
0x10c: {  	v27 =	vmul.f32 v33, v49;
	v45 =	vcvt.f32.s32 v45;
	v49 =	vshll.u32 v56, $0x10  }
0x10d: {  	v48 =	vcvt.f32.s32 v57;
	v60 =	vmul.f32 v49, v30;
	v63 =	vadd.f32 v37, v35  }
0x10e: {  	v41 =	vadd.f32 v42, v41;
	v34 =	vadd.f32 v40, v34;
	v58 =	vshll.u32 v45, $0x3  }
0x10f: {  	v50 =	vcvt.s32.f32 v45;
	v25 =	vadd.f32 v26, v25;
	v44 =	vmul.f32 $7.000000000e+00, v23  }
0x110: {  	v46 =	vshll.u32 v51, $0x10;
	v31 =	vand.u32 $0xFFFF0000, v51;
	v62 =	vshll.u32 v29, $0x10  }
0x111: {  	v37 =	vadd.f32 v41, v63;
	v46 =	vmul.f32 v46, v54;
	v55 =	vadd.f32 $5.000000000e-01, v44  }
0x112: {  	v28 =	vmul.f32 v31, v54;
	v31 =	vadd.s32 v48, v58;
	v48 =	vcvt.s32.f32 v48  }
0x113: {  	v29 =	vand.u32 $0xFFFF0000, v29;
	v53 =	vmul.f32 v62, v38;
	v47 =	vtrunc.f32 v55  }
0x114: {  	v35 =	vsub.f32 v39, v50;
	v58 =	vmov s16;
	v47 =	vcvt.f32.s32 v47  }
0x115: {  	v29 =	vmul.f32 v29, v38;
	v34 =	vadd.f32 v25, v34;
	v38 =	vadd.f32 $5.000000000e-01, v20  }
0x116: {  	v44 =	vand.u32 $0xFFFF0000, v56;
	v32 =	vsub.f32 v32, v48;
	v59 =	vshll.u32 v47, $0x6  }
0x117: {  	v62 =	vsub.f32 $1.000000000e+00, v35;
	v51 =	vcvt.s32.f32 v47;
	v31 =	vadd.s32 v59, v31  }
0x118: {  	v43 =	vadd.f32 v46, v43;
	v33 =	vadd.f32 v53, v60;
	v52 =	vadd.s32 $0x1, v31  }
0x119: {  	v61 =	vsub.f32 $1.000000000e+00, v32;
	v24 =	vsub.f32 v55, v51;
	v55 =	vadd.s32 $0x8, v31  }
0x11a: {  	v30 =	vmul.f32 v44, v30;
	v42 =	vmul.f32 v62, v32;
	v56 =	vadd.s32 $0x9, v31  }
0x11b: {  	v46 =	vmul.f32 v62, v61;
	v50 =	vadd.s32 $0x41, v31;
	v63 =	vsub.f32 $1.000000000e+00, v24  }
0x11c: {  	v32 =	vmul.f32 v35, v32;
	v41 =	vmul.f32 v35, v61;
	v51 =	vadd.s32 $0x48, v31;
	v54 =	vld.idx.msk [tilespmem:v31+s15+$0x0], $0xffff  }
0x11d: {  	v33 =	vadd.f32 v33, v43;
	v43 =	vshll.u32 v58, $0x4;
	v60 =	vmul.f32 v63, v46;
	v45 =	vld.idx.msk [tilespmem:v52+s15+$0x0], $0xffff  }
0x11e: {  	v57 =	vadd.s32 $0x40, v31;
	v53 =	vmul.f32 v63, v41;
	v44 =	vmul.f32 v63, v32;
	v39 =	vld.idx.msk [tilespmem:v55+s15+$0x0], $0xffff  }
0x11f: {  	v29 =	vadd.f32 v29, v30;
	v46 =	vmul.f32 v46, v24;
	v41 =	vmul.f32 v24, v41;
	v47 =	vld.idx.msk [tilespmem:v56+s15+$0x0], $0xffff  }
0x120: {  	v25 =	vadd.f32 v33, v37;
	v52 =	vmul.f32 v63, v42;
	v50 =	vld.idx.msk [tilespmem:v50+s15+$0x0], $0xffff;
	v42 =	vmul.f32 v42, v24  }
0x121: {  	v51 =	vld.idx.msk [tilespmem:v51+s15+$0x0], $0xffff;
	v24 =	vmul.f32 v24, v32;
	v59 =	vshll.u32 v54, $0x10;
	v36 =	vand.u32 $0xFFFF0000, v54  }
0x122: {  	v31 =	vadd.s32 $0x49, v31;
	v48 =	vmul.f32 v59, v60;
	v36 =	vmul.f32 v36, v60  }
0x123: {  	v40 =	vld.idx.msk [tilespmem:v57+s15+$0x0], $0xffff;
	v61 =	vshll.u32 v45, $0x10;
	v45 =	vand.u32 $0xFFFF0000, v45;
	v54 =	vshll.u32 v39, $0x10  }
0x124: {  	v39 =	vand.u32 $0xFFFF0000, v39;
	v63 =	vshll.u32 v47, $0x10;
	v47 =	vand.u32 $0xFFFF0000, v47  }
0x125: {  	v55 =	vshll.u32 v50, $0x10;
	v49 =	vmul.f32 v61, v52;
	v35 =	vmul.f32 v45, v52  }
0x126: {  	v56 =	vshll.u32 v51, $0x10;
	v62 =	vmul.f32 v54, v53;
	v39 =	vmul.f32 v39, v53  }
0x127: {  	v57 =	vand.u32 $0xFFFF0000, v51;
	v52 =	vmul.f32 v63, v44;
	v44 =	vmul.f32 v47, v44  }
0x128: {  	v31 =	vld.idx.msk [tilespmem:v31+s15+$0x0], $0xffff;
	v54 =	vshll.u32 v40, $0x10;
	v58 =	vmul.f32 v56, v41;
	v41 =	vmul.f32 v57, v41  }
0x129: {  	v40 =	vand.u32 $0xFFFF0000, v40;
	v61 =	vmul.f32 $8.752109530e+00, v22;
	v63 =	vmul.f32 $8.752109530e+00, v23  }
0x12a: {  	v50 =	vand.u32 $0xFFFF0000, v50;
	v47 =	vmul.f32 v54, v46;
	v40 =	vmul.f32 v40, v46  }
0x12b: {  	v46 =	vmul.f32 v55, v42;
	v42 =	vmul.f32 v50, v42;
	v60 =	vadd.f32 v49, v48  }
0x12c: {  	v45 =	vadd.f32 v52, v62;
	v52 =	vmul.f32 $8.752109530e+00, v21;
	v48 =	vadd.f32 $5.000000000e-01, v61  }
0x12d: {  	v35 =	vadd.f32 v35, v36;
	v39 =	vadd.f32 v44, v39;
	v59 =	vshll.u32 v31, $0x10  }
0x12e: {  	v31 =	vand.u32 $0xFFFF0000, v31;
	v46 =	vadd.f32 v46, v47;
	v47 =	vadd.f32 $5.000000000e-01, v63  }
0x12f: {  	v40 =	vadd.f32 v42, v40;
	v62 =	vmul.f32 v59, v24;
	v32 =	vadd.f32 v45, v60  }
0x130: {  	v31 =	vmul.f32 v31, v24;
	v45 =	vadd.f32 $5.000000000e-01, v52;
	v53 =	vtrunc.f32 v48  }
0x131: {  	v35 =	vadd.f32 v39, v35;
	v54 =	vcvt.f32.s32 v53;
	v55 =	vtrunc.f32 v47  }
0x132: {  	v49 =	vadd.f32 v62, v58;
	v56 =	vtrunc.f32 v45;
	v57 =	vcvt.f32.s32 v55  }
0x133: {  	v58 =	vor.u32 v1, v43;
	v31 =	vadd.f32 v31, v41;
	v55 =	vadd.f32 v28, v27  }
0x134: {  	v59 =	vcvt.f32.s32 v56;
	v60 =	vmul.u32 $0xA, v54;
	v24 =	vand.u32 $0x7FFFFF80, v58  }
0x135: {  	v54 =	vcvt.s32.f32 v54;
	v61 =	vmul.u32 $0x64, v57;
	v62 =	vor.u32 v0, v24  }
0x136: {  	v46 =	vadd.f32 v49, v46;
	v63 =	vor.u32 v2, v24;
	v31 =	vadd.f32 v31, v40  }
0x137: {  	v56 =	vcvt.s32.f32 v57;
	v29 =	vadd.f32 v29, v55;
	v44 =	vadd.s32 v59, v60  }
0x138: {  	v53 =	vcvt.s32.f32 v59;
	v58 =	vsub.f32 v48, v54;
	v42 =	vadd.s32 v61, v44  }
0x139: {  	v52 =	vadd.f32 v46, v32;
	v31 =	vadd.f32 v31, v35;
	v51 =	vadd.s32 $0x2E0, v42  }
0x13a: {  	v30 =	vsub.f32 v47, v56;
	v20 =	vadd.f32 v29, v34;
	v59 =	vadd.s32 $0x2E1, v42  }
0x13b: {  	v29 =	vmul.f32 $3.100000000e+01, v19;
	v57 =	vsub.f32 v45, v53;
	v61 =	vadd.s32 $0x2EA, v42  }
0x13c: {  	v34 =	vtrunc.f32 v38;
	v19 =	vor.u32 v13, v17;
	v44 =	vadd.s32 $0x345, v42;
	[tilespmem:v62+s23+$0x0] =	vst.idx.msk $0xffff, v52  }
0x13d: {  	v35 =	vsub.f32 $1.000000000e+00, v58;
	v54 =	vadd.s32 $0x34E, v42;
	v32 =	vsub.f32 $1.000000000e+00, v57;
	[tilespmem:v63+s23+$0x0] =	vst.idx.msk $0xffff, v31  }
0x13e: {  	v34 =	vcvt.f32.s32 v34;
	v27 =	vmul.f32 v58, v57;
	v63 =	vsub.f32 $1.000000000e+00, v30;
	v60 =	vld.idx.msk [tilespmem:v51+s15+$0x0], $0xffff  }
0x13f: {  	v28 =	vadd.f32 $5.000000000e-01, v29;
	v48 =	vmul.f32 v35, v32;
	v35 =	vmul.f32 v35, v57;
	v31 =	vld.idx.msk [tilespmem:v59+s15+$0x0], $0xffff  }
0x140: {  	v62 =	vadd.s32 $0x2EB, v42;
	v32 =	vmul.f32 v58, v32;
	v36 =	vld.idx.msk [tilespmem:v61+s15+$0x0], $0xffff;
	v33 =	vmul.f32 v63, v27  }
0x141: {  	v51 =	vadd.s32 $0x344, v42;
	v44 =	vld.idx.msk [tilespmem:v44+s15+$0x0], $0xffff;
	v27 =	vmul.f32 v30, v27;
	v50 =	vmul.f32 v63, v48  }
0x142: {  	v42 =	vadd.s32 $0x34F, v42;
	v53 =	vmul.f32 v63, v35;
	v56 =	vmul.f32 v63, v32  }
0x143: {  	v35 =	vmul.f32 v35, v30;
	v32 =	vmul.f32 v30, v32;
	v49 =	vshll.u32 v60, $0x10  }
0x144: {  	v45 =	vld.idx.msk [tilespmem:v54+s15+$0x0], $0xffff;
	v26 =	vand.u32 $0xFFFF0000, v60;
	v55 =	vshll.u32 v31, $0x10;
	v31 =	vand.u32 $0xFFFF0000, v31  }
0x145: {  	v57 =	vshll.u32 v36, $0x10;
	v36 =	vand.u32 $0xFFFF0000, v36;
	v60 =	vmul.f32 v48, v30  }
0x146: {  	v52 =	vld.idx.msk [tilespmem:v62+s15+$0x0], $0xffff;
	v62 =	vshll.u32 v44, $0x10;
	v40 =	vmul.f32 v49, v50;
	v41 =	vmul.f32 v26, v50  }
0x147: {  	v44 =	vand.u32 $0xFFFF0000, v44;
	v46 =	vmul.f32 v55, v53;
	v31 =	vmul.f32 v31, v53  }
0x148: {  	v39 =	vmul.f32 v57, v56;
	v36 =	vmul.f32 v36, v56;
	v26 =	vor.u32 v14, v17  }
0x149: {  	v63 =	vmul.f32 v62, v35;
	v35 =	vmul.f32 v44, v35;
	v50 =	vshll.u32 v45, $0x10  }
0x14a: {  	v43 =	vld.idx.msk [tilespmem:v51+s15+$0x0], $0xffff;
	v45 =	vand.u32 $0xFFFF0000, v45;
	v53 =	vmul.f32 $1.088795470e+01, v22;
	v55 =	vmul.f32 $1.088795470e+01, v23  }
0x14b: {  	v42 =	vld.idx.msk [tilespmem:v42+s15+$0x0], $0xffff;
	v56 =	vmul.f32 $1.088795470e+01, v21;
	v49 =	vor.u32 v4, v24;
	v58 =	vshll.u32 v52, $0x10  }
0x14c: {  	v59 =	vand.u32 $0xFFFF0000, v52;
	v51 =	vmul.f32 v50, v32;
	v32 =	vmul.f32 v45, v32  }
0x14d: {  	v47 =	vmul.f32 v58, v33;
	v54 =	vadd.f32 v46, v40;
	v45 =	vadd.f32 $5.000000000e-01, v53  }
0x14e: {  	v33 =	vmul.f32 v59, v33;
	v40 =	vadd.f32 $5.000000000e-01, v55;
	v57 =	vadd.f32 $5.000000000e-01, v56  }
0x14f: {  	v31 =	vadd.f32 v31, v41;
	v61 =	vshll.u32 v43, $0x10;
	v43 =	vand.u32 $0xFFFF0000, v43  }
0x150: {  	v52 =	vshll.u32 v42, $0x10;
	v58 =	vtrunc.f32 v45;
	v59 =	vtrunc.f32 v40  }
0x151: {  	v42 =	vand.u32 $0xFFFF0000, v42;
	v37 =	vmul.f32 v61, v60;
	v43 =	vmul.f32 v43, v60  }
0x152: {  	v39 =	vadd.f32 v47, v39;
	v44 =	vmul.f32 v52, v27;
	v27 =	vmul.f32 v42, v27  }
0x153: {  	v33 =	vadd.f32 v33, v36;
	v42 =	vcvt.f32.s32 v58;
	v60 =	vtrunc.f32 v57  }
0x154: {  	v47 =	vor.u32 v3, v24;
	v46 =	vcvt.f32.s32 v59;
	v58 =	vcvt.s32.f32 v34  }
0x155: {  	v30 =	vadd.f32 v39, v54;
	v61 =	vcvt.f32.s32 v60;
	v31 =	vadd.f32 v33, v31  }
0x156: {  	v37 =	vadd.f32 v63, v37;
	v29 =	vadd.f32 v44, v51;
	v62 =	vmul.u32 $0xC, v42  }
0x157: {  	v35 =	vadd.f32 v35, v43;
	v27 =	vadd.f32 v27, v32;
	v52 =	vcvt.s32.f32 v42  }
0x158: {  	v63 =	vmul.u32 $0x90, v46;
	v53 =	vcvt.s32.f32 v46;
	v51 =	vcvt.s32.f32 v61  }
0x159: {  	v48 =	vadd.s32 v61, v62;
	v29 =	vadd.f32 v29, v37;
	v27 =	vadd.f32 v27, v35  }
0x15a: {  	v35 =	vadd.f32 $5.000000000e-01, v18;
	v18 =	vtrunc.f32 v28;
	v36 =	vadd.s32 v63, v48  }
0x15b: {  	v18 =	vcvt.f32.s32 v18;
	v29 =	vadd.f32 v29, v30;
	v27 =	vadd.f32 v27, v31  }
0x15c: {  	v50 =	vadd.s32 $0x818, v36;
	v30 =	vsub.f32 v57, v51;
	v31 =	vsub.f32 v45, v52  }
0x15d: {  	v54 =	vadd.s32 $0x819, v36;
	v55 =	vtrunc.f32 v35;
	v57 =	vadd.s32 $0x824, v36  }
0x15e: {  	v59 =	vadd.s32 $0x825, v36;
	v52 =	vadd.s32 $0x8A8, v36;
	v41 =	vcvt.f32.s32 v55  }
0x15f: {  	v60 =	vshll.u32 v18, $0x5;
	[tilespmem:v47+s23+$0x0] =	vst.idx.msk $0xffff, v29;
	v29 =	vsub.f32 v40, v53;
	v37 =	vsub.f32 $1.000000000e+00, v30  }
0x160: {  	v56 =	vsub.f32 $1.000000000e+00, v31;
	v53 =	vadd.s32 $0x8A9, v36;
	[tilespmem:v49+s23+$0x0] =	vst.idx.msk $0xffff, v27;
	v27 =	vsub.f32 v38, v58  }
0x161: {  	[tilespmem:v19+s23+$0x0] =	vst.idx.msk $0xffff, v25;
	v38 =	vcvt.s32.f32 v18;
	v18 =	vadd.s32 v34, v60;
	v19 =	vcvt.s32.f32 v41;
	v33 =	vld.idx.msk [tilespmem:v50+s15+$0x0], $0xffff  }
0x162: {  	v61 =	vsub.f32 $1.000000000e+00, v29;
	v45 =	vmul.f32 v56, v37;
	v39 =	vmul.f32 v56, v30;
	v32 =	vld.idx.msk [tilespmem:v54+s15+$0x0], $0xffff  }
0x163: {  	v37 =	vmul.f32 v31, v37;
	v56 =	vadd.s32 $0x8B4, v36;
	v30 =	vmul.f32 v31, v30;
	v40 =	vld.idx.msk [tilespmem:v57+s15+$0x0], $0xffff  }
0x164: {  	v36 =	vadd.s32 $0x8B5, v36;
	v54 =	vshll.u32 v41, $0xA;
	v63 =	vmul.f32 v61, v45  }
0x165: {  	v42 =	vld.idx.msk [tilespmem:v59+s15+$0x0], $0xffff;
	v19 =	vsub.f32 v35, v19;
	v55 =	vmul.f32 v61, v39;
	v59 =	vmul.f32 v61, v37  }
0x166: {  	v25 =	vsub.f32 $1.000000000e+00, v27;
	v44 =	vmul.f32 v61, v30;
	v39 =	vmul.f32 v39, v29  }
0x167: {  	v37 =	vmul.f32 v29, v37;
	v62 =	vshll.u32 v33, $0x10;
	v33 =	vand.u32 $0xFFFF0000, v33  }
0x168: {  	v46 =	vld.idx.msk [tilespmem:v52+s15+$0x0], $0xffff;
	v57 =	vshll.u32 v32, $0x10;
	v32 =	vand.u32 $0xFFFF0000, v32;
	v60 =	vshll.u32 v40, $0x10  }
0x169: {  	v40 =	vand.u32 $0xFFFF0000, v40;
	v34 =	vmul.f32 v62, v63;
	v33 =	vmul.f32 v33, v63  }
0x16a: {  	v47 =	vld.idx.msk [tilespmem:v53+s15+$0x0], $0xffff;
	v61 =	vshll.u32 v42, $0x10;
	v58 =	vmul.f32 v57, v55;
	v32 =	vmul.f32 v32, v55  }
0x16b: {  	v42 =	vand.u32 $0xFFFF0000, v42;
	v43 =	vmul.f32 v60, v59;
	v40 =	vmul.f32 v40, v59  }
0x16c: {  	v18 =	vadd.s32 v54, v18;
	v62 =	vmul.f32 v61, v44;
	v42 =	vmul.f32 v42, v44  }
0x16d: {  	v48 =	vshll.u32 v46, $0x10;
	v63 =	vmul.f32 v45, v29;
	v55 =	vmul.f32 $1.349157910e+01, v22  }
0x16e: {  	v49 =	vld.idx.msk [tilespmem:v56+s15+$0x0], $0xffff;
	v46 =	vand.u32 $0xFFFF0000, v46;
	v29 =	vmul.f32 v29, v30;
	v57 =	vmul.f32 $1.349157910e+01, v23  }
0x16f: {  	v36 =	vld.idx.msk [tilespmem:v36+s15+$0x0], $0xffff;
	v59 =	vmul.f32 $1.349157910e+01, v21;
	v51 =	vshll.u32 v47, $0x10;
	v47 =	vand.u32 $0xFFFF0000, v47  }
0x170: {  	v45 =	vmul.f32 v48, v63;
	v44 =	vmul.f32 v46, v63;
	v56 =	vadd.f32 v58, v34  }
0x171: {  	v46 =	vmul.f32 v51, v39;
	v58 =	vadd.f32 v62, v43;
	v50 =	vadd.f32 $5.000000000e-01, v55  }
0x172: {  	v39 =	vmul.f32 v47, v39;
	v31 =	vadd.f32 $5.000000000e-01, v57;
	v34 =	vadd.f32 $5.000000000e-01, v59  }
0x173: {  	v32 =	vadd.f32 v32, v33;
	v40 =	vadd.f32 v42, v40;
	v52 =	vshll.u32 v49, $0x10  }
0x174: {  	v53 =	vand.u32 $0xFFFF0000, v49;
	v49 =	vadd.s32 $0xC0C8, v18;
	v54 =	vshll.u32 v36, $0x10  }
0x175: {  	v36 =	vand.u32 $0xFFFF0000, v36;
	v47 =	vmul.f32 v52, v37;
	v37 =	vmul.f32 v53, v37  }
0x176: {  	v48 =	vmul.f32 v54, v29;
	v29 =	vmul.f32 v36, v29;
	v30 =	vadd.f32 v58, v56  }
0x177: {  	v60 =	vtrunc.f32 v50;
	v61 =	vadd.f32 v46, v45;
	v62 =	vtrunc.f32 v31  }
0x178: {  	v39 =	vadd.f32 v39, v44;
	v53 =	vor.u32 v5, v24;
	v54 =	vor.u32 v6, v24  }
0x179: {  	v32 =	vadd.f32 v40, v32;
	v36 =	vcvt.f32.s32 v60;
	v45 =	vcvt.f32.s32 v62  }
0x17a: {  	v63 =	vadd.f32 v48, v47;
	v48 =	vtrunc.f32 v34;
	v29 =	vadd.f32 v29, v37  }
0x17b: {  	v47 =	vcvt.f32.s32 v48;
	v51 =	vmul.u32 $0xF, v36;
	v52 =	vmul.u32 $0xE1, v45  }
0x17c: {  	v59 =	vcvt.s32.f32 v36;
	v60 =	vcvt.s32.f32 v45;
	v43 =	vadd.f32 v63, v61  }
0x17d: {  	[tilespmem:v26+s23+$0x0] =	vst.idx.msk $0xffff, v20;
	v29 =	vadd.f32 v29, v39;
	v33 =	vadd.s32 v47, v51;
	v58 =	vcvt.s32.f32 v47  }
0x17e: {  	v26 =	vsub.f32 v50, v59;
	v42 =	vadd.s32 v52, v33;
	v33 =	vsub.f32 v28, v38  }
0x17f: {  	v35 =	vld.idx.msk [tilespmem:v49+s15+$0x0], $0xffff;
	v51 =	vadd.s32 $0xC0C9, v18;
	v56 =	vadd.f32 v43, v30;
	v57 =	vadd.f32 v29, v32  }
0x180: {  	v28 =	vsub.f32 v31, v60;
	v30 =	vsub.f32 $1.000000000e+00, v19;
	v55 =	vadd.s32 $0x10B0, v42  }
0x181: {  	v20 =	vsub.f32 v34, v58;
	v61 =	vadd.s32 $0x10B1, v42;
	v52 =	vsub.f32 $1.000000000e+00, v26  }
0x182: {  	v58 =	vadd.s32 $0x1191, v42;
	v59 =	vadd.s32 $0x1192, v42;
	[tilespmem:v53+s23+$0x0] =	vst.idx.msk $0xffff, v56;
	v34 =	vsub.f32 $1.000000000e+00, v33  }
0x183: {  	v53 =	vadd.s32 $0x10BF, v42;
	[tilespmem:v54+s23+$0x0] =	vst.idx.msk $0xffff, v57;
	v63 =	vsub.f32 $1.000000000e+00, v20;
	v54 =	vadd.s32 $0x10C0, v42  }
0x184: {  	v43 =	vshll.u32 v35, $0x10;
	v37 =	vmul.f32 v52, v20;
	v32 =	vmul.f32 v34, v25  }
0x185: {  	v20 =	vmul.f32 v26, v20;
	v41 =	vmul.f32 v52, v63;
	v62 =	vld.idx.msk [tilespmem:v55+s15+$0x0], $0xffff;
	v55 =	vsub.f32 $1.000000000e+00, v28  }
0x186: {  	v35 =	vand.u32 $0xFFFF0000, v35;
	v36 =	vmul.f32 v26, v63;
	v44 =	vmul.f32 v30, v32;
	v29 =	vld.idx.msk [tilespmem:v61+s15+$0x0], $0xffff  }
0x187: {  	v52 =	vadd.s32 $0xC0E8, v18;
	v47 =	vld.idx.msk [tilespmem:v58+s15+$0x0], $0xffff;
	v32 =	vmul.f32 v32, v19;
	v57 =	vmul.f32 v55, v41  }
0x188: {  	v61 =	vadd.s32 $0x11A0, v42;
	v60 =	vmul.f32 v55, v37;
	v63 =	vmul.f32 v55, v36  }
0x189: {  	v42 =	vadd.s32 $0x11A1, v42;
	v38 =	vld.idx.msk [tilespmem:v53+s15+$0x0], $0xffff;
	v40 =	vmul.f32 v55, v20;
	v37 =	vmul.f32 v37, v28  }
0x18a: {  	v39 =	vld.idx.msk [tilespmem:v54+s15+$0x0], $0xffff;
	v36 =	vmul.f32 v28, v36;
	v20 =	vmul.f32 v28, v20;
	v56 =	vshll.u32 v62, $0x10  }
0x18b: {  	v31 =	vand.u32 $0xFFFF0000, v62;
	v62 =	vshll.u32 v29, $0x10;
	v29 =	vand.u32 $0xFFFF0000, v29  }
0x18c: {  	v48 =	vld.idx.msk [tilespmem:v59+s15+$0x0], $0xffff;
	v58 =	vshll.u32 v47, $0x10;
	v45 =	vmul.f32 v56, v57;
	v31 =	vmul.f32 v31, v57  }
0x18d: {  	v47 =	vand.u32 $0xFFFF0000, v47;
	v26 =	vmul.f32 v62, v60;
	v29 =	vmul.f32 v29, v60  }
0x18e: {  	v54 =	vshll.u32 v38, $0x10;
	v38 =	vand.u32 $0xFFFF0000, v38;
	v57 =	vmul.f32 v41, v28  }
0x18f: {  	v49 =	vld.idx.msk [tilespmem:v61+s15+$0x0], $0xffff;
	v62 =	vmul.f32 $1.666543200e+01, v22;
	v46 =	vmul.f32 v54, v63;
	v55 =	vshll.u32 v39, $0x10  }
0x190: {  	v42 =	vld.idx.msk [tilespmem:v42+s15+$0x0], $0xffff;
	v38 =	vmul.f32 v38, v63;
	v39 =	vand.u32 $0xFFFF0000, v39;
	v63 =	vmul.f32 $1.666543200e+01, v23  }
0x191: {  	v59 =	vshll.u32 v48, $0x10;
	v56 =	vmul.f32 v55, v40;
	v39 =	vmul.f32 v39, v40  }
0x192: {  	v48 =	vand.u32 $0xFFFF0000, v48;
	v41 =	vmul.f32 v58, v57;
	v40 =	vmul.f32 v47, v57  }
0x193: {  	v53 =	vor.u32 v7, v24;
	v47 =	vmul.f32 v59, v37;
	v37 =	vmul.f32 v48, v37  }
0x194: {  	v51 =	vld.idx.msk [tilespmem:v51+s15+$0x0], $0xffff;
	v26 =	vadd.f32 v26, v45;
	v55 =	vmul.f32 $1.666543200e+01, v21;
	v50 =	vadd.f32 $5.000000000e-01, v62  }
0x195: {  	v60 =	vshll.u32 v49, $0x10;
	v49 =	vand.u32 $0xFFFF0000, v49;
	v61 =	vshll.u32 v42, $0x10  }
0x196: {  	v42 =	vand.u32 $0xFFFF0000, v42;
	v54 =	vadd.f32 v56, v46;
	v45 =	vadd.f32 $5.000000000e-01, v55  }
0x197: {  	v56 =	vtrunc.f32 v50;
	v41 =	vadd.f32 v47, v41;
	v38 =	vadd.f32 v39, v38  }
0x198: {  	v37 =	vadd.f32 v37, v40;
	v48 =	vmul.f32 v60, v36;
	v36 =	vmul.f32 v49, v36  }
0x199: {  	v40 =	vand.u32 $0xFFFF0000, v51;
	v49 =	vmul.f32 v61, v20;
	v20 =	vmul.f32 v42, v20  }
0x19a: {  	v42 =	vadd.f32 $5.000000000e-01, v63;
	v46 =	vcvt.f32.s32 v56;
	v61 =	vadd.f32 v29, v31  }
0x19b: {  	v28 =	vadd.f32 v54, v26;
	v59 =	vtrunc.f32 v45;
	v54 =	vor.u32 v8, v24  }
0x19c: {  	v26 =	vmul.f32 v43, v44;
	v57 =	vtrunc.f32 v42;
	v58 =	vadd.f32 v49, v48  }
0x19d: {  	v62 =	vcvt.f32.s32 v59;
	v63 =	vmul.u32 $0x12, v46;
	v20 =	vadd.f32 v20, v36  }
0x19e: {  	v55 =	vadd.f32 v38, v61;
	v59 =	vshll.u32 v51, $0x10;
	v60 =	vcvt.f32.s32 v57  }
0x19f: {  	v41 =	vadd.f32 v58, v41;
	v37 =	vadd.f32 v20, v37;
	v20 =	vmul.f32 v35, v44  }
0x1a0: {  	v31 =	vadd.s32 v62, v63;
	v29 =	vcvt.s32.f32 v62;
	v58 =	vcvt.s32.f32 v46  }
0x1a1: {  	v48 =	vmul.u32 $0x144, v60;
	v60 =	vcvt.s32.f32 v60;
	v57 =	vadd.f32 v41, v28  }
0x1a2: {  	v28 =	vmul.f32 v34, v27;
	v36 =	vsub.f32 v45, v29;
	v29 =	vmul.f32 v33, v25  }
0x1a3: {  	v33 =	vmul.f32 v33, v27;
	v39 =	vadd.s32 v48, v31;
	v31 =	vadd.f32 v37, v55  }
0x1a4: {  	v37 =	vsub.f32 v50, v58;
	v35 =	vsub.f32 v42, v60;
	v56 =	vadd.s32 $0x20B0, v39  }
0x1a5: {  	v34 =	vld.idx.msk [tilespmem:v52+s15+$0x0], $0xffff;
	v61 =	vadd.s32 $0x20B1, v39;
	v62 =	vmul.f32 v30, v28;
	v63 =	vsub.f32 $1.000000000e+00, v36  }
0x1a6: {  	v55 =	vadd.s32 $0x20C2, v39;
	v48 =	vmul.f32 v30, v29;
	v30 =	vmul.f32 v30, v33  }
0x1a7: {  	[tilespmem:v53+s23+$0x0] =	vst.idx.msk $0xffff, v57;
	v60 =	vadd.s32 $0x21F4, v39;
	v28 =	vmul.f32 v28, v19;
	v29 =	vmul.f32 v19, v29  }
0x1a8: {  	v19 =	vmul.f32 v19, v33;
	[tilespmem:v54+s23+$0x0] =	vst.idx.msk $0xffff, v31;
	v54 =	vsub.f32 $1.000000000e+00, v37;
	v31 =	vmul.f32 v59, v62  }
0x1a9: {  	v25 =	vmul.f32 v40, v62;
	v40 =	vsub.f32 $1.000000000e+00, v35;
	v42 =	vmul.f32 v37, v63;
	v38 =	vld.idx.msk [tilespmem:v56+s15+$0x0], $0xffff  }
0x1aa: {  	v44 =	vmul.f32 v54, v63;
	v47 =	vshll.u32 v34, $0x10;
	v56 =	vadd.s32 $0x20C3, v39;
	v57 =	vld.idx.msk [tilespmem:v61+s15+$0x0], $0xffff  }
0x1ab: {  	v45 =	vmul.f32 v54, v36;
	v52 =	vand.u32 $0xFFFF0000, v34;
	v63 =	vadd.s32 $0x2206, v39  }
0x1ac: {  	v36 =	vmul.f32 v37, v36;
	v54 =	vadd.s32 $0xC0E9, v18;
	v26 =	vadd.f32 v31, v26  }
0x1ad: {  	v20 =	vadd.f32 v25, v20;
	v59 =	vmul.f32 v40, v44;
	v46 =	vld.idx.msk [tilespmem:v55+s15+$0x0], $0xffff;
	v61 =	vadd.s32 $0x21F5, v39  }
0x1ae: {  	v62 =	vmul.f32 v40, v45;
	v50 =	vld.idx.msk [tilespmem:v60+s15+$0x0], $0xffff;
	v39 =	vadd.s32 $0x2207, v39;
	v60 =	vmul.f32 v44, v35  }
0x1af: {  	v45 =	vmul.f32 v45, v35;
	v58 =	vshll.u32 v38, $0x10;
	v41 =	vld.idx.msk [tilespmem:v56+s15+$0x0], $0xffff;
	v56 =	vshll.u32 v57, $0x10  }
0x1b0: {  	v27 =	vand.u32 $0xFFFF0000, v57;
	v57 =	vmul.f32 v40, v42;
	v40 =	vmul.f32 v40, v36  }
0x1b1: {  	v49 =	vld.idx.msk [tilespmem:v63+s15+$0x0], $0xffff;
	v38 =	vand.u32 $0xFFFF0000, v38;
	v42 =	vmul.f32 v35, v42;
	v35 =	vmul.f32 v35, v36  }
0x1b2: {  	v55 =	vadd.s32 $0xC4C8, v18;
	v34 =	vmul.f32 v58, v59;
	v38 =	vmul.f32 v38, v59  }
0x1b3: {  	v51 =	vld.idx.msk [tilespmem:v61+s15+$0x0], $0xffff;
	v61 =	vshll.u32 v50, $0x10;
	v37 =	vmul.f32 v56, v62;
	v27 =	vmul.f32 v27, v62  }
0x1b4: {  	v58 =	vshll.u32 v46, $0x10;
	v46 =	vand.u32 $0xFFFF0000, v46;
	v44 =	vmul.f32 v61, v60  }
0x1b5: {  	v50 =	vand.u32 $0xFFFF0000, v50;
	v43 =	vmul.f32 v58, v57;
	v46 =	vmul.f32 v46, v57  }
0x1b6: {  	v39 =	vld.idx.msk [tilespmem:v39+s15+$0x0], $0xffff;
	v58 =	vmul.f32 $2.053440280e+01, v22;
	v63 =	vshll.u32 v49, $0x10;
	v49 =	vand.u32 $0xFFFF0000, v49  }
0x1b7: {  	v34 =	vadd.f32 v37, v34;
	v27 =	vadd.f32 v27, v38;
	v59 =	vshll.u32 v41, $0x10  }
0x1b8: {  	v41 =	vand.u32 $0xFFFF0000, v41;
	v62 =	vshll.u32 v51, $0x10;
	v53 =	vmul.f32 v59, v40  }
0x1b9: {  	v51 =	vand.u32 $0xFFFF0000, v51;
	v40 =	vmul.f32 v41, v40;
	v41 =	vmul.f32 v50, v60  }
0x1ba: {  	v36 =	vadd.f32 $5.000000000e-01, v58;
	v50 =	vmul.f32 v62, v45;
	v45 =	vmul.f32 v51, v45  }
0x1bb: {  	v57 =	vshll.u32 v39, $0x10;
	v51 =	vmul.f32 v63, v42;
	v42 =	vmul.f32 v49, v42  }
0x1bc: {  	v58 =	vld.idx.msk [tilespmem:v54+s15+$0x0], $0xffff;
	v39 =	vand.u32 $0xFFFF0000, v39;
	v59 =	vmul.f32 $2.053440280e+01, v23;
	v60 =	vmul.f32 $2.053440280e+01, v21  }
0x1bd: {  	v49 =	vmul.f32 v57, v35;
	v35 =	vmul.f32 v39, v35;
	v43 =	vadd.f32 v53, v43  }
0x1be: {  	v61 =	vtrunc.f32 v36;
	v37 =	vadd.f32 $5.000000000e-01, v59;
	v44 =	vadd.f32 v50, v44  }
0x1bf: {  	v50 =	vcvt.f32.s32 v61;
	v49 =	vadd.f32 v49, v51;
	v40 =	vadd.f32 v40, v46  }
0x1c0: {  	v41 =	vadd.f32 v45, v41;
	v35 =	vadd.f32 v35, v42;
	v61 =	vor.u32 v10, v24  }
0x1c1: {  	v51 =	vand.u32 $0xFFFF0000, v58;
	v39 =	vadd.f32 v43, v34;
	v43 =	vadd.f32 $5.000000000e-01, v60  }
0x1c2: {  	v62 =	vtrunc.f32 v37;
	v57 =	vmul.u32 $0x16, v50;
	v60 =	vor.u32 v9, v24  }
0x1c3: {  	v44 =	vadd.f32 v49, v44;
	v40 =	vadd.f32 v40, v27;
	v49 =	vcvt.s32.f32 v50  }
0x1c4: {  	v35 =	vadd.f32 v35, v41;
	v53 =	vcvt.f32.s32 v62;
	v63 =	vtrunc.f32 v43  }
0x1c5: {  	v27 =	vmul.f32 v52, v48;
	v39 =	vadd.f32 v44, v39;
	v56 =	vcvt.f32.s32 v63  }
0x1c6: {  	v35 =	vadd.f32 v35, v40;
	v36 =	vsub.f32 v36, v49;
	v59 =	vmul.u32 $0x1E4, v53  }
0x1c7: {  	v63 =	vshll.u32 v58, $0x10;
	v52 =	vcvt.s32.f32 v53;
	v34 =	vadd.s32 v56, v57  }
0x1c8: {  	v38 =	vcvt.s32.f32 v56;
	v45 =	vadd.s32 v59, v34;
	v34 =	vmul.f32 v47, v48;
	v48 =	vld.idx.msk [tilespmem:v55+s15+$0x0], $0xffff  }
0x1c9: {  	v44 =	vmul.f32 v63, v30;
	v30 =	vmul.f32 v51, v30;
	v58 =	vsub.f32 $1.000000000e+00, v36;
	[tilespmem:v60+s23+$0x0] =	vst.idx.msk $0xffff, v39  }
0x1ca: {  	[tilespmem:v61+s23+$0x0] =	vst.idx.msk $0xffff, v35;
	v35 =	vsub.f32 v37, v52;
	v62 =	vadd.s32 $0x3B80, v45;
	v38 =	vsub.f32 v43, v38  }
0x1cb: {  	v27 =	vadd.f32 v30, v27;
	v50 =	vadd.s32 $0x3B81, v45;
	v54 =	vadd.s32 $0x3B96, v45  }
0x1cc: {  	v60 =	vadd.s32 $0x3B97, v45;
	v63 =	vadd.s32 $0x3D65, v45;
	v56 =	vsub.f32 $1.000000000e+00, v38  }
0x1cd: {  	v43 =	vmul.f32 v58, v38;
	v55 =	vshll.u32 v48, $0x10;
	v59 =	vand.u32 $0xFFFF0000, v48  }
0x1ce: {  	v48 =	vsub.f32 $1.000000000e+00, v35;
	v49 =	vmul.f32 v58, v56;
	v42 =	vmul.f32 v36, v56  }
0x1cf: {  	v20 =	vadd.f32 v27, v20;
	v36 =	vmul.f32 v36, v38;
	v53 =	vld.idx.msk [tilespmem:v62+s15+$0x0], $0xffff;
	v37 =	vmul.f32 v55, v32  }
0x1d0: {  	v58 =	vadd.s32 $0x3D7A, v45;
	v40 =	vld.idx.msk [tilespmem:v50+s15+$0x0], $0xffff;
	v32 =	vmul.f32 v59, v32;
	v62 =	vmul.f32 v48, v49  }
0x1d1: {  	v56 =	vor.u32 v11, v24;
	v47 =	vld.idx.msk [tilespmem:v60+s15+$0x0], $0xffff;
	v57 =	vmul.f32 v48, v43;
	v60 =	vmul.f32 v48, v42  }
0x1d2: {  	v50 =	vadd.s32 $0x3D64, v45;
	v48 =	vmul.f32 v48, v36;
	v49 =	vmul.f32 v49, v35  }
0x1d3: {  	v41 =	vld.idx.msk [tilespmem:v54+s15+$0x0], $0xffff;
	v45 =	vadd.s32 $0x3D7B, v45;
	v43 =	vmul.f32 v43, v35;
	v42 =	vmul.f32 v35, v42  }
0x1d4: {  	v35 =	vmul.f32 v35, v36;
	v61 =	vshll.u32 v53, $0x10;
	v39 =	vand.u32 $0xFFFF0000, v53  }
0x1d5: {  	v59 =	vshll.u32 v40, $0x10;
	v40 =	vand.u32 $0xFFFF0000, v40;
	v46 =	vmul.f32 v61, v62  }
0x1d6: {  	v52 =	vld.idx.msk [tilespmem:v63+s15+$0x0], $0xffff;
	v63 =	vshll.u32 v47, $0x10;
	v39 =	vmul.f32 v39, v62;
	v51 =	vmul.f32 v59, v57  }
0x1d7: {  	v50 =	vld.idx.msk [tilespmem:v50+s15+$0x0], $0xffff;
	v47 =	vand.u32 $0xFFFF0000, v47;
	v40 =	vmul.f32 v40, v57;
	v54 =	vmul.f32 v63, v48  }
0x1d8: {  	v45 =	vld.idx.msk [tilespmem:v45+s15+$0x0], $0xffff;
	v61 =	vshll.u32 v41, $0x10;
	v47 =	vmul.f32 v47, v48;
	v63 =	vmul.f32 $2.525073050e+01, v23  }
0x1d9: {  	v41 =	vand.u32 $0xFFFF0000, v41;
	v23 =	vmul.f32 $3.100000000e+01, v23;
	v38 =	vmul.f32 v61, v60  }
0x1da: {  	v62 =	vld.idx.msk [tilespmem:v58+s15+$0x0], $0xffff;
	v41 =	vmul.f32 v41, v60;
	v46 =	vadd.f32 v51, v46;
	v51 =	vadd.f32 $5.000000000e-01, v63  }
0x1db: {  	v58 =	vshll.u32 v52, $0x10;
	v39 =	vadd.f32 v40, v39;
	v23 =	vadd.f32 $5.000000000e-01, v23  }
0x1dc: {  	v52 =	vand.u32 $0xFFFF0000, v52;
	v38 =	vadd.f32 v54, v38;
	v41 =	vadd.f32 v47, v41  }
0x1dd: {  	v57 =	vshll.u32 v50, $0x10;
	v50 =	vand.u32 $0xFFFF0000, v50;
	v61 =	vshll.u32 v45, $0x10  }
0x1de: {  	v45 =	vand.u32 $0xFFFF0000, v45;
	v48 =	vmul.f32 v57, v49;
	v49 =	vmul.f32 v50, v49  }
0x1df: {  	v50 =	vmul.f32 v58, v43;
	v59 =	vshll.u32 v62, $0x10;
	v43 =	vmul.f32 v52, v43  }
0x1e0: {  	v60 =	vand.u32 $0xFFFF0000, v62;
	v62 =	vmul.f32 $2.525073050e+01, v22;
	v36 =	vmul.f32 v61, v35  }
0x1e1: {  	v57 =	vmul.f32 $2.525073050e+01, v21;
	v35 =	vmul.f32 v45, v35;
	v58 =	vadd.s32 $0xC4C9, v18  }
0x1e2: {  	v38 =	vadd.f32 v38, v46;
	v21 =	vmul.f32 $3.100000000e+01, v21;
	v22 =	vmul.f32 $3.100000000e+01, v22  }
0x1e3: {  	v39 =	vadd.f32 v41, v39;
	v53 =	vmul.f32 v59, v42;
	v42 =	vmul.f32 v60, v42  }
0x1e4: {  	v60 =	vtrunc.f32 v51;
	v52 =	vadd.f32 $5.000000000e-01, v62;
	v46 =	vadd.f32 $5.000000000e-01, v57  }
0x1e5: {  	v48 =	vadd.f32 v50, v48;
	v54 =	vcvt.f32.s32 v60;
	v43 =	vadd.f32 v43, v49  }
0x1e6: {  	v21 =	vadd.f32 $5.000000000e-01, v21;
	v36 =	vadd.f32 v36, v53;
	v59 =	vtrunc.f32 v52  }
0x1e7: {  	v35 =	vadd.f32 v35, v42;
	v61 =	vtrunc.f32 v46;
	v50 =	vcvt.f32.s32 v59  }
0x1e8: {  	v22 =	vadd.f32 $5.000000000e-01, v22;
	v62 =	vcvt.f32.s32 v61;
	v45 =	vld.idx.msk [tilespmem:v58+s15+$0x0], $0xffff;
	v36 =	vadd.f32 v36, v48  }
0x1e9: {  	v55 =	vmul.u32 $0x2D9, v54;
	v35 =	vadd.f32 v35, v43;
	v63 =	vmul.u32 $0x1B, v50  }
0x1ea: {  	v58 =	vor.u32 v12, v24;
	v36 =	vadd.f32 v36, v38;
	v60 =	vcvt.s32.f32 v62  }
0x1eb: {  	v61 =	vcvt.s32.f32 v50;
	v35 =	vadd.f32 v35, v39;
	v57 =	vadd.s32 v62, v63  }
0x1ec: {  	v63 =	vcvt.s32.f32 v54;
	[tilespmem:v56+s23+$0x0] =	vst.idx.msk $0xffff, v36;
	v36 =	vsub.f32 v46, v60;
	v47 =	vadd.s32 v55, v57  }
0x1ed: {  	v38 =	vsub.f32 v52, v61;
	v62 =	vshll.u32 v45, $0x10;
	v59 =	vadd.s32 $0x6B08, v47  }
0x1ee: {  	v50 =	vand.u32 $0xFFFF0000, v45;
	v55 =	vadd.f32 v44, v34;
	v49 =	vadd.s32 $0x6B09, v47  }
0x1ef: {  	[tilespmem:v58+s23+$0x0] =	vst.idx.msk $0xffff, v35;
	v35 =	vsub.f32 v51, v63;
	v52 =	vsub.f32 $1.000000000e+00, v36;
	v54 =	vadd.s32 $0x6B23, v47  }
0x1f0: {  	v53 =	vsub.f32 $1.000000000e+00, v38;
	v43 =	vmul.f32 v62, v28;
	v28 =	vmul.f32 v50, v28  }
0x1f1: {  	v57 =	vadd.s32 $0x6B24, v47;
	v61 =	vadd.s32 $0x6DE2, v47;
	v63 =	vadd.s32 $0x6DFC, v47  }
0x1f2: {  	v34 =	vsub.f32 $1.000000000e+00, v35;
	v42 =	vmul.f32 v53, v52;
	v45 =	vmul.f32 v53, v36;
	v41 =	vld.idx.msk [tilespmem:v59+s15+$0x0], $0xffff  }
0x1f3: {  	v26 =	vadd.f32 v55, v26;
	v39 =	vmul.f32 v38, v52;
	v36 =	vmul.f32 v38, v36;
	v56 =	vld.idx.msk [tilespmem:v49+s15+$0x0], $0xffff  }
0x1f4: {  	v37 =	vadd.f32 v43, v37;
	v58 =	vmul.f32 v34, v42;
	v62 =	vmul.f32 v34, v45;
	v46 =	vld.idx.msk [tilespmem:v54+s15+$0x0], $0xffff  }
0x1f5: {  	v28 =	vadd.f32 v28, v32;
	v42 =	vmul.f32 v42, v35;
	v45 =	vmul.f32 v45, v35  }
0x1f6: {  	v59 =	vadd.s32 $0x6DE1, v47;
	v40 =	vld.idx.msk [tilespmem:v57+s15+$0x0], $0xffff;
	v54 =	vmul.f32 v34, v39;
	v34 =	vmul.f32 v34, v36  }
0x1f7: {  	v47 =	vadd.s32 $0x6DFD, v47;
	v39 =	vmul.f32 v35, v39;
	v35 =	vmul.f32 v35, v36  }
0x1f8: {  	v48 =	vld.idx.msk [tilespmem:v61+s15+$0x0], $0xffff;
	v60 =	vshll.u32 v41, $0x10;
	v41 =	vand.u32 $0xFFFF0000, v41;
	v53 =	vshll.u32 v56, $0x10  }
0x1f9: {  	v33 =	vand.u32 $0xFFFF0000, v56;
	v55 =	vshll.u32 v46, $0x10;
	v56 =	vadd.s32 $0xC4E8, v18  }
0x1fa: {  	v50 =	vld.idx.msk [tilespmem:v63+s15+$0x0], $0xffff;
	v46 =	vand.u32 $0xFFFF0000, v46;
	v18 =	vadd.s32 $0xC4E9, v18;
	v43 =	vmul.f32 v60, v58  }
0x1fb: {  	v57 =	vshll.u32 v40, $0x10;
	v31 =	vmul.f32 v41, v58;
	v41 =	vmul.f32 v53, v62  }
0x1fc: {  	v40 =	vand.u32 $0xFFFF0000, v40;
	v33 =	vmul.f32 v33, v62;
	v49 =	vmul.f32 v55, v54  }
0x1fd: {  	v44 =	vld.idx.msk [tilespmem:v59+s15+$0x0], $0xffff;
	v59 =	vshll.u32 v48, $0x10;
	v46 =	vmul.f32 v46, v54;
	v51 =	vmul.f32 v57, v34  }
0x1fe: {  	v48 =	vand.u32 $0xFFFF0000, v48;
	v34 =	vmul.f32 v40, v34;
	v60 =	vmul.f32 v59, v45  }
0x1ff: {  	v47 =	vld.idx.msk [tilespmem:v47+s15+$0x0], $0xffff;
	v61 =	vshll.u32 v50, $0x10;
	v45 =	vmul.f32 v48, v45;
	v54 =	vtrunc.f32 v21  }
0x200: {  	v48 =	vand.u32 $0xFFFF0000, v50;
	v55 =	vtrunc.f32 v22;
	v57 =	vtrunc.f32 v23  }
0x201: {  	v59 =	vcvt.f32.s32 v57;
	v41 =	vadd.f32 v41, v43;
	v62 =	vadd.f32 v51, v49  }
0x202: {  	v43 =	vmul.f32 v61, v39;
	v39 =	vmul.f32 v48, v39;
	v31 =	vadd.f32 v33, v31  }
0x203: {  	v53 =	vadd.f32 v34, v46;
	v61 =	vor.u32 v13, v24;
	v46 =	vshll.u32 v59, $0xA  }
0x204: {  	v58 =	vshll.u32 v44, $0x10;
	v44 =	vand.u32 $0xFFFF0000, v44;
	v63 =	vshll.u32 v47, $0x10  }
0x205: {  	v36 =	vld.idx.msk [tilespmem:v56+s15+$0x0], $0xffff;
	v51 =	vand.u32 $0xFFFF0000, v47;
	v56 =	vcvt.f32.s32 v55;
	v47 =	vcvt.s32.f32 v59  }
0x206: {  	v41 =	vadd.f32 v62, v41;
	v40 =	vmul.f32 v58, v42;
	v42 =	vmul.f32 v44, v42  }
0x207: {  	v18 =	vld.idx.msk [tilespmem:v18+s15+$0x0], $0xffff;
	v31 =	vadd.f32 v53, v31;
	v49 =	vmul.f32 v63, v35;
	v35 =	vmul.f32 v51, v35  }
0x208: {  	v58 =	vcvt.f32.s32 v54;
	v23 =	vsub.f32 v23, v47;
	v38 =	vadd.f32 v60, v40  }
0x209: {  	v62 =	vor.u32 v14, v24;
	v49 =	vadd.f32 v49, v43;
	v42 =	vadd.f32 v45, v42  }
0x20a: {  	v35 =	vadd.f32 v35, v39;
	v60 =	vshll.u32 v56, $0x5;
	v33 =	vcvt.s32.f32 v58  }
0x20b: {  	v39 =	vadd.s32 v58, v60;
	v54 =	vsub.f32 $1.000000000e+00, v23;
	v50 =	vshll.u32 v36, $0x10  }
0x20c: {  	v52 =	vshll.u32 v18, $0x10;
	v38 =	vadd.f32 v49, v38;
	v39 =	vadd.s32 v46, v39  }
0x20d: {  	v36 =	vand.u32 $0xFFFF0000, v36;
	v35 =	vadd.f32 v35, v42;
	v18 =	vand.u32 $0xFFFF0000, v18  }
0x20e: {  	v43 =	vmul.f32 v50, v29;
	v44 =	vmul.f32 v52, v19;
	v63 =	vadd.s32 $0xC0C8, v39  }
0x20f: {  	v48 =	vadd.s32 $0xC0C9, v39;
	v52 =	vadd.s32 $0xC0E8, v39;
	v38 =	vadd.f32 v38, v41  }
0x210: {  	v31 =	vadd.f32 v35, v31;
	v43 =	vadd.f32 v44, v43;
	v44 =	vcvt.s32.f32 v56  }
0x211: {  	v29 =	vmul.f32 v36, v29;
	v18 =	vmul.f32 v18, v19;
	v60 =	vadd.s32 $0xC4C9, v39;
	[tilespmem:v61+s23+$0x0] =	vst.idx.msk $0xffff, v38  }
0x212: {  	v21 =	vsub.f32 v21, v33;
	[tilespmem:v62+s23+$0x0] =	vst.idx.msk $0xffff, v31;
	v22 =	vsub.f32 v22, v44  }
0x213: {  	v53 =	vadd.s32 $0xC0E9, v39;
	v59 =	vadd.s32 $0xC4C8, v39;
	v18 =	vadd.f32 v18, v29;
	v49 =	vld.idx.msk [tilespmem:v63+s15+$0x0], $0xffff  }
0x214: {  	v45 =	vadd.s32 $0xC4E9, v39;
	v50 =	vsub.f32 $1.000000000e+00, v21;
	v56 =	vld.idx.msk [tilespmem:v48+s15+$0x0], $0xffff;
	v51 =	vsub.f32 $1.000000000e+00, v22  }
0x215: {  	v36 =	vadd.f32 v43, v37;
	v18 =	vadd.f32 v18, v28;
	v34 =	vld.idx.msk [tilespmem:v52+s15+$0x0], $0xffff;
	v63 =	vadd.s32 $0xC4E8, v39  }
0x216: {  	v37 =	vld.idx.msk [tilespmem:v60+s15+$0x0], $0xffff;
	v60 =	vor.u32 v15, v17;
	v30 =	vmul.f32 v22, v50;
	v55 =	vmul.f32 v51, v50  }
0x217: {  	v19 =	vadd.f32 v36, v26;
	v33 =	vmul.f32 v51, v21;
	v21 =	vmul.f32 v22, v21  }
0x218: {  	v18 =	vadd.f32 v18, v20;
	v46 =	vmul.f32 v54, v30;
	v30 =	vmul.f32 v23, v30  }
0x219: {  	v26 =	vld.idx.msk [tilespmem:v53+s15+$0x0], $0xffff;
	v57 =	vshll.u32 v49, $0x10;
	v58 =	vmul.f32 v54, v55;
	v25 =	vand.u32 $0xFFFF0000, v49  }
0x21a: {  	v62 =	vmul.f32 v54, v33;
	v44 =	vshll.u32 v56, $0x10;
	v29 =	vand.u32 $0xFFFF0000, v56  }
0x21b: {  	v36 =	vld.idx.msk [tilespmem:v59+s15+$0x0], $0xffff;
	v47 =	vshll.u32 v34, $0x10;
	v27 =	vmul.f32 v54, v21;
	v34 =	vand.u32 $0xFFFF0000, v34  }
0x21c: {  	v51 =	vmul.f32 v55, v23;
	v33 =	vmul.f32 v33, v23;
	v54 =	vshll.u32 v37, $0x10  }
0x21d: {  	v22 =	vld.idx.msk [tilespmem:v45+s15+$0x0], $0xffff;
	v55 =	vand.u32 $0xFFFF0000, v37;
	v21 =	vmul.f32 v23, v21;
	v31 =	vmul.f32 v47, v46  }
0x21e: {  	v48 =	vshll.u32 v26, $0x10;
	v34 =	vmul.f32 v34, v46;
	v61 =	vmul.f32 v57, v58  }
0x21f: {  	v32 =	vld.idx.msk [tilespmem:v63+s15+$0x0], $0xffff;
	v26 =	vand.u32 $0xFFFF0000, v26;
	v25 =	vmul.f32 v25, v58;
	v38 =	vmul.f32 v44, v62  }
0x220: {  	v52 =	vshll.u32 v36, $0x10;
	v29 =	vmul.f32 v29, v62;
	v49 =	vmul.f32 v48, v27  }
0x221: {  	v53 =	vand.u32 $0xFFFF0000, v36;
	v50 =	vmul.f32 v26, v27;
	v27 =	vmul.f32 v52, v51  }
0x222: {  	v26 =	vmul.f32 v53, v51;
	v35 =	vmul.f32 v54, v33;
	v59 =	vshll.u32 v22, $0x10  }
0x223: {  	v33 =	vmul.f32 v55, v33;
	v22 =	vand.u32 $0xFFFF0000, v22;
	v36 =	vmul.f32 v59, v21  }
0x224: {  	v28 =	vadd.f32 v38, v61;
	v31 =	vadd.f32 v49, v31;
	v56 =	vshll.u32 v32, $0x10  }
0x225: {  	v21 =	vmul.f32 v22, v21;
	v57 =	vand.u32 $0xFFFF0000, v32;
	v58 =	vmul.f32 v56, v30  }
0x226: {  	v61 =	vadd.f32 v35, v27;
	v25 =	vadd.f32 v29, v25;
	v23 =	vmul.f32 v57, v30  }
0x227: {  	v17 =	vor.u32 v16, v17;
	v20 =	vadd.f32 v50, v34;
	v62 =	vadd.f32 v36, v58  }
0x228: {  	s2 =	sadd.s32 $0x2, s2;
	v63 =	vor.u32 v15, v24;
	v26 =	vadd.f32 v33, v26;
	v21 =	vadd.f32 v21, v23  }
0x229: {  	p0 =	slt.u32 s2, $0x1E;
	v24 =	vor.u32 v16, v24;
	v28 =	vadd.f32 v31, v28;
	v22 =	vadd.f32 v62, v61  }
.Ltmp0:
0x22a: {  	v20 =	vadd.f32 v20, v25;
	v21 =	vadd.f32 v21, v26;
	(pc) =	sbr.rel @p0 .LBB2_3-.Ltmp0, $4  }
0x22b: {  	[tilespmem:v60+s23+$0x0] =	vst.idx.msk $0xffff, v19;
	v19 =	vadd.f32 v22, v28  }
0x22c: {  	[tilespmem:v17+s23+$0x0] =	vst.idx.msk $0xffff, v18;
	v17 =	vadd.f32 v21, v20  }
0x22d: {  	s17 =	sadd.s32 $0x20, s17;
	[tilespmem:v63+s23+$0x0] =	vst.idx.msk $0xffff, v19  }
0x22e: {  	s8 =	sadd.s32 $0x20, s8;
	s6 =	sadd.s32 $0x20, s6;
	s16 =	sadd.s32 $0x20, s16;
	[tilespmem:v24+s23+$0x0] =	vst.idx.msk $0xffff, v17  }
0x22f: {  	s2 =	sshll.u32 s30, $0xB  }
0x230: {  	s2 =	sadd.s32 s2, s11  }
0x231: {  	[hbm4b:s2+s3] =	stream.linear.scatter [tilespmem:s23], [sflag:$0x3], $0x2000, $0x38;
	[tilespmem:$0x19980] =	vst v63  }
0x232: {  	_ =	swait.ge [sflag:s24], $0x200  }
0x233: {  	[sflag:s24] =	ssyncset.done $0x0  }
0x234: {  	[sflag:s24] =	ssyncadd.s32 $0xFFFFFE00  }
0x235: {  	_ =	swait.ge [sflag:s24], $0x200  }
0x236: {  	[sflag:s24] =	ssyncset.done $0x0  }
0x237: {  	p0 =	seq.s32 s30, $0xF;
	[sflag:s24] =	ssyncadd.s32 $0xFFFFFE00  }
0x238: {  	s0 =	sadd.s32 @!p0 s0, s12;
	_ =	swait.ge [sflag:s24], $0x200  }
0x239: {  	s0 =	sshrl.u32 @!p0 s0, $0x3;
	[sflag:s24] =	ssyncset.done $0x0  }
0x23a: {  	s6 =	simm.s32 @!p0 $0x0;
	s2 =	sadd.s32 @!p0 s4, s0;
	[sflag:s24] =	ssyncadd.s32 $0xFFFFFE00  }
0x23b: {  	[tilespmem:s6], [sflag:$0x1] =	stream.linear.gather @!p0 [hbm4b:s2+s6], $0x200, $0x38;
	[tilespmem:$0x19980] =	vst v63  }
0x23c: {  	s8 =	simm.s32 @!p0 $0x200;
	s2 =	sadd.s32 @!p0 s5, s0  }
0x23d: {  	[tilespmem:s8], [sflag:$0x1] =	stream.linear.gather @!p0 [hbm4b:s2+s6], $0x200, $0x38;
	[tilespmem:$0x19980] =	vst v63  }
0x23e: {  	p1 =	seq.s32 @!p0 s30, $0x0;
	s0 =	sadd.s32 @!p0 s1, s0;
	s2 =	simm.s32 @!p0 $0x400  }
0x23f: {  	[tilespmem:s2], [sflag:$0x1] =	stream.linear.gather @!p0 [hbm4b:s0+s6], $0x200, $0x38;
	[tilespmem:$0x19980] =	vst v63  }
0x240: {  	p0 =	por p0, !p1  }
0x241: {  	s16 =	simm.s32 $0x810;
	_ =	swait.ge @p0 [sflag:s28], $0x2000  }
0x242: {  	s8 =	simm.s32 $0x10;
	s0 =	simm.s32 $0xFFFFFFFE;
	[sflag:s28] =	ssyncset.done @p0 $0x0  }
0x243: {  	s2 =	simm.s32 $0x610;
	s6 =	simm.s32 $0xA10;
	[sflag:s28] =	ssyncadd.s32 @p0 $0xFFFFE000  }
.LBB2_5:
0x244: {  	v20 =	vld [tilespmem:s2+$0xFFFFFFF0]  }
0x245: {  	v19 =	vld [tilespmem:s16+$0xFFFFFFF0]  }
0x246: {  	v18 =	vld [tilespmem:s6+$0xFFFFFFF0];
	_ =	sdelay $0x3  }
0x247: {  	v17 =	vmul.f32 $7.000000000e+00, v20  }
0x248: {  	v21 =	vmul.f32 $7.000000000e+00, v19;
	v22 =	vmul.f32 $7.000000000e+00, v18  }
0x249: {  	v17 =	vadd.f32 $5.000000000e-01, v17  }
0x24a: {  	v21 =	vadd.f32 $5.000000000e-01, v21;
	v22 =	vadd.f32 $5.000000000e-01, v22  }
0x24b: {  	v23 =	vtrunc.f32 v17  }
0x24c: {  	v24 =	vtrunc.f32 v21;
	v25 =	vtrunc.f32 v22  }
0x24d: {  	v24 =	vcvt.f32.s32 v24;
	v25 =	vcvt.f32.s32 v25  }
0x24e: {  	v23 =	vcvt.f32.s32 v23  }
0x24f: {  	v26 =	vshll.u32 v24, $0x3;
	v27 =	vshll.u32 v25, $0x6  }
0x250: {  	v24 =	vcvt.s32.f32 v24;
	v26 =	vadd.s32 v23, v26;
	v23 =	vcvt.s32.f32 v23  }
0x251: {  	v25 =	vcvt.s32.f32 v25;
	v26 =	vadd.s32 v27, v26  }
0x252: {  	s9 =	sadd.s32 $0xFFFFFFF0, s8;
	v21 =	vsub.f32 v21, v24;
	v27 =	vadd.s32 $0x1, v26;
	v17 =	vsub.f32 v17, v23  }
0x253: {  	v33 =	vmov s9;
	v22 =	vsub.f32 v22, v25;
	v43 =	vadd.s32 $0x8, v26  }
0x254: {  	v31 =	vadd.s32 $0x9, v26;
	v28 =	vsub.f32 $1.000000000e+00, v21;
	v44 =	vsub.f32 $1.000000000e+00, v17  }
0x255: {  	v56 =	vmul.f32 $8.752109530e+00, v19;
	v58 =	vmul.f32 $8.752109530e+00, v18;
	v32 =	vadd.s32 $0x40, v26  }
0x256: {  	v59 =	vmul.f32 $8.752109530e+00, v20;
	v29 =	vsub.f32 $1.000000000e+00, v22;
	v42 =	vld.idx.msk [tilespmem:v26+s15+$0x0], $0xffff;
	v30 =	vmul.f32 v28, v44  }
0x257: {  	v36 =	vadd.s32 $0x41, v26;
	v28 =	vmul.f32 v28, v17;
	v25 =	vmul.f32 v21, v44;
	v27 =	vld.idx.msk [tilespmem:v27+s15+$0x0], $0xffff  }
0x258: {  	v33 =	vshll.u32 v33, $0x4;
	v17 =	vmul.f32 v21, v17;
	v24 =	vld.idx.msk [tilespmem:v43+s15+$0x0], $0xffff;
	v35 =	vmul.f32 v29, v30  }
0x259: {  	v37 =	vadd.s32 $0x48, v26;
	v31 =	vld.idx.msk [tilespmem:v31+s15+$0x0], $0xffff;
	v38 =	vmul.f32 v29, v28;
	v39 =	vmul.f32 v29, v25  }
0x25a: {  	v60 =	vadd.f32 $5.000000000e-01, v58;
	v32 =	vld.idx.msk [tilespmem:v32+s15+$0x0], $0xffff;
	v29 =	vmul.f32 v29, v17;
	v30 =	vmul.f32 v30, v22  }
0x25b: {  	v26 =	vadd.s32 $0x49, v26;
	v28 =	vmul.f32 v28, v22;
	v25 =	vmul.f32 v22, v25  }
0x25c: {  	v36 =	vld.idx.msk [tilespmem:v36+s15+$0x0], $0xffff;
	v17 =	vmul.f32 v22, v17;
	v34 =	vshll.u32 v42, $0x10;
	v23 =	vand.u32 $0xFFFF0000, v42  }
0x25d: {  	v34 =	vmul.f32 v34, v35;
	v23 =	vmul.f32 v23, v35;
	v45 =	vshll.u32 v27, $0x10  }
0x25e: {  	v37 =	vld.idx.msk [tilespmem:v37+s15+$0x0], $0xffff;
	v27 =	vand.u32 $0xFFFF0000, v27;
	v40 =	vshll.u32 v24, $0x10;
	v24 =	vand.u32 $0xFFFF0000, v24  }
0x25f: {  	v48 =	vshll.u32 v31, $0x10;
	v31 =	vand.u32 $0xFFFF0000, v31;
	v49 =	vshll.u32 v32, $0x10  }
0x260: {  	v32 =	vand.u32 $0xFFFF0000, v32;
	v35 =	vmul.f32 v45, v38;
	v46 =	vmul.f32 v27, v38  }
0x261: {  	v50 =	vshll.u32 v36, $0x10;
	v47 =	vmul.f32 v40, v39;
	v24 =	vmul.f32 v24, v39  }
0x262: {  	v26 =	vld.idx.msk [tilespmem:v26+s15+$0x0], $0xffff;
	v36 =	vand.u32 $0xFFFF0000, v36;
	v38 =	vmul.f32 v48, v29;
	v29 =	vmul.f32 v31, v29  }
0x263: {  	v51 =	vshll.u32 v37, $0x10;
	v31 =	vmul.f32 v49, v30;
	v30 =	vmul.f32 v32, v30  }
0x264: {  	v52 =	vand.u32 $0xFFFF0000, v37;
	v32 =	vmul.f32 v50, v28;
	v28 =	vmul.f32 v36, v28  }
0x265: {  	v53 =	vmul.f32 v51, v25;
	v55 =	vadd.f32 v35, v34;
	v27 =	vadd.f32 v38, v47  }
0x266: {  	v25 =	vmul.f32 v52, v25;
	v34 =	vadd.f32 $5.000000000e-01, v56;
	v31 =	vadd.f32 v32, v31  }
0x267: {  	v21 =	vadd.f32 v46, v23;
	v24 =	vadd.f32 v29, v24;
	v54 =	vshll.u32 v26, $0x10  }
0x268: {  	v26 =	vand.u32 $0xFFFF0000, v26;
	v57 =	vmul.f32 v54, v17;
	v22 =	vadd.f32 v27, v55  }
0x269: {  	v26 =	vmul.f32 v26, v17;
	v27 =	vadd.f32 $5.000000000e-01, v59;
	v17 =	vtrunc.f32 v34  }
0x26a: {  	v28 =	vadd.f32 v28, v30;
	v21 =	vadd.f32 v24, v21;
	v61 =	vcvt.f32.s32 v17  }
0x26b: {  	v17 =	vtrunc.f32 v60;
	v35 =	vadd.f32 v57, v53;
	v62 =	vtrunc.f32 v27  }
0x26c: {  	v63 =	vcvt.f32.s32 v17;
	v17 =	vor.u32 v1, v33;
	v25 =	vadd.f32 v26, v25  }
0x26d: {  	v29 =	vcvt.f32.s32 v62;
	v40 =	vmul.u32 $0xA, v61;
	v17 =	vand.u32 $0x1E80, v17  }
0x26e: {  	v23 =	vcvt.s32.f32 v61;
	v41 =	vmul.u32 $0x64, v63;
	v42 =	vor.u32 v0, v17  }
0x26f: {  	v31 =	vadd.f32 v35, v31;
	v43 =	vor.u32 v2, v17;
	v33 =	vadd.s32 v29, v40  }
0x270: {  	v44 =	vadd.f32 v25, v28;
	v46 =	vcvt.s32.f32 v29;
	v30 =	vadd.s32 v41, v33  }
0x271: {  	v47 =	vcvt.s32.f32 v63;
	v23 =	vsub.f32 v34, v23;
	v45 =	vadd.s32 $0x2E0, v30  }
0x272: {  	v22 =	vadd.f32 v31, v22;
	v48 =	vsub.f32 v27, v46;
	v49 =	vadd.s32 $0x2E1, v30  }
0x273: {  	v21 =	vadd.f32 v44, v21;
	v51 =	vsub.f32 $1.000000000e+00, v23;
	v53 =	vadd.s32 $0x2EB, v30  }
0x274: {  	v52 =	vadd.s32 $0x2EA, v30;
	[tilespmem:v42+s25+$0x0] =	vst.idx.msk $0xffff, v22;
	v22 =	vsub.f32 v60, v47;
	v50 =	vsub.f32 $1.000000000e+00, v48  }
0x275: {  	v58 =	vadd.s32 $0x344, v30;
	v27 =	vmul.f32 v51, v48;
	[tilespmem:v43+s25+$0x0] =	vst.idx.msk $0xffff, v21  }
0x276: {  	v21 =	vmul.f32 v23, v48;
	v54 =	vsub.f32 $1.000000000e+00, v22;
	v55 =	vmul.f32 v51, v50;
	v25 =	vld.idx.msk [tilespmem:v45+s15+$0x0], $0xffff  }
0x277: {  	v59 =	vadd.s32 $0x345, v30;
	v26 =	vmul.f32 v23, v50;
	v51 =	vmul.f32 $1.088795470e+01, v19;
	v24 =	vld.idx.msk [tilespmem:v49+s15+$0x0], $0xffff  }
0x278: {  	v39 =	vor.u32 v3, v17;
	v29 =	vld.idx.msk [tilespmem:v53+s15+$0x0], $0xffff;
	v53 =	vmul.f32 $1.088795470e+01, v18;
	v57 =	vmul.f32 v54, v55  }
0x279: {  	v61 =	vadd.s32 $0x34E, v30;
	v28 =	vld.idx.msk [tilespmem:v52+s15+$0x0], $0xffff;
	v60 =	vmul.f32 v54, v27;
	v42 =	vmul.f32 v54, v26  }
0x27a: {  	v30 =	vadd.s32 $0x34F, v30;
	v31 =	vmul.f32 v54, v21;
	v46 =	vmul.f32 v55, v22  }
0x27b: {  	v35 =	vld.idx.msk [tilespmem:v58+s15+$0x0], $0xffff;
	v27 =	vmul.f32 v27, v22;
	v26 =	vmul.f32 v22, v26;
	v23 =	vadd.f32 $5.000000000e-01, v53  }
0x27c: {  	v41 =	vor.u32 v4, v17;
	v36 =	vld.idx.msk [tilespmem:v59+s15+$0x0], $0xffff;
	v21 =	vmul.f32 v22, v21;
	v55 =	vmul.f32 $1.088795470e+01, v20  }
0x27d: {  	v59 =	vtrunc.f32 v23;
	v56 =	vshll.u32 v25, $0x10;
	v25 =	vand.u32 $0xFFFF0000, v25  }
0x27e: {  	v37 =	vld.idx.msk [tilespmem:v61+s15+$0x0], $0xffff;
	v62 =	vshll.u32 v24, $0x10;
	v24 =	vand.u32 $0xFFFF0000, v24;
	v43 =	vshll.u32 v28, $0x10  }
0x27f: {  	v28 =	vand.u32 $0xFFFF0000, v28;
	v44 =	vshll.u32 v29, $0x10;
	v29 =	vand.u32 $0xFFFF0000, v29  }
0x280: {  	v30 =	vld.idx.msk [tilespmem:v30+s15+$0x0], $0xffff;
	v47 =	vshll.u32 v35, $0x10;
	v35 =	vand.u32 $0xFFFF0000, v35;
	v33 =	vmul.f32 v56, v57  }
0x281: {  	v48 =	vshll.u32 v36, $0x10;
	v25 =	vmul.f32 v25, v57;
	v63 =	vmul.f32 v62, v60  }
0x282: {  	v36 =	vand.u32 $0xFFFF0000, v36;
	v24 =	vmul.f32 v24, v60;
	v34 =	vmul.f32 v43, v42  }
0x283: {  	v49 =	vshll.u32 v37, $0x10;
	v28 =	vmul.f32 v28, v42;
	v45 =	vmul.f32 v44, v31  }
0x284: {  	v37 =	vand.u32 $0xFFFF0000, v37;
	v29 =	vmul.f32 v29, v31;
	v32 =	vmul.f32 v47, v46  }
0x285: {  	v50 =	vshll.u32 v30, $0x10;
	v31 =	vmul.f32 v35, v46;
	v35 =	vmul.f32 v48, v27  }
0x286: {  	v30 =	vand.u32 $0xFFFF0000, v30;
	v27 =	vmul.f32 v36, v27;
	v36 =	vmul.f32 v49, v26  }
0x287: {  	v26 =	vmul.f32 v37, v26;
	v56 =	vadd.f32 $5.000000000e-01, v51;
	v37 =	vmul.f32 v50, v21  }
0x288: {  	v21 =	vmul.f32 v30, v21;
	v57 =	vadd.f32 $5.000000000e-01, v55;
	v52 =	vadd.f32 v63, v33  }
0x289: {  	v54 =	vadd.f32 v45, v34;
	v58 =	vtrunc.f32 v56;
	v32 =	vadd.f32 v35, v32  }
0x28a: {  	v60 =	vadd.f32 v37, v36;
	v61 =	vtrunc.f32 v57;
	v34 =	vcvt.f32.s32 v59  }
0x28b: {  	v24 =	vadd.f32 v24, v25;
	v28 =	vadd.f32 v29, v28;
	v33 =	vcvt.f32.s32 v58  }
0x28c: {  	v27 =	vadd.f32 v27, v31;
	v21 =	vadd.f32 v21, v26;
	v62 =	vcvt.f32.s32 v61  }
0x28d: {  	v22 =	vadd.f32 v54, v52;
	v32 =	vadd.f32 v60, v32;
	v63 =	vmul.u32 $0xC, v33  }
0x28e: {  	v37 =	vmul.u32 $0x90, v34;
	v24 =	vadd.f32 v28, v24;
	v21 =	vadd.f32 v21, v27  }
0x28f: {  	v43 =	vcvt.s32.f32 v62;
	v44 =	vcvt.s32.f32 v33;
	v40 =	vadd.s32 v62, v63  }
0x290: {  	v45 =	vcvt.s32.f32 v34;
	v22 =	vadd.f32 v32, v22;
	v29 =	vadd.s32 v37, v40  }
0x291: {  	v46 =	vsub.f32 v57, v43;
	v47 =	vsub.f32 v56, v44;
	v42 =	vadd.s32 $0x818, v29  }
0x292: {  	v21 =	vadd.f32 v21, v24;
	[tilespmem:v39+s25+$0x0] =	vst.idx.msk $0xffff, v22;
	v22 =	vsub.f32 v23, v45;
	v48 =	vadd.s32 $0x819, v29  }
0x293: {  	v50 =	vsub.f32 $1.000000000e+00, v46;
	v51 =	vsub.f32 $1.000000000e+00, v47;
	v53 =	vadd.s32 $0x825, v29  }
0x294: {  	v52 =	vadd.s32 $0x824, v29;
	v58 =	vadd.s32 $0x8A8, v29  }
0x295: {  	[tilespmem:v41+s25+$0x0] =	vst.idx.msk $0xffff, v21;
	v21 =	vmul.f32 v47, v46;
	v54 =	vsub.f32 $1.000000000e+00, v22;
	v55 =	vmul.f32 v51, v50  }
0x296: {  	v27 =	vmul.f32 v51, v46;
	v26 =	vmul.f32 v47, v50;
	v49 =	vld.idx.msk [tilespmem:v42+s15+$0x0], $0xffff  }
0x297: {  	v59 =	vadd.s32 $0x8A9, v29;
	v51 =	vmul.f32 $1.349157910e+01, v19;
	v31 =	vmul.f32 v54, v21;
	v25 =	vld.idx.msk [tilespmem:v48+s15+$0x0], $0xffff  }
0x298: {  	v39 =	vor.u32 v5, v17;
	v21 =	vmul.f32 v22, v21;
	v30 =	vld.idx.msk [tilespmem:v53+s15+$0x0], $0xffff;
	v53 =	vmul.f32 $1.349157910e+01, v18  }
0x299: {  	v61 =	vadd.s32 $0x8B4, v29;
	v57 =	vmul.f32 v54, v55;
	v60 =	vmul.f32 v54, v27;
	v28 =	vld.idx.msk [tilespmem:v52+s15+$0x0], $0xffff  }
0x29a: {  	v46 =	vmul.f32 v55, v22;
	v27 =	vmul.f32 v27, v22;
	v35 =	vld.idx.msk [tilespmem:v58+s15+$0x0], $0xffff;
	v24 =	vadd.f32 $5.000000000e-01, v53  }
0x29b: {  	v29 =	vadd.s32 $0x8B5, v29;
	v55 =	vmul.f32 $1.349157910e+01, v20;
	v42 =	vmul.f32 v54, v26  }
0x29c: {  	v41 =	vor.u32 v6, v17;
	v36 =	vld.idx.msk [tilespmem:v59+s15+$0x0], $0xffff;
	v26 =	vmul.f32 v22, v26;
	v59 =	vtrunc.f32 v24  }
0x29d: {  	v56 =	vshll.u32 v49, $0x10;
	v23 =	vand.u32 $0xFFFF0000, v49;
	v62 =	vshll.u32 v25, $0x10  }
0x29e: {  	v37 =	vld.idx.msk [tilespmem:v61+s15+$0x0], $0xffff;
	v25 =	vand.u32 $0xFFFF0000, v25;
	v43 =	vshll.u32 v28, $0x10;
	v28 =	vand.u32 $0xFFFF0000, v28  }
0x29f: {  	v44 =	vshll.u32 v30, $0x10;
	v30 =	vand.u32 $0xFFFF0000, v30;
	v47 =	vshll.u32 v35, $0x10  }
0x2a0: {  	v29 =	vld.idx.msk [tilespmem:v29+s15+$0x0], $0xffff;
	v35 =	vand.u32 $0xFFFF0000, v35;
	v33 =	vmul.f32 v56, v57;
	v23 =	vmul.f32 v23, v57  }
0x2a1: {  	v48 =	vshll.u32 v36, $0x10;
	v63 =	vmul.f32 v62, v60;
	v25 =	vmul.f32 v25, v60  }
0x2a2: {  	v36 =	vand.u32 $0xFFFF0000, v36;
	v34 =	vmul.f32 v43, v42;
	v28 =	vmul.f32 v28, v42  }
0x2a3: {  	v49 =	vshll.u32 v37, $0x10;
	v45 =	vmul.f32 v44, v31;
	v30 =	vmul.f32 v30, v31  }
0x2a4: {  	v37 =	vand.u32 $0xFFFF0000, v37;
	v32 =	vmul.f32 v47, v46;
	v31 =	vmul.f32 v35, v46  }
0x2a5: {  	v50 =	vshll.u32 v29, $0x10;
	v35 =	vmul.f32 v48, v27;
	v27 =	vmul.f32 v36, v27  }
0x2a6: {  	v29 =	vand.u32 $0xFFFF0000, v29;
	v36 =	vmul.f32 v49, v26;
	v26 =	vmul.f32 v37, v26  }
0x2a7: {  	v56 =	vadd.f32 $5.000000000e-01, v51;
	v37 =	vmul.f32 v50, v21;
	v57 =	vadd.f32 $5.000000000e-01, v55  }
0x2a8: {  	v21 =	vmul.f32 v29, v21;
	v52 =	vadd.f32 v63, v33;
	v54 =	vadd.f32 v45, v34  }
0x2a9: {  	v58 =	vtrunc.f32 v56;
	v32 =	vadd.f32 v35, v32;
	v60 =	vadd.f32 v37, v36  }
0x2aa: {  	v61 =	vtrunc.f32 v57;
	v23 =	vadd.f32 v25, v23;
	v33 =	vcvt.f32.s32 v58  }
0x2ab: {  	v34 =	vcvt.f32.s32 v59;
	v28 =	vadd.f32 v30, v28;
	v27 =	vadd.f32 v27, v31  }
0x2ac: {  	v21 =	vadd.f32 v21, v26;
	v62 =	vcvt.f32.s32 v61;
	v63 =	vmul.u32 $0xF, v33  }
0x2ad: {  	v22 =	vadd.f32 v54, v52;
	v37 =	vmul.u32 $0xE1, v34;
	v32 =	vadd.f32 v60, v32  }
0x2ae: {  	v23 =	vadd.f32 v28, v23;
	v21 =	vadd.f32 v21, v27;
	v40 =	vadd.s32 v62, v63  }
0x2af: {  	v43 =	vcvt.s32.f32 v62;
	v44 =	vcvt.s32.f32 v33;
	v30 =	vadd.s32 v37, v40  }
0x2b0: {  	v45 =	vcvt.s32.f32 v34;
	v22 =	vadd.f32 v32, v22;
	v42 =	vadd.s32 $0x10B0, v30  }
0x2b1: {  	v46 =	vsub.f32 v57, v43;
	v47 =	vsub.f32 v56, v44;
	v48 =	vadd.s32 $0x10B1, v30  }
0x2b2: {  	v21 =	vadd.f32 v21, v23;
	[tilespmem:v39+s25+$0x0] =	vst.idx.msk $0xffff, v22;
	v22 =	vsub.f32 v24, v45;
	v52 =	vadd.s32 $0x10BF, v30  }
0x2b3: {  	v50 =	vsub.f32 $1.000000000e+00, v46;
	v51 =	vsub.f32 $1.000000000e+00, v47;
	v53 =	vadd.s32 $0x10C0, v30  }
0x2b4: {  	[tilespmem:v41+s25+$0x0] =	vst.idx.msk $0xffff, v21;
	v58 =	vadd.s32 $0x1191, v30;
	v21 =	vmul.f32 v47, v46  }
0x2b5: {  	v54 =	vsub.f32 $1.000000000e+00, v22;
	v55 =	vmul.f32 v51, v50;
	v27 =	vmul.f32 v51, v46;
	v49 =	vld.idx.msk [tilespmem:v42+s15+$0x0], $0xffff  }
0x2b6: {  	v59 =	vadd.s32 $0x1192, v30;
	v26 =	vmul.f32 v47, v50;
	v51 =	vmul.f32 $1.666543200e+01, v19;
	v25 =	vld.idx.msk [tilespmem:v48+s15+$0x0], $0xffff  }
0x2b7: {  	v39 =	vor.u32 v7, v17;
	v31 =	vmul.f32 v54, v21;
	v21 =	vmul.f32 v22, v21;
	v28 =	vld.idx.msk [tilespmem:v52+s15+$0x0], $0xffff  }
0x2b8: {  	v61 =	vadd.s32 $0x11A0, v30;
	v57 =	vmul.f32 v54, v55;
	v29 =	vld.idx.msk [tilespmem:v53+s15+$0x0], $0xffff;
	v53 =	vmul.f32 $1.666543200e+01, v18  }
0x2b9: {  	v30 =	vadd.s32 $0x11A1, v30;
	v60 =	vmul.f32 v54, v27;
	v46 =	vmul.f32 v55, v22  }
0x2ba: {  	v27 =	vmul.f32 v27, v22;
	v55 =	vmul.f32 $1.666543200e+01, v20;
	v35 =	vld.idx.msk [tilespmem:v58+s15+$0x0], $0xffff;
	v23 =	vadd.f32 $5.000000000e-01, v53  }
0x2bb: {  	v41 =	vor.u32 v8, v17;
	v42 =	vmul.f32 v54, v26;
	v36 =	vld.idx.msk [tilespmem:v59+s15+$0x0], $0xffff;
	v26 =	vmul.f32 v22, v26  }
0x2bc: {  	v59 =	vtrunc.f32 v23;
	v56 =	vshll.u32 v49, $0x10;
	v24 =	vand.u32 $0xFFFF0000, v49  }
0x2bd: {  	v37 =	vld.idx.msk [tilespmem:v61+s15+$0x0], $0xffff;
	v62 =	vshll.u32 v25, $0x10;
	v25 =	vand.u32 $0xFFFF0000, v25;
	v43 =	vshll.u32 v28, $0x10  }
0x2be: {  	v28 =	vand.u32 $0xFFFF0000, v28;
	v44 =	vshll.u32 v29, $0x10;
	v29 =	vand.u32 $0xFFFF0000, v29  }
0x2bf: {  	v30 =	vld.idx.msk [tilespmem:v30+s15+$0x0], $0xffff;
	v47 =	vshll.u32 v35, $0x10;
	v35 =	vand.u32 $0xFFFF0000, v35;
	v33 =	vmul.f32 v56, v57  }
0x2c0: {  	v48 =	vshll.u32 v36, $0x10;
	v24 =	vmul.f32 v24, v57;
	v63 =	vmul.f32 v62, v60  }
0x2c1: {  	v36 =	vand.u32 $0xFFFF0000, v36;
	v25 =	vmul.f32 v25, v60;
	v34 =	vmul.f32 v43, v42  }
0x2c2: {  	v49 =	vshll.u32 v37, $0x10;
	v28 =	vmul.f32 v28, v42;
	v45 =	vmul.f32 v44, v31  }
0x2c3: {  	v37 =	vand.u32 $0xFFFF0000, v37;
	v29 =	vmul.f32 v29, v31;
	v32 =	vmul.f32 v47, v46  }
0x2c4: {  	v50 =	vshll.u32 v30, $0x10;
	v31 =	vmul.f32 v35, v46;
	v35 =	vmul.f32 v48, v27  }
0x2c5: {  	v30 =	vand.u32 $0xFFFF0000, v30;
	v27 =	vmul.f32 v36, v27;
	v36 =	vmul.f32 v49, v26  }
0x2c6: {  	v26 =	vmul.f32 v37, v26;
	v56 =	vadd.f32 $5.000000000e-01, v51;
	v37 =	vmul.f32 v50, v21  }
0x2c7: {  	v21 =	vmul.f32 v30, v21;
	v57 =	vadd.f32 $5.000000000e-01, v55;
	v52 =	vadd.f32 v63, v33  }
0x2c8: {  	v54 =	vadd.f32 v45, v34;
	v58 =	vtrunc.f32 v56;
	v32 =	vadd.f32 v35, v32  }
0x2c9: {  	v60 =	vadd.f32 v37, v36;
	v61 =	vtrunc.f32 v57;
	v34 =	vcvt.f32.s32 v59  }
0x2ca: {  	v24 =	vadd.f32 v25, v24;
	v28 =	vadd.f32 v29, v28;
	v33 =	vcvt.f32.s32 v58  }
0x2cb: {  	v27 =	vadd.f32 v27, v31;
	v21 =	vadd.f32 v21, v26;
	v62 =	vcvt.f32.s32 v61  }
0x2cc: {  	v22 =	vadd.f32 v54, v52;
	v32 =	vadd.f32 v60, v32;
	v63 =	vmul.u32 $0x12, v33  }
0x2cd: {  	v37 =	vmul.u32 $0x144, v34;
	v24 =	vadd.f32 v28, v24;
	v21 =	vadd.f32 v21, v27  }
0x2ce: {  	v43 =	vcvt.s32.f32 v62;
	v44 =	vcvt.s32.f32 v33;
	v40 =	vadd.s32 v62, v63  }
0x2cf: {  	v45 =	vcvt.s32.f32 v34;
	v22 =	vadd.f32 v32, v22;
	v29 =	vadd.s32 v37, v40  }
0x2d0: {  	v46 =	vsub.f32 v57, v43;
	v47 =	vsub.f32 v56, v44;
	v42 =	vadd.s32 $0x20B0, v29  }
0x2d1: {  	v21 =	vadd.f32 v21, v24;
	[tilespmem:v39+s25+$0x0] =	vst.idx.msk $0xffff, v22;
	v22 =	vsub.f32 v23, v45;
	v48 =	vadd.s32 $0x20B1, v29  }
0x2d2: {  	v50 =	vsub.f32 $1.000000000e+00, v46;
	v51 =	vsub.f32 $1.000000000e+00, v47;
	v53 =	vadd.s32 $0x20C3, v29  }
0x2d3: {  	v52 =	vadd.s32 $0x20C2, v29;
	v58 =	vadd.s32 $0x21F4, v29  }
0x2d4: {  	[tilespmem:v41+s25+$0x0] =	vst.idx.msk $0xffff, v21;
	v21 =	vmul.f32 v47, v46;
	v54 =	vsub.f32 $1.000000000e+00, v22;
	v55 =	vmul.f32 v51, v50  }
0x2d5: {  	v27 =	vmul.f32 v51, v46;
	v26 =	vmul.f32 v47, v50;
	v49 =	vld.idx.msk [tilespmem:v42+s15+$0x0], $0xffff  }
0x2d6: {  	v59 =	vadd.s32 $0x21F5, v29;
	v51 =	vmul.f32 $2.053440280e+01, v19;
	v31 =	vmul.f32 v54, v21;
	v25 =	vld.idx.msk [tilespmem:v48+s15+$0x0], $0xffff  }
0x2d7: {  	v21 =	vmul.f32 v22, v21;
	v30 =	vld.idx.msk [tilespmem:v53+s15+$0x0], $0xffff;
	v53 =	vmul.f32 $2.053440280e+01, v18  }
0x2d8: {  	v61 =	vadd.s32 $0x2206, v29;
	v57 =	vmul.f32 v54, v55;
	v60 =	vmul.f32 v54, v27;
	v28 =	vld.idx.msk [tilespmem:v52+s15+$0x0], $0xffff  }
0x2d9: {  	v46 =	vmul.f32 v55, v22;
	v27 =	vmul.f32 v27, v22;
	v35 =	vld.idx.msk [tilespmem:v58+s15+$0x0], $0xffff;
	v24 =	vadd.f32 $5.000000000e-01, v53  }
0x2da: {  	v29 =	vadd.s32 $0x2207, v29;
	v55 =	vmul.f32 $2.053440280e+01, v20;
	v42 =	vmul.f32 v54, v26  }
0x2db: {  	v41 =	vor.u32 v9, v17;
	v36 =	vld.idx.msk [tilespmem:v59+s15+$0x0], $0xffff;
	v26 =	vmul.f32 v22, v26;
	v59 =	vtrunc.f32 v24  }
0x2dc: {  	v56 =	vshll.u32 v49, $0x10;
	v23 =	vand.u32 $0xFFFF0000, v49;
	v62 =	vshll.u32 v25, $0x10  }
0x2dd: {  	v37 =	vld.idx.msk [tilespmem:v61+s15+$0x0], $0xffff;
	v25 =	vand.u32 $0xFFFF0000, v25;
	v43 =	vshll.u32 v28, $0x10;
	v28 =	vand.u32 $0xFFFF0000, v28  }
0x2de: {  	v44 =	vshll.u32 v30, $0x10;
	v30 =	vand.u32 $0xFFFF0000, v30;
	v47 =	vshll.u32 v35, $0x10  }
0x2df: {  	v29 =	vld.idx.msk [tilespmem:v29+s15+$0x0], $0xffff;
	v35 =	vand.u32 $0xFFFF0000, v35;
	v33 =	vmul.f32 v56, v57;
	v23 =	vmul.f32 v23, v57  }
0x2e0: {  	v48 =	vshll.u32 v36, $0x10;
	v63 =	vmul.f32 v62, v60;
	v25 =	vmul.f32 v25, v60  }
0x2e1: {  	v36 =	vand.u32 $0xFFFF0000, v36;
	v34 =	vmul.f32 v43, v42;
	v28 =	vmul.f32 v28, v42  }
0x2e2: {  	v49 =	vshll.u32 v37, $0x10;
	v45 =	vmul.f32 v44, v31;
	v30 =	vmul.f32 v30, v31  }
0x2e3: {  	v37 =	vand.u32 $0xFFFF0000, v37;
	v32 =	vmul.f32 v47, v46;
	v31 =	vmul.f32 v35, v46  }
0x2e4: {  	v50 =	vshll.u32 v29, $0x10;
	v35 =	vmul.f32 v48, v27;
	v27 =	vmul.f32 v36, v27  }
0x2e5: {  	v29 =	vand.u32 $0xFFFF0000, v29;
	v36 =	vmul.f32 v49, v26;
	v26 =	vmul.f32 v37, v26  }
0x2e6: {  	v56 =	vadd.f32 $5.000000000e-01, v51;
	v37 =	vmul.f32 v50, v21;
	v21 =	vmul.f32 v29, v21  }
0x2e7: {  	v57 =	vadd.f32 $5.000000000e-01, v55;
	v43 =	vor.u32 v10, v17;
	v52 =	vadd.f32 v63, v33  }
0x2e8: {  	v54 =	vadd.f32 v45, v34;
	v58 =	vtrunc.f32 v56;
	v32 =	vadd.f32 v35, v32  }
0x2e9: {  	v60 =	vadd.f32 v37, v36;
	v61 =	vtrunc.f32 v57;
	v34 =	vcvt.f32.s32 v59  }
0x2ea: {  	v23 =	vadd.f32 v25, v23;
	v28 =	vadd.f32 v30, v28;
	v33 =	vcvt.f32.s32 v58  }
0x2eb: {  	v27 =	vadd.f32 v27, v31;
	v21 =	vadd.f32 v21, v26;
	v62 =	vcvt.f32.s32 v61  }
0x2ec: {  	v22 =	vadd.f32 v54, v52;
	v32 =	vadd.f32 v60, v32;
	v63 =	vmul.u32 $0x16, v33  }
0x2ed: {  	v40 =	vmul.u32 $0x1E4, v34;
	v23 =	vadd.f32 v28, v23;
	v21 =	vadd.f32 v21, v27  }
0x2ee: {  	v45 =	vcvt.s32.f32 v62;
	v46 =	vcvt.s32.f32 v33;
	v42 =	vadd.s32 v62, v63  }
0x2ef: {  	v47 =	vcvt.s32.f32 v34;
	v22 =	vadd.f32 v32, v22;
	v30 =	vadd.s32 v40, v42  }
0x2f0: {  	v48 =	vsub.f32 v57, v45;
	v49 =	vsub.f32 v56, v46;
	v44 =	vadd.s32 $0x3B80, v30  }
0x2f1: {  	v21 =	vadd.f32 v21, v23;
	[tilespmem:v41+s25+$0x0] =	vst.idx.msk $0xffff, v22;
	v22 =	vsub.f32 v24, v47;
	v50 =	vadd.s32 $0x3B81, v30  }
0x2f2: {  	v52 =	vsub.f32 $1.000000000e+00, v48;
	v53 =	vsub.f32 $1.000000000e+00, v49;
	v55 =	vadd.s32 $0x3B97, v30  }
0x2f3: {  	v54 =	vadd.s32 $0x3B96, v30;
	v60 =	vadd.s32 $0x3D64, v30  }
0x2f4: {  	[tilespmem:v43+s25+$0x0] =	vst.idx.msk $0xffff, v21;
	v21 =	vmul.f32 v49, v48;
	v56 =	vsub.f32 $1.000000000e+00, v22;
	v57 =	vmul.f32 v53, v52  }
0x2f5: {  	v27 =	vmul.f32 v53, v48;
	v26 =	vmul.f32 v49, v52;
	v51 =	vld.idx.msk [tilespmem:v44+s15+$0x0], $0xffff  }
0x2f6: {  	v61 =	vadd.s32 $0x3D65, v30;
	v53 =	vmul.f32 $2.525073050e+01, v19;
	v31 =	vmul.f32 v56, v21;
	v25 =	vld.idx.msk [tilespmem:v50+s15+$0x0], $0xffff  }
0x2f7: {  	v21 =	vmul.f32 v22, v21;
	v29 =	vld.idx.msk [tilespmem:v55+s15+$0x0], $0xffff;
	v55 =	vmul.f32 $2.525073050e+01, v18  }
0x2f8: {  	v63 =	vadd.s32 $0x3D7A, v30;
	v59 =	vmul.f32 v56, v57;
	v62 =	vmul.f32 v56, v27;
	v28 =	vld.idx.msk [tilespmem:v54+s15+$0x0], $0xffff  }
0x2f9: {  	v48 =	vmul.f32 v57, v22;
	v27 =	vmul.f32 v27, v22;
	v35 =	vld.idx.msk [tilespmem:v60+s15+$0x0], $0xffff;
	v23 =	vadd.f32 $5.000000000e-01, v55  }
0x2fa: {  	v30 =	vadd.s32 $0x3D7B, v30;
	v57 =	vmul.f32 $2.525073050e+01, v20;
	v44 =	vmul.f32 v56, v26  }
0x2fb: {  	v36 =	vld.idx.msk [tilespmem:v61+s15+$0x0], $0xffff;
	v26 =	vmul.f32 v22, v26;
	v61 =	vtrunc.f32 v23  }
0x2fc: {  	v58 =	vshll.u32 v51, $0x10;
	v24 =	vand.u32 $0xFFFF0000, v51;
	v42 =	vshll.u32 v25, $0x10  }
0x2fd: {  	v37 =	vld.idx.msk [tilespmem:v63+s15+$0x0], $0xffff;
	v25 =	vand.u32 $0xFFFF0000, v25;
	v45 =	vshll.u32 v28, $0x10;
	v28 =	vand.u32 $0xFFFF0000, v28  }
0x2fe: {  	v46 =	vshll.u32 v29, $0x10;
	v29 =	vand.u32 $0xFFFF0000, v29;
	v49 =	vshll.u32 v35, $0x10  }
0x2ff: {  	v30 =	vld.idx.msk [tilespmem:v30+s15+$0x0], $0xffff;
	v35 =	vand.u32 $0xFFFF0000, v35;
	v33 =	vmul.f32 v58, v59;
	v24 =	vmul.f32 v24, v59  }
0x300: {  	v50 =	vshll.u32 v36, $0x10;
	v43 =	vmul.f32 v42, v62;
	v25 =	vmul.f32 v25, v62  }
0x301: {  	v36 =	vand.u32 $0xFFFF0000, v36;
	v34 =	vmul.f32 v45, v44;
	v28 =	vmul.f32 v28, v44  }
0x302: {  	v51 =	vshll.u32 v37, $0x10;
	v47 =	vmul.f32 v46, v31;
	v29 =	vmul.f32 v29, v31  }
0x303: {  	v37 =	vand.u32 $0xFFFF0000, v37;
	v32 =	vmul.f32 v49, v48;
	v31 =	vmul.f32 v35, v48  }
0x304: {  	v52 =	vshll.u32 v30, $0x10;
	v35 =	vmul.f32 v50, v27;
	v27 =	vmul.f32 v36, v27  }
0x305: {  	v30 =	vand.u32 $0xFFFF0000, v30;
	v36 =	vmul.f32 v51, v26;
	v26 =	vmul.f32 v37, v26  }
0x306: {  	v58 =	vadd.f32 $5.000000000e-01, v53;
	v37 =	vmul.f32 v52, v21;
	v21 =	vmul.f32 v30, v21  }
0x307: {  	v59 =	vadd.f32 $5.000000000e-01, v57;
	v45 =	vor.u32 v12, v17;
	v54 =	vadd.f32 v43, v33  }
0x308: {  	v56 =	vadd.f32 v47, v34;
	v60 =	vtrunc.f32 v58;
	v32 =	vadd.f32 v35, v32  }
0x309: {  	v62 =	vadd.f32 v37, v36;
	v63 =	vtrunc.f32 v59;
	v24 =	vadd.f32 v25, v24  }
0x30a: {  	v34 =	vcvt.f32.s32 v61;
	v28 =	vadd.f32 v29, v28;
	v27 =	vadd.f32 v27, v31  }
0x30b: {  	v21 =	vadd.f32 v21, v26;
	v43 =	vor.u32 v11, v17;
	v33 =	vcvt.f32.s32 v60  }
0x30c: {  	v40 =	vcvt.f32.s32 v63;
	v22 =	vadd.f32 v56, v54;
	v42 =	vmul.u32 $0x2D9, v34  }
0x30d: {  	v32 =	vadd.f32 v62, v32;
	v24 =	vadd.f32 v28, v24;
	v41 =	vmul.u32 $0x1B, v33  }
0x30e: {  	v21 =	vadd.f32 v21, v27;
	v25 =	vcvt.s32.f32 v40;
	v47 =	vcvt.s32.f32 v33  }
0x30f: {  	v48 =	vcvt.s32.f32 v34;
	v22 =	vadd.f32 v32, v22;
	v44 =	vadd.s32 v40, v41  }
0x310: {  	v49 =	vsub.f32 v59, v25;
	v50 =	vsub.f32 v58, v47;
	v29 =	vadd.s32 v42, v44  }
0x311: {  	v21 =	vadd.f32 v21, v24;
	v24 =	vsub.f32 v23, v48;
	v46 =	vadd.s32 $0x6B08, v29  }
0x312: {  	[tilespmem:v43+s25+$0x0] =	vst.idx.msk $0xffff, v22;
	v51 =	vadd.s32 $0x6B09, v29;
	v52 =	vsub.f32 $1.000000000e+00, v49;
	v53 =	vsub.f32 $1.000000000e+00, v50  }
0x313: {  	v20 =	vmul.f32 $3.100000000e+01, v20;
	v18 =	vmul.f32 $3.100000000e+01, v18;
	[tilespmem:v45+s25+$0x0] =	vst.idx.msk $0xffff, v21;
	v54 =	vadd.s32 $0x6B23, v29;
	v21 =	vld [tilespmem:s2+$0x0]  }
0x314: {  	v56 =	vsub.f32 $1.000000000e+00, v24;
	v22 =	vld [tilespmem:s16+$0x0];
	v38 =	vmul.f32 v50, v49;
	v57 =	vmul.f32 v53, v52  }
0x315: {  	v55 =	vadd.s32 $0x6B24, v29;
	v61 =	vmul.f32 v53, v49;
	v63 =	vmul.f32 v50, v52  }
0x316: {  	v58 =	vadd.s32 $0x6DE1, v29;
	v31 =	vmul.f32 v56, v38;
	v38 =	vmul.f32 v24, v38;
	v27 =	vld.idx.msk [tilespmem:v46+s15+$0x0], $0xffff  }
0x317: {  	v59 =	vmul.f32 v56, v57;
	v23 =	vmul.f32 v56, v61;
	v26 =	vld.idx.msk [tilespmem:v51+s15+$0x0], $0xffff  }
0x318: {  	v45 =	vmul.f32 v56, v63;
	v28 =	vld.idx.msk [tilespmem:v54+s15+$0x0], $0xffff;
	v52 =	vmul.f32 $7.000000000e+00, v21  }
0x319: {  	v50 =	vadd.s32 $0x6DFC, v29;
	v49 =	vmul.f32 v57, v24;
	v53 =	vmul.f32 $7.000000000e+00, v22  }
0x31a: {  	v30 =	vmul.f32 v24, v63;
	v62 =	vld.idx.msk [tilespmem:v55+s15+$0x0], $0xffff;
	v46 =	vadd.s32 $0x6DE2, v29;
	v32 =	vadd.f32 $5.000000000e-01, v52  }
0x31b: {  	v33 =	vld.idx.msk [tilespmem:v58+s15+$0x0], $0xffff;
	v29 =	vadd.s32 $0x6DFD, v29;
	v54 =	vmul.f32 v61, v24;
	v39 =	vadd.f32 $5.000000000e-01, v53  }
0x31c: {  	v57 =	vtrunc.f32 v32;
	v60 =	vshll.u32 v27, $0x10;
	v27 =	vand.u32 $0xFFFF0000, v27  }
0x31d: {  	v44 =	vshll.u32 v26, $0x10;
	v26 =	vand.u32 $0xFFFF0000, v26;
	v47 =	vshll.u32 v28, $0x10  }
0x31e: {  	v56 =	vld.idx.msk [tilespmem:v50+s15+$0x0], $0xffff;
	v28 =	vand.u32 $0xFFFF0000, v28;
	v35 =	vmul.f32 v60, v59;
	v34 =	vmul.f32 v27, v59  }
0x31f: {  	v48 =	vshll.u32 v62, $0x10;
	v37 =	vmul.f32 v44, v23;
	v40 =	vmul.f32 v26, v23  }
0x320: {  	v51 =	vld.idx.msk [tilespmem:v46+s15+$0x0], $0xffff;
	v43 =	vshll.u32 v33, $0x10;
	v41 =	vmul.f32 v47, v45;
	v25 =	vmul.f32 v28, v45  }
0x321: {  	v23 =	vld [tilespmem:s6+$0x0];
	v27 =	vand.u32 $0xFFFF0000, v62;
	v42 =	vmul.f32 v48, v31;
	v43 =	vmul.f32 v43, v49  }
0x322: {  	v33 =	vand.u32 $0xFFFF0000, v33;
	v29 =	vld.idx.msk [tilespmem:v29+s15+$0x0], $0xffff;
	v45 =	vtrunc.f32 v39;
	v26 =	vmul.f32 v27, v31  }
0x323: {  	v27 =	vmul.f32 v33, v49;
	v45 =	vcvt.f32.s32 v45;
	v49 =	vshll.u32 v56, $0x10  }
0x324: {  	v48 =	vcvt.f32.s32 v57;
	v60 =	vmul.f32 v49, v30;
	v63 =	vadd.f32 v37, v35  }
0x325: {  	v41 =	vadd.f32 v42, v41;
	v34 =	vadd.f32 v40, v34;
	v58 =	vshll.u32 v45, $0x3  }
0x326: {  	v50 =	vcvt.s32.f32 v45;
	v25 =	vadd.f32 v26, v25;
	v44 =	vmul.f32 $7.000000000e+00, v23  }
0x327: {  	v46 =	vshll.u32 v51, $0x10;
	v31 =	vand.u32 $0xFFFF0000, v51;
	v62 =	vshll.u32 v29, $0x10  }
0x328: {  	v37 =	vadd.f32 v41, v63;
	v46 =	vmul.f32 v46, v54;
	v55 =	vadd.f32 $5.000000000e-01, v44  }
0x329: {  	v28 =	vmul.f32 v31, v54;
	v31 =	vadd.s32 v48, v58;
	v48 =	vcvt.s32.f32 v48  }
0x32a: {  	v29 =	vand.u32 $0xFFFF0000, v29;
	v53 =	vmul.f32 v62, v38;
	v47 =	vtrunc.f32 v55  }
0x32b: {  	v35 =	vsub.f32 v39, v50;
	v58 =	vmov s8;
	v47 =	vcvt.f32.s32 v47  }
0x32c: {  	v29 =	vmul.f32 v29, v38;
	v34 =	vadd.f32 v25, v34;
	v38 =	vadd.f32 $5.000000000e-01, v20  }
0x32d: {  	v44 =	vand.u32 $0xFFFF0000, v56;
	v32 =	vsub.f32 v32, v48;
	v59 =	vshll.u32 v47, $0x6  }
0x32e: {  	v62 =	vsub.f32 $1.000000000e+00, v35;
	v51 =	vcvt.s32.f32 v47;
	v31 =	vadd.s32 v59, v31  }
0x32f: {  	v43 =	vadd.f32 v46, v43;
	v33 =	vadd.f32 v53, v60;
	v52 =	vadd.s32 $0x1, v31  }
0x330: {  	v61 =	vsub.f32 $1.000000000e+00, v32;
	v24 =	vsub.f32 v55, v51;
	v55 =	vadd.s32 $0x8, v31  }
0x331: {  	v30 =	vmul.f32 v44, v30;
	v42 =	vmul.f32 v62, v32;
	v56 =	vadd.s32 $0x9, v31  }
0x332: {  	v46 =	vmul.f32 v62, v61;
	v50 =	vadd.s32 $0x41, v31;
	v63 =	vsub.f32 $1.000000000e+00, v24  }
0x333: {  	v32 =	vmul.f32 v35, v32;
	v41 =	vmul.f32 v35, v61;
	v51 =	vadd.s32 $0x48, v31;
	v54 =	vld.idx.msk [tilespmem:v31+s15+$0x0], $0xffff  }
0x334: {  	v33 =	vadd.f32 v33, v43;
	v43 =	vshll.u32 v58, $0x4;
	v60 =	vmul.f32 v63, v46;
	v45 =	vld.idx.msk [tilespmem:v52+s15+$0x0], $0xffff  }
0x335: {  	v57 =	vadd.s32 $0x40, v31;
	v53 =	vmul.f32 v63, v41;
	v44 =	vmul.f32 v63, v32;
	v39 =	vld.idx.msk [tilespmem:v55+s15+$0x0], $0xffff  }
0x336: {  	v29 =	vadd.f32 v29, v30;
	v46 =	vmul.f32 v46, v24;
	v41 =	vmul.f32 v24, v41;
	v47 =	vld.idx.msk [tilespmem:v56+s15+$0x0], $0xffff  }
0x337: {  	v25 =	vadd.f32 v33, v37;
	v52 =	vmul.f32 v63, v42;
	v50 =	vld.idx.msk [tilespmem:v50+s15+$0x0], $0xffff;
	v42 =	vmul.f32 v42, v24  }
0x338: {  	v51 =	vld.idx.msk [tilespmem:v51+s15+$0x0], $0xffff;
	v24 =	vmul.f32 v24, v32;
	v59 =	vshll.u32 v54, $0x10;
	v36 =	vand.u32 $0xFFFF0000, v54  }
0x339: {  	v31 =	vadd.s32 $0x49, v31;
	v48 =	vmul.f32 v59, v60;
	v36 =	vmul.f32 v36, v60  }
0x33a: {  	v40 =	vld.idx.msk [tilespmem:v57+s15+$0x0], $0xffff;
	v61 =	vshll.u32 v45, $0x10;
	v45 =	vand.u32 $0xFFFF0000, v45;
	v54 =	vshll.u32 v39, $0x10  }
0x33b: {  	v39 =	vand.u32 $0xFFFF0000, v39;
	v63 =	vshll.u32 v47, $0x10;
	v47 =	vand.u32 $0xFFFF0000, v47  }
0x33c: {  	v55 =	vshll.u32 v50, $0x10;
	v49 =	vmul.f32 v61, v52;
	v35 =	vmul.f32 v45, v52  }
0x33d: {  	v56 =	vshll.u32 v51, $0x10;
	v62 =	vmul.f32 v54, v53;
	v39 =	vmul.f32 v39, v53  }
0x33e: {  	v57 =	vand.u32 $0xFFFF0000, v51;
	v52 =	vmul.f32 v63, v44;
	v44 =	vmul.f32 v47, v44  }
0x33f: {  	v31 =	vld.idx.msk [tilespmem:v31+s15+$0x0], $0xffff;
	v54 =	vshll.u32 v40, $0x10;
	v58 =	vmul.f32 v56, v41;
	v41 =	vmul.f32 v57, v41  }
0x340: {  	v40 =	vand.u32 $0xFFFF0000, v40;
	v61 =	vmul.f32 $8.752109530e+00, v22;
	v63 =	vmul.f32 $8.752109530e+00, v23  }
0x341: {  	v50 =	vand.u32 $0xFFFF0000, v50;
	v47 =	vmul.f32 v54, v46;
	v40 =	vmul.f32 v40, v46  }
0x342: {  	v46 =	vmul.f32 v55, v42;
	v42 =	vmul.f32 v50, v42;
	v60 =	vadd.f32 v49, v48  }
0x343: {  	v45 =	vadd.f32 v52, v62;
	v52 =	vmul.f32 $8.752109530e+00, v21;
	v48 =	vadd.f32 $5.000000000e-01, v61  }
0x344: {  	v35 =	vadd.f32 v35, v36;
	v39 =	vadd.f32 v44, v39;
	v59 =	vshll.u32 v31, $0x10  }
0x345: {  	v31 =	vand.u32 $0xFFFF0000, v31;
	v46 =	vadd.f32 v46, v47;
	v47 =	vadd.f32 $5.000000000e-01, v63  }
0x346: {  	v40 =	vadd.f32 v42, v40;
	v62 =	vmul.f32 v59, v24;
	v32 =	vadd.f32 v45, v60  }
0x347: {  	v31 =	vmul.f32 v31, v24;
	v45 =	vadd.f32 $5.000000000e-01, v52;
	v53 =	vtrunc.f32 v48  }
0x348: {  	v35 =	vadd.f32 v39, v35;
	v54 =	vcvt.f32.s32 v53;
	v55 =	vtrunc.f32 v47  }
0x349: {  	v49 =	vadd.f32 v62, v58;
	v56 =	vtrunc.f32 v45;
	v57 =	vcvt.f32.s32 v55  }
0x34a: {  	v58 =	vor.u32 v1, v43;
	v31 =	vadd.f32 v31, v41;
	v55 =	vadd.f32 v28, v27  }
0x34b: {  	v59 =	vcvt.f32.s32 v56;
	v60 =	vmul.u32 $0xA, v54;
	v24 =	vand.u32 $0x7FFFFF80, v58  }
0x34c: {  	v54 =	vcvt.s32.f32 v54;
	v61 =	vmul.u32 $0x64, v57;
	v62 =	vor.u32 v0, v24  }
0x34d: {  	v46 =	vadd.f32 v49, v46;
	v63 =	vor.u32 v2, v24;
	v31 =	vadd.f32 v31, v40  }
0x34e: {  	v56 =	vcvt.s32.f32 v57;
	v29 =	vadd.f32 v29, v55;
	v44 =	vadd.s32 v59, v60  }
0x34f: {  	v53 =	vcvt.s32.f32 v59;
	v58 =	vsub.f32 v48, v54;
	v42 =	vadd.s32 v61, v44  }
0x350: {  	v52 =	vadd.f32 v46, v32;
	v31 =	vadd.f32 v31, v35;
	v51 =	vadd.s32 $0x2E0, v42  }
0x351: {  	v30 =	vsub.f32 v47, v56;
	v20 =	vadd.f32 v29, v34;
	v59 =	vadd.s32 $0x2E1, v42  }
0x352: {  	v29 =	vmul.f32 $3.100000000e+01, v19;
	v57 =	vsub.f32 v45, v53;
	v61 =	vadd.s32 $0x2EA, v42  }
0x353: {  	v34 =	vtrunc.f32 v38;
	v19 =	vor.u32 v13, v17;
	v44 =	vadd.s32 $0x345, v42;
	[tilespmem:v62+s25+$0x0] =	vst.idx.msk $0xffff, v52  }
0x354: {  	v35 =	vsub.f32 $1.000000000e+00, v58;
	v54 =	vadd.s32 $0x34E, v42;
	v32 =	vsub.f32 $1.000000000e+00, v57;
	[tilespmem:v63+s25+$0x0] =	vst.idx.msk $0xffff, v31  }
0x355: {  	v34 =	vcvt.f32.s32 v34;
	v27 =	vmul.f32 v58, v57;
	v63 =	vsub.f32 $1.000000000e+00, v30;
	v60 =	vld.idx.msk [tilespmem:v51+s15+$0x0], $0xffff  }
0x356: {  	v28 =	vadd.f32 $5.000000000e-01, v29;
	v48 =	vmul.f32 v35, v32;
	v35 =	vmul.f32 v35, v57;
	v31 =	vld.idx.msk [tilespmem:v59+s15+$0x0], $0xffff  }
0x357: {  	v62 =	vadd.s32 $0x2EB, v42;
	v32 =	vmul.f32 v58, v32;
	v36 =	vld.idx.msk [tilespmem:v61+s15+$0x0], $0xffff;
	v33 =	vmul.f32 v63, v27  }
0x358: {  	v51 =	vadd.s32 $0x344, v42;
	v44 =	vld.idx.msk [tilespmem:v44+s15+$0x0], $0xffff;
	v27 =	vmul.f32 v30, v27;
	v50 =	vmul.f32 v63, v48  }
0x359: {  	v42 =	vadd.s32 $0x34F, v42;
	v53 =	vmul.f32 v63, v35;
	v56 =	vmul.f32 v63, v32  }
0x35a: {  	v35 =	vmul.f32 v35, v30;
	v32 =	vmul.f32 v30, v32;
	v49 =	vshll.u32 v60, $0x10  }
0x35b: {  	v45 =	vld.idx.msk [tilespmem:v54+s15+$0x0], $0xffff;
	v26 =	vand.u32 $0xFFFF0000, v60;
	v55 =	vshll.u32 v31, $0x10;
	v31 =	vand.u32 $0xFFFF0000, v31  }
0x35c: {  	v57 =	vshll.u32 v36, $0x10;
	v36 =	vand.u32 $0xFFFF0000, v36;
	v60 =	vmul.f32 v48, v30  }
0x35d: {  	v52 =	vld.idx.msk [tilespmem:v62+s15+$0x0], $0xffff;
	v62 =	vshll.u32 v44, $0x10;
	v40 =	vmul.f32 v49, v50;
	v41 =	vmul.f32 v26, v50  }
0x35e: {  	v44 =	vand.u32 $0xFFFF0000, v44;
	v46 =	vmul.f32 v55, v53;
	v31 =	vmul.f32 v31, v53  }
0x35f: {  	v39 =	vmul.f32 v57, v56;
	v36 =	vmul.f32 v36, v56;
	v26 =	vor.u32 v14, v17  }
0x360: {  	v63 =	vmul.f32 v62, v35;
	v35 =	vmul.f32 v44, v35;
	v50 =	vshll.u32 v45, $0x10  }
0x361: {  	v43 =	vld.idx.msk [tilespmem:v51+s15+$0x0], $0xffff;
	v45 =	vand.u32 $0xFFFF0000, v45;
	v53 =	vmul.f32 $1.088795470e+01, v22;
	v55 =	vmul.f32 $1.088795470e+01, v23  }
0x362: {  	v42 =	vld.idx.msk [tilespmem:v42+s15+$0x0], $0xffff;
	v56 =	vmul.f32 $1.088795470e+01, v21;
	v49 =	vor.u32 v4, v24;
	v58 =	vshll.u32 v52, $0x10  }
0x363: {  	v59 =	vand.u32 $0xFFFF0000, v52;
	v51 =	vmul.f32 v50, v32;
	v32 =	vmul.f32 v45, v32  }
0x364: {  	v47 =	vmul.f32 v58, v33;
	v54 =	vadd.f32 v46, v40;
	v45 =	vadd.f32 $5.000000000e-01, v53  }
0x365: {  	v33 =	vmul.f32 v59, v33;
	v40 =	vadd.f32 $5.000000000e-01, v55;
	v57 =	vadd.f32 $5.000000000e-01, v56  }
0x366: {  	v31 =	vadd.f32 v31, v41;
	v61 =	vshll.u32 v43, $0x10;
	v43 =	vand.u32 $0xFFFF0000, v43  }
0x367: {  	v52 =	vshll.u32 v42, $0x10;
	v58 =	vtrunc.f32 v45;
	v59 =	vtrunc.f32 v40  }
0x368: {  	v42 =	vand.u32 $0xFFFF0000, v42;
	v37 =	vmul.f32 v61, v60;
	v43 =	vmul.f32 v43, v60  }
0x369: {  	v39 =	vadd.f32 v47, v39;
	v44 =	vmul.f32 v52, v27;
	v27 =	vmul.f32 v42, v27  }
0x36a: {  	v33 =	vadd.f32 v33, v36;
	v42 =	vcvt.f32.s32 v58;
	v60 =	vtrunc.f32 v57  }
0x36b: {  	v47 =	vor.u32 v3, v24;
	v46 =	vcvt.f32.s32 v59;
	v58 =	vcvt.s32.f32 v34  }
0x36c: {  	v30 =	vadd.f32 v39, v54;
	v61 =	vcvt.f32.s32 v60;
	v31 =	vadd.f32 v33, v31  }
0x36d: {  	v37 =	vadd.f32 v63, v37;
	v29 =	vadd.f32 v44, v51;
	v62 =	vmul.u32 $0xC, v42  }
0x36e: {  	v35 =	vadd.f32 v35, v43;
	v27 =	vadd.f32 v27, v32;
	v52 =	vcvt.s32.f32 v42  }
0x36f: {  	v63 =	vmul.u32 $0x90, v46;
	v53 =	vcvt.s32.f32 v46;
	v51 =	vcvt.s32.f32 v61  }
0x370: {  	v48 =	vadd.s32 v61, v62;
	v29 =	vadd.f32 v29, v37;
	v27 =	vadd.f32 v27, v35  }
0x371: {  	v35 =	vadd.f32 $5.000000000e-01, v18;
	v18 =	vtrunc.f32 v28;
	v36 =	vadd.s32 v63, v48  }
0x372: {  	v18 =	vcvt.f32.s32 v18;
	v29 =	vadd.f32 v29, v30;
	v27 =	vadd.f32 v27, v31  }
0x373: {  	v50 =	vadd.s32 $0x818, v36;
	v30 =	vsub.f32 v57, v51;
	v31 =	vsub.f32 v45, v52  }
0x374: {  	v54 =	vadd.s32 $0x819, v36;
	v55 =	vtrunc.f32 v35;
	v57 =	vadd.s32 $0x824, v36  }
0x375: {  	v59 =	vadd.s32 $0x825, v36;
	v52 =	vadd.s32 $0x8A8, v36;
	v41 =	vcvt.f32.s32 v55  }
0x376: {  	v60 =	vshll.u32 v18, $0x5;
	[tilespmem:v47+s25+$0x0] =	vst.idx.msk $0xffff, v29;
	v29 =	vsub.f32 v40, v53;
	v37 =	vsub.f32 $1.000000000e+00, v30  }
0x377: {  	v56 =	vsub.f32 $1.000000000e+00, v31;
	v53 =	vadd.s32 $0x8A9, v36;
	[tilespmem:v49+s25+$0x0] =	vst.idx.msk $0xffff, v27;
	v27 =	vsub.f32 v38, v58  }
0x378: {  	[tilespmem:v19+s25+$0x0] =	vst.idx.msk $0xffff, v25;
	v38 =	vcvt.s32.f32 v18;
	v18 =	vadd.s32 v34, v60;
	v19 =	vcvt.s32.f32 v41;
	v33 =	vld.idx.msk [tilespmem:v50+s15+$0x0], $0xffff  }
0x379: {  	v61 =	vsub.f32 $1.000000000e+00, v29;
	v45 =	vmul.f32 v56, v37;
	v39 =	vmul.f32 v56, v30;
	v32 =	vld.idx.msk [tilespmem:v54+s15+$0x0], $0xffff  }
0x37a: {  	v37 =	vmul.f32 v31, v37;
	v56 =	vadd.s32 $0x8B4, v36;
	v30 =	vmul.f32 v31, v30;
	v40 =	vld.idx.msk [tilespmem:v57+s15+$0x0], $0xffff  }
0x37b: {  	v36 =	vadd.s32 $0x8B5, v36;
	v54 =	vshll.u32 v41, $0xA;
	v63 =	vmul.f32 v61, v45  }
0x37c: {  	v42 =	vld.idx.msk [tilespmem:v59+s15+$0x0], $0xffff;
	v19 =	vsub.f32 v35, v19;
	v55 =	vmul.f32 v61, v39;
	v59 =	vmul.f32 v61, v37  }
0x37d: {  	v25 =	vsub.f32 $1.000000000e+00, v27;
	v44 =	vmul.f32 v61, v30;
	v39 =	vmul.f32 v39, v29  }
0x37e: {  	v37 =	vmul.f32 v29, v37;
	v62 =	vshll.u32 v33, $0x10;
	v33 =	vand.u32 $0xFFFF0000, v33  }
0x37f: {  	v46 =	vld.idx.msk [tilespmem:v52+s15+$0x0], $0xffff;
	v57 =	vshll.u32 v32, $0x10;
	v32 =	vand.u32 $0xFFFF0000, v32;
	v60 =	vshll.u32 v40, $0x10  }
0x380: {  	v40 =	vand.u32 $0xFFFF0000, v40;
	v34 =	vmul.f32 v62, v63;
	v33 =	vmul.f32 v33, v63  }
0x381: {  	v47 =	vld.idx.msk [tilespmem:v53+s15+$0x0], $0xffff;
	v61 =	vshll.u32 v42, $0x10;
	v58 =	vmul.f32 v57, v55;
	v32 =	vmul.f32 v32, v55  }
0x382: {  	v42 =	vand.u32 $0xFFFF0000, v42;
	v43 =	vmul.f32 v60, v59;
	v40 =	vmul.f32 v40, v59  }
0x383: {  	v18 =	vadd.s32 v54, v18;
	v62 =	vmul.f32 v61, v44;
	v42 =	vmul.f32 v42, v44  }
0x384: {  	v48 =	vshll.u32 v46, $0x10;
	v63 =	vmul.f32 v45, v29;
	v55 =	vmul.f32 $1.349157910e+01, v22  }
0x385: {  	v49 =	vld.idx.msk [tilespmem:v56+s15+$0x0], $0xffff;
	v46 =	vand.u32 $0xFFFF0000, v46;
	v29 =	vmul.f32 v29, v30;
	v57 =	vmul.f32 $1.349157910e+01, v23  }
0x386: {  	v36 =	vld.idx.msk [tilespmem:v36+s15+$0x0], $0xffff;
	v59 =	vmul.f32 $1.349157910e+01, v21;
	v51 =	vshll.u32 v47, $0x10;
	v47 =	vand.u32 $0xFFFF0000, v47  }
0x387: {  	v45 =	vmul.f32 v48, v63;
	v44 =	vmul.f32 v46, v63;
	v56 =	vadd.f32 v58, v34  }
0x388: {  	v46 =	vmul.f32 v51, v39;
	v58 =	vadd.f32 v62, v43;
	v50 =	vadd.f32 $5.000000000e-01, v55  }
0x389: {  	v39 =	vmul.f32 v47, v39;
	v31 =	vadd.f32 $5.000000000e-01, v57;
	v34 =	vadd.f32 $5.000000000e-01, v59  }
0x38a: {  	v32 =	vadd.f32 v32, v33;
	v40 =	vadd.f32 v42, v40;
	v52 =	vshll.u32 v49, $0x10  }
0x38b: {  	v53 =	vand.u32 $0xFFFF0000, v49;
	v49 =	vadd.s32 $0xC0C8, v18;
	v54 =	vshll.u32 v36, $0x10  }
0x38c: {  	v36 =	vand.u32 $0xFFFF0000, v36;
	v47 =	vmul.f32 v52, v37;
	v37 =	vmul.f32 v53, v37  }
0x38d: {  	v48 =	vmul.f32 v54, v29;
	v29 =	vmul.f32 v36, v29;
	v30 =	vadd.f32 v58, v56  }
0x38e: {  	v60 =	vtrunc.f32 v50;
	v61 =	vadd.f32 v46, v45;
	v62 =	vtrunc.f32 v31  }
0x38f: {  	v39 =	vadd.f32 v39, v44;
	v53 =	vor.u32 v5, v24;
	v54 =	vor.u32 v6, v24  }
0x390: {  	v32 =	vadd.f32 v40, v32;
	v36 =	vcvt.f32.s32 v60;
	v45 =	vcvt.f32.s32 v62  }
0x391: {  	v63 =	vadd.f32 v48, v47;
	v48 =	vtrunc.f32 v34;
	v29 =	vadd.f32 v29, v37  }
0x392: {  	v47 =	vcvt.f32.s32 v48;
	v51 =	vmul.u32 $0xF, v36;
	v52 =	vmul.u32 $0xE1, v45  }
0x393: {  	v59 =	vcvt.s32.f32 v36;
	v60 =	vcvt.s32.f32 v45;
	v43 =	vadd.f32 v63, v61  }
0x394: {  	[tilespmem:v26+s25+$0x0] =	vst.idx.msk $0xffff, v20;
	v29 =	vadd.f32 v29, v39;
	v33 =	vadd.s32 v47, v51;
	v58 =	vcvt.s32.f32 v47  }
0x395: {  	v26 =	vsub.f32 v50, v59;
	v42 =	vadd.s32 v52, v33;
	v33 =	vsub.f32 v28, v38  }
0x396: {  	v35 =	vld.idx.msk [tilespmem:v49+s15+$0x0], $0xffff;
	v51 =	vadd.s32 $0xC0C9, v18;
	v56 =	vadd.f32 v43, v30;
	v57 =	vadd.f32 v29, v32  }
0x397: {  	v28 =	vsub.f32 v31, v60;
	v30 =	vsub.f32 $1.000000000e+00, v19;
	v55 =	vadd.s32 $0x10B0, v42  }
0x398: {  	v20 =	vsub.f32 v34, v58;
	v61 =	vadd.s32 $0x10B1, v42;
	v52 =	vsub.f32 $1.000000000e+00, v26  }
0x399: {  	v58 =	vadd.s32 $0x1191, v42;
	v59 =	vadd.s32 $0x1192, v42;
	[tilespmem:v53+s25+$0x0] =	vst.idx.msk $0xffff, v56;
	v34 =	vsub.f32 $1.000000000e+00, v33  }
0x39a: {  	v53 =	vadd.s32 $0x10BF, v42;
	[tilespmem:v54+s25+$0x0] =	vst.idx.msk $0xffff, v57;
	v63 =	vsub.f32 $1.000000000e+00, v20;
	v54 =	vadd.s32 $0x10C0, v42  }
0x39b: {  	v43 =	vshll.u32 v35, $0x10;
	v37 =	vmul.f32 v52, v20;
	v32 =	vmul.f32 v34, v25  }
0x39c: {  	v20 =	vmul.f32 v26, v20;
	v41 =	vmul.f32 v52, v63;
	v62 =	vld.idx.msk [tilespmem:v55+s15+$0x0], $0xffff;
	v55 =	vsub.f32 $1.000000000e+00, v28  }
0x39d: {  	v35 =	vand.u32 $0xFFFF0000, v35;
	v36 =	vmul.f32 v26, v63;
	v44 =	vmul.f32 v30, v32;
	v29 =	vld.idx.msk [tilespmem:v61+s15+$0x0], $0xffff  }
0x39e: {  	v52 =	vadd.s32 $0xC0E8, v18;
	v47 =	vld.idx.msk [tilespmem:v58+s15+$0x0], $0xffff;
	v32 =	vmul.f32 v32, v19;
	v57 =	vmul.f32 v55, v41  }
0x39f: {  	v61 =	vadd.s32 $0x11A0, v42;
	v60 =	vmul.f32 v55, v37;
	v63 =	vmul.f32 v55, v36  }
0x3a0: {  	v42 =	vadd.s32 $0x11A1, v42;
	v38 =	vld.idx.msk [tilespmem:v53+s15+$0x0], $0xffff;
	v40 =	vmul.f32 v55, v20;
	v37 =	vmul.f32 v37, v28  }
0x3a1: {  	v39 =	vld.idx.msk [tilespmem:v54+s15+$0x0], $0xffff;
	v36 =	vmul.f32 v28, v36;
	v20 =	vmul.f32 v28, v20;
	v56 =	vshll.u32 v62, $0x10  }
0x3a2: {  	v31 =	vand.u32 $0xFFFF0000, v62;
	v62 =	vshll.u32 v29, $0x10;
	v29 =	vand.u32 $0xFFFF0000, v29  }
0x3a3: {  	v48 =	vld.idx.msk [tilespmem:v59+s15+$0x0], $0xffff;
	v58 =	vshll.u32 v47, $0x10;
	v45 =	vmul.f32 v56, v57;
	v31 =	vmul.f32 v31, v57  }
0x3a4: {  	v47 =	vand.u32 $0xFFFF0000, v47;
	v26 =	vmul.f32 v62, v60;
	v29 =	vmul.f32 v29, v60  }
0x3a5: {  	v54 =	vshll.u32 v38, $0x10;
	v38 =	vand.u32 $0xFFFF0000, v38;
	v57 =	vmul.f32 v41, v28  }
0x3a6: {  	v49 =	vld.idx.msk [tilespmem:v61+s15+$0x0], $0xffff;
	v62 =	vmul.f32 $1.666543200e+01, v22;
	v46 =	vmul.f32 v54, v63;
	v55 =	vshll.u32 v39, $0x10  }
0x3a7: {  	v42 =	vld.idx.msk [tilespmem:v42+s15+$0x0], $0xffff;
	v38 =	vmul.f32 v38, v63;
	v39 =	vand.u32 $0xFFFF0000, v39;
	v63 =	vmul.f32 $1.666543200e+01, v23  }
0x3a8: {  	v59 =	vshll.u32 v48, $0x10;
	v56 =	vmul.f32 v55, v40;
	v39 =	vmul.f32 v39, v40  }
0x3a9: {  	v48 =	vand.u32 $0xFFFF0000, v48;
	v41 =	vmul.f32 v58, v57;
	v40 =	vmul.f32 v47, v57  }
0x3aa: {  	v53 =	vor.u32 v7, v24;
	v47 =	vmul.f32 v59, v37;
	v37 =	vmul.f32 v48, v37  }
0x3ab: {  	v51 =	vld.idx.msk [tilespmem:v51+s15+$0x0], $0xffff;
	v26 =	vadd.f32 v26, v45;
	v55 =	vmul.f32 $1.666543200e+01, v21;
	v50 =	vadd.f32 $5.000000000e-01, v62  }
0x3ac: {  	v60 =	vshll.u32 v49, $0x10;
	v49 =	vand.u32 $0xFFFF0000, v49;
	v61 =	vshll.u32 v42, $0x10  }
0x3ad: {  	v42 =	vand.u32 $0xFFFF0000, v42;
	v54 =	vadd.f32 v56, v46;
	v45 =	vadd.f32 $5.000000000e-01, v55  }
0x3ae: {  	v56 =	vtrunc.f32 v50;
	v41 =	vadd.f32 v47, v41;
	v38 =	vadd.f32 v39, v38  }
0x3af: {  	v37 =	vadd.f32 v37, v40;
	v48 =	vmul.f32 v60, v36;
	v36 =	vmul.f32 v49, v36  }
0x3b0: {  	v40 =	vand.u32 $0xFFFF0000, v51;
	v49 =	vmul.f32 v61, v20;
	v20 =	vmul.f32 v42, v20  }
0x3b1: {  	v42 =	vadd.f32 $5.000000000e-01, v63;
	v46 =	vcvt.f32.s32 v56;
	v61 =	vadd.f32 v29, v31  }
0x3b2: {  	v28 =	vadd.f32 v54, v26;
	v59 =	vtrunc.f32 v45;
	v54 =	vor.u32 v8, v24  }
0x3b3: {  	v26 =	vmul.f32 v43, v44;
	v57 =	vtrunc.f32 v42;
	v58 =	vadd.f32 v49, v48  }
0x3b4: {  	v62 =	vcvt.f32.s32 v59;
	v63 =	vmul.u32 $0x12, v46;
	v20 =	vadd.f32 v20, v36  }
0x3b5: {  	v55 =	vadd.f32 v38, v61;
	v59 =	vshll.u32 v51, $0x10;
	v60 =	vcvt.f32.s32 v57  }
0x3b6: {  	v41 =	vadd.f32 v58, v41;
	v37 =	vadd.f32 v20, v37;
	v20 =	vmul.f32 v35, v44  }
0x3b7: {  	v31 =	vadd.s32 v62, v63;
	v29 =	vcvt.s32.f32 v62;
	v58 =	vcvt.s32.f32 v46  }
0x3b8: {  	v48 =	vmul.u32 $0x144, v60;
	v60 =	vcvt.s32.f32 v60;
	v57 =	vadd.f32 v41, v28  }
0x3b9: {  	v28 =	vmul.f32 v34, v27;
	v36 =	vsub.f32 v45, v29;
	v29 =	vmul.f32 v33, v25  }
0x3ba: {  	v33 =	vmul.f32 v33, v27;
	v39 =	vadd.s32 v48, v31;
	v31 =	vadd.f32 v37, v55  }
0x3bb: {  	v37 =	vsub.f32 v50, v58;
	v35 =	vsub.f32 v42, v60;
	v56 =	vadd.s32 $0x20B0, v39  }
0x3bc: {  	v34 =	vld.idx.msk [tilespmem:v52+s15+$0x0], $0xffff;
	v61 =	vadd.s32 $0x20B1, v39;
	v62 =	vmul.f32 v30, v28;
	v63 =	vsub.f32 $1.000000000e+00, v36  }
0x3bd: {  	v55 =	vadd.s32 $0x20C2, v39;
	v48 =	vmul.f32 v30, v29;
	v30 =	vmul.f32 v30, v33  }
0x3be: {  	[tilespmem:v53+s25+$0x0] =	vst.idx.msk $0xffff, v57;
	v60 =	vadd.s32 $0x21F4, v39;
	v28 =	vmul.f32 v28, v19;
	v29 =	vmul.f32 v19, v29  }
0x3bf: {  	v19 =	vmul.f32 v19, v33;
	[tilespmem:v54+s25+$0x0] =	vst.idx.msk $0xffff, v31;
	v54 =	vsub.f32 $1.000000000e+00, v37;
	v31 =	vmul.f32 v59, v62  }
0x3c0: {  	v25 =	vmul.f32 v40, v62;
	v40 =	vsub.f32 $1.000000000e+00, v35;
	v42 =	vmul.f32 v37, v63;
	v38 =	vld.idx.msk [tilespmem:v56+s15+$0x0], $0xffff  }
0x3c1: {  	v44 =	vmul.f32 v54, v63;
	v47 =	vshll.u32 v34, $0x10;
	v56 =	vadd.s32 $0x20C3, v39;
	v57 =	vld.idx.msk [tilespmem:v61+s15+$0x0], $0xffff  }
0x3c2: {  	v45 =	vmul.f32 v54, v36;
	v52 =	vand.u32 $0xFFFF0000, v34;
	v63 =	vadd.s32 $0x2206, v39  }
0x3c3: {  	v36 =	vmul.f32 v37, v36;
	v54 =	vadd.s32 $0xC0E9, v18;
	v26 =	vadd.f32 v31, v26  }
0x3c4: {  	v20 =	vadd.f32 v25, v20;
	v59 =	vmul.f32 v40, v44;
	v46 =	vld.idx.msk [tilespmem:v55+s15+$0x0], $0xffff;
	v61 =	vadd.s32 $0x21F5, v39  }
0x3c5: {  	v62 =	vmul.f32 v40, v45;
	v50 =	vld.idx.msk [tilespmem:v60+s15+$0x0], $0xffff;
	v39 =	vadd.s32 $0x2207, v39;
	v60 =	vmul.f32 v44, v35  }
0x3c6: {  	v45 =	vmul.f32 v45, v35;
	v58 =	vshll.u32 v38, $0x10;
	v41 =	vld.idx.msk [tilespmem:v56+s15+$0x0], $0xffff;
	v56 =	vshll.u32 v57, $0x10  }
0x3c7: {  	v27 =	vand.u32 $0xFFFF0000, v57;
	v57 =	vmul.f32 v40, v42;
	v40 =	vmul.f32 v40, v36  }
0x3c8: {  	v49 =	vld.idx.msk [tilespmem:v63+s15+$0x0], $0xffff;
	v38 =	vand.u32 $0xFFFF0000, v38;
	v42 =	vmul.f32 v35, v42;
	v35 =	vmul.f32 v35, v36  }
0x3c9: {  	v55 =	vadd.s32 $0xC4C8, v18;
	v34 =	vmul.f32 v58, v59;
	v38 =	vmul.f32 v38, v59  }
0x3ca: {  	v51 =	vld.idx.msk [tilespmem:v61+s15+$0x0], $0xffff;
	v61 =	vshll.u32 v50, $0x10;
	v37 =	vmul.f32 v56, v62;
	v27 =	vmul.f32 v27, v62  }
0x3cb: {  	v58 =	vshll.u32 v46, $0x10;
	v46 =	vand.u32 $0xFFFF0000, v46;
	v44 =	vmul.f32 v61, v60  }
0x3cc: {  	v50 =	vand.u32 $0xFFFF0000, v50;
	v43 =	vmul.f32 v58, v57;
	v46 =	vmul.f32 v46, v57  }
0x3cd: {  	v39 =	vld.idx.msk [tilespmem:v39+s15+$0x0], $0xffff;
	v58 =	vmul.f32 $2.053440280e+01, v22;
	v63 =	vshll.u32 v49, $0x10;
	v49 =	vand.u32 $0xFFFF0000, v49  }
0x3ce: {  	v34 =	vadd.f32 v37, v34;
	v27 =	vadd.f32 v27, v38;
	v59 =	vshll.u32 v41, $0x10  }
0x3cf: {  	v41 =	vand.u32 $0xFFFF0000, v41;
	v62 =	vshll.u32 v51, $0x10;
	v53 =	vmul.f32 v59, v40  }
0x3d0: {  	v51 =	vand.u32 $0xFFFF0000, v51;
	v40 =	vmul.f32 v41, v40;
	v41 =	vmul.f32 v50, v60  }
0x3d1: {  	v36 =	vadd.f32 $5.000000000e-01, v58;
	v50 =	vmul.f32 v62, v45;
	v45 =	vmul.f32 v51, v45  }
0x3d2: {  	v57 =	vshll.u32 v39, $0x10;
	v51 =	vmul.f32 v63, v42;
	v42 =	vmul.f32 v49, v42  }
0x3d3: {  	v58 =	vld.idx.msk [tilespmem:v54+s15+$0x0], $0xffff;
	v39 =	vand.u32 $0xFFFF0000, v39;
	v59 =	vmul.f32 $2.053440280e+01, v23;
	v60 =	vmul.f32 $2.053440280e+01, v21  }
0x3d4: {  	v49 =	vmul.f32 v57, v35;
	v35 =	vmul.f32 v39, v35;
	v43 =	vadd.f32 v53, v43  }
0x3d5: {  	v61 =	vtrunc.f32 v36;
	v37 =	vadd.f32 $5.000000000e-01, v59;
	v44 =	vadd.f32 v50, v44  }
0x3d6: {  	v50 =	vcvt.f32.s32 v61;
	v49 =	vadd.f32 v49, v51;
	v40 =	vadd.f32 v40, v46  }
0x3d7: {  	v41 =	vadd.f32 v45, v41;
	v35 =	vadd.f32 v35, v42;
	v61 =	vor.u32 v10, v24  }
0x3d8: {  	v51 =	vand.u32 $0xFFFF0000, v58;
	v39 =	vadd.f32 v43, v34;
	v43 =	vadd.f32 $5.000000000e-01, v60  }
0x3d9: {  	v62 =	vtrunc.f32 v37;
	v57 =	vmul.u32 $0x16, v50;
	v60 =	vor.u32 v9, v24  }
0x3da: {  	v44 =	vadd.f32 v49, v44;
	v40 =	vadd.f32 v40, v27;
	v49 =	vcvt.s32.f32 v50  }
0x3db: {  	v35 =	vadd.f32 v35, v41;
	v53 =	vcvt.f32.s32 v62;
	v63 =	vtrunc.f32 v43  }
0x3dc: {  	v27 =	vmul.f32 v52, v48;
	v39 =	vadd.f32 v44, v39;
	v56 =	vcvt.f32.s32 v63  }
0x3dd: {  	v35 =	vadd.f32 v35, v40;
	v36 =	vsub.f32 v36, v49;
	v59 =	vmul.u32 $0x1E4, v53  }
0x3de: {  	v63 =	vshll.u32 v58, $0x10;
	v52 =	vcvt.s32.f32 v53;
	v34 =	vadd.s32 v56, v57  }
0x3df: {  	v38 =	vcvt.s32.f32 v56;
	v45 =	vadd.s32 v59, v34;
	v34 =	vmul.f32 v47, v48;
	v48 =	vld.idx.msk [tilespmem:v55+s15+$0x0], $0xffff  }
0x3e0: {  	v44 =	vmul.f32 v63, v30;
	v30 =	vmul.f32 v51, v30;
	v58 =	vsub.f32 $1.000000000e+00, v36;
	[tilespmem:v60+s25+$0x0] =	vst.idx.msk $0xffff, v39  }
0x3e1: {  	[tilespmem:v61+s25+$0x0] =	vst.idx.msk $0xffff, v35;
	v35 =	vsub.f32 v37, v52;
	v62 =	vadd.s32 $0x3B80, v45;
	v38 =	vsub.f32 v43, v38  }
0x3e2: {  	v27 =	vadd.f32 v30, v27;
	v50 =	vadd.s32 $0x3B81, v45;
	v54 =	vadd.s32 $0x3B96, v45  }
0x3e3: {  	v60 =	vadd.s32 $0x3B97, v45;
	v63 =	vadd.s32 $0x3D65, v45;
	v56 =	vsub.f32 $1.000000000e+00, v38  }
0x3e4: {  	v43 =	vmul.f32 v58, v38;
	v55 =	vshll.u32 v48, $0x10;
	v59 =	vand.u32 $0xFFFF0000, v48  }
0x3e5: {  	v48 =	vsub.f32 $1.000000000e+00, v35;
	v49 =	vmul.f32 v58, v56;
	v42 =	vmul.f32 v36, v56  }
0x3e6: {  	v20 =	vadd.f32 v27, v20;
	v36 =	vmul.f32 v36, v38;
	v53 =	vld.idx.msk [tilespmem:v62+s15+$0x0], $0xffff;
	v37 =	vmul.f32 v55, v32  }
0x3e7: {  	v58 =	vadd.s32 $0x3D7A, v45;
	v40 =	vld.idx.msk [tilespmem:v50+s15+$0x0], $0xffff;
	v32 =	vmul.f32 v59, v32;
	v62 =	vmul.f32 v48, v49  }
0x3e8: {  	v56 =	vor.u32 v11, v24;
	v47 =	vld.idx.msk [tilespmem:v60+s15+$0x0], $0xffff;
	v57 =	vmul.f32 v48, v43;
	v60 =	vmul.f32 v48, v42  }
0x3e9: {  	v50 =	vadd.s32 $0x3D64, v45;
	v48 =	vmul.f32 v48, v36;
	v49 =	vmul.f32 v49, v35  }
0x3ea: {  	v41 =	vld.idx.msk [tilespmem:v54+s15+$0x0], $0xffff;
	v45 =	vadd.s32 $0x3D7B, v45;
	v43 =	vmul.f32 v43, v35;
	v42 =	vmul.f32 v35, v42  }
0x3eb: {  	v35 =	vmul.f32 v35, v36;
	v61 =	vshll.u32 v53, $0x10;
	v39 =	vand.u32 $0xFFFF0000, v53  }
0x3ec: {  	v59 =	vshll.u32 v40, $0x10;
	v40 =	vand.u32 $0xFFFF0000, v40;
	v46 =	vmul.f32 v61, v62  }
0x3ed: {  	v52 =	vld.idx.msk [tilespmem:v63+s15+$0x0], $0xffff;
	v63 =	vshll.u32 v47, $0x10;
	v39 =	vmul.f32 v39, v62;
	v51 =	vmul.f32 v59, v57  }
0x3ee: {  	v50 =	vld.idx.msk [tilespmem:v50+s15+$0x0], $0xffff;
	v47 =	vand.u32 $0xFFFF0000, v47;
	v40 =	vmul.f32 v40, v57;
	v54 =	vmul.f32 v63, v48  }
0x3ef: {  	v45 =	vld.idx.msk [tilespmem:v45+s15+$0x0], $0xffff;
	v61 =	vshll.u32 v41, $0x10;
	v47 =	vmul.f32 v47, v48;
	v63 =	vmul.f32 $2.525073050e+01, v23  }
0x3f0: {  	v41 =	vand.u32 $0xFFFF0000, v41;
	v23 =	vmul.f32 $3.100000000e+01, v23;
	v38 =	vmul.f32 v61, v60  }
0x3f1: {  	v62 =	vld.idx.msk [tilespmem:v58+s15+$0x0], $0xffff;
	v41 =	vmul.f32 v41, v60;
	v46 =	vadd.f32 v51, v46;
	v51 =	vadd.f32 $5.000000000e-01, v63  }
0x3f2: {  	v58 =	vshll.u32 v52, $0x10;
	v39 =	vadd.f32 v40, v39;
	v23 =	vadd.f32 $5.000000000e-01, v23  }
0x3f3: {  	v52 =	vand.u32 $0xFFFF0000, v52;
	v38 =	vadd.f32 v54, v38;
	v41 =	vadd.f32 v47, v41  }
0x3f4: {  	v57 =	vshll.u32 v50, $0x10;
	v50 =	vand.u32 $0xFFFF0000, v50;
	v61 =	vshll.u32 v45, $0x10  }
0x3f5: {  	v45 =	vand.u32 $0xFFFF0000, v45;
	v48 =	vmul.f32 v57, v49;
	v49 =	vmul.f32 v50, v49  }
0x3f6: {  	v50 =	vmul.f32 v58, v43;
	v59 =	vshll.u32 v62, $0x10;
	v43 =	vmul.f32 v52, v43  }
0x3f7: {  	v60 =	vand.u32 $0xFFFF0000, v62;
	v62 =	vmul.f32 $2.525073050e+01, v22;
	v36 =	vmul.f32 v61, v35  }
0x3f8: {  	v57 =	vmul.f32 $2.525073050e+01, v21;
	v35 =	vmul.f32 v45, v35;
	v58 =	vadd.s32 $0xC4C9, v18  }
0x3f9: {  	v38 =	vadd.f32 v38, v46;
	v21 =	vmul.f32 $3.100000000e+01, v21;
	v22 =	vmul.f32 $3.100000000e+01, v22  }
0x3fa: {  	v39 =	vadd.f32 v41, v39;
	v53 =	vmul.f32 v59, v42;
	v42 =	vmul.f32 v60, v42  }
0x3fb: {  	v60 =	vtrunc.f32 v51;
	v52 =	vadd.f32 $5.000000000e-01, v62;
	v46 =	vadd.f32 $5.000000000e-01, v57  }
0x3fc: {  	v48 =	vadd.f32 v50, v48;
	v54 =	vcvt.f32.s32 v60;
	v43 =	vadd.f32 v43, v49  }
0x3fd: {  	v21 =	vadd.f32 $5.000000000e-01, v21;
	v36 =	vadd.f32 v36, v53;
	v59 =	vtrunc.f32 v52  }
0x3fe: {  	v35 =	vadd.f32 v35, v42;
	v61 =	vtrunc.f32 v46;
	v50 =	vcvt.f32.s32 v59  }
0x3ff: {  	v22 =	vadd.f32 $5.000000000e-01, v22;
	v62 =	vcvt.f32.s32 v61;
	v45 =	vld.idx.msk [tilespmem:v58+s15+$0x0], $0xffff;
	v36 =	vadd.f32 v36, v48  }
0x400: {  	v55 =	vmul.u32 $0x2D9, v54;
	v35 =	vadd.f32 v35, v43;
	v63 =	vmul.u32 $0x1B, v50  }
0x401: {  	v58 =	vor.u32 v12, v24;
	v36 =	vadd.f32 v36, v38;
	v60 =	vcvt.s32.f32 v62  }
0x402: {  	v61 =	vcvt.s32.f32 v50;
	v35 =	vadd.f32 v35, v39;
	v57 =	vadd.s32 v62, v63  }
0x403: {  	v63 =	vcvt.s32.f32 v54;
	[tilespmem:v56+s25+$0x0] =	vst.idx.msk $0xffff, v36;
	v36 =	vsub.f32 v46, v60;
	v47 =	vadd.s32 v55, v57  }
0x404: {  	v38 =	vsub.f32 v52, v61;
	v62 =	vshll.u32 v45, $0x10;
	v59 =	vadd.s32 $0x6B08, v47  }
0x405: {  	v50 =	vand.u32 $0xFFFF0000, v45;
	v55 =	vadd.f32 v44, v34;
	v49 =	vadd.s32 $0x6B09, v47  }
0x406: {  	[tilespmem:v58+s25+$0x0] =	vst.idx.msk $0xffff, v35;
	v35 =	vsub.f32 v51, v63;
	v52 =	vsub.f32 $1.000000000e+00, v36;
	v54 =	vadd.s32 $0x6B23, v47  }
0x407: {  	v53 =	vsub.f32 $1.000000000e+00, v38;
	v43 =	vmul.f32 v62, v28;
	v28 =	vmul.f32 v50, v28  }
0x408: {  	v57 =	vadd.s32 $0x6B24, v47;
	v61 =	vadd.s32 $0x6DE2, v47;
	v63 =	vadd.s32 $0x6DFC, v47  }
0x409: {  	v34 =	vsub.f32 $1.000000000e+00, v35;
	v42 =	vmul.f32 v53, v52;
	v45 =	vmul.f32 v53, v36;
	v41 =	vld.idx.msk [tilespmem:v59+s15+$0x0], $0xffff  }
0x40a: {  	v26 =	vadd.f32 v55, v26;
	v39 =	vmul.f32 v38, v52;
	v36 =	vmul.f32 v38, v36;
	v56 =	vld.idx.msk [tilespmem:v49+s15+$0x0], $0xffff  }
0x40b: {  	v37 =	vadd.f32 v43, v37;
	v58 =	vmul.f32 v34, v42;
	v62 =	vmul.f32 v34, v45;
	v46 =	vld.idx.msk [tilespmem:v54+s15+$0x0], $0xffff  }
0x40c: {  	v28 =	vadd.f32 v28, v32;
	v42 =	vmul.f32 v42, v35;
	v45 =	vmul.f32 v45, v35  }
0x40d: {  	v59 =	vadd.s32 $0x6DE1, v47;
	v40 =	vld.idx.msk [tilespmem:v57+s15+$0x0], $0xffff;
	v54 =	vmul.f32 v34, v39;
	v34 =	vmul.f32 v34, v36  }
0x40e: {  	v47 =	vadd.s32 $0x6DFD, v47;
	v39 =	vmul.f32 v35, v39;
	v35 =	vmul.f32 v35, v36  }
0x40f: {  	v48 =	vld.idx.msk [tilespmem:v61+s15+$0x0], $0xffff;
	v60 =	vshll.u32 v41, $0x10;
	v41 =	vand.u32 $0xFFFF0000, v41;
	v53 =	vshll.u32 v56, $0x10  }
0x410: {  	v33 =	vand.u32 $0xFFFF0000, v56;
	v55 =	vshll.u32 v46, $0x10;
	v56 =	vadd.s32 $0xC4E8, v18  }
0x411: {  	v50 =	vld.idx.msk [tilespmem:v63+s15+$0x0], $0xffff;
	v46 =	vand.u32 $0xFFFF0000, v46;
	v18 =	vadd.s32 $0xC4E9, v18;
	v43 =	vmul.f32 v60, v58  }
0x412: {  	v57 =	vshll.u32 v40, $0x10;
	v31 =	vmul.f32 v41, v58;
	v41 =	vmul.f32 v53, v62  }
0x413: {  	v40 =	vand.u32 $0xFFFF0000, v40;
	v33 =	vmul.f32 v33, v62;
	v49 =	vmul.f32 v55, v54  }
0x414: {  	v44 =	vld.idx.msk [tilespmem:v59+s15+$0x0], $0xffff;
	v59 =	vshll.u32 v48, $0x10;
	v46 =	vmul.f32 v46, v54;
	v51 =	vmul.f32 v57, v34  }
0x415: {  	v48 =	vand.u32 $0xFFFF0000, v48;
	v34 =	vmul.f32 v40, v34;
	v60 =	vmul.f32 v59, v45  }
0x416: {  	v47 =	vld.idx.msk [tilespmem:v47+s15+$0x0], $0xffff;
	v61 =	vshll.u32 v50, $0x10;
	v45 =	vmul.f32 v48, v45;
	v54 =	vtrunc.f32 v21  }
0x417: {  	v48 =	vand.u32 $0xFFFF0000, v50;
	v55 =	vtrunc.f32 v22;
	v57 =	vtrunc.f32 v23  }
0x418: {  	v59 =	vcvt.f32.s32 v57;
	v41 =	vadd.f32 v41, v43;
	v62 =	vadd.f32 v51, v49  }
0x419: {  	v43 =	vmul.f32 v61, v39;
	v39 =	vmul.f32 v48, v39;
	v31 =	vadd.f32 v33, v31  }
0x41a: {  	v53 =	vadd.f32 v34, v46;
	v61 =	vor.u32 v13, v24;
	v46 =	vshll.u32 v59, $0xA  }
0x41b: {  	v58 =	vshll.u32 v44, $0x10;
	v44 =	vand.u32 $0xFFFF0000, v44;
	v63 =	vshll.u32 v47, $0x10  }
0x41c: {  	v36 =	vld.idx.msk [tilespmem:v56+s15+$0x0], $0xffff;
	v51 =	vand.u32 $0xFFFF0000, v47;
	v56 =	vcvt.f32.s32 v55;
	v47 =	vcvt.s32.f32 v59  }
0x41d: {  	v41 =	vadd.f32 v62, v41;
	v40 =	vmul.f32 v58, v42;
	v42 =	vmul.f32 v44, v42  }
0x41e: {  	v18 =	vld.idx.msk [tilespmem:v18+s15+$0x0], $0xffff;
	v31 =	vadd.f32 v53, v31;
	v49 =	vmul.f32 v63, v35;
	v35 =	vmul.f32 v51, v35  }
0x41f: {  	v58 =	vcvt.f32.s32 v54;
	v23 =	vsub.f32 v23, v47;
	v38 =	vadd.f32 v60, v40  }
0x420: {  	v62 =	vor.u32 v14, v24;
	v49 =	vadd.f32 v49, v43;
	v42 =	vadd.f32 v45, v42  }
0x421: {  	v35 =	vadd.f32 v35, v39;
	v60 =	vshll.u32 v56, $0x5;
	v33 =	vcvt.s32.f32 v58  }
0x422: {  	v39 =	vadd.s32 v58, v60;
	v54 =	vsub.f32 $1.000000000e+00, v23;
	v50 =	vshll.u32 v36, $0x10  }
0x423: {  	v52 =	vshll.u32 v18, $0x10;
	v38 =	vadd.f32 v49, v38;
	v39 =	vadd.s32 v46, v39  }
0x424: {  	v36 =	vand.u32 $0xFFFF0000, v36;
	v35 =	vadd.f32 v35, v42;
	v18 =	vand.u32 $0xFFFF0000, v18  }
0x425: {  	v43 =	vmul.f32 v50, v29;
	v44 =	vmul.f32 v52, v19;
	v63 =	vadd.s32 $0xC0C8, v39  }
0x426: {  	v48 =	vadd.s32 $0xC0C9, v39;
	v52 =	vadd.s32 $0xC0E8, v39;
	v38 =	vadd.f32 v38, v41  }
0x427: {  	v31 =	vadd.f32 v35, v31;
	v43 =	vadd.f32 v44, v43;
	v44 =	vcvt.s32.f32 v56  }
0x428: {  	v29 =	vmul.f32 v36, v29;
	v18 =	vmul.f32 v18, v19;
	v60 =	vadd.s32 $0xC4C9, v39;
	[tilespmem:v61+s25+$0x0] =	vst.idx.msk $0xffff, v38  }
0x429: {  	v21 =	vsub.f32 v21, v33;
	[tilespmem:v62+s25+$0x0] =	vst.idx.msk $0xffff, v31;
	v22 =	vsub.f32 v22, v44  }
0x42a: {  	v53 =	vadd.s32 $0xC0E9, v39;
	v59 =	vadd.s32 $0xC4C8, v39;
	v18 =	vadd.f32 v18, v29;
	v49 =	vld.idx.msk [tilespmem:v63+s15+$0x0], $0xffff  }
0x42b: {  	v45 =	vadd.s32 $0xC4E9, v39;
	v50 =	vsub.f32 $1.000000000e+00, v21;
	v56 =	vld.idx.msk [tilespmem:v48+s15+$0x0], $0xffff;
	v51 =	vsub.f32 $1.000000000e+00, v22  }
0x42c: {  	v36 =	vadd.f32 v43, v37;
	v18 =	vadd.f32 v18, v28;
	v34 =	vld.idx.msk [tilespmem:v52+s15+$0x0], $0xffff;
	v63 =	vadd.s32 $0xC4E8, v39  }
0x42d: {  	v37 =	vld.idx.msk [tilespmem:v60+s15+$0x0], $0xffff;
	v60 =	vor.u32 v15, v17;
	v30 =	vmul.f32 v22, v50;
	v55 =	vmul.f32 v51, v50  }
0x42e: {  	v19 =	vadd.f32 v36, v26;
	v33 =	vmul.f32 v51, v21;
	v21 =	vmul.f32 v22, v21  }
0x42f: {  	v18 =	vadd.f32 v18, v20;
	v46 =	vmul.f32 v54, v30;
	v30 =	vmul.f32 v23, v30  }
0x430: {  	v26 =	vld.idx.msk [tilespmem:v53+s15+$0x0], $0xffff;
	v57 =	vshll.u32 v49, $0x10;
	v58 =	vmul.f32 v54, v55;
	v25 =	vand.u32 $0xFFFF0000, v49  }
0x431: {  	v62 =	vmul.f32 v54, v33;
	v44 =	vshll.u32 v56, $0x10;
	v29 =	vand.u32 $0xFFFF0000, v56  }
0x432: {  	v36 =	vld.idx.msk [tilespmem:v59+s15+$0x0], $0xffff;
	v47 =	vshll.u32 v34, $0x10;
	v27 =	vmul.f32 v54, v21;
	v34 =	vand.u32 $0xFFFF0000, v34  }
0x433: {  	v51 =	vmul.f32 v55, v23;
	v33 =	vmul.f32 v33, v23;
	v54 =	vshll.u32 v37, $0x10  }
0x434: {  	v22 =	vld.idx.msk [tilespmem:v45+s15+$0x0], $0xffff;
	v55 =	vand.u32 $0xFFFF0000, v37;
	v21 =	vmul.f32 v23, v21;
	v31 =	vmul.f32 v47, v46  }
0x435: {  	v48 =	vshll.u32 v26, $0x10;
	v34 =	vmul.f32 v34, v46;
	v61 =	vmul.f32 v57, v58  }
0x436: {  	v32 =	vld.idx.msk [tilespmem:v63+s15+$0x0], $0xffff;
	v26 =	vand.u32 $0xFFFF0000, v26;
	v25 =	vmul.f32 v25, v58;
	v38 =	vmul.f32 v44, v62  }
0x437: {  	v52 =	vshll.u32 v36, $0x10;
	v29 =	vmul.f32 v29, v62;
	v49 =	vmul.f32 v48, v27  }
0x438: {  	v53 =	vand.u32 $0xFFFF0000, v36;
	v50 =	vmul.f32 v26, v27;
	v27 =	vmul.f32 v52, v51  }
0x439: {  	v26 =	vmul.f32 v53, v51;
	v35 =	vmul.f32 v54, v33;
	v59 =	vshll.u32 v22, $0x10  }
0x43a: {  	v33 =	vmul.f32 v55, v33;
	v22 =	vand.u32 $0xFFFF0000, v22;
	v36 =	vmul.f32 v59, v21  }
0x43b: {  	v28 =	vadd.f32 v38, v61;
	v31 =	vadd.f32 v49, v31;
	v56 =	vshll.u32 v32, $0x10  }
0x43c: {  	v21 =	vmul.f32 v22, v21;
	v57 =	vand.u32 $0xFFFF0000, v32;
	v58 =	vmul.f32 v56, v30  }
0x43d: {  	v61 =	vadd.f32 v35, v27;
	v25 =	vadd.f32 v29, v25;
	v23 =	vmul.f32 v57, v30  }
0x43e: {  	v17 =	vor.u32 v16, v17;
	v20 =	vadd.f32 v50, v34;
	v62 =	vadd.f32 v36, v58  }
0x43f: {  	s0 =	sadd.s32 $0x2, s0;
	v63 =	vor.u32 v15, v24;
	v26 =	vadd.f32 v33, v26;
	v21 =	vadd.f32 v21, v23  }
0x440: {  	p0 =	slt.u32 s0, $0x1E;
	v24 =	vor.u32 v16, v24;
	v28 =	vadd.f32 v31, v28;
	v22 =	vadd.f32 v62, v61  }
.Ltmp1:
0x441: {  	v20 =	vadd.f32 v20, v25;
	v21 =	vadd.f32 v21, v26;
	(pc) =	sbr.rel @p0 .LBB2_5-.Ltmp1, $4  }
0x442: {  	[tilespmem:v60+s25+$0x0] =	vst.idx.msk $0xffff, v19;
	v19 =	vadd.f32 v22, v28  }
0x443: {  	[tilespmem:v17+s25+$0x0] =	vst.idx.msk $0xffff, v18;
	v17 =	vadd.f32 v21, v20  }
0x444: {  	s16 =	sadd.s32 $0x20, s16;
	[tilespmem:v63+s25+$0x0] =	vst.idx.msk $0xffff, v19  }
0x445: {  	s2 =	sadd.s32 $0x20, s2;
	s6 =	sadd.s32 $0x20, s6;
	s8 =	sadd.s32 $0x20, s8;
	[tilespmem:v24+s25+$0x0] =	vst.idx.msk $0xffff, v17  }
0x446: {  	s30 =	sadd.s32 $0x1, s30  }
0x447: {  	p0 =	sne.s32 s30, $0x10  }
.Ltmp2:
0x448: {  	_ = 	snop;
	(pc) =	sbr.rel @p0 .LBB2_2-.Ltmp2, $4  }
0x449: {  	_ = 	snop  }
0x44a: {  	s0 =	sshll.u32 s31, $0x1  }
0x44b: {  	s0 =	sadd.s32 s7, s0  }
0x44c: {  	[hbm4b:s0+s3] =	stream.linear.scatter [tilespmem:s25], [sflag:$0x4], $0x2000, $0x38;
	[tilespmem:$0x19980] =	vst v63  }
0x44d: {  	s29 =	sadd.s32 $0x1, s29  }
0x44e: {  	_ =	swait.ge [sflag:s26], $0x2000;
	p0 =	sne.s32 s29, s13  }
.Ltmp3:
0x44f: {  	[sflag:s26] =	ssyncset.done $0x0;
	(pc) =	sbr.rel @p0 .LBB2_1-.Ltmp3, $4  }
0x450: {  	[sflag:s26] =	ssyncadd.s32 $0xFFFFE000  }
0x451: {  	_ =	swait.ge [sflag:s28], $0x2000  }
0x452: {  	[sflag:s28] =	ssyncset.done $0x0  }
0x453: {  	[sflag:s28] =	ssyncadd.s32 $0xFFFFE000  }
0x454: {  	_ =	sfence.sel $0x180000  }
0x455: {  	[bflag:$0x0] =	sbarrier.arrive $0xFFFF  }
0x456: {  	_ =	strace $0x90000047  }
0x457: {  	s0 =	stileid.u32;
	[bflag:$0x2] =	sbarrier.arrive $0xFFFF  }
0x458: {  	p0 =	sne.s32 s0, $0x0;
	s0 =	rddreg [dreg:$0x2]  }
0x459: {  	s0 =	sadd.s32 @!p0 $0x100000, s0  }
0x45a: {  	[sflag:s0] =	ssyncadd.tile.s32 @!p0 $0x1;
	_ =	shalt  }
.Lfunc_end2:
_tile_overlayer_lowered:
.L_overlay_start_2:
0x45b: {  	(tag) =	ssettag $0x2  }
0x45c: {  	s0 =	rddreg [dreg:$0x0];
	s2 =	stileid.u32  }
0x45d: {  	s1 =	rddreg [dreg:$0x1];
	p0 =	sne.s32 s2, $0x0  }
0x45e: {  	s3 =	rddreg [dreg:$0x2];
	[bflag:$0x3] =	sbarrier.arrive $0xFFFF;
	s2 =	simm.s32 @!p0 $0x1C06  }
0x45f: {  	[timem:s3], [sflag:s2] =	dma.local @!p0 [hbm:s0], s1  }
0x460: {  	s0 =	simm.s32 @!p0 $0x6  }
0x461: {  	_ =	swait.ge @!p0 [sflag:s0], s1  }
0x462: {  	s1 =	ssub.s32 @!p0 $0x0, s1;
	[sflag:s0] =	ssyncset.done @!p0 $0x0  }
0x463: {  	[sflag:s0] =	ssyncadd.s32 @!p0 s1  }
0x464: {  	[bflag:$0x3] =	sbarrier.arrive $0xFFFF  }
0x465: {  	_ =	shalt  }

</sc_bundles>
